<compile_context>
chip_gen: v7x
topology: tpu7x:2x2x1
jax: 0.10.2.dev20260603
libtpu: 0.0.44.dev20260713+nightly
codegen_flags: <defaults>
</compile_context>

<pallas_src>
import jax
import jax.numpy as jnp
from jax import lax
from jax.experimental import pallas as pl
from jax.experimental.pallas import tpu as pltpu
from jax.experimental.pallas import tpu_sc as plsc

H = 128
G = 64
NC = 2
NS = 16
NW = NC * NS
CH = 128
KG = 16

_HIGHEST = jax.lax.Precision.HIGHEST


def _make_gather(nrows_out):
    zch = nrows_out // (NW * CH)
    mesh = plsc.VectorSubcoreMesh(core_axis_name="c", subcore_axis_name="s",
                                  num_cores=NC)

    def body(idx_hbm, tab_hbm, out_hbm, idxb, rowb, *sems):
        c = lax.axis_index("c")
        s = lax.axis_index("s")
        wid = s * NC + c
        pltpu.sync_copy(idx_hbm.at[wid], idxb)
        cps = [pltpu.async_copy(tab_hbm.at[idxb.at[ch]], rowb.at[ch],
                                sems[ch]) for ch in range(zch)]
        for ch in range(zch):
            cps[ch].wait()
            pltpu.sync_copy(
                rowb.at[ch], out_hbm.at[pl.ds(wid * zch * CH + ch * CH, CH)])

    return pl.kernel(
        body,
        out_type=jax.ShapeDtypeStruct((nrows_out, H), jnp.float32),
        mesh=mesh,
        scratch_types=[
            pltpu.VMEM((zch, CH), jnp.int32),
            pltpu.VMEM((zch, CH, H), jnp.float32),
        ] + [pltpu.SemaphoreType.DMA] * zch,
    )


def _make_spmm(npad, c0, c1):
    rpt = npad // NS
    mesh = plsc.VectorSubcoreMesh(core_axis_name="c", subcore_axis_name="s",
                                  num_cores=NC)

    def body(p_hbm, src_hbm, dst_hbm, z0_hbm, out_hbm,
             srcb, dstb, rowb, acc, sem0, sem1):
        c = lax.axis_index("c")
        s = lax.axis_index("s")
        start = jnp.where(c == 0, s * c0, NS * c0 + s * c1)
        ngrp = jnp.where(c == 0, c0 // KG, c1 // KG)
        pltpu.sync_copy(z0_hbm, acc.at[pl.ds(s * rpt, rpt)])
        plsc.subcore_barrier()

        def group(kg, carry):
            pltpu.sync_copy(src_hbm.at[pl.ds(start + kg * KG, KG)], srcb)
            pltpu.sync_copy(dst_hbm.at[pl.ds(start + kg * KG, KG)], dstb)

            def pair(gp, c2):
                ch0 = gp * 2
                cp0 = pltpu.async_copy(
                    p_hbm.at[srcb.at[ch0]], rowb.at[0], sem0)
                cp1 = pltpu.async_copy(
                    p_hbm.at[srcb.at[ch0 + 1]], rowb.at[1], sem1)
                cp0.wait()
                pltpu.sync_copy(rowb.at[0], acc.at[dstb.at[ch0]], add=True)
                cp1.wait()
                pltpu.sync_copy(rowb.at[1], acc.at[dstb.at[ch0 + 1]],
                                add=True)
                return c2

            lax.fori_loop(0, KG // 2, pair, 0)
            return carry

        lax.fori_loop(0, ngrp, group, 0)
        plsc.subcore_barrier()
        pltpu.sync_copy(acc.at[pl.ds(s * rpt, rpt)],
                        out_hbm.at[c, pl.ds(s * rpt, rpt)])

    return pl.kernel(
        body,
        out_type=jax.ShapeDtypeStruct((NC, npad, H), jnp.float32),
        mesh=mesh,
        scratch_types=[
            pltpu.VMEM((KG, CH), jnp.int32),
            pltpu.VMEM((KG, CH), jnp.int32),
            pltpu.VMEM((2, CH, H), jnp.float32),
            pltpu.VMEM_SHARED((npad, H), jnp.float32),
            pltpu.SemaphoreType.DMA,
            pltpu.SemaphoreType.DMA,
        ],
    )


def _combine0_body(ze_ref, x_ref, aa_ref, ab_ref, w0_ref, b0_ref, out_ref):
    ha = ze_ref[...] + (aa_ref[0] + aa_ref[1])
    hb = x_ref[...] + (ab_ref[0] + ab_ref[1])
    h = jnp.concatenate([ha, hb], axis=1)
    out_ref[...] = jnp.maximum(
        jnp.dot(h, w0_ref[...], preferred_element_type=jnp.float32)
        + b0_ref[...], 0.0)


def _combine_body(p_ref, agg_ref, b_ref, w_ref, out_ref):
    h = p_ref[...] + (agg_ref[0] + agg_ref[1])
    out_ref[...] = jnp.maximum(
        jnp.dot(h, w_ref[...], preferred_element_type=jnp.float32)
        + b_ref[...], 0.0)


def _pool_body(p_ref, agg_ref, w2_ref, b2_ref, bat_ref, wm1_ref, bm1_ref,
               wm2_ref, bm2_ref, out_ref, pool_acc, cnt_acc):
    i = pl.program_id(0)
    nsteps = pl.num_programs(0)
    r = p_ref.shape[0]

    @pl.when(i == 0)
    def _init():
        pool_acc[...] = jnp.zeros_like(pool_acc)
        cnt_acc[...] = jnp.zeros_like(cnt_acc)

    hh = p_ref[...] + (agg_ref[0] + agg_ref[1])
    h3 = jnp.dot(hh, w2_ref[...],
                 preferred_element_type=jnp.float32) + b2_ref[...]
    ohT = (bat_ref[0] == lax.broadcasted_iota(jnp.int32, (G, r), 0))
    ohT = ohT.astype(jnp.float32)
    pool_acc[...] += lax.dot_general(
        ohT, h3, (((1,), (0,)), ((), ())), precision=_HIGHEST,
        preferred_element_type=jnp.float32)
    cnt_acc[...] += lax.dot_general(
        ohT, jnp.ones((r, H), jnp.float32), (((1,), (0,)), ((), ())),
        precision=_HIGHEST, preferred_element_type=jnp.float32)

    @pl.when(i == nsteps - 1)
    def _finish():
        pooled = pool_acc[...] / jnp.maximum(cnt_acc[...], 1.0)
        m = jnp.maximum(jnp.dot(pooled, wm1_ref[...],
                                preferred_element_type=jnp.float32)
                        + bm1_ref[...], 0.0)
        out_ref[...] = (jnp.dot(m, wm2_ref[...],
                                preferred_element_type=jnp.float32)
                        + bm2_ref[...])


def kernel(num_nodes, z, edge_index, batch, x, z_table,
           W0, b0, W1, b1, W2, b2, Wm1, bm1, Wm2, bm2):
    ns = z.shape[0]
    e = edge_index.shape[1]
    out_dim = Wm2.shape[1]

    per_tile = -(-e // (NS * CH))
    c1 = -(-per_tile // (10 * KG)) * KG
    c0 = -(-(per_tile - c1) // KG) * KG
    totch = NS * (c0 + c1)
    epad = totch * CH
    npad = -(-(ns + 1) // (NS * 8)) * (NS * 8)
    zpad = -(-ns // (NW * CH)) * (NW * CH)

    src = jnp.concatenate(
        [edge_index[0], jnp.zeros((epad - e,), edge_index.dtype)])
    dst = jnp.concatenate(
        [edge_index[1], jnp.full((epad - e,), ns, edge_index.dtype)])
    src = src.reshape(totch, CH).astype(jnp.int32)
    dst = dst.reshape(totch, CH).astype(jnp.int32)
    zix = jnp.concatenate(
        [z, jnp.zeros((zpad - ns,), z.dtype)])
    zix = zix.reshape(NW, zpad // NW // CH, CH).astype(jnp.int32)
    z0 = jnp.zeros((npad // NS, H), jnp.float32)

    spmm = _make_spmm(npad, c0, c1)
    zgather = _make_gather(zpad)

    rb = 2000
    nbk = ns // rb

    ze = zgather(zix, z_table)
    aa = spmm(ze, src, dst, z0)
    ab = spmm(x, src, dst, z0)

    h1 = pl.pallas_call(
        _combine0_body,
        grid=(nbk,),
        in_specs=[
            pl.BlockSpec((rb, H), lambda i: (i, 0)),
            pl.BlockSpec((rb, H), lambda i: (i, 0)),
            pl.BlockSpec((NC, rb, H), lambda i: (0, i, 0)),
            pl.BlockSpec((NC, rb, H), lambda i: (0, i, 0)),
            pl.BlockSpec((2 * H, H), lambda i: (0, 0)),
            pl.BlockSpec((1, H), lambda i: (0, 0)),
        ],
        out_specs=pl.BlockSpec((rb, H), lambda i: (i, 0)),
        out_shape=jax.ShapeDtypeStruct((ns, H), jnp.float32),
    )(ze, x, aa, ab, W0, b0.reshape(1, H))

    a1 = spmm(h1, src, dst, z0)

    h2 = pl.pallas_call(
        _combine_body,
        grid=(nbk,),
        in_specs=[
            pl.BlockSpec((rb, H), lambda i: (i, 0)),
            pl.BlockSpec((NC, rb, H), lambda i: (0, i, 0)),
            pl.BlockSpec((1, H), lambda i: (0, 0)),
            pl.BlockSpec((H, H), lambda i: (0, 0)),
        ],
        out_specs=pl.BlockSpec((rb, H), lambda i: (i, 0)),
        out_shape=jax.ShapeDtypeStruct((ns, H), jnp.float32),
    )(h1, a1, b1.reshape(1, H), W1)

    a2 = spmm(h2, src, dst, z0)

    out = pl.pallas_call(
        _pool_body,
        grid=(nbk,),
        in_specs=[
            pl.BlockSpec((rb, H), lambda i: (i, 0)),
            pl.BlockSpec((NC, rb, H), lambda i: (0, i, 0)),
            pl.BlockSpec((H, H), lambda i: (0, 0)),
            pl.BlockSpec((1, H), lambda i: (0, 0)),
            pl.BlockSpec((1, 1, rb), lambda i: (i, 0, 0)),
            pl.BlockSpec((H, H), lambda i: (0, 0)),
            pl.BlockSpec((1, H), lambda i: (0, 0)),
            pl.BlockSpec((H, out_dim), lambda i: (0, 0)),
            pl.BlockSpec((1, out_dim), lambda i: (0, 0)),
        ],
        out_specs=pl.BlockSpec((G, out_dim), lambda i: (0, 0)),
        out_shape=jax.ShapeDtypeStruct((G, out_dim), jnp.float32),
        scratch_shapes=[
            pltpu.VMEM((G, H), jnp.float32),
            pltpu.VMEM((G, H), jnp.float32),
        ],
    )(h2, a2, W2, b2.reshape(1, H), batch.reshape(nbk, 1, rb).astype(jnp.int32),
      Wm1, bm1.reshape(1, H), Wm2, bm2.reshape(1, out_dim))

    return out

# --- scband reference (transcript-rebuilt; emitter-appended) ---
"""Pipeline reference for scband-gcn-1254130450622 (READ-ONLY COPY).

The authoritative reference and input builder live on the scoring server;
editing this copy changes nothing except your own understanding.
"""

import jax, jax.numpy as jnp
import numpy as np

N = 10000
E = 320000
H = 128
MAXZ = 1000
G = 64
OUT = 1


def setup_inputs(seed: int = 0) -> dict:
    key = jax.random.key(seed)
    ks = jax.random.split(key, 16)
    z = jax.random.randint(ks[0], (N,), 0, MAXZ)
    edge_index = jax.random.randint(ks[1], (2, E), 0, N)
    batch = jnp.sort(jax.random.randint(ks[2], (N,), 0, G))
    x = jax.random.normal(ks[3], (N, H), dtype=jnp.float32)
    z_table = jax.random.normal(ks[4], (MAXZ, H), dtype=jnp.float32) * 0.02
    W0 = jax.random.normal(ks[5], (2 * H, H), dtype=jnp.float32) * (1.0 / np.sqrt(2 * H))
    b0 = jnp.zeros((H,), dtype=jnp.float32)
    W1 = jax.random.normal(ks[6], (H, H), dtype=jnp.float32) * (1.0 / np.sqrt(H))
    b1 = jnp.zeros((H,), dtype=jnp.float32)
    W2 = jax.random.normal(ks[7], (H, H), dtype=jnp.float32) * (1.0 / np.sqrt(H))
    b2 = jnp.zeros((H,), dtype=jnp.float32)
    Wm1 = jax.random.normal(ks[8], (H, H), dtype=jnp.float32) * (1.0 / np.sqrt(H))
    bm1 = jnp.zeros((H,), dtype=jnp.float32)
    Wm2 = jax.random.normal(ks[9], (H, OUT), dtype=jnp.float32) * (1.0 / np.sqrt(H))
    bm2 = jnp.zeros((OUT,), dtype=jnp.float32)
    return {
        'num_nodes': N,
        'z': z,
        'edge_index': edge_index,
        'batch': batch,
        'x': x,
        'z_table': z_table,
        'W0': W0, 'b0': b0,
        'W1': W1, 'b1': b1,
        'W2': W2, 'b2': b2,
        'Wm1': Wm1, 'bm1': bm1,
        'Wm2': Wm2, 'bm2': bm2,
    }


def reference(num_nodes, z, edge_index, batch, x, z_table, W0, b0, W1, b1, W2, b2, Wm1, bm1, Wm2, bm2):
    # eval mode: dropout_edge (p=0.0) and feature dropout are identity
    src = edge_index[0]
    dst = edge_index[1]
    ns = z.shape[0]
    # z embedding lookup (gather)
    z_emb = jnp.take(z_table, z, axis=0)
    # synthetic=True: concat structural embedding with node features
    h = jnp.concatenate([z_emb, x.astype(jnp.float32)], axis=1)
    h = h + (jnp.asarray(num_nodes) - ns).astype(h.dtype)

    def gin_conv(h, W, b):
        # GINConv with eps=0: nn((1+eps)*x + sum_{j in N(i)} x_j)
        msgs = jnp.take(h, src, axis=0)
        aggr = jax.ops.segment_sum(msgs, dst, num_segments=ns)
        return (h + aggr) @ W + b

    h = jax.nn.relu(gin_conv(h, W0, b0))
    h = jax.nn.relu(gin_conv(h, W1, b1))
    h = gin_conv(h, W2, b2)
    # global mean pool over graph ids
    sums = jax.ops.segment_sum(h, batch, num_segments=G)
    cnts = jax.ops.segment_sum(jnp.ones((ns,), dtype=jnp.float32), batch, num_segments=G)
    pooled = sums / jnp.clip(cnts, 1.0)[:, None]
    # MLP([H, H, OUT]): lin -> relu -> (dropout noop in eval) -> lin
    out = jax.nn.relu(pooled @ Wm1 + bm1) @ Wm2 + bm2
    return out

if __name__ == "__main__":
    import jax
    _d = setup_inputs()
    print(jax.jit(kernel)(*tuple(_d.values())))

</pallas_src>

<mosaic_0001>
#map = affine_map<(d0, d1) -> (0, 0)>
#map1 = affine_map<(d0, d1) -> (0, 0, 0)>
module attributes {stable_mosaic.version = 14 : i64} {
  func.func @body(%arg0: i32, %arg1: i32, %arg2: memref<12288x128xf32, #tpu.memory_space<hbm>>, %arg3: memref<2560x128xi32, #tpu.memory_space<hbm>>, %arg4: memref<2560x128xi32, #tpu.memory_space<hbm>>, %arg5: memref<632x128xf32, #tpu.memory_space<hbm>>, %arg6: memref<2x10112x128xf32, #tpu.memory_space<hbm>>, %arg7: memref<16x128xi32, #tpu.memory_space<vmem>>, %arg8: memref<16x128xi32, #tpu.memory_space<vmem>>, %arg9: memref<2x128x128xf32, #tpu.memory_space<vmem>>, %arg10: memref<10112x128xf32, #tpu.memory_space<vmem_shared>>, %arg11: memref<!tpu.dma_semaphore, #tpu.memory_space<semaphore_mem>>, %arg12: memref<!tpu.dma_semaphore, #tpu.memory_space<semaphore_mem>>) attributes {dimension_semantics = [#tpu.dimension_semantics<core_parallel>, #tpu.dimension_semantics<subcore_parallel>], iteration_bounds = array<i64: 2, 16>, scalar_prefetch = 0 : i64, scratch_operands = 6 : i64, tpu.core_type = #tpu.core_type<sc_vector_subcore>, window_params = [{transform_indices = #map}, {transform_indices = #map}, {transform_indices = #map}, {transform_indices = #map}, {transform_indices = #map1}]} {
    %eq3A = arith.constant 0 : i32
    %eq3A_0 = arith.cmpi eq, %arg0, %eq3A : i32
    %mul3A = arith.constant 144 : i32
    %mul3A_1 = arith.muli %arg1, %mul3A : i32
    %mul3A_2 = arith.constant 16 : i32
    %mul3A_3 = arith.muli %arg1, %mul3A_2 : i32
    %add3A = arith.constant 2304 : i32
    %add3A_4 = arith.addi %add3A, %mul3A_3 : i32
    %select_n3A = arith.select %eq3A_0, %mul3A_1, %add3A_4 : i32
    %eq3A_5 = arith.constant 0 : i32
    %eq3A_6 = arith.cmpi eq, %arg0, %eq3A_5 : i32
    %jit3A = arith.constant 9 : i32
    %jit3A_7 = arith.constant 1 : i32
    %select_n3A_8 = arith.select %eq3A_6, %jit3A, %jit3A_7 : i32
    %mul3A_9 = arith.constant 632 : i32
    %mul3A_10 = arith.muli %arg1, %mul3A_9 : i32
    "tpu.region"() ({
      %run_scoped3A = tpu.sem_alloc : memref<!tpu.dma_semaphore, #tpu.memory_space<semaphore_mem>>
      %dma_start3A = arith.constant 0 : i32
      %dma_start3A_25 = tpu.memref_slice %arg10[%mul3A_10, %dma_start3A] : memref<10112x128xf32, #tpu.memory_space<vmem_shared>> -> memref<632x128xf32, #tpu.memory_space<vmem_shared>>
      tpu.enqueue_dma source(%arg5 : memref<632x128xf32, #tpu.memory_space<hbm>>) target(%dma_start3A_25 : memref<632x128xf32, #tpu.memory_space<vmem_shared>>) target_semaphore(%run_scoped3A : memref<!tpu.dma_semaphore, #tpu.memory_space<semaphore_mem>>)
      %dma_wait3A = arith.constant 0 : i32
      %dma_wait3A_26 = tpu.memref_slice %arg10[%mul3A_10, %dma_wait3A] : memref<10112x128xf32, #tpu.memory_space<vmem_shared>> -> memref<632x128xf32, #tpu.memory_space<vmem_shared>>
      tpu.wait_dma2 semaphore(%run_scoped3A : memref<!tpu.dma_semaphore, #tpu.memory_space<semaphore_mem>>) src(%arg5 : memref<632x128xf32, #tpu.memory_space<hbm>>) dst(%dma_wait3A_26 : memref<632x128xf32, #tpu.memory_space<vmem_shared>>)
      tpu.yield
    }) : () -> ()
    %barrier3A = arith.constant 0 : index
    tpu.barrier barrier_id(%barrier3A)
    %while3A = arith.constant 0 : i32
    %while3A_11 = arith.constant 0 : i32
    %while3A_12 = arith.subi %select_n3A_8, %while3A_11 : i32
    %while3A_13 = arith.addi %while3A_11, %while3A_12 : i32
    %while3A_14 = arith.constant 1 : i32
    %while3A_15 = arith.divsi %while3A_12, %while3A_14 : i32
    %while3A_16 = arith.muli %while3A_15, %while3A_14 : i32
    %while3A_17 = arith.addi %while3A_11, %while3A_16 : i32
    %while3A_18 = arith.constant 1 : i32
    scf.for %while3A_25 = %while3A_11 to %while3A_17 step %while3A_18  : i32 {
      %mul3A_26 = arith.constant 16 : i32
      %mul3A_27 = arith.muli %while3A_25, %mul3A_26 : i32
      %add3A_28 = arith.addi %select_n3A, %mul3A_27 : i32
      "tpu.region"() ({
        %run_scoped3A = tpu.sem_alloc : memref<!tpu.dma_semaphore, #tpu.memory_space<semaphore_mem>>
        %dma_start3A = arith.constant 0 : i32
        %dma_start3A_37 = tpu.memref_slice %arg3[%add3A_28, %dma_start3A] : memref<2560x128xi32, #tpu.memory_space<hbm>> -> memref<16x128xi32, #tpu.memory_space<hbm>>
        %dma_start3A_38 = arith.constant 0 : i32
        %dma_start3A_39 = tpu.memref_slice %arg3[%add3A_28, %dma_start3A_38] : memref<2560x128xi32, #tpu.memory_space<hbm>> -> memref<16x128xi32, #tpu.memory_space<hbm>>
        tpu.enqueue_dma source(%dma_start3A_39 : memref<16x128xi32, #tpu.memory_space<hbm>>) target(%arg7 : memref<16x128xi32, #tpu.memory_space<vmem>>) target_semaphore(%run_scoped3A : memref<!tpu.dma_semaphore, #tpu.memory_space<semaphore_mem>>)
        %dma_wait3A = arith.constant 0 : i32
        %dma_wait3A_40 = tpu.memref_slice %arg3[%add3A_28, %dma_wait3A] : memref<2560x128xi32, #tpu.memory_space<hbm>> -> memref<16x128xi32, #tpu.memory_space<hbm>>
        %dma_wait3A_41 = arith.constant 0 : i32
        %dma_wait3A_42 = tpu.memref_slice %arg3[%add3A_28, %dma_wait3A_41] : memref<2560x128xi32, #tpu.memory_space<hbm>> -> memref<16x128xi32, #tpu.memory_space<hbm>>
        tpu.wait_dma2 semaphore(%run_scoped3A : memref<!tpu.dma_semaphore, #tpu.memory_space<semaphore_mem>>) src(%dma_wait3A_42 : memref<16x128xi32, #tpu.memory_space<hbm>>) dst(%arg7 : memref<16x128xi32, #tpu.memory_space<vmem>>)
        tpu.yield
      }) : () -> ()
      %mul3A_29 = arith.constant 16 : i32
      %mul3A_30 = arith.muli %while3A_25, %mul3A_29 : i32
      %add3A_31 = arith.addi %select_n3A, %mul3A_30 : i32
      "tpu.region"() ({
        %run_scoped3A = tpu.sem_alloc : memref<!tpu.dma_semaphore, #tpu.memory_space<semaphore_mem>>
        %dma_start3A = arith.constant 0 : i32
        %dma_start3A_37 = tpu.memref_slice %arg4[%add3A_31, %dma_start3A] : memref<2560x128xi32, #tpu.memory_space<hbm>> -> memref<16x128xi32, #tpu.memory_space<hbm>>
        %dma_start3A_38 = arith.constant 0 : i32
        %dma_start3A_39 = tpu.memref_slice %arg4[%add3A_31, %dma_start3A_38] : memref<2560x128xi32, #tpu.memory_space<hbm>> -> memref<16x128xi32, #tpu.memory_space<hbm>>
        tpu.enqueue_dma source(%dma_start3A_39 : memref<16x128xi32, #tpu.memory_space<hbm>>) target(%arg8 : memref<16x128xi32, #tpu.memory_space<vmem>>) target_semaphore(%run_scoped3A : memref<!tpu.dma_semaphore, #tpu.memory_space<semaphore_mem>>)
        %dma_wait3A = arith.constant 0 : i32
        %dma_wait3A_40 = tpu.memref_slice %arg4[%add3A_31, %dma_wait3A] : memref<2560x128xi32, #tpu.memory_space<hbm>> -> memref<16x128xi32, #tpu.memory_space<hbm>>
        %dma_wait3A_41 = arith.constant 0 : i32
        %dma_wait3A_42 = tpu.memref_slice %arg4[%add3A_31, %dma_wait3A_41] : memref<2560x128xi32, #tpu.memory_space<hbm>> -> memref<16x128xi32, #tpu.memory_space<hbm>>
        tpu.wait_dma2 semaphore(%run_scoped3A : memref<!tpu.dma_semaphore, #tpu.memory_space<semaphore_mem>>) src(%dma_wait3A_42 : memref<16x128xi32, #tpu.memory_space<hbm>>) dst(%arg8 : memref<16x128xi32, #tpu.memory_space<vmem>>)
        tpu.yield
      }) : () -> ()
      %scan3A = arith.constant 0 : i32
      %scan3A_32 = arith.constant 0 : i32
      %scan3A_33 = arith.constant 8 : i32
      %scan3A_34 = arith.addi %scan3A_32, %scan3A_33 : i32
      %scan3A_35 = arith.constant 1 : i32
      scf.for %scan3A_37 = %scan3A_32 to %scan3A_34 step %scan3A_35  : i32 {
        %mul3A_38 = arith.constant 2 : i32
        %mul3A_39 = arith.muli %scan3A_37, %mul3A_38 : i32
        %dma_start3A = arith.constant 0 : i32
        %dma_start3A_40 = arith.constant 0 : i32
        %dma_start3A_41 = arith.constant 0 : i32
        %dma_start3A_42 = tpu.memref_slice %arg9[%dma_start3A, %dma_start3A_40, %dma_start3A_41] : memref<2x128x128xf32, #tpu.memory_space<vmem>> -> memref<1x128x128xf32, #tpu.memory_space<vmem>>
        %dma_start3A_43 = tpu.memref_squeeze %dma_start3A_42 : memref<1x128x128xf32, #tpu.memory_space<vmem>> -> memref<128x128xf32, #tpu.memory_space<vmem>>
        %dma_start3A_44 = arith.constant 0 : i32
        %dma_start3A_45 = tpu.memref_slice %arg7[%mul3A_39, %dma_start3A_44] : memref<16x128xi32, #tpu.memory_space<vmem>> -> memref<1x128xi32, #tpu.memory_space<vmem>>
        %dma_start3A_46 = tpu.memref_squeeze %dma_start3A_45 : memref<1x128xi32, #tpu.memory_space<vmem>> -> memref<128xi32, #tpu.memory_space<vmem>>
        %dma_start3A_47 = arith.constant 0 : i32
        %dma_start3A_48 = arith.constant 0 : i32
        %dma_start3A_49 = tpu.memref_slice %arg2[%dma_start3A_47, %dma_start3A_48] : memref<12288x128xf32, #tpu.memory_space<hbm>> -> memref<12288x128xf32, #tpu.memory_space<hbm>>
        tpu.enqueue_indirect_dma source(%dma_start3A_49 : memref<12288x128xf32, #tpu.memory_space<hbm>>) target(%dma_start3A_43 : memref<128x128xf32, #tpu.memory_space<vmem>>) offsets(%dma_start3A_46 : memref<128xi32, #tpu.memory_space<vmem>>) semaphore(%arg11 : memref<!tpu.dma_semaphore, #tpu.memory_space<semaphore_mem>>)
        %add3A_50 = arith.constant 1 : i32
        %add3A_51 = arith.addi %mul3A_39, %add3A_50 : i32
        %dma_start3A_52 = arith.constant 1 : i32
        %dma_start3A_53 = arith.constant 0 : i32
        %dma_start3A_54 = arith.constant 0 : i32
        %dma_start3A_55 = tpu.memref_slice %arg9[%dma_start3A_52, %dma_start3A_53, %dma_start3A_54] : memref<2x128x128xf32, #tpu.memory_space<vmem>> -> memref<1x128x128xf32, #tpu.memory_space<vmem>>
        %dma_start3A_56 = tpu.memref_squeeze %dma_start3A_55 : memref<1x128x128xf32, #tpu.memory_space<vmem>> -> memref<128x128xf32, #tpu.memory_space<vmem>>
        %dma_start3A_57 = arith.constant 0 : i32
        %dma_start3A_58 = tpu.memref_slice %arg7[%add3A_51, %dma_start3A_57] : memref<16x128xi32, #tpu.memory_space<vmem>> -> memref<1x128xi32, #tpu.memory_space<vmem>>
        %dma_start3A_59 = tpu.memref_squeeze %dma_start3A_58 : memref<1x128xi32, #tpu.memory_space<vmem>> -> memref<128xi32, #tpu.memory_space<vmem>>
        %dma_start3A_60 = arith.constant 0 : i32
        %dma_start3A_61 = arith.constant 0 : i32
        %dma_start3A_62 = tpu.memref_slice %arg2[%dma_start3A_60, %dma_start3A_61] : memref<12288x128xf32, #tpu.memory_space<hbm>> -> memref<12288x128xf32, #tpu.memory_space<hbm>>
        tpu.enqueue_indirect_dma source(%dma_start3A_62 : memref<12288x128xf32, #tpu.memory_space<hbm>>) target(%dma_start3A_56 : memref<128x128xf32, #tpu.memory_space<vmem>>) offsets(%dma_start3A_59 : memref<128xi32, #tpu.memory_space<vmem>>) semaphore(%arg12 : memref<!tpu.dma_semaphore, #tpu.memory_space<semaphore_mem>>)
        %dma_wait3A = arith.constant 0 : i32
        %dma_wait3A_63 = arith.constant 0 : i32
        %dma_wait3A_64 = arith.constant 0 : i32
        %dma_wait3A_65 = tpu.memref_slice %arg9[%dma_wait3A, %dma_wait3A_63, %dma_wait3A_64] : memref<2x128x128xf32, #tpu.memory_space<vmem>> -> memref<1x128x128xf32, #tpu.memory_space<vmem>>
        %dma_wait3A_66 = tpu.memref_squeeze %dma_wait3A_65 : memref<1x128x128xf32, #tpu.memory_space<vmem>> -> memref<128x128xf32, #tpu.memory_space<vmem>>
        %dma_wait3A_67 = arith.constant 0 : i32
        %dma_wait3A_68 = tpu.memref_slice %arg7[%mul3A_39, %dma_wait3A_67] : memref<16x128xi32, #tpu.memory_space<vmem>> -> memref<1x128xi32, #tpu.memory_space<vmem>>
        %dma_wait3A_69 = tpu.memref_squeeze %dma_wait3A_68 : memref<1x128xi32, #tpu.memory_space<vmem>> -> memref<128xi32, #tpu.memory_space<vmem>>
        %dma_wait3A_70 = arith.constant 0 : i32
        %dma_wait3A_71 = arith.constant 0 : i32
        %dma_wait3A_72 = tpu.memref_slice %arg2[%dma_wait3A_70, %dma_wait3A_71] : memref<12288x128xf32, #tpu.memory_space<hbm>> -> memref<12288x128xf32, #tpu.memory_space<hbm>>
        tpu.wait_indirect_dma semaphore(%arg11 : memref<!tpu.dma_semaphore, #tpu.memory_space<semaphore_mem>>) src(%dma_wait3A_72 : memref<12288x128xf32, #tpu.memory_space<hbm>>) dst(%dma_wait3A_66 : memref<128x128xf32, #tpu.memory_space<vmem>>)
        %run_scoped3A = arith.constant 0 : i32
        "tpu.region"() ({
          %run_scoped3A_87 = tpu.sem_alloc : memref<!tpu.dma_semaphore, #tpu.memory_space<semaphore_mem>>
          %dma_start3A_88 = arith.constant 0 : i32
          %dma_start3A_89 = arith.constant 0 : i32
          %dma_start3A_90 = tpu.memref_slice %arg9[%run_scoped3A, %dma_start3A_88, %dma_start3A_89] : memref<2x128x128xf32, #tpu.memory_space<vmem>> -> memref<1x128x128xf32, #tpu.memory_space<vmem>>
          %dma_start3A_91 = tpu.memref_squeeze %dma_start3A_90 : memref<1x128x128xf32, #tpu.memory_space<vmem>> -> memref<128x128xf32, #tpu.memory_space<vmem>>
          %dma_start3A_92 = arith.constant 0 : i32
          %dma_start3A_93 = tpu.memref_slice %arg8[%mul3A_39, %dma_start3A_92] : memref<16x128xi32, #tpu.memory_space<vmem>> -> memref<1x128xi32, #tpu.memory_space<vmem>>
          %dma_start3A_94 = tpu.memref_squeeze %dma_start3A_93 : memref<1x128xi32, #tpu.memory_space<vmem>> -> memref<128xi32, #tpu.memory_space<vmem>>
          %dma_start3A_95 = arith.constant 0 : i32
          %dma_start3A_96 = arith.constant 0 : i32
          %dma_start3A_97 = tpu.memref_slice %arg10[%dma_start3A_95, %dma_start3A_96] : memref<10112x128xf32, #tpu.memory_space<vmem_shared>> -> memref<10112x128xf32, #tpu.memory_space<vmem_shared>>
          tpu.enqueue_indirect_dma source(%dma_start3A_91 : memref<128x128xf32, #tpu.memory_space<vmem>>) target(%dma_start3A_97 : memref<10112x128xf32, #tpu.memory_space<vmem_shared>>) offsets(%dma_start3A_94 : memref<128xi32, #tpu.memory_space<vmem>>) semaphore(%run_scoped3A_87 : memref<!tpu.dma_semaphore, #tpu.memory_space<semaphore_mem>>) {add = true}
          %dma_wait3A_98 = arith.constant 0 : i32
          %dma_wait3A_99 = arith.constant 0 : i32
          %dma_wait3A_100 = tpu.memref_slice %arg9[%run_scoped3A, %dma_wait3A_98, %dma_wait3A_99] : memref<2x128x128xf32, #tpu.memory_space<vmem>> -> memref<1x128x128xf32, #tpu.memory_space<vmem>>
          %dma_wait3A_101 = tpu.memref_squeeze %dma_wait3A_100 : memref<1x128x128xf32, #tpu.memory_space<vmem>> -> memref<128x128xf32, #tpu.memory_space<vmem>>
          %dma_wait3A_102 = arith.constant 0 : i32
          %dma_wait3A_103 = tpu.memref_slice %arg8[%mul3A_39, %dma_wait3A_102] : memref<16x128xi32, #tpu.memory_space<vmem>> -> memref<1x128xi32, #tpu.memory_space<vmem>>
          %dma_wait3A_104 = tpu.memref_squeeze %dma_wait3A_103 : memref<1x128xi32, #tpu.memory_space<vmem>> -> memref<128xi32, #tpu.memory_space<vmem>>
          %dma_wait3A_105 = arith.constant 0 : i32
          %dma_wait3A_106 = arith.constant 0 : i32
          %dma_wait3A_107 = tpu.memref_slice %arg10[%dma_wait3A_105, %dma_wait3A_106] : memref<10112x128xf32, #tpu.memory_space<vmem_shared>> -> memref<10112x128xf32, #tpu.memory_space<vmem_shared>>
          tpu.wait_indirect_dma semaphore(%run_scoped3A_87 : memref<!tpu.dma_semaphore, #tpu.memory_space<semaphore_mem>>) src(%dma_wait3A_101 : memref<128x128xf32, #tpu.memory_space<vmem>>) dst(%dma_wait3A_107 : memref<10112x128xf32, #tpu.memory_space<vmem_shared>>)
          tpu.yield
        }) : () -> ()
        %dma_wait3A_73 = arith.constant 1 : i32
        %dma_wait3A_74 = arith.constant 0 : i32
        %dma_wait3A_75 = arith.constant 0 : i32
        %dma_wait3A_76 = tpu.memref_slice %arg9[%dma_wait3A_73, %dma_wait3A_74, %dma_wait3A_75] : memref<2x128x128xf32, #tpu.memory_space<vmem>> -> memref<1x128x128xf32, #tpu.memory_space<vmem>>
        %dma_wait3A_77 = tpu.memref_squeeze %dma_wait3A_76 : memref<1x128x128xf32, #tpu.memory_space<vmem>> -> memref<128x128xf32, #tpu.memory_space<vmem>>
        %dma_wait3A_78 = arith.constant 0 : i32
        %dma_wait3A_79 = tpu.memref_slice %arg7[%add3A_51, %dma_wait3A_78] : memref<16x128xi32, #tpu.memory_space<vmem>> -> memref<1x128xi32, #tpu.memory_space<vmem>>
        %dma_wait3A_80 = tpu.memref_squeeze %dma_wait3A_79 : memref<1x128xi32, #tpu.memory_space<vmem>> -> memref<128xi32, #tpu.memory_space<vmem>>
        %dma_wait3A_81 = arith.constant 0 : i32
        %dma_wait3A_82 = arith.constant 0 : i32
        %dma_wait3A_83 = tpu.memref_slice %arg2[%dma_wait3A_81, %dma_wait3A_82] : memref<12288x128xf32, #tpu.memory_space<hbm>> -> memref<12288x128xf32, #tpu.memory_space<hbm>>
        tpu.wait_indirect_dma semaphore(%arg12 : memref<!tpu.dma_semaphore, #tpu.memory_space<semaphore_mem>>) src(%dma_wait3A_83 : memref<12288x128xf32, #tpu.memory_space<hbm>>) dst(%dma_wait3A_77 : memref<128x128xf32, #tpu.memory_space<vmem>>)
        %add3A_84 = arith.constant 1 : i32
        %add3A_85 = arith.addi %mul3A_39, %add3A_84 : i32
        %run_scoped3A_86 = arith.constant 1 : i32
        "tpu.region"() ({
          %run_scoped3A_87 = tpu.sem_alloc : memref<!tpu.dma_semaphore, #tpu.memory_space<semaphore_mem>>
          %dma_start3A_88 = arith.constant 0 : i32
          %dma_start3A_89 = arith.constant 0 : i32
          %dma_start3A_90 = tpu.memref_slice %arg9[%run_scoped3A_86, %dma_start3A_88, %dma_start3A_89] : memref<2x128x128xf32, #tpu.memory_space<vmem>> -> memref<1x128x128xf32, #tpu.memory_space<vmem>>
          %dma_start3A_91 = tpu.memref_squeeze %dma_start3A_90 : memref<1x128x128xf32, #tpu.memory_space<vmem>> -> memref<128x128xf32, #tpu.memory_space<vmem>>
          %dma_start3A_92 = arith.constant 0 : i32
          %dma_start3A_93 = tpu.memref_slice %arg8[%add3A_85, %dma_start3A_92] : memref<16x128xi32, #tpu.memory_space<vmem>> -> memref<1x128xi32, #tpu.memory_space<vmem>>
          %dma_start3A_94 = tpu.memref_squeeze %dma_start3A_93 : memref<1x128xi32, #tpu.memory_space<vmem>> -> memref<128xi32, #tpu.memory_space<vmem>>
          %dma_start3A_95 = arith.constant 0 : i32
          %dma_start3A_96 = arith.constant 0 : i32
          %dma_start3A_97 = tpu.memref_slice %arg10[%dma_start3A_95, %dma_start3A_96] : memref<10112x128xf32, #tpu.memory_space<vmem_shared>> -> memref<10112x128xf32, #tpu.memory_space<vmem_shared>>
          tpu.enqueue_indirect_dma source(%dma_start3A_91 : memref<128x128xf32, #tpu.memory_space<vmem>>) target(%dma_start3A_97 : memref<10112x128xf32, #tpu.memory_space<vmem_shared>>) offsets(%dma_start3A_94 : memref<128xi32, #tpu.memory_space<vmem>>) semaphore(%run_scoped3A_87 : memref<!tpu.dma_semaphore, #tpu.memory_space<semaphore_mem>>) {add = true}
          %dma_wait3A_98 = arith.constant 0 : i32
          %dma_wait3A_99 = arith.constant 0 : i32
          %dma_wait3A_100 = tpu.memref_slice %arg9[%run_scoped3A_86, %dma_wait3A_98, %dma_wait3A_99] : memref<2x128x128xf32, #tpu.memory_space<vmem>> -> memref<1x128x128xf32, #tpu.memory_space<vmem>>
          %dma_wait3A_101 = tpu.memref_squeeze %dma_wait3A_100 : memref<1x128x128xf32, #tpu.memory_space<vmem>> -> memref<128x128xf32, #tpu.memory_space<vmem>>
          %dma_wait3A_102 = arith.constant 0 : i32
          %dma_wait3A_103 = tpu.memref_slice %arg8[%add3A_85, %dma_wait3A_102] : memref<16x128xi32, #tpu.memory_space<vmem>> -> memref<1x128xi32, #tpu.memory_space<vmem>>
          %dma_wait3A_104 = tpu.memref_squeeze %dma_wait3A_103 : memref<1x128xi32, #tpu.memory_space<vmem>> -> memref<128xi32, #tpu.memory_space<vmem>>
          %dma_wait3A_105 = arith.constant 0 : i32
          %dma_wait3A_106 = arith.constant 0 : i32
          %dma_wait3A_107 = tpu.memref_slice %arg10[%dma_wait3A_105, %dma_wait3A_106] : memref<10112x128xf32, #tpu.memory_space<vmem_shared>> -> memref<10112x128xf32, #tpu.memory_space<vmem_shared>>
          tpu.wait_indirect_dma semaphore(%run_scoped3A_87 : memref<!tpu.dma_semaphore, #tpu.memory_space<semaphore_mem>>) src(%dma_wait3A_101 : memref<128x128xf32, #tpu.memory_space<vmem>>) dst(%dma_wait3A_107 : memref<10112x128xf32, #tpu.memory_space<vmem_shared>>)
          tpu.yield
        }) : () -> ()
      }
      %scan3A_36 = arith.constant 8 : i32
    }
    %while3A_19 = arith.constant 1 : i32
    scf.for %while3A_25 = %while3A_17 to %while3A_13 step %while3A_19  : i32 {
      %mul3A_26 = arith.constant 16 : i32
      %mul3A_27 = arith.muli %while3A_25, %mul3A_26 : i32
      %add3A_28 = arith.addi %select_n3A, %mul3A_27 : i32
      "tpu.region"() ({
        %run_scoped3A = tpu.sem_alloc : memref<!tpu.dma_semaphore, #tpu.memory_space<semaphore_mem>>
        %dma_start3A = arith.constant 0 : i32
        %dma_start3A_37 = tpu.memref_slice %arg3[%add3A_28, %dma_start3A] : memref<2560x128xi32, #tpu.memory_space<hbm>> -> memref<16x128xi32, #tpu.memory_space<hbm>>
        %dma_start3A_38 = arith.constant 0 : i32
        %dma_start3A_39 = tpu.memref_slice %arg3[%add3A_28, %dma_start3A_38] : memref<2560x128xi32, #tpu.memory_space<hbm>> -> memref<16x128xi32, #tpu.memory_space<hbm>>
        tpu.enqueue_dma source(%dma_start3A_39 : memref<16x128xi32, #tpu.memory_space<hbm>>) target(%arg7 : memref<16x128xi32, #tpu.memory_space<vmem>>) target_semaphore(%run_scoped3A : memref<!tpu.dma_semaphore, #tpu.memory_space<semaphore_mem>>)
        %dma_wait3A = arith.constant 0 : i32
        %dma_wait3A_40 = tpu.memref_slice %arg3[%add3A_28, %dma_wait3A] : memref<2560x128xi32, #tpu.memory_space<hbm>> -> memref<16x128xi32, #tpu.memory_space<hbm>>
        %dma_wait3A_41 = arith.constant 0 : i32
        %dma_wait3A_42 = tpu.memref_slice %arg3[%add3A_28, %dma_wait3A_41] : memref<2560x128xi32, #tpu.memory_space<hbm>> -> memref<16x128xi32, #tpu.memory_space<hbm>>
        tpu.wait_dma2 semaphore(%run_scoped3A : memref<!tpu.dma_semaphore, #tpu.memory_space<semaphore_mem>>) src(%dma_wait3A_42 : memref<16x128xi32, #tpu.memory_space<hbm>>) dst(%arg7 : memref<16x128xi32, #tpu.memory_space<vmem>>)
        tpu.yield
      }) : () -> ()
      %mul3A_29 = arith.constant 16 : i32
      %mul3A_30 = arith.muli %while3A_25, %mul3A_29 : i32
      %add3A_31 = arith.addi %select_n3A, %mul3A_30 : i32
      "tpu.region"() ({
        %run_scoped3A = tpu.sem_alloc : memref<!tpu.dma_semaphore, #tpu.memory_space<semaphore_mem>>
        %dma_start3A = arith.constant 0 : i32
        %dma_start3A_37 = tpu.memref_slice %arg4[%add3A_31, %dma_start3A] : memref<2560x128xi32, #tpu.memory_space<hbm>> -> memref<16x128xi32, #tpu.memory_space<hbm>>
        %dma_start3A_38 = arith.constant 0 : i32
        %dma_start3A_39 = tpu.memref_slice %arg4[%add3A_31, %dma_start3A_38] : memref<2560x128xi32, #tpu.memory_space<hbm>> -> memref<16x128xi32, #tpu.memory_space<hbm>>
        tpu.enqueue_dma source(%dma_start3A_39 : memref<16x128xi32, #tpu.memory_space<hbm>>) target(%arg8 : memref<16x128xi32, #tpu.memory_space<vmem>>) target_semaphore(%run_scoped3A : memref<!tpu.dma_semaphore, #tpu.memory_space<semaphore_mem>>)
        %dma_wait3A = arith.constant 0 : i32
        %dma_wait3A_40 = tpu.memref_slice %arg4[%add3A_31, %dma_wait3A] : memref<2560x128xi32, #tpu.memory_space<hbm>> -> memref<16x128xi32, #tpu.memory_space<hbm>>
        %dma_wait3A_41 = arith.constant 0 : i32
        %dma_wait3A_42 = tpu.memref_slice %arg4[%add3A_31, %dma_wait3A_41] : memref<2560x128xi32, #tpu.memory_space<hbm>> -> memref<16x128xi32, #tpu.memory_space<hbm>>
        tpu.wait_dma2 semaphore(%run_scoped3A : memref<!tpu.dma_semaphore, #tpu.memory_space<semaphore_mem>>) src(%dma_wait3A_42 : memref<16x128xi32, #tpu.memory_space<hbm>>) dst(%arg8 : memref<16x128xi32, #tpu.memory_space<vmem>>)
        tpu.yield
      }) : () -> ()
      %scan3A = arith.constant 0 : i32
      %scan3A_32 = arith.constant 0 : i32
      %scan3A_33 = arith.constant 8 : i32
      %scan3A_34 = arith.addi %scan3A_32, %scan3A_33 : i32
      %scan3A_35 = arith.constant 1 : i32
      scf.for %scan3A_37 = %scan3A_32 to %scan3A_34 step %scan3A_35  : i32 {
        %mul3A_38 = arith.constant 2 : i32
        %mul3A_39 = arith.muli %scan3A_37, %mul3A_38 : i32
        %dma_start3A = arith.constant 0 : i32
        %dma_start3A_40 = arith.constant 0 : i32
        %dma_start3A_41 = arith.constant 0 : i32
        %dma_start3A_42 = tpu.memref_slice %arg9[%dma_start3A, %dma_start3A_40, %dma_start3A_41] : memref<2x128x128xf32, #tpu.memory_space<vmem>> -> memref<1x128x128xf32, #tpu.memory_space<vmem>>
        %dma_start3A_43 = tpu.memref_squeeze %dma_start3A_42 : memref<1x128x128xf32, #tpu.memory_space<vmem>> -> memref<128x128xf32, #tpu.memory_space<vmem>>
        %dma_start3A_44 = arith.constant 0 : i32
        %dma_start3A_45 = tpu.memref_slice %arg7[%mul3A_39, %dma_start3A_44] : memref<16x128xi32, #tpu.memory_space<vmem>> -> memref<1x128xi32, #tpu.memory_space<vmem>>
        %dma_start3A_46 = tpu.memref_squeeze %dma_start3A_45 : memref<1x128xi32, #tpu.memory_space<vmem>> -> memref<128xi32, #tpu.memory_space<vmem>>
        %dma_start3A_47 = arith.constant 0 : i32
        %dma_start3A_48 = arith.constant 0 : i32
        %dma_start3A_49 = tpu.memref_slice %arg2[%dma_start3A_47, %dma_start3A_48] : memref<12288x128xf32, #tpu.memory_space<hbm>> -> memref<12288x128xf32, #tpu.memory_space<hbm>>
        tpu.enqueue_indirect_dma source(%dma_start3A_49 : memref<12288x128xf32, #tpu.memory_space<hbm>>) target(%dma_start3A_43 : memref<128x128xf32, #tpu.memory_space<vmem>>) offsets(%dma_start3A_46 : memref<128xi32, #tpu.memory_space<vmem>>) semaphore(%arg11 : memref<!tpu.dma_semaphore, #tpu.memory_space<semaphore_mem>>)
        %add3A_50 = arith.constant 1 : i32
        %add3A_51 = arith.addi %mul3A_39, %add3A_50 : i32
        %dma_start3A_52 = arith.constant 1 : i32
        %dma_start3A_53 = arith.constant 0 : i32
        %dma_start3A_54 = arith.constant 0 : i32
        %dma_start3A_55 = tpu.memref_slice %arg9[%dma_start3A_52, %dma_start3A_53, %dma_start3A_54] : memref<2x128x128xf32, #tpu.memory_space<vmem>> -> memref<1x128x128xf32, #tpu.memory_space<vmem>>
        %dma_start3A_56 = tpu.memref_squeeze %dma_start3A_55 : memref<1x128x128xf32, #tpu.memory_space<vmem>> -> memref<128x128xf32, #tpu.memory_space<vmem>>
        %dma_start3A_57 = arith.constant 0 : i32
        %dma_start3A_58 = tpu.memref_slice %arg7[%add3A_51, %dma_start3A_57] : memref<16x128xi32, #tpu.memory_space<vmem>> -> memref<1x128xi32, #tpu.memory_space<vmem>>
        %dma_start3A_59 = tpu.memref_squeeze %dma_start3A_58 : memref<1x128xi32, #tpu.memory_space<vmem>> -> memref<128xi32, #tpu.memory_space<vmem>>
        %dma_start3A_60 = arith.constant 0 : i32
        %dma_start3A_61 = arith.constant 0 : i32
        %dma_start3A_62 = tpu.memref_slice %arg2[%dma_start3A_60, %dma_start3A_61] : memref<12288x128xf32, #tpu.memory_space<hbm>> -> memref<12288x128xf32, #tpu.memory_space<hbm>>
        tpu.enqueue_indirect_dma source(%dma_start3A_62 : memref<12288x128xf32, #tpu.memory_space<hbm>>) target(%dma_start3A_56 : memref<128x128xf32, #tpu.memory_space<vmem>>) offsets(%dma_start3A_59 : memref<128xi32, #tpu.memory_space<vmem>>) semaphore(%arg12 : memref<!tpu.dma_semaphore, #tpu.memory_space<semaphore_mem>>)
        %dma_wait3A = arith.constant 0 : i32
        %dma_wait3A_63 = arith.constant 0 : i32
        %dma_wait3A_64 = arith.constant 0 : i32
        %dma_wait3A_65 = tpu.memref_slice %arg9[%dma_wait3A, %dma_wait3A_63, %dma_wait3A_64] : memref<2x128x128xf32, #tpu.memory_space<vmem>> -> memref<1x128x128xf32, #tpu.memory_space<vmem>>
        %dma_wait3A_66 = tpu.memref_squeeze %dma_wait3A_65 : memref<1x128x128xf32, #tpu.memory_space<vmem>> -> memref<128x128xf32, #tpu.memory_space<vmem>>
        %dma_wait3A_67 = arith.constant 0 : i32
        %dma_wait3A_68 = tpu.memref_slice %arg7[%mul3A_39, %dma_wait3A_67] : memref<16x128xi32, #tpu.memory_space<vmem>> -> memref<1x128xi32, #tpu.memory_space<vmem>>
        %dma_wait3A_69 = tpu.memref_squeeze %dma_wait3A_68 : memref<1x128xi32, #tpu.memory_space<vmem>> -> memref<128xi32, #tpu.memory_space<vmem>>
        %dma_wait3A_70 = arith.constant 0 : i32
        %dma_wait3A_71 = arith.constant 0 : i32
        %dma_wait3A_72 = tpu.memref_slice %arg2[%dma_wait3A_70, %dma_wait3A_71] : memref<12288x128xf32, #tpu.memory_space<hbm>> -> memref<12288x128xf32, #tpu.memory_space<hbm>>
        tpu.wait_indirect_dma semaphore(%arg11 : memref<!tpu.dma_semaphore, #tpu.memory_space<semaphore_mem>>) src(%dma_wait3A_72 : memref<12288x128xf32, #tpu.memory_space<hbm>>) dst(%dma_wait3A_66 : memref<128x128xf32, #tpu.memory_space<vmem>>)
        %run_scoped3A = arith.constant 0 : i32
        "tpu.region"() ({
          %run_scoped3A_87 = tpu.sem_alloc : memref<!tpu.dma_semaphore, #tpu.memory_space<semaphore_mem>>
          %dma_start3A_88 = arith.constant 0 : i32
          %dma_start3A_89 = arith.constant 0 : i32
          %dma_start3A_90 = tpu.memref_slice %arg9[%run_scoped3A, %dma_start3A_88, %dma_start3A_89] : memref<2x128x128xf32, #tpu.memory_space<vmem>> -> memref<1x128x128xf32, #tpu.memory_space<vmem>>
          %dma_start3A_91 = tpu.memref_squeeze %dma_start3A_90 : memref<1x128x128xf32, #tpu.memory_space<vmem>> -> memref<128x128xf32, #tpu.memory_space<vmem>>
          %dma_start3A_92 = arith.constant 0 : i32
          %dma_start3A_93 = tpu.memref_slice %arg8[%mul3A_39, %dma_start3A_92] : memref<16x128xi32, #tpu.memory_space<vmem>> -> memref<1x128xi32, #tpu.memory_space<vmem>>
          %dma_start3A_94 = tpu.memref_squeeze %dma_start3A_93 : memref<1x128xi32, #tpu.memory_space<vmem>> -> memref<128xi32, #tpu.memory_space<vmem>>
          %dma_start3A_95 = arith.constant 0 : i32
          %dma_start3A_96 = arith.constant 0 : i32
          %dma_start3A_97 = tpu.memref_slice %arg10[%dma_start3A_95, %dma_start3A_96] : memref<10112x128xf32, #tpu.memory_space<vmem_shared>> -> memref<10112x128xf32, #tpu.memory_space<vmem_shared>>
          tpu.enqueue_indirect_dma source(%dma_start3A_91 : memref<128x128xf32, #tpu.memory_space<vmem>>) target(%dma_start3A_97 : memref<10112x128xf32, #tpu.memory_space<vmem_shared>>) offsets(%dma_start3A_94 : memref<128xi32, #tpu.memory_space<vmem>>) semaphore(%run_scoped3A_87 : memref<!tpu.dma_semaphore, #tpu.memory_space<semaphore_mem>>) {add = true}
          %dma_wait3A_98 = arith.constant 0 : i32
          %dma_wait3A_99 = arith.constant 0 : i32
          %dma_wait3A_100 = tpu.memref_slice %arg9[%run_scoped3A, %dma_wait3A_98, %dma_wait3A_99] : memref<2x128x128xf32, #tpu.memory_space<vmem>> -> memref<1x128x128xf32, #tpu.memory_space<vmem>>
          %dma_wait3A_101 = tpu.memref_squeeze %dma_wait3A_100 : memref<1x128x128xf32, #tpu.memory_space<vmem>> -> memref<128x128xf32, #tpu.memory_space<vmem>>
          %dma_wait3A_102 = arith.constant 0 : i32
          %dma_wait3A_103 = tpu.memref_slice %arg8[%mul3A_39, %dma_wait3A_102] : memref<16x128xi32, #tpu.memory_space<vmem>> -> memref<1x128xi32, #tpu.memory_space<vmem>>
          %dma_wait3A_104 = tpu.memref_squeeze %dma_wait3A_103 : memref<1x128xi32, #tpu.memory_space<vmem>> -> memref<128xi32, #tpu.memory_space<vmem>>
          %dma_wait3A_105 = arith.constant 0 : i32
          %dma_wait3A_106 = arith.constant 0 : i32
          %dma_wait3A_107 = tpu.memref_slice %arg10[%dma_wait3A_105, %dma_wait3A_106] : memref<10112x128xf32, #tpu.memory_space<vmem_shared>> -> memref<10112x128xf32, #tpu.memory_space<vmem_shared>>
          tpu.wait_indirect_dma semaphore(%run_scoped3A_87 : memref<!tpu.dma_semaphore, #tpu.memory_space<semaphore_mem>>) src(%dma_wait3A_101 : memref<128x128xf32, #tpu.memory_space<vmem>>) dst(%dma_wait3A_107 : memref<10112x128xf32, #tpu.memory_space<vmem_shared>>)
          tpu.yield
        }) : () -> ()
        %dma_wait3A_73 = arith.constant 1 : i32
        %dma_wait3A_74 = arith.constant 0 : i32
        %dma_wait3A_75 = arith.constant 0 : i32
        %dma_wait3A_76 = tpu.memref_slice %arg9[%dma_wait3A_73, %dma_wait3A_74, %dma_wait3A_75] : memref<2x128x128xf32, #tpu.memory_space<vmem>> -> memref<1x128x128xf32, #tpu.memory_space<vmem>>
        %dma_wait3A_77 = tpu.memref_squeeze %dma_wait3A_76 : memref<1x128x128xf32, #tpu.memory_space<vmem>> -> memref<128x128xf32, #tpu.memory_space<vmem>>
        %dma_wait3A_78 = arith.constant 0 : i32
        %dma_wait3A_79 = tpu.memref_slice %arg7[%add3A_51, %dma_wait3A_78] : memref<16x128xi32, #tpu.memory_space<vmem>> -> memref<1x128xi32, #tpu.memory_space<vmem>>
        %dma_wait3A_80 = tpu.memref_squeeze %dma_wait3A_79 : memref<1x128xi32, #tpu.memory_space<vmem>> -> memref<128xi32, #tpu.memory_space<vmem>>
        %dma_wait3A_81 = arith.constant 0 : i32
        %dma_wait3A_82 = arith.constant 0 : i32
        %dma_wait3A_83 = tpu.memref_slice %arg2[%dma_wait3A_81, %dma_wait3A_82] : memref<12288x128xf32, #tpu.memory_space<hbm>> -> memref<12288x128xf32, #tpu.memory_space<hbm>>
        tpu.wait_indirect_dma semaphore(%arg12 : memref<!tpu.dma_semaphore, #tpu.memory_space<semaphore_mem>>) src(%dma_wait3A_83 : memref<12288x128xf32, #tpu.memory_space<hbm>>) dst(%dma_wait3A_77 : memref<128x128xf32, #tpu.memory_space<vmem>>)
        %add3A_84 = arith.constant 1 : i32
        %add3A_85 = arith.addi %mul3A_39, %add3A_84 : i32
        %run_scoped3A_86 = arith.constant 1 : i32
        "tpu.region"() ({
          %run_scoped3A_87 = tpu.sem_alloc : memref<!tpu.dma_semaphore, #tpu.memory_space<semaphore_mem>>
          %dma_start3A_88 = arith.constant 0 : i32
          %dma_start3A_89 = arith.constant 0 : i32
          %dma_start3A_90 = tpu.memref_slice %arg9[%run_scoped3A_86, %dma_start3A_88, %dma_start3A_89] : memref<2x128x128xf32, #tpu.memory_space<vmem>> -> memref<1x128x128xf32, #tpu.memory_space<vmem>>
          %dma_start3A_91 = tpu.memref_squeeze %dma_start3A_90 : memref<1x128x128xf32, #tpu.memory_space<vmem>> -> memref<128x128xf32, #tpu.memory_space<vmem>>
          %dma_start3A_92 = arith.constant 0 : i32
          %dma_start3A_93 = tpu.memref_slice %arg8[%add3A_85, %dma_start3A_92] : memref<16x128xi32, #tpu.memory_space<vmem>> -> memref<1x128xi32, #tpu.memory_space<vmem>>
          %dma_start3A_94 = tpu.memref_squeeze %dma_start3A_93 : memref<1x128xi32, #tpu.memory_space<vmem>> -> memref<128xi32, #tpu.memory_space<vmem>>
          %dma_start3A_95 = arith.constant 0 : i32
          %dma_start3A_96 = arith.constant 0 : i32
          %dma_start3A_97 = tpu.memref_slice %arg10[%dma_start3A_95, %dma_start3A_96] : memref<10112x128xf32, #tpu.memory_space<vmem_shared>> -> memref<10112x128xf32, #tpu.memory_space<vmem_shared>>
          tpu.enqueue_indirect_dma source(%dma_start3A_91 : memref<128x128xf32, #tpu.memory_space<vmem>>) target(%dma_start3A_97 : memref<10112x128xf32, #tpu.memory_space<vmem_shared>>) offsets(%dma_start3A_94 : memref<128xi32, #tpu.memory_space<vmem>>) semaphore(%run_scoped3A_87 : memref<!tpu.dma_semaphore, #tpu.memory_space<semaphore_mem>>) {add = true}
          %dma_wait3A_98 = arith.constant 0 : i32
          %dma_wait3A_99 = arith.constant 0 : i32
          %dma_wait3A_100 = tpu.memref_slice %arg9[%run_scoped3A_86, %dma_wait3A_98, %dma_wait3A_99] : memref<2x128x128xf32, #tpu.memory_space<vmem>> -> memref<1x128x128xf32, #tpu.memory_space<vmem>>
          %dma_wait3A_101 = tpu.memref_squeeze %dma_wait3A_100 : memref<1x128x128xf32, #tpu.memory_space<vmem>> -> memref<128x128xf32, #tpu.memory_space<vmem>>
          %dma_wait3A_102 = arith.constant 0 : i32
          %dma_wait3A_103 = tpu.memref_slice %arg8[%add3A_85, %dma_wait3A_102] : memref<16x128xi32, #tpu.memory_space<vmem>> -> memref<1x128xi32, #tpu.memory_space<vmem>>
          %dma_wait3A_104 = tpu.memref_squeeze %dma_wait3A_103 : memref<1x128xi32, #tpu.memory_space<vmem>> -> memref<128xi32, #tpu.memory_space<vmem>>
          %dma_wait3A_105 = arith.constant 0 : i32
          %dma_wait3A_106 = arith.constant 0 : i32
          %dma_wait3A_107 = tpu.memref_slice %arg10[%dma_wait3A_105, %dma_wait3A_106] : memref<10112x128xf32, #tpu.memory_space<vmem_shared>> -> memref<10112x128xf32, #tpu.memory_space<vmem_shared>>
          tpu.wait_indirect_dma semaphore(%run_scoped3A_87 : memref<!tpu.dma_semaphore, #tpu.memory_space<semaphore_mem>>) src(%dma_wait3A_101 : memref<128x128xf32, #tpu.memory_space<vmem>>) dst(%dma_wait3A_107 : memref<10112x128xf32, #tpu.memory_space<vmem_shared>>)
          tpu.yield
        }) : () -> ()
      }
      %scan3A_36 = arith.constant 8 : i32
    }
    %barrier3A_20 = arith.constant 0 : index
    tpu.barrier barrier_id(%barrier3A_20)
    %mul3A_21 = arith.constant 632 : i32
    %mul3A_22 = arith.muli %arg1, %mul3A_21 : i32
    %mul3A_23 = arith.constant 632 : i32
    %mul3A_24 = arith.muli %arg1, %mul3A_23 : i32
    "tpu.region"() ({
      %run_scoped3A = tpu.sem_alloc : memref<!tpu.dma_semaphore, #tpu.memory_space<semaphore_mem>>
      %dma_start3A = arith.constant 0 : i32
      %dma_start3A_25 = tpu.memref_slice %arg6[%arg0, %mul3A_24, %dma_start3A] : memref<2x10112x128xf32, #tpu.memory_space<hbm>> -> memref<1x632x128xf32, #tpu.memory_space<hbm>>
      %dma_start3A_26 = tpu.memref_squeeze %dma_start3A_25 : memref<1x632x128xf32, #tpu.memory_space<hbm>> -> memref<632x128xf32, #tpu.memory_space<hbm>>
      %dma_start3A_27 = arith.constant 0 : i32
      %dma_start3A_28 = tpu.memref_slice %arg10[%mul3A_22, %dma_start3A_27] : memref<10112x128xf32, #tpu.memory_space<vmem_shared>> -> memref<632x128xf32, #tpu.memory_space<vmem_shared>>
      tpu.enqueue_dma source(%dma_start3A_28 : memref<632x128xf32, #tpu.memory_space<vmem_shared>>) target(%dma_start3A_26 : memref<632x128xf32, #tpu.memory_space<hbm>>) target_semaphore(%run_scoped3A : memref<!tpu.dma_semaphore, #tpu.memory_space<semaphore_mem>>)
      %dma_wait3A = arith.constant 0 : i32
      %dma_wait3A_29 = tpu.memref_slice %arg6[%arg0, %mul3A_24, %dma_wait3A] : memref<2x10112x128xf32, #tpu.memory_space<hbm>> -> memref<1x632x128xf32, #tpu.memory_space<hbm>>
      %dma_wait3A_30 = tpu.memref_squeeze %dma_wait3A_29 : memref<1x632x128xf32, #tpu.memory_space<hbm>> -> memref<632x128xf32, #tpu.memory_space<hbm>>
      %dma_wait3A_31 = arith.constant 0 : i32
      %dma_wait3A_32 = tpu.memref_slice %arg10[%mul3A_22, %dma_wait3A_31] : memref<10112x128xf32, #tpu.memory_space<vmem_shared>> -> memref<632x128xf32, #tpu.memory_space<vmem_shared>>
      tpu.wait_dma2 semaphore(%run_scoped3A : memref<!tpu.dma_semaphore, #tpu.memory_space<semaphore_mem>>) src(%dma_wait3A_32 : memref<632x128xf32, #tpu.memory_space<vmem_shared>>) dst(%dma_wait3A_30 : memref<632x128xf32, #tpu.memory_space<hbm>>)
      tpu.yield
    }) : () -> ()
    return
  }
}

#map = affine_map<(d0, d1) -> (0, 0, 0)>
#map1 = affine_map<(d0, d1) -> (0, 0)>
module attributes {stable_mosaic.version = 14 : i64} {
  func.func @body(%arg0: i32, %arg1: i32, %arg2: memref<32x3x128xi32, #tpu.memory_space<hbm>>, %arg3: memref<1000x128xf32, #tpu.memory_space<hbm>>, %arg4: memref<12288x128xf32, #tpu.memory_space<hbm>>, %arg5: memref<3x128xi32, #tpu.memory_space<vmem>>, %arg6: memref<3x128x128xf32, #tpu.memory_space<vmem>>, %arg7: memref<!tpu.dma_semaphore, #tpu.memory_space<semaphore_mem>>, %arg8: memref<!tpu.dma_semaphore, #tpu.memory_space<semaphore_mem>>, %arg9: memref<!tpu.dma_semaphore, #tpu.memory_space<semaphore_mem>>) attributes {dimension_semantics = [#tpu.dimension_semantics<core_parallel>, #tpu.dimension_semantics<subcore_parallel>], iteration_bounds = array<i64: 2, 16>, scalar_prefetch = 0 : i64, scratch_operands = 5 : i64, tpu.core_type = #tpu.core_type<sc_vector_subcore>, window_params = [{transform_indices = #map}, {transform_indices = #map1}, {transform_indices = #map1}]} {
    %mul3A = arith.constant 2 : i32
    %mul3A_0 = arith.muli %arg1, %mul3A : i32
    %add3A = arith.addi %mul3A_0, %arg0 : i32
    "tpu.region"() ({
      %run_scoped3A_91 = tpu.sem_alloc : memref<!tpu.dma_semaphore, #tpu.memory_space<semaphore_mem>>
      %dma_start3A_92 = arith.constant 0 : i32
      %dma_start3A_93 = arith.constant 0 : i32
      %dma_start3A_94 = tpu.memref_slice %arg2[%add3A, %dma_start3A_92, %dma_start3A_93] : memref<32x3x128xi32, #tpu.memory_space<hbm>> -> memref<1x3x128xi32, #tpu.memory_space<hbm>>
      %dma_start3A_95 = tpu.memref_squeeze %dma_start3A_94 : memref<1x3x128xi32, #tpu.memory_space<hbm>> -> memref<3x128xi32, #tpu.memory_space<hbm>>
      %dma_start3A_96 = arith.constant 0 : i32
      %dma_start3A_97 = arith.constant 0 : i32
      %dma_start3A_98 = tpu.memref_slice %arg2[%add3A, %dma_start3A_96, %dma_start3A_97] : memref<32x3x128xi32, #tpu.memory_space<hbm>> -> memref<1x3x128xi32, #tpu.memory_space<hbm>>
      %dma_start3A_99 = tpu.memref_squeeze %dma_start3A_98 : memref<1x3x128xi32, #tpu.memory_space<hbm>> -> memref<3x128xi32, #tpu.memory_space<hbm>>
      tpu.enqueue_dma source(%dma_start3A_99 : memref<3x128xi32, #tpu.memory_space<hbm>>) target(%arg5 : memref<3x128xi32, #tpu.memory_space<vmem>>) target_semaphore(%run_scoped3A_91 : memref<!tpu.dma_semaphore, #tpu.memory_space<semaphore_mem>>)
      %dma_wait3A_100 = arith.constant 0 : i32
      %dma_wait3A_101 = arith.constant 0 : i32
      %dma_wait3A_102 = tpu.memref_slice %arg2[%add3A, %dma_wait3A_100, %dma_wait3A_101] : memref<32x3x128xi32, #tpu.memory_space<hbm>> -> memref<1x3x128xi32, #tpu.memory_space<hbm>>
      %dma_wait3A_103 = tpu.memref_squeeze %dma_wait3A_102 : memref<1x3x128xi32, #tpu.memory_space<hbm>> -> memref<3x128xi32, #tpu.memory_space<hbm>>
      %dma_wait3A_104 = arith.constant 0 : i32
      %dma_wait3A_105 = arith.constant 0 : i32
      %dma_wait3A_106 = tpu.memref_slice %arg2[%add3A, %dma_wait3A_104, %dma_wait3A_105] : memref<32x3x128xi32, #tpu.memory_space<hbm>> -> memref<1x3x128xi32, #tpu.memory_space<hbm>>
      %dma_wait3A_107 = tpu.memref_squeeze %dma_wait3A_106 : memref<1x3x128xi32, #tpu.memory_space<hbm>> -> memref<3x128xi32, #tpu.memory_space<hbm>>
      tpu.wait_dma2 semaphore(%run_scoped3A_91 : memref<!tpu.dma_semaphore, #tpu.memory_space<semaphore_mem>>) src(%dma_wait3A_107 : memref<3x128xi32, #tpu.memory_space<hbm>>) dst(%arg5 : memref<3x128xi32, #tpu.memory_space<vmem>>)
      tpu.yield
    }) : () -> ()
    %dma_start3A = arith.constant 0 : i32
    %dma_start3A_1 = arith.constant 0 : i32
    %dma_start3A_2 = arith.constant 0 : i32
    %dma_start3A_3 = arith.constant 0 : i32
    %dma_start3A_4 = tpu.memref_slice %arg6[%dma_start3A_1, %dma_start3A_2, %dma_start3A_3] : memref<3x128x128xf32, #tpu.memory_space<vmem>> -> memref<1x128x128xf32, #tpu.memory_space<vmem>>
    %dma_start3A_5 = tpu.memref_squeeze %dma_start3A_4 : memref<1x128x128xf32, #tpu.memory_space<vmem>> -> memref<128x128xf32, #tpu.memory_space<vmem>>
    %dma_start3A_6 = arith.constant 0 : i32
    %dma_start3A_7 = tpu.memref_slice %arg5[%dma_start3A, %dma_start3A_6] : memref<3x128xi32, #tpu.memory_space<vmem>> -> memref<1x128xi32, #tpu.memory_space<vmem>>
    %dma_start3A_8 = tpu.memref_squeeze %dma_start3A_7 : memref<1x128xi32, #tpu.memory_space<vmem>> -> memref<128xi32, #tpu.memory_space<vmem>>
    %dma_start3A_9 = arith.constant 0 : i32
    %dma_start3A_10 = arith.constant 0 : i32
    %dma_start3A_11 = tpu.memref_slice %arg3[%dma_start3A_9, %dma_start3A_10] : memref<1000x128xf32, #tpu.memory_space<hbm>> -> memref<1000x128xf32, #tpu.memory_space<hbm>>
    tpu.enqueue_indirect_dma source(%dma_start3A_11 : memref<1000x128xf32, #tpu.memory_space<hbm>>) target(%dma_start3A_5 : memref<128x128xf32, #tpu.memory_space<vmem>>) offsets(%dma_start3A_8 : memref<128xi32, #tpu.memory_space<vmem>>) semaphore(%arg7 : memref<!tpu.dma_semaphore, #tpu.memory_space<semaphore_mem>>)
    %dma_start3A_12 = arith.constant 1 : i32
    %dma_start3A_13 = arith.constant 1 : i32
    %dma_start3A_14 = arith.constant 0 : i32
    %dma_start3A_15 = arith.constant 0 : i32
    %dma_start3A_16 = tpu.memref_slice %arg6[%dma_start3A_13, %dma_start3A_14, %dma_start3A_15] : memref<3x128x128xf32, #tpu.memory_space<vmem>> -> memref<1x128x128xf32, #tpu.memory_space<vmem>>
    %dma_start3A_17 = tpu.memref_squeeze %dma_start3A_16 : memref<1x128x128xf32, #tpu.memory_space<vmem>> -> memref<128x128xf32, #tpu.memory_space<vmem>>
    %dma_start3A_18 = arith.constant 0 : i32
    %dma_start3A_19 = tpu.memref_slice %arg5[%dma_start3A_12, %dma_start3A_18] : memref<3x128xi32, #tpu.memory_space<vmem>> -> memref<1x128xi32, #tpu.memory_space<vmem>>
    %dma_start3A_20 = tpu.memref_squeeze %dma_start3A_19 : memref<1x128xi32, #tpu.memory_space<vmem>> -> memref<128xi32, #tpu.memory_space<vmem>>
    %dma_start3A_21 = arith.constant 0 : i32
    %dma_start3A_22 = arith.constant 0 : i32
    %dma_start3A_23 = tpu.memref_slice %arg3[%dma_start3A_21, %dma_start3A_22] : memref<1000x128xf32, #tpu.memory_space<hbm>> -> memref<1000x128xf32, #tpu.memory_space<hbm>>
    tpu.enqueue_indirect_dma source(%dma_start3A_23 : memref<1000x128xf32, #tpu.memory_space<hbm>>) target(%dma_start3A_17 : memref<128x128xf32, #tpu.memory_space<vmem>>) offsets(%dma_start3A_20 : memref<128xi32, #tpu.memory_space<vmem>>) semaphore(%arg8 : memref<!tpu.dma_semaphore, #tpu.memory_space<semaphore_mem>>)
    %dma_start3A_24 = arith.constant 2 : i32
    %dma_start3A_25 = arith.constant 2 : i32
    %dma_start3A_26 = arith.constant 0 : i32
    %dma_start3A_27 = arith.constant 0 : i32
    %dma_start3A_28 = tpu.memref_slice %arg6[%dma_start3A_25, %dma_start3A_26, %dma_start3A_27] : memref<3x128x128xf32, #tpu.memory_space<vmem>> -> memref<1x128x128xf32, #tpu.memory_space<vmem>>
    %dma_start3A_29 = tpu.memref_squeeze %dma_start3A_28 : memref<1x128x128xf32, #tpu.memory_space<vmem>> -> memref<128x128xf32, #tpu.memory_space<vmem>>
    %dma_start3A_30 = arith.constant 0 : i32
    %dma_start3A_31 = tpu.memref_slice %arg5[%dma_start3A_24, %dma_start3A_30] : memref<3x128xi32, #tpu.memory_space<vmem>> -> memref<1x128xi32, #tpu.memory_space<vmem>>
    %dma_start3A_32 = tpu.memref_squeeze %dma_start3A_31 : memref<1x128xi32, #tpu.memory_space<vmem>> -> memref<128xi32, #tpu.memory_space<vmem>>
    %dma_start3A_33 = arith.constant 0 : i32
    %dma_start3A_34 = arith.constant 0 : i32
    %dma_start3A_35 = tpu.memref_slice %arg3[%dma_start3A_33, %dma_start3A_34] : memref<1000x128xf32, #tpu.memory_space<hbm>> -> memref<1000x128xf32, #tpu.memory_space<hbm>>
    tpu.enqueue_indirect_dma source(%dma_start3A_35 : memref<1000x128xf32, #tpu.memory_space<hbm>>) target(%dma_start3A_29 : memref<128x128xf32, #tpu.memory_space<vmem>>) offsets(%dma_start3A_32 : memref<128xi32, #tpu.memory_space<vmem>>) semaphore(%arg9 : memref<!tpu.dma_semaphore, #tpu.memory_space<semaphore_mem>>)
    %dma_wait3A = arith.constant 0 : i32
    %dma_wait3A_36 = arith.constant 0 : i32
    %dma_wait3A_37 = arith.constant 0 : i32
    %dma_wait3A_38 = arith.constant 0 : i32
    %dma_wait3A_39 = tpu.memref_slice %arg6[%dma_wait3A_36, %dma_wait3A_37, %dma_wait3A_38] : memref<3x128x128xf32, #tpu.memory_space<vmem>> -> memref<1x128x128xf32, #tpu.memory_space<vmem>>
    %dma_wait3A_40 = tpu.memref_squeeze %dma_wait3A_39 : memref<1x128x128xf32, #tpu.memory_space<vmem>> -> memref<128x128xf32, #tpu.memory_space<vmem>>
    %dma_wait3A_41 = arith.constant 0 : i32
    %dma_wait3A_42 = tpu.memref_slice %arg5[%dma_wait3A, %dma_wait3A_41] : memref<3x128xi32, #tpu.memory_space<vmem>> -> memref<1x128xi32, #tpu.memory_space<vmem>>
    %dma_wait3A_43 = tpu.memref_squeeze %dma_wait3A_42 : memref<1x128xi32, #tpu.memory_space<vmem>> -> memref<128xi32, #tpu.memory_space<vmem>>
    %dma_wait3A_44 = arith.constant 0 : i32
    %dma_wait3A_45 = arith.constant 0 : i32
    %dma_wait3A_46 = tpu.memref_slice %arg3[%dma_wait3A_44, %dma_wait3A_45] : memref<1000x128xf32, #tpu.memory_space<hbm>> -> memref<1000x128xf32, #tpu.memory_space<hbm>>
    tpu.wait_indirect_dma semaphore(%arg7 : memref<!tpu.dma_semaphore, #tpu.memory_space<semaphore_mem>>) src(%dma_wait3A_46 : memref<1000x128xf32, #tpu.memory_space<hbm>>) dst(%dma_wait3A_40 : memref<128x128xf32, #tpu.memory_space<vmem>>)
    %mul3A_47 = arith.constant 3 : i32
    %mul3A_48 = arith.muli %add3A, %mul3A_47 : i32
    %mul3A_49 = arith.constant 128 : i32
    %mul3A_50 = arith.muli %mul3A_48, %mul3A_49 : i32
    %add3A_51 = arith.constant 0 : i32
    %add3A_52 = arith.addi %mul3A_50, %add3A_51 : i32
    %run_scoped3A = arith.constant 0 : i32
    "tpu.region"() ({
      %run_scoped3A_91 = tpu.sem_alloc : memref<!tpu.dma_semaphore, #tpu.memory_space<semaphore_mem>>
      %dma_start3A_92 = arith.constant 0 : i32
      %dma_start3A_93 = arith.constant 0 : i32
      %dma_start3A_94 = tpu.memref_slice %arg6[%run_scoped3A, %dma_start3A_92, %dma_start3A_93] : memref<3x128x128xf32, #tpu.memory_space<vmem>> -> memref<1x128x128xf32, #tpu.memory_space<vmem>>
      %dma_start3A_95 = tpu.memref_squeeze %dma_start3A_94 : memref<1x128x128xf32, #tpu.memory_space<vmem>> -> memref<128x128xf32, #tpu.memory_space<vmem>>
      %dma_start3A_96 = arith.constant 0 : i32
      %dma_start3A_97 = tpu.memref_slice %arg4[%add3A_52, %dma_start3A_96] : memref<12288x128xf32, #tpu.memory_space<hbm>> -> memref<128x128xf32, #tpu.memory_space<hbm>>
      %dma_start3A_98 = arith.constant 0 : i32
      %dma_start3A_99 = tpu.memref_slice %arg4[%add3A_52, %dma_start3A_98] : memref<12288x128xf32, #tpu.memory_space<hbm>> -> memref<128x128xf32, #tpu.memory_space<hbm>>
      %dma_start3A_100 = arith.constant 0 : i32
      %dma_start3A_101 = arith.constant 0 : i32
      %dma_start3A_102 = tpu.memref_slice %arg6[%run_scoped3A, %dma_start3A_100, %dma_start3A_101] : memref<3x128x128xf32, #tpu.memory_space<vmem>> -> memref<1x128x128xf32, #tpu.memory_space<vmem>>
      %dma_start3A_103 = tpu.memref_squeeze %dma_start3A_102 : memref<1x128x128xf32, #tpu.memory_space<vmem>> -> memref<128x128xf32, #tpu.memory_space<vmem>>
      tpu.enqueue_dma source(%dma_start3A_103 : memref<128x128xf32, #tpu.memory_space<vmem>>) target(%dma_start3A_99 : memref<128x128xf32, #tpu.memory_space<hbm>>) target_semaphore(%run_scoped3A_91 : memref<!tpu.dma_semaphore, #tpu.memory_space<semaphore_mem>>)
      %dma_wait3A_104 = arith.constant 0 : i32
      %dma_wait3A_105 = arith.constant 0 : i32
      %dma_wait3A_106 = tpu.memref_slice %arg6[%run_scoped3A, %dma_wait3A_104, %dma_wait3A_105] : memref<3x128x128xf32, #tpu.memory_space<vmem>> -> memref<1x128x128xf32, #tpu.memory_space<vmem>>
      %dma_wait3A_107 = tpu.memref_squeeze %dma_wait3A_106 : memref<1x128x128xf32, #tpu.memory_space<vmem>> -> memref<128x128xf32, #tpu.memory_space<vmem>>
      %dma_wait3A_108 = arith.constant 0 : i32
      %dma_wait3A_109 = tpu.memref_slice %arg4[%add3A_52, %dma_wait3A_108] : memref<12288x128xf32, #tpu.memory_space<hbm>> -> memref<128x128xf32, #tpu.memory_space<hbm>>
      %dma_wait3A_110 = arith.constant 0 : i32
      %dma_wait3A_111 = tpu.memref_slice %arg4[%add3A_52, %dma_wait3A_110] : memref<12288x128xf32, #tpu.memory_space<hbm>> -> memref<128x128xf32, #tpu.memory_space<hbm>>
      %dma_wait3A_112 = arith.constant 0 : i32
      %dma_wait3A_113 = arith.constant 0 : i32
      %dma_wait3A_114 = tpu.memref_slice %arg6[%run_scoped3A, %dma_wait3A_112, %dma_wait3A_113] : memref<3x128x128xf32, #tpu.memory_space<vmem>> -> memref<1x128x128xf32, #tpu.memory_space<vmem>>
      %dma_wait3A_115 = tpu.memref_squeeze %dma_wait3A_114 : memref<1x128x128xf32, #tpu.memory_space<vmem>> -> memref<128x128xf32, #tpu.memory_space<vmem>>
      tpu.wait_dma2 semaphore(%run_scoped3A_91 : memref<!tpu.dma_semaphore, #tpu.memory_space<semaphore_mem>>) src(%dma_wait3A_115 : memref<128x128xf32, #tpu.memory_space<vmem>>) dst(%dma_wait3A_111 : memref<128x128xf32, #tpu.memory_space<hbm>>)
      tpu.yield
    }) : () -> ()
    %dma_wait3A_53 = arith.constant 1 : i32
    %dma_wait3A_54 = arith.constant 1 : i32
    %dma_wait3A_55 = arith.constant 0 : i32
    %dma_wait3A_56 = arith.constant 0 : i32
    %dma_wait3A_57 = tpu.memref_slice %arg6[%dma_wait3A_54, %dma_wait3A_55, %dma_wait3A_56] : memref<3x128x128xf32, #tpu.memory_space<vmem>> -> memref<1x128x128xf32, #tpu.memory_space<vmem>>
    %dma_wait3A_58 = tpu.memref_squeeze %dma_wait3A_57 : memref<1x128x128xf32, #tpu.memory_space<vmem>> -> memref<128x128xf32, #tpu.memory_space<vmem>>
    %dma_wait3A_59 = arith.constant 0 : i32
    %dma_wait3A_60 = tpu.memref_slice %arg5[%dma_wait3A_53, %dma_wait3A_59] : memref<3x128xi32, #tpu.memory_space<vmem>> -> memref<1x128xi32, #tpu.memory_space<vmem>>
    %dma_wait3A_61 = tpu.memref_squeeze %dma_wait3A_60 : memref<1x128xi32, #tpu.memory_space<vmem>> -> memref<128xi32, #tpu.memory_space<vmem>>
    %dma_wait3A_62 = arith.constant 0 : i32
    %dma_wait3A_63 = arith.constant 0 : i32
    %dma_wait3A_64 = tpu.memref_slice %arg3[%dma_wait3A_62, %dma_wait3A_63] : memref<1000x128xf32, #tpu.memory_space<hbm>> -> memref<1000x128xf32, #tpu.memory_space<hbm>>
    tpu.wait_indirect_dma semaphore(%arg8 : memref<!tpu.dma_semaphore, #tpu.memory_space<semaphore_mem>>) src(%dma_wait3A_64 : memref<1000x128xf32, #tpu.memory_space<hbm>>) dst(%dma_wait3A_58 : memref<128x128xf32, #tpu.memory_space<vmem>>)
    %mul3A_65 = arith.constant 3 : i32
    %mul3A_66 = arith.muli %add3A, %mul3A_65 : i32
    %mul3A_67 = arith.constant 128 : i32
    %mul3A_68 = arith.muli %mul3A_66, %mul3A_67 : i32
    %add3A_69 = arith.constant 128 : i32
    %add3A_70 = arith.addi %mul3A_68, %add3A_69 : i32
    %run_scoped3A_71 = arith.constant 1 : i32
    "tpu.region"() ({
      %run_scoped3A_91 = tpu.sem_alloc : memref<!tpu.dma_semaphore, #tpu.memory_space<semaphore_mem>>
      %dma_start3A_92 = arith.constant 0 : i32
      %dma_start3A_93 = arith.constant 0 : i32
      %dma_start3A_94 = tpu.memref_slice %arg6[%run_scoped3A_71, %dma_start3A_92, %dma_start3A_93] : memref<3x128x128xf32, #tpu.memory_space<vmem>> -> memref<1x128x128xf32, #tpu.memory_space<vmem>>
      %dma_start3A_95 = tpu.memref_squeeze %dma_start3A_94 : memref<1x128x128xf32, #tpu.memory_space<vmem>> -> memref<128x128xf32, #tpu.memory_space<vmem>>
      %dma_start3A_96 = arith.constant 0 : i32
      %dma_start3A_97 = tpu.memref_slice %arg4[%add3A_70, %dma_start3A_96] : memref<12288x128xf32, #tpu.memory_space<hbm>> -> memref<128x128xf32, #tpu.memory_space<hbm>>
      %dma_start3A_98 = arith.constant 0 : i32
      %dma_start3A_99 = tpu.memref_slice %arg4[%add3A_70, %dma_start3A_98] : memref<12288x128xf32, #tpu.memory_space<hbm>> -> memref<128x128xf32, #tpu.memory_space<hbm>>
      %dma_start3A_100 = arith.constant 0 : i32
      %dma_start3A_101 = arith.constant 0 : i32
      %dma_start3A_102 = tpu.memref_slice %arg6[%run_scoped3A_71, %dma_start3A_100, %dma_start3A_101] : memref<3x128x128xf32, #tpu.memory_space<vmem>> -> memref<1x128x128xf32, #tpu.memory_space<vmem>>
      %dma_start3A_103 = tpu.memref_squeeze %dma_start3A_102 : memref<1x128x128xf32, #tpu.memory_space<vmem>> -> memref<128x128xf32, #tpu.memory_space<vmem>>
      tpu.enqueue_dma source(%dma_start3A_103 : memref<128x128xf32, #tpu.memory_space<vmem>>) target(%dma_start3A_99 : memref<128x128xf32, #tpu.memory_space<hbm>>) target_semaphore(%run_scoped3A_91 : memref<!tpu.dma_semaphore, #tpu.memory_space<semaphore_mem>>)
      %dma_wait3A_104 = arith.constant 0 : i32
      %dma_wait3A_105 = arith.constant 0 : i32
      %dma_wait3A_106 = tpu.memref_slice %arg6[%run_scoped3A_71, %dma_wait3A_104, %dma_wait3A_105] : memref<3x128x128xf32, #tpu.memory_space<vmem>> -> memref<1x128x128xf32, #tpu.memory_space<vmem>>
      %dma_wait3A_107 = tpu.memref_squeeze %dma_wait3A_106 : memref<1x128x128xf32, #tpu.memory_space<vmem>> -> memref<128x128xf32, #tpu.memory_space<vmem>>
      %dma_wait3A_108 = arith.constant 0 : i32
      %dma_wait3A_109 = tpu.memref_slice %arg4[%add3A_70, %dma_wait3A_108] : memref<12288x128xf32, #tpu.memory_space<hbm>> -> memref<128x128xf32, #tpu.memory_space<hbm>>
      %dma_wait3A_110 = arith.constant 0 : i32
      %dma_wait3A_111 = tpu.memref_slice %arg4[%add3A_70, %dma_wait3A_110] : memref<12288x128xf32, #tpu.memory_space<hbm>> -> memref<128x128xf32, #tpu.memory_space<hbm>>
      %dma_wait3A_112 = arith.constant 0 : i32
      %dma_wait3A_113 = arith.constant 0 : i32
      %dma_wait3A_114 = tpu.memref_slice %arg6[%run_scoped3A_71, %dma_wait3A_112, %dma_wait3A_113] : memref<3x128x128xf32, #tpu.memory_space<vmem>> -> memref<1x128x128xf32, #tpu.memory_space<vmem>>
      %dma_wait3A_115 = tpu.memref_squeeze %dma_wait3A_114 : memref<1x128x128xf32, #tpu.memory_space<vmem>> -> memref<128x128xf32, #tpu.memory_space<vmem>>
      tpu.wait_dma2 semaphore(%run_scoped3A_91 : memref<!tpu.dma_semaphore, #tpu.memory_space<semaphore_mem>>) src(%dma_wait3A_115 : memref<128x128xf32, #tpu.memory_space<vmem>>) dst(%dma_wait3A_111 : memref<128x128xf32, #tpu.memory_space<hbm>>)
      tpu.yield
    }) : () -> ()
    %dma_wait3A_72 = arith.constant 2 : i32
    %dma_wait3A_73 = arith.constant 2 : i32
    %dma_wait3A_74 = arith.constant 0 : i32
    %dma_wait3A_75 = arith.constant 0 : i32
    %dma_wait3A_76 = tpu.memref_slice %arg6[%dma_wait3A_73, %dma_wait3A_74, %dma_wait3A_75] : memref<3x128x128xf32, #tpu.memory_space<vmem>> -> memref<1x128x128xf32, #tpu.memory_space<vmem>>
    %dma_wait3A_77 = tpu.memref_squeeze %dma_wait3A_76 : memref<1x128x128xf32, #tpu.memory_space<vmem>> -> memref<128x128xf32, #tpu.memory_space<vmem>>
    %dma_wait3A_78 = arith.constant 0 : i32
    %dma_wait3A_79 = tpu.memref_slice %arg5[%dma_wait3A_72, %dma_wait3A_78] : memref<3x128xi32, #tpu.memory_space<vmem>> -> memref<1x128xi32, #tpu.memory_space<vmem>>
    %dma_wait3A_80 = tpu.memref_squeeze %dma_wait3A_79 : memref<1x128xi32, #tpu.memory_space<vmem>> -> memref<128xi32, #tpu.memory_space<vmem>>
    %dma_wait3A_81 = arith.constant 0 : i32
    %dma_wait3A_82 = arith.constant 0 : i32
    %dma_wait3A_83 = tpu.memref_slice %arg3[%dma_wait3A_81, %dma_wait3A_82] : memref<1000x128xf32, #tpu.memory_space<hbm>> -> memref<1000x128xf32, #tpu.memory_space<hbm>>
    tpu.wait_indirect_dma semaphore(%arg9 : memref<!tpu.dma_semaphore, #tpu.memory_space<semaphore_mem>>) src(%dma_wait3A_83 : memref<1000x128xf32, #tpu.memory_space<hbm>>) dst(%dma_wait3A_77 : memref<128x128xf32, #tpu.memory_space<vmem>>)
    %mul3A_84 = arith.constant 3 : i32
    %mul3A_85 = arith.muli %add3A, %mul3A_84 : i32
    %mul3A_86 = arith.constant 128 : i32
    %mul3A_87 = arith.muli %mul3A_85, %mul3A_86 : i32
    %add3A_88 = arith.constant 256 : i32
    %add3A_89 = arith.addi %mul3A_87, %add3A_88 : i32
    %run_scoped3A_90 = arith.constant 2 : i32
    "tpu.region"() ({
      %run_scoped3A_91 = tpu.sem_alloc : memref<!tpu.dma_semaphore, #tpu.memory_space<semaphore_mem>>
      %dma_start3A_92 = arith.constant 0 : i32
      %dma_start3A_93 = arith.constant 0 : i32
      %dma_start3A_94 = tpu.memref_slice %arg6[%run_scoped3A_90, %dma_start3A_92, %dma_start3A_93] : memref<3x128x128xf32, #tpu.memory_space<vmem>> -> memref<1x128x128xf32, #tpu.memory_space<vmem>>
      %dma_start3A_95 = tpu.memref_squeeze %dma_start3A_94 : memref<1x128x128xf32, #tpu.memory_space<vmem>> -> memref<128x128xf32, #tpu.memory_space<vmem>>
      %dma_start3A_96 = arith.constant 0 : i32
      %dma_start3A_97 = tpu.memref_slice %arg4[%add3A_89, %dma_start3A_96] : memref<12288x128xf32, #tpu.memory_space<hbm>> -> memref<128x128xf32, #tpu.memory_space<hbm>>
      %dma_start3A_98 = arith.constant 0 : i32
      %dma_start3A_99 = tpu.memref_slice %arg4[%add3A_89, %dma_start3A_98] : memref<12288x128xf32, #tpu.memory_space<hbm>> -> memref<128x128xf32, #tpu.memory_space<hbm>>
      %dma_start3A_100 = arith.constant 0 : i32
      %dma_start3A_101 = arith.constant 0 : i32
      %dma_start3A_102 = tpu.memref_slice %arg6[%run_scoped3A_90, %dma_start3A_100, %dma_start3A_101] : memref<3x128x128xf32, #tpu.memory_space<vmem>> -> memref<1x128x128xf32, #tpu.memory_space<vmem>>
      %dma_start3A_103 = tpu.memref_squeeze %dma_start3A_102 : memref<1x128x128xf32, #tpu.memory_space<vmem>> -> memref<128x128xf32, #tpu.memory_space<vmem>>
      tpu.enqueue_dma source(%dma_start3A_103 : memref<128x128xf32, #tpu.memory_space<vmem>>) target(%dma_start3A_99 : memref<128x128xf32, #tpu.memory_space<hbm>>) target_semaphore(%run_scoped3A_91 : memref<!tpu.dma_semaphore, #tpu.memory_space<semaphore_mem>>)
      %dma_wait3A_104 = arith.constant 0 : i32
      %dma_wait3A_105 = arith.constant 0 : i32
      %dma_wait3A_106 = tpu.memref_slice %arg6[%run_scoped3A_90, %dma_wait3A_104, %dma_wait3A_105] : memref<3x128x128xf32, #tpu.memory_space<vmem>> -> memref<1x128x128xf32, #tpu.memory_space<vmem>>
      %dma_wait3A_107 = tpu.memref_squeeze %dma_wait3A_106 : memref<1x128x128xf32, #tpu.memory_space<vmem>> -> memref<128x128xf32, #tpu.memory_space<vmem>>
      %dma_wait3A_108 = arith.constant 0 : i32
      %dma_wait3A_109 = tpu.memref_slice %arg4[%add3A_89, %dma_wait3A_108] : memref<12288x128xf32, #tpu.memory_space<hbm>> -> memref<128x128xf32, #tpu.memory_space<hbm>>
      %dma_wait3A_110 = arith.constant 0 : i32
      %dma_wait3A_111 = tpu.memref_slice %arg4[%add3A_89, %dma_wait3A_110] : memref<12288x128xf32, #tpu.memory_space<hbm>> -> memref<128x128xf32, #tpu.memory_space<hbm>>
      %dma_wait3A_112 = arith.constant 0 : i32
      %dma_wait3A_113 = arith.constant 0 : i32
      %dma_wait3A_114 = tpu.memref_slice %arg6[%run_scoped3A_90, %dma_wait3A_112, %dma_wait3A_113] : memref<3x128x128xf32, #tpu.memory_space<vmem>> -> memref<1x128x128xf32, #tpu.memory_space<vmem>>
      %dma_wait3A_115 = tpu.memref_squeeze %dma_wait3A_114 : memref<1x128x128xf32, #tpu.memory_space<vmem>> -> memref<128x128xf32, #tpu.memory_space<vmem>>
      tpu.wait_dma2 semaphore(%run_scoped3A_91 : memref<!tpu.dma_semaphore, #tpu.memory_space<semaphore_mem>>) src(%dma_wait3A_115 : memref<128x128xf32, #tpu.memory_space<vmem>>) dst(%dma_wait3A_111 : memref<128x128xf32, #tpu.memory_space<hbm>>)
      tpu.yield
    }) : () -> ()
    return
  }
}

#map = affine_map<(d0, d1) -> (0, 0)>
#map1 = affine_map<(d0, d1) -> (0, 0, 0)>
module attributes {stable_mosaic.version = 14 : i64} {
  func.func @body(%arg0: i32, %arg1: i32, %arg2: memref<10000x128xf32, #tpu.memory_space<hbm>>, %arg3: memref<2560x128xi32, #tpu.memory_space<hbm>>, %arg4: memref<2560x128xi32, #tpu.memory_space<hbm>>, %arg5: memref<632x128xf32, #tpu.memory_space<hbm>>, %arg6: memref<2x10112x128xf32, #tpu.memory_space<hbm>>, %arg7: memref<16x128xi32, #tpu.memory_space<vmem>>, %arg8: memref<16x128xi32, #tpu.memory_space<vmem>>, %arg9: memref<2x128x128xf32, #tpu.memory_space<vmem>>, %arg10: memref<10112x128xf32, #tpu.memory_space<vmem_shared>>, %arg11: memref<!tpu.dma_semaphore, #tpu.memory_space<semaphore_mem>>, %arg12: memref<!tpu.dma_semaphore, #tpu.memory_space<semaphore_mem>>) attributes {dimension_semantics = [#tpu.dimension_semantics<core_parallel>, #tpu.dimension_semantics<subcore_parallel>], iteration_bounds = array<i64: 2, 16>, scalar_prefetch = 0 : i64, scratch_operands = 6 : i64, tpu.core_type = #tpu.core_type<sc_vector_subcore>, window_params = [{transform_indices = #map}, {transform_indices = #map}, {transform_indices = #map}, {transform_indices = #map}, {transform_indices = #map1}]} {
    %eq3A = arith.constant 0 : i32
    %eq3A_0 = arith.cmpi eq, %arg0, %eq3A : i32
    %mul3A = arith.constant 144 : i32
    %mul3A_1 = arith.muli %arg1, %mul3A : i32
    %mul3A_2 = arith.constant 16 : i32
    %mul3A_3 = arith.muli %arg1, %mul3A_2 : i32
    %add3A = arith.constant 2304 : i32
    %add3A_4 = arith.addi %add3A, %mul3A_3 : i32
    %select_n3A = arith.select %eq3A_0, %mul3A_1, %add3A_4 : i32
    %eq3A_5 = arith.constant 0 : i32
    %eq3A_6 = arith.cmpi eq, %arg0, %eq3A_5 : i32
    %jit3A = arith.constant 9 : i32
    %jit3A_7 = arith.constant 1 : i32
    %select_n3A_8 = arith.select %eq3A_6, %jit3A, %jit3A_7 : i32
    %mul3A_9 = arith.constant 632 : i32
    %mul3A_10 = arith.muli %arg1, %mul3A_9 : i32
    "tpu.region"() ({
      %run_scoped3A = tpu.sem_alloc : memref<!tpu.dma_semaphore, #tpu.memory_space<semaphore_mem>>
      %dma_start3A = arith.constant 0 : i32
      %dma_start3A_25 = tpu.memref_slice %arg10[%mul3A_10, %dma_start3A] : memref<10112x128xf32, #tpu.memory_space<vmem_shared>> -> memref<632x128xf32, #tpu.memory_space<vmem_shared>>
      tpu.enqueue_dma source(%arg5 : memref<632x128xf32, #tpu.memory_space<hbm>>) target(%dma_start3A_25 : memref<632x128xf32, #tpu.memory_space<vmem_shared>>) target_semaphore(%run_scoped3A : memref<!tpu.dma_semaphore, #tpu.memory_space<semaphore_mem>>)
      %dma_wait3A = arith.constant 0 : i32
      %dma_wait3A_26 = tpu.memref_slice %arg10[%mul3A_10, %dma_wait3A] : memref<10112x128xf32, #tpu.memory_space<vmem_shared>> -> memref<632x128xf32, #tpu.memory_space<vmem_shared>>
      tpu.wait_dma2 semaphore(%run_scoped3A : memref<!tpu.dma_semaphore, #tpu.memory_space<semaphore_mem>>) src(%arg5 : memref<632x128xf32, #tpu.memory_space<hbm>>) dst(%dma_wait3A_26 : memref<632x128xf32, #tpu.memory_space<vmem_shared>>)
      tpu.yield
    }) : () -> ()
    %barrier3A = arith.constant 0 : index
    tpu.barrier barrier_id(%barrier3A)
    %while3A = arith.constant 0 : i32
    %while3A_11 = arith.constant 0 : i32
    %while3A_12 = arith.subi %select_n3A_8, %while3A_11 : i32
    %while3A_13 = arith.addi %while3A_11, %while3A_12 : i32
    %while3A_14 = arith.constant 1 : i32
    %while3A_15 = arith.divsi %while3A_12, %while3A_14 : i32
    %while3A_16 = arith.muli %while3A_15, %while3A_14 : i32
    %while3A_17 = arith.addi %while3A_11, %while3A_16 : i32
    %while3A_18 = arith.constant 1 : i32
    scf.for %while3A_25 = %while3A_11 to %while3A_17 step %while3A_18  : i32 {
      %mul3A_26 = arith.constant 16 : i32
      %mul3A_27 = arith.muli %while3A_25, %mul3A_26 : i32
      %add3A_28 = arith.addi %select_n3A, %mul3A_27 : i32
      "tpu.region"() ({
        %run_scoped3A = tpu.sem_alloc : memref<!tpu.dma_semaphore, #tpu.memory_space<semaphore_mem>>
        %dma_start3A = arith.constant 0 : i32
        %dma_start3A_37 = tpu.memref_slice %arg3[%add3A_28, %dma_start3A] : memref<2560x128xi32, #tpu.memory_space<hbm>> -> memref<16x128xi32, #tpu.memory_space<hbm>>
        %dma_start3A_38 = arith.constant 0 : i32
        %dma_start3A_39 = tpu.memref_slice %arg3[%add3A_28, %dma_start3A_38] : memref<2560x128xi32, #tpu.memory_space<hbm>> -> memref<16x128xi32, #tpu.memory_space<hbm>>
        tpu.enqueue_dma source(%dma_start3A_39 : memref<16x128xi32, #tpu.memory_space<hbm>>) target(%arg7 : memref<16x128xi32, #tpu.memory_space<vmem>>) target_semaphore(%run_scoped3A : memref<!tpu.dma_semaphore, #tpu.memory_space<semaphore_mem>>)
        %dma_wait3A = arith.constant 0 : i32
        %dma_wait3A_40 = tpu.memref_slice %arg3[%add3A_28, %dma_wait3A] : memref<2560x128xi32, #tpu.memory_space<hbm>> -> memref<16x128xi32, #tpu.memory_space<hbm>>
        %dma_wait3A_41 = arith.constant 0 : i32
        %dma_wait3A_42 = tpu.memref_slice %arg3[%add3A_28, %dma_wait3A_41] : memref<2560x128xi32, #tpu.memory_space<hbm>> -> memref<16x128xi32, #tpu.memory_space<hbm>>
        tpu.wait_dma2 semaphore(%run_scoped3A : memref<!tpu.dma_semaphore, #tpu.memory_space<semaphore_mem>>) src(%dma_wait3A_42 : memref<16x128xi32, #tpu.memory_space<hbm>>) dst(%arg7 : memref<16x128xi32, #tpu.memory_space<vmem>>)
        tpu.yield
      }) : () -> ()
      %mul3A_29 = arith.constant 16 : i32
      %mul3A_30 = arith.muli %while3A_25, %mul3A_29 : i32
      %add3A_31 = arith.addi %select_n3A, %mul3A_30 : i32
      "tpu.region"() ({
        %run_scoped3A = tpu.sem_alloc : memref<!tpu.dma_semaphore, #tpu.memory_space<semaphore_mem>>
        %dma_start3A = arith.constant 0 : i32
        %dma_start3A_37 = tpu.memref_slice %arg4[%add3A_31, %dma_start3A] : memref<2560x128xi32, #tpu.memory_space<hbm>> -> memref<16x128xi32, #tpu.memory_space<hbm>>
        %dma_start3A_38 = arith.constant 0 : i32
        %dma_start3A_39 = tpu.memref_slice %arg4[%add3A_31, %dma_start3A_38] : memref<2560x128xi32, #tpu.memory_space<hbm>> -> memref<16x128xi32, #tpu.memory_space<hbm>>
        tpu.enqueue_dma source(%dma_start3A_39 : memref<16x128xi32, #tpu.memory_space<hbm>>) target(%arg8 : memref<16x128xi32, #tpu.memory_space<vmem>>) target_semaphore(%run_scoped3A : memref<!tpu.dma_semaphore, #tpu.memory_space<semaphore_mem>>)
        %dma_wait3A = arith.constant 0 : i32
        %dma_wait3A_40 = tpu.memref_slice %arg4[%add3A_31, %dma_wait3A] : memref<2560x128xi32, #tpu.memory_space<hbm>> -> memref<16x128xi32, #tpu.memory_space<hbm>>
        %dma_wait3A_41 = arith.constant 0 : i32
        %dma_wait3A_42 = tpu.memref_slice %arg4[%add3A_31, %dma_wait3A_41] : memref<2560x128xi32, #tpu.memory_space<hbm>> -> memref<16x128xi32, #tpu.memory_space<hbm>>
        tpu.wait_dma2 semaphore(%run_scoped3A : memref<!tpu.dma_semaphore, #tpu.memory_space<semaphore_mem>>) src(%dma_wait3A_42 : memref<16x128xi32, #tpu.memory_space<hbm>>) dst(%arg8 : memref<16x128xi32, #tpu.memory_space<vmem>>)
        tpu.yield
      }) : () -> ()
      %scan3A = arith.constant 0 : i32
      %scan3A_32 = arith.constant 0 : i32
      %scan3A_33 = arith.constant 8 : i32
      %scan3A_34 = arith.addi %scan3A_32, %scan3A_33 : i32
      %scan3A_35 = arith.constant 1 : i32
      scf.for %scan3A_37 = %scan3A_32 to %scan3A_34 step %scan3A_35  : i32 {
        %mul3A_38 = arith.constant 2 : i32
        %mul3A_39 = arith.muli %scan3A_37, %mul3A_38 : i32
        %dma_start3A = arith.constant 0 : i32
        %dma_start3A_40 = arith.constant 0 : i32
        %dma_start3A_41 = arith.constant 0 : i32
        %dma_start3A_42 = tpu.memref_slice %arg9[%dma_start3A, %dma_start3A_40, %dma_start3A_41] : memref<2x128x128xf32, #tpu.memory_space<vmem>> -> memref<1x128x128xf32, #tpu.memory_space<vmem>>
        %dma_start3A_43 = tpu.memref_squeeze %dma_start3A_42 : memref<1x128x128xf32, #tpu.memory_space<vmem>> -> memref<128x128xf32, #tpu.memory_space<vmem>>
        %dma_start3A_44 = arith.constant 0 : i32
        %dma_start3A_45 = tpu.memref_slice %arg7[%mul3A_39, %dma_start3A_44] : memref<16x128xi32, #tpu.memory_space<vmem>> -> memref<1x128xi32, #tpu.memory_space<vmem>>
        %dma_start3A_46 = tpu.memref_squeeze %dma_start3A_45 : memref<1x128xi32, #tpu.memory_space<vmem>> -> memref<128xi32, #tpu.memory_space<vmem>>
        %dma_start3A_47 = arith.constant 0 : i32
        %dma_start3A_48 = arith.constant 0 : i32
        %dma_start3A_49 = tpu.memref_slice %arg2[%dma_start3A_47, %dma_start3A_48] : memref<10000x128xf32, #tpu.memory_space<hbm>> -> memref<10000x128xf32, #tpu.memory_space<hbm>>
        tpu.enqueue_indirect_dma source(%dma_start3A_49 : memref<10000x128xf32, #tpu.memory_space<hbm>>) target(%dma_start3A_43 : memref<128x128xf32, #tpu.memory_space<vmem>>) offsets(%dma_start3A_46 : memref<128xi32, #tpu.memory_space<vmem>>) semaphore(%arg11 : memref<!tpu.dma_semaphore, #tpu.memory_space<semaphore_mem>>)
        %add3A_50 = arith.constant 1 : i32
        %add3A_51 = arith.addi %mul3A_39, %add3A_50 : i32
        %dma_start3A_52 = arith.constant 1 : i32
        %dma_start3A_53 = arith.constant 0 : i32
        %dma_start3A_54 = arith.constant 0 : i32
        %dma_start3A_55 = tpu.memref_slice %arg9[%dma_start3A_52, %dma_start3A_53, %dma_start3A_54] : memref<2x128x128xf32, #tpu.memory_space<vmem>> -> memref<1x128x128xf32, #tpu.memory_space<vmem>>
        %dma_start3A_56 = tpu.memref_squeeze %dma_start3A_55 : memref<1x128x128xf32, #tpu.memory_space<vmem>> -> memref<128x128xf32, #tpu.memory_space<vmem>>
        %dma_start3A_57 = arith.constant 0 : i32
        %dma_start3A_58 = tpu.memref_slice %arg7[%add3A_51, %dma_start3A_57] : memref<16x128xi32, #tpu.memory_space<vmem>> -> memref<1x128xi32, #tpu.memory_space<vmem>>
        %dma_start3A_59 = tpu.memref_squeeze %dma_start3A_58 : memref<1x128xi32, #tpu.memory_space<vmem>> -> memref<128xi32, #tpu.memory_space<vmem>>
        %dma_start3A_60 = arith.constant 0 : i32
        %dma_start3A_61 = arith.constant 0 : i32
        %dma_start3A_62 = tpu.memref_slice %arg2[%dma_start3A_60, %dma_start3A_61] : memref<10000x128xf32, #tpu.memory_space<hbm>> -> memref<10000x128xf32, #tpu.memory_space<hbm>>
        tpu.enqueue_indirect_dma source(%dma_start3A_62 : memref<10000x128xf32, #tpu.memory_space<hbm>>) target(%dma_start3A_56 : memref<128x128xf32, #tpu.memory_space<vmem>>) offsets(%dma_start3A_59 : memref<128xi32, #tpu.memory_space<vmem>>) semaphore(%arg12 : memref<!tpu.dma_semaphore, #tpu.memory_space<semaphore_mem>>)
        %dma_wait3A = arith.constant 0 : i32
        %dma_wait3A_63 = arith.constant 0 : i32
        %dma_wait3A_64 = arith.constant 0 : i32
        %dma_wait3A_65 = tpu.memref_slice %arg9[%dma_wait3A, %dma_wait3A_63, %dma_wait3A_64] : memref<2x128x128xf32, #tpu.memory_space<vmem>> -> memref<1x128x128xf32, #tpu.memory_space<vmem>>
        %dma_wait3A_66 = tpu.memref_squeeze %dma_wait3A_65 : memref<1x128x128xf32, #tpu.memory_space<vmem>> -> memref<128x128xf32, #tpu.memory_space<vmem>>
        %dma_wait3A_67 = arith.constant 0 : i32
        %dma_wait3A_68 = tpu.memref_slice %arg7[%mul3A_39, %dma_wait3A_67] : memref<16x128xi32, #tpu.memory_space<vmem>> -> memref<1x128xi32, #tpu.memory_space<vmem>>
        %dma_wait3A_69 = tpu.memref_squeeze %dma_wait3A_68 : memref<1x128xi32, #tpu.memory_space<vmem>> -> memref<128xi32, #tpu.memory_space<vmem>>
        %dma_wait3A_70 = arith.constant 0 : i32
        %dma_wait3A_71 = arith.constant 0 : i32
        %dma_wait3A_72 = tpu.memref_slice %arg2[%dma_wait3A_70, %dma_wait3A_71] : memref<10000x128xf32, #tpu.memory_space<hbm>> -> memref<10000x128xf32, #tpu.memory_space<hbm>>
        tpu.wait_indirect_dma semaphore(%arg11 : memref<!tpu.dma_semaphore, #tpu.memory_space<semaphore_mem>>) src(%dma_wait3A_72 : memref<10000x128xf32, #tpu.memory_space<hbm>>) dst(%dma_wait3A_66 : memref<128x128xf32, #tpu.memory_space<vmem>>)
        %run_scoped3A = arith.constant 0 : i32
        "tpu.region"() ({
          %run_scoped3A_87 = tpu.sem_alloc : memref<!tpu.dma_semaphore, #tpu.memory_space<semaphore_mem>>
          %dma_start3A_88 = arith.constant 0 : i32
          %dma_start3A_89 = arith.constant 0 : i32
          %dma_start3A_90 = tpu.memref_slice %arg9[%run_scoped3A, %dma_start3A_88, %dma_start3A_89] : memref<2x128x128xf32, #tpu.memory_space<vmem>> -> memref<1x128x128xf32, #tpu.memory_space<vmem>>
          %dma_start3A_91 = tpu.memref_squeeze %dma_start3A_90 : memref<1x128x128xf32, #tpu.memory_space<vmem>> -> memref<128x128xf32, #tpu.memory_space<vmem>>
          %dma_start3A_92 = arith.constant 0 : i32
          %dma_start3A_93 = tpu.memref_slice %arg8[%mul3A_39, %dma_start3A_92] : memref<16x128xi32, #tpu.memory_space<vmem>> -> memref<1x128xi32, #tpu.memory_space<vmem>>
          %dma_start3A_94 = tpu.memref_squeeze %dma_start3A_93 : memref<1x128xi32, #tpu.memory_space<vmem>> -> memref<128xi32, #tpu.memory_space<vmem>>
          %dma_start3A_95 = arith.constant 0 : i32
          %dma_start3A_96 = arith.constant 0 : i32
          %dma_start3A_97 = tpu.memref_slice %arg10[%dma_start3A_95, %dma_start3A_96] : memref<10112x128xf32, #tpu.memory_space<vmem_shared>> -> memref<10112x128xf32, #tpu.memory_space<vmem_shared>>
          tpu.enqueue_indirect_dma source(%dma_start3A_91 : memref<128x128xf32, #tpu.memory_space<vmem>>) target(%dma_start3A_97 : memref<10112x128xf32, #tpu.memory_space<vmem_shared>>) offsets(%dma_start3A_94 : memref<128xi32, #tpu.memory_space<vmem>>) semaphore(%run_scoped3A_87 : memref<!tpu.dma_semaphore, #tpu.memory_space<semaphore_mem>>) {add = true}
          %dma_wait3A_98 = arith.constant 0 : i32
          %dma_wait3A_99 = arith.constant 0 : i32
          %dma_wait3A_100 = tpu.memref_slice %arg9[%run_scoped3A, %dma_wait3A_98, %dma_wait3A_99] : memref<2x128x128xf32, #tpu.memory_space<vmem>> -> memref<1x128x128xf32, #tpu.memory_space<vmem>>
          %dma_wait3A_101 = tpu.memref_squeeze %dma_wait3A_100 : memref<1x128x128xf32, #tpu.memory_space<vmem>> -> memref<128x128xf32, #tpu.memory_space<vmem>>
          %dma_wait3A_102 = arith.constant 0 : i32
          %dma_wait3A_103 = tpu.memref_slice %arg8[%mul3A_39, %dma_wait3A_102] : memref<16x128xi32, #tpu.memory_space<vmem>> -> memref<1x128xi32, #tpu.memory_space<vmem>>
          %dma_wait3A_104 = tpu.memref_squeeze %dma_wait3A_103 : memref<1x128xi32, #tpu.memory_space<vmem>> -> memref<128xi32, #tpu.memory_space<vmem>>
          %dma_wait3A_105 = arith.constant 0 : i32
          %dma_wait3A_106 = arith.constant 0 : i32
          %dma_wait3A_107 = tpu.memref_slice %arg10[%dma_wait3A_105, %dma_wait3A_106] : memref<10112x128xf32, #tpu.memory_space<vmem_shared>> -> memref<10112x128xf32, #tpu.memory_space<vmem_shared>>
          tpu.wait_indirect_dma semaphore(%run_scoped3A_87 : memref<!tpu.dma_semaphore, #tpu.memory_space<semaphore_mem>>) src(%dma_wait3A_101 : memref<128x128xf32, #tpu.memory_space<vmem>>) dst(%dma_wait3A_107 : memref<10112x128xf32, #tpu.memory_space<vmem_shared>>)
          tpu.yield
        }) : () -> ()
        %dma_wait3A_73 = arith.constant 1 : i32
        %dma_wait3A_74 = arith.constant 0 : i32
        %dma_wait3A_75 = arith.constant 0 : i32
        %dma_wait3A_76 = tpu.memref_slice %arg9[%dma_wait3A_73, %dma_wait3A_74, %dma_wait3A_75] : memref<2x128x128xf32, #tpu.memory_space<vmem>> -> memref<1x128x128xf32, #tpu.memory_space<vmem>>
        %dma_wait3A_77 = tpu.memref_squeeze %dma_wait3A_76 : memref<1x128x128xf32, #tpu.memory_space<vmem>> -> memref<128x128xf32, #tpu.memory_space<vmem>>
        %dma_wait3A_78 = arith.constant 0 : i32
        %dma_wait3A_79 = tpu.memref_slice %arg7[%add3A_51, %dma_wait3A_78] : memref<16x128xi32, #tpu.memory_space<vmem>> -> memref<1x128xi32, #tpu.memory_space<vmem>>
        %dma_wait3A_80 = tpu.memref_squeeze %dma_wait3A_79 : memref<1x128xi32, #tpu.memory_space<vmem>> -> memref<128xi32, #tpu.memory_space<vmem>>
        %dma_wait3A_81 = arith.constant 0 : i32
        %dma_wait3A_82 = arith.constant 0 : i32
        %dma_wait3A_83 = tpu.memref_slice %arg2[%dma_wait3A_81, %dma_wait3A_82] : memref<10000x128xf32, #tpu.memory_space<hbm>> -> memref<10000x128xf32, #tpu.memory_space<hbm>>
        tpu.wait_indirect_dma semaphore(%arg12 : memref<!tpu.dma_semaphore, #tpu.memory_space<semaphore_mem>>) src(%dma_wait3A_83 : memref<10000x128xf32, #tpu.memory_space<hbm>>) dst(%dma_wait3A_77 : memref<128x128xf32, #tpu.memory_space<vmem>>)
        %add3A_84 = arith.constant 1 : i32
        %add3A_85 = arith.addi %mul3A_39, %add3A_84 : i32
        %run_scoped3A_86 = arith.constant 1 : i32
        "tpu.region"() ({
          %run_scoped3A_87 = tpu.sem_alloc : memref<!tpu.dma_semaphore, #tpu.memory_space<semaphore_mem>>
          %dma_start3A_88 = arith.constant 0 : i32
          %dma_start3A_89 = arith.constant 0 : i32
          %dma_start3A_90 = tpu.memref_slice %arg9[%run_scoped3A_86, %dma_start3A_88, %dma_start3A_89] : memref<2x128x128xf32, #tpu.memory_space<vmem>> -> memref<1x128x128xf32, #tpu.memory_space<vmem>>
          %dma_start3A_91 = tpu.memref_squeeze %dma_start3A_90 : memref<1x128x128xf32, #tpu.memory_space<vmem>> -> memref<128x128xf32, #tpu.memory_space<vmem>>
          %dma_start3A_92 = arith.constant 0 : i32
          %dma_start3A_93 = tpu.memref_slice %arg8[%add3A_85, %dma_start3A_92] : memref<16x128xi32, #tpu.memory_space<vmem>> -> memref<1x128xi32, #tpu.memory_space<vmem>>
          %dma_start3A_94 = tpu.memref_squeeze %dma_start3A_93 : memref<1x128xi32, #tpu.memory_space<vmem>> -> memref<128xi32, #tpu.memory_space<vmem>>
          %dma_start3A_95 = arith.constant 0 : i32
          %dma_start3A_96 = arith.constant 0 : i32
          %dma_start3A_97 = tpu.memref_slice %arg10[%dma_start3A_95, %dma_start3A_96] : memref<10112x128xf32, #tpu.memory_space<vmem_shared>> -> memref<10112x128xf32, #tpu.memory_space<vmem_shared>>
          tpu.enqueue_indirect_dma source(%dma_start3A_91 : memref<128x128xf32, #tpu.memory_space<vmem>>) target(%dma_start3A_97 : memref<10112x128xf32, #tpu.memory_space<vmem_shared>>) offsets(%dma_start3A_94 : memref<128xi32, #tpu.memory_space<vmem>>) semaphore(%run_scoped3A_87 : memref<!tpu.dma_semaphore, #tpu.memory_space<semaphore_mem>>) {add = true}
          %dma_wait3A_98 = arith.constant 0 : i32
          %dma_wait3A_99 = arith.constant 0 : i32
          %dma_wait3A_100 = tpu.memref_slice %arg9[%run_scoped3A_86, %dma_wait3A_98, %dma_wait3A_99] : memref<2x128x128xf32, #tpu.memory_space<vmem>> -> memref<1x128x128xf32, #tpu.memory_space<vmem>>
          %dma_wait3A_101 = tpu.memref_squeeze %dma_wait3A_100 : memref<1x128x128xf32, #tpu.memory_space<vmem>> -> memref<128x128xf32, #tpu.memory_space<vmem>>
          %dma_wait3A_102 = arith.constant 0 : i32
          %dma_wait3A_103 = tpu.memref_slice %arg8[%add3A_85, %dma_wait3A_102] : memref<16x128xi32, #tpu.memory_space<vmem>> -> memref<1x128xi32, #tpu.memory_space<vmem>>
          %dma_wait3A_104 = tpu.memref_squeeze %dma_wait3A_103 : memref<1x128xi32, #tpu.memory_space<vmem>> -> memref<128xi32, #tpu.memory_space<vmem>>
          %dma_wait3A_105 = arith.constant 0 : i32
          %dma_wait3A_106 = arith.constant 0 : i32
          %dma_wait3A_107 = tpu.memref_slice %arg10[%dma_wait3A_105, %dma_wait3A_106] : memref<10112x128xf32, #tpu.memory_space<vmem_shared>> -> memref<10112x128xf32, #tpu.memory_space<vmem_shared>>
          tpu.wait_indirect_dma semaphore(%run_scoped3A_87 : memref<!tpu.dma_semaphore, #tpu.memory_space<semaphore_mem>>) src(%dma_wait3A_101 : memref<128x128xf32, #tpu.memory_space<vmem>>) dst(%dma_wait3A_107 : memref<10112x128xf32, #tpu.memory_space<vmem_shared>>)
          tpu.yield
        }) : () -> ()
      }
      %scan3A_36 = arith.constant 8 : i32
    }
    %while3A_19 = arith.constant 1 : i32
    scf.for %while3A_25 = %while3A_17 to %while3A_13 step %while3A_19  : i32 {
      %mul3A_26 = arith.constant 16 : i32
      %mul3A_27 = arith.muli %while3A_25, %mul3A_26 : i32
      %add3A_28 = arith.addi %select_n3A, %mul3A_27 : i32
      "tpu.region"() ({
        %run_scoped3A = tpu.sem_alloc : memref<!tpu.dma_semaphore, #tpu.memory_space<semaphore_mem>>
        %dma_start3A = arith.constant 0 : i32
        %dma_start3A_37 = tpu.memref_slice %arg3[%add3A_28, %dma_start3A] : memref<2560x128xi32, #tpu.memory_space<hbm>> -> memref<16x128xi32, #tpu.memory_space<hbm>>
        %dma_start3A_38 = arith.constant 0 : i32
        %dma_start3A_39 = tpu.memref_slice %arg3[%add3A_28, %dma_start3A_38] : memref<2560x128xi32, #tpu.memory_space<hbm>> -> memref<16x128xi32, #tpu.memory_space<hbm>>
        tpu.enqueue_dma source(%dma_start3A_39 : memref<16x128xi32, #tpu.memory_space<hbm>>) target(%arg7 : memref<16x128xi32, #tpu.memory_space<vmem>>) target_semaphore(%run_scoped3A : memref<!tpu.dma_semaphore, #tpu.memory_space<semaphore_mem>>)
        %dma_wait3A = arith.constant 0 : i32
        %dma_wait3A_40 = tpu.memref_slice %arg3[%add3A_28, %dma_wait3A] : memref<2560x128xi32, #tpu.memory_space<hbm>> -> memref<16x128xi32, #tpu.memory_space<hbm>>
        %dma_wait3A_41 = arith.constant 0 : i32
        %dma_wait3A_42 = tpu.memref_slice %arg3[%add3A_28, %dma_wait3A_41] : memref<2560x128xi32, #tpu.memory_space<hbm>> -> memref<16x128xi32, #tpu.memory_space<hbm>>
        tpu.wait_dma2 semaphore(%run_scoped3A : memref<!tpu.dma_semaphore, #tpu.memory_space<semaphore_mem>>) src(%dma_wait3A_42 : memref<16x128xi32, #tpu.memory_space<hbm>>) dst(%arg7 : memref<16x128xi32, #tpu.memory_space<vmem>>)
        tpu.yield
      }) : () -> ()
      %mul3A_29 = arith.constant 16 : i32
      %mul3A_30 = arith.muli %while3A_25, %mul3A_29 : i32
      %add3A_31 = arith.addi %select_n3A, %mul3A_30 : i32
      "tpu.region"() ({
        %run_scoped3A = tpu.sem_alloc : memref<!tpu.dma_semaphore, #tpu.memory_space<semaphore_mem>>
        %dma_start3A = arith.constant 0 : i32
        %dma_start3A_37 = tpu.memref_slice %arg4[%add3A_31, %dma_start3A] : memref<2560x128xi32, #tpu.memory_space<hbm>> -> memref<16x128xi32, #tpu.memory_space<hbm>>
        %dma_start3A_38 = arith.constant 0 : i32
        %dma_start3A_39 = tpu.memref_slice %arg4[%add3A_31, %dma_start3A_38] : memref<2560x128xi32, #tpu.memory_space<hbm>> -> memref<16x128xi32, #tpu.memory_space<hbm>>
        tpu.enqueue_dma source(%dma_start3A_39 : memref<16x128xi32, #tpu.memory_space<hbm>>) target(%arg8 : memref<16x128xi32, #tpu.memory_space<vmem>>) target_semaphore(%run_scoped3A : memref<!tpu.dma_semaphore, #tpu.memory_space<semaphore_mem>>)
        %dma_wait3A = arith.constant 0 : i32
        %dma_wait3A_40 = tpu.memref_slice %arg4[%add3A_31, %dma_wait3A] : memref<2560x128xi32, #tpu.memory_space<hbm>> -> memref<16x128xi32, #tpu.memory_space<hbm>>
        %dma_wait3A_41 = arith.constant 0 : i32
        %dma_wait3A_42 = tpu.memref_slice %arg4[%add3A_31, %dma_wait3A_41] : memref<2560x128xi32, #tpu.memory_space<hbm>> -> memref<16x128xi32, #tpu.memory_space<hbm>>
        tpu.wait_dma2 semaphore(%run_scoped3A : memref<!tpu.dma_semaphore, #tpu.memory_space<semaphore_mem>>) src(%dma_wait3A_42 : memref<16x128xi32, #tpu.memory_space<hbm>>) dst(%arg8 : memref<16x128xi32, #tpu.memory_space<vmem>>)
        tpu.yield
      }) : () -> ()
      %scan3A = arith.constant 0 : i32
      %scan3A_32 = arith.constant 0 : i32
      %scan3A_33 = arith.constant 8 : i32
      %scan3A_34 = arith.addi %scan3A_32, %scan3A_33 : i32
      %scan3A_35 = arith.constant 1 : i32
      scf.for %scan3A_37 = %scan3A_32 to %scan3A_34 step %scan3A_35  : i32 {
        %mul3A_38 = arith.constant 2 : i32
        %mul3A_39 = arith.muli %scan3A_37, %mul3A_38 : i32
        %dma_start3A = arith.constant 0 : i32
        %dma_start3A_40 = arith.constant 0 : i32
        %dma_start3A_41 = arith.constant 0 : i32
        %dma_start3A_42 = tpu.memref_slice %arg9[%dma_start3A, %dma_start3A_40, %dma_start3A_41] : memref<2x128x128xf32, #tpu.memory_space<vmem>> -> memref<1x128x128xf32, #tpu.memory_space<vmem>>
        %dma_start3A_43 = tpu.memref_squeeze %dma_start3A_42 : memref<1x128x128xf32, #tpu.memory_space<vmem>> -> memref<128x128xf32, #tpu.memory_space<vmem>>
        %dma_start3A_44 = arith.constant 0 : i32
        %dma_start3A_45 = tpu.memref_slice %arg7[%mul3A_39, %dma_start3A_44] : memref<16x128xi32, #tpu.memory_space<vmem>> -> memref<1x128xi32, #tpu.memory_space<vmem>>
        %dma_start3A_46 = tpu.memref_squeeze %dma_start3A_45 : memref<1x128xi32, #tpu.memory_space<vmem>> -> memref<128xi32, #tpu.memory_space<vmem>>
        %dma_start3A_47 = arith.constant 0 : i32
        %dma_start3A_48 = arith.constant 0 : i32
        %dma_start3A_49 = tpu.memref_slice %arg2[%dma_start3A_47, %dma_start3A_48] : memref<10000x128xf32, #tpu.memory_space<hbm>> -> memref<10000x128xf32, #tpu.memory_space<hbm>>
        tpu.enqueue_indirect_dma source(%dma_start3A_49 : memref<10000x128xf32, #tpu.memory_space<hbm>>) target(%dma_start3A_43 : memref<128x128xf32, #tpu.memory_space<vmem>>) offsets(%dma_start3A_46 : memref<128xi32, #tpu.memory_space<vmem>>) semaphore(%arg11 : memref<!tpu.dma_semaphore, #tpu.memory_space<semaphore_mem>>)
        %add3A_50 = arith.constant 1 : i32
        %add3A_51 = arith.addi %mul3A_39, %add3A_50 : i32
        %dma_start3A_52 = arith.constant 1 : i32
        %dma_start3A_53 = arith.constant 0 : i32
        %dma_start3A_54 = arith.constant 0 : i32
        %dma_start3A_55 = tpu.memref_slice %arg9[%dma_start3A_52, %dma_start3A_53, %dma_start3A_54] : memref<2x128x128xf32, #tpu.memory_space<vmem>> -> memref<1x128x128xf32, #tpu.memory_space<vmem>>
        %dma_start3A_56 = tpu.memref_squeeze %dma_start3A_55 : memref<1x128x128xf32, #tpu.memory_space<vmem>> -> memref<128x128xf32, #tpu.memory_space<vmem>>
        %dma_start3A_57 = arith.constant 0 : i32
        %dma_start3A_58 = tpu.memref_slice %arg7[%add3A_51, %dma_start3A_57] : memref<16x128xi32, #tpu.memory_space<vmem>> -> memref<1x128xi32, #tpu.memory_space<vmem>>
        %dma_start3A_59 = tpu.memref_squeeze %dma_start3A_58 : memref<1x128xi32, #tpu.memory_space<vmem>> -> memref<128xi32, #tpu.memory_space<vmem>>
        %dma_start3A_60 = arith.constant 0 : i32
        %dma_start3A_61 = arith.constant 0 : i32
        %dma_start3A_62 = tpu.memref_slice %arg2[%dma_start3A_60, %dma_start3A_61] : memref<10000x128xf32, #tpu.memory_space<hbm>> -> memref<10000x128xf32, #tpu.memory_space<hbm>>
        tpu.enqueue_indirect_dma source(%dma_start3A_62 : memref<10000x128xf32, #tpu.memory_space<hbm>>) target(%dma_start3A_56 : memref<128x128xf32, #tpu.memory_space<vmem>>) offsets(%dma_start3A_59 : memref<128xi32, #tpu.memory_space<vmem>>) semaphore(%arg12 : memref<!tpu.dma_semaphore, #tpu.memory_space<semaphore_mem>>)
        %dma_wait3A = arith.constant 0 : i32
        %dma_wait3A_63 = arith.constant 0 : i32
        %dma_wait3A_64 = arith.constant 0 : i32
        %dma_wait3A_65 = tpu.memref_slice %arg9[%dma_wait3A, %dma_wait3A_63, %dma_wait3A_64] : memref<2x128x128xf32, #tpu.memory_space<vmem>> -> memref<1x128x128xf32, #tpu.memory_space<vmem>>
        %dma_wait3A_66 = tpu.memref_squeeze %dma_wait3A_65 : memref<1x128x128xf32, #tpu.memory_space<vmem>> -> memref<128x128xf32, #tpu.memory_space<vmem>>
        %dma_wait3A_67 = arith.constant 0 : i32
        %dma_wait3A_68 = tpu.memref_slice %arg7[%mul3A_39, %dma_wait3A_67] : memref<16x128xi32, #tpu.memory_space<vmem>> -> memref<1x128xi32, #tpu.memory_space<vmem>>
        %dma_wait3A_69 = tpu.memref_squeeze %dma_wait3A_68 : memref<1x128xi32, #tpu.memory_space<vmem>> -> memref<128xi32, #tpu.memory_space<vmem>>
        %dma_wait3A_70 = arith.constant 0 : i32
        %dma_wait3A_71 = arith.constant 0 : i32
        %dma_wait3A_72 = tpu.memref_slice %arg2[%dma_wait3A_70, %dma_wait3A_71] : memref<10000x128xf32, #tpu.memory_space<hbm>> -> memref<10000x128xf32, #tpu.memory_space<hbm>>
        tpu.wait_indirect_dma semaphore(%arg11 : memref<!tpu.dma_semaphore, #tpu.memory_space<semaphore_mem>>) src(%dma_wait3A_72 : memref<10000x128xf32, #tpu.memory_space<hbm>>) dst(%dma_wait3A_66 : memref<128x128xf32, #tpu.memory_space<vmem>>)
        %run_scoped3A = arith.constant 0 : i32
        "tpu.region"() ({
          %run_scoped3A_87 = tpu.sem_alloc : memref<!tpu.dma_semaphore, #tpu.memory_space<semaphore_mem>>
          %dma_start3A_88 = arith.constant 0 : i32
          %dma_start3A_89 = arith.constant 0 : i32
          %dma_start3A_90 = tpu.memref_slice %arg9[%run_scoped3A, %dma_start3A_88, %dma_start3A_89] : memref<2x128x128xf32, #tpu.memory_space<vmem>> -> memref<1x128x128xf32, #tpu.memory_space<vmem>>
          %dma_start3A_91 = tpu.memref_squeeze %dma_start3A_90 : memref<1x128x128xf32, #tpu.memory_space<vmem>> -> memref<128x128xf32, #tpu.memory_space<vmem>>
          %dma_start3A_92 = arith.constant 0 : i32
          %dma_start3A_93 = tpu.memref_slice %arg8[%mul3A_39, %dma_start3A_92] : memref<16x128xi32, #tpu.memory_space<vmem>> -> memref<1x128xi32, #tpu.memory_space<vmem>>
          %dma_start3A_94 = tpu.memref_squeeze %dma_start3A_93 : memref<1x128xi32, #tpu.memory_space<vmem>> -> memref<128xi32, #tpu.memory_space<vmem>>
          %dma_start3A_95 = arith.constant 0 : i32
          %dma_start3A_96 = arith.constant 0 : i32
          %dma_start3A_97 = tpu.memref_slice %arg10[%dma_start3A_95, %dma_start3A_96] : memref<10112x128xf32, #tpu.memory_space<vmem_shared>> -> memref<10112x128xf32, #tpu.memory_space<vmem_shared>>
          tpu.enqueue_indirect_dma source(%dma_start3A_91 : memref<128x128xf32, #tpu.memory_space<vmem>>) target(%dma_start3A_97 : memref<10112x128xf32, #tpu.memory_space<vmem_shared>>) offsets(%dma_start3A_94 : memref<128xi32, #tpu.memory_space<vmem>>) semaphore(%run_scoped3A_87 : memref<!tpu.dma_semaphore, #tpu.memory_space<semaphore_mem>>) {add = true}
          %dma_wait3A_98 = arith.constant 0 : i32
          %dma_wait3A_99 = arith.constant 0 : i32
          %dma_wait3A_100 = tpu.memref_slice %arg9[%run_scoped3A, %dma_wait3A_98, %dma_wait3A_99] : memref<2x128x128xf32, #tpu.memory_space<vmem>> -> memref<1x128x128xf32, #tpu.memory_space<vmem>>
          %dma_wait3A_101 = tpu.memref_squeeze %dma_wait3A_100 : memref<1x128x128xf32, #tpu.memory_space<vmem>> -> memref<128x128xf32, #tpu.memory_space<vmem>>
          %dma_wait3A_102 = arith.constant 0 : i32
          %dma_wait3A_103 = tpu.memref_slice %arg8[%mul3A_39, %dma_wait3A_102] : memref<16x128xi32, #tpu.memory_space<vmem>> -> memref<1x128xi32, #tpu.memory_space<vmem>>
          %dma_wait3A_104 = tpu.memref_squeeze %dma_wait3A_103 : memref<1x128xi32, #tpu.memory_space<vmem>> -> memref<128xi32, #tpu.memory_space<vmem>>
          %dma_wait3A_105 = arith.constant 0 : i32
          %dma_wait3A_106 = arith.constant 0 : i32
          %dma_wait3A_107 = tpu.memref_slice %arg10[%dma_wait3A_105, %dma_wait3A_106] : memref<10112x128xf32, #tpu.memory_space<vmem_shared>> -> memref<10112x128xf32, #tpu.memory_space<vmem_shared>>
          tpu.wait_indirect_dma semaphore(%run_scoped3A_87 : memref<!tpu.dma_semaphore, #tpu.memory_space<semaphore_mem>>) src(%dma_wait3A_101 : memref<128x128xf32, #tpu.memory_space<vmem>>) dst(%dma_wait3A_107 : memref<10112x128xf32, #tpu.memory_space<vmem_shared>>)
          tpu.yield
        }) : () -> ()
        %dma_wait3A_73 = arith.constant 1 : i32
        %dma_wait3A_74 = arith.constant 0 : i32
        %dma_wait3A_75 = arith.constant 0 : i32
        %dma_wait3A_76 = tpu.memref_slice %arg9[%dma_wait3A_73, %dma_wait3A_74, %dma_wait3A_75] : memref<2x128x128xf32, #tpu.memory_space<vmem>> -> memref<1x128x128xf32, #tpu.memory_space<vmem>>
        %dma_wait3A_77 = tpu.memref_squeeze %dma_wait3A_76 : memref<1x128x128xf32, #tpu.memory_space<vmem>> -> memref<128x128xf32, #tpu.memory_space<vmem>>
        %dma_wait3A_78 = arith.constant 0 : i32
        %dma_wait3A_79 = tpu.memref_slice %arg7[%add3A_51, %dma_wait3A_78] : memref<16x128xi32, #tpu.memory_space<vmem>> -> memref<1x128xi32, #tpu.memory_space<vmem>>
        %dma_wait3A_80 = tpu.memref_squeeze %dma_wait3A_79 : memref<1x128xi32, #tpu.memory_space<vmem>> -> memref<128xi32, #tpu.memory_space<vmem>>
        %dma_wait3A_81 = arith.constant 0 : i32
        %dma_wait3A_82 = arith.constant 0 : i32
        %dma_wait3A_83 = tpu.memref_slice %arg2[%dma_wait3A_81, %dma_wait3A_82] : memref<10000x128xf32, #tpu.memory_space<hbm>> -> memref<10000x128xf32, #tpu.memory_space<hbm>>
        tpu.wait_indirect_dma semaphore(%arg12 : memref<!tpu.dma_semaphore, #tpu.memory_space<semaphore_mem>>) src(%dma_wait3A_83 : memref<10000x128xf32, #tpu.memory_space<hbm>>) dst(%dma_wait3A_77 : memref<128x128xf32, #tpu.memory_space<vmem>>)
        %add3A_84 = arith.constant 1 : i32
        %add3A_85 = arith.addi %mul3A_39, %add3A_84 : i32
        %run_scoped3A_86 = arith.constant 1 : i32
        "tpu.region"() ({
          %run_scoped3A_87 = tpu.sem_alloc : memref<!tpu.dma_semaphore, #tpu.memory_space<semaphore_mem>>
          %dma_start3A_88 = arith.constant 0 : i32
          %dma_start3A_89 = arith.constant 0 : i32
          %dma_start3A_90 = tpu.memref_slice %arg9[%run_scoped3A_86, %dma_start3A_88, %dma_start3A_89] : memref<2x128x128xf32, #tpu.memory_space<vmem>> -> memref<1x128x128xf32, #tpu.memory_space<vmem>>
          %dma_start3A_91 = tpu.memref_squeeze %dma_start3A_90 : memref<1x128x128xf32, #tpu.memory_space<vmem>> -> memref<128x128xf32, #tpu.memory_space<vmem>>
          %dma_start3A_92 = arith.constant 0 : i32
          %dma_start3A_93 = tpu.memref_slice %arg8[%add3A_85, %dma_start3A_92] : memref<16x128xi32, #tpu.memory_space<vmem>> -> memref<1x128xi32, #tpu.memory_space<vmem>>
          %dma_start3A_94 = tpu.memref_squeeze %dma_start3A_93 : memref<1x128xi32, #tpu.memory_space<vmem>> -> memref<128xi32, #tpu.memory_space<vmem>>
          %dma_start3A_95 = arith.constant 0 : i32
          %dma_start3A_96 = arith.constant 0 : i32
          %dma_start3A_97 = tpu.memref_slice %arg10[%dma_start3A_95, %dma_start3A_96] : memref<10112x128xf32, #tpu.memory_space<vmem_shared>> -> memref<10112x128xf32, #tpu.memory_space<vmem_shared>>
          tpu.enqueue_indirect_dma source(%dma_start3A_91 : memref<128x128xf32, #tpu.memory_space<vmem>>) target(%dma_start3A_97 : memref<10112x128xf32, #tpu.memory_space<vmem_shared>>) offsets(%dma_start3A_94 : memref<128xi32, #tpu.memory_space<vmem>>) semaphore(%run_scoped3A_87 : memref<!tpu.dma_semaphore, #tpu.memory_space<semaphore_mem>>) {add = true}
          %dma_wait3A_98 = arith.constant 0 : i32
          %dma_wait3A_99 = arith.constant 0 : i32
          %dma_wait3A_100 = tpu.memref_slice %arg9[%run_scoped3A_86, %dma_wait3A_98, %dma_wait3A_99] : memref<2x128x128xf32, #tpu.memory_space<vmem>> -> memref<1x128x128xf32, #tpu.memory_space<vmem>>
          %dma_wait3A_101 = tpu.memref_squeeze %dma_wait3A_100 : memref<1x128x128xf32, #tpu.memory_space<vmem>> -> memref<128x128xf32, #tpu.memory_space<vmem>>
          %dma_wait3A_102 = arith.constant 0 : i32
          %dma_wait3A_103 = tpu.memref_slice %arg8[%add3A_85, %dma_wait3A_102] : memref<16x128xi32, #tpu.memory_space<vmem>> -> memref<1x128xi32, #tpu.memory_space<vmem>>
          %dma_wait3A_104 = tpu.memref_squeeze %dma_wait3A_103 : memref<1x128xi32, #tpu.memory_space<vmem>> -> memref<128xi32, #tpu.memory_space<vmem>>
          %dma_wait3A_105 = arith.constant 0 : i32
          %dma_wait3A_106 = arith.constant 0 : i32
          %dma_wait3A_107 = tpu.memref_slice %arg10[%dma_wait3A_105, %dma_wait3A_106] : memref<10112x128xf32, #tpu.memory_space<vmem_shared>> -> memref<10112x128xf32, #tpu.memory_space<vmem_shared>>
          tpu.wait_indirect_dma semaphore(%run_scoped3A_87 : memref<!tpu.dma_semaphore, #tpu.memory_space<semaphore_mem>>) src(%dma_wait3A_101 : memref<128x128xf32, #tpu.memory_space<vmem>>) dst(%dma_wait3A_107 : memref<10112x128xf32, #tpu.memory_space<vmem_shared>>)
          tpu.yield
        }) : () -> ()
      }
      %scan3A_36 = arith.constant 8 : i32
    }
    %barrier3A_20 = arith.constant 0 : index
    tpu.barrier barrier_id(%barrier3A_20)
    %mul3A_21 = arith.constant 632 : i32
    %mul3A_22 = arith.muli %arg1, %mul3A_21 : i32
    %mul3A_23 = arith.constant 632 : i32
    %mul3A_24 = arith.muli %arg1, %mul3A_23 : i32
    "tpu.region"() ({
      %run_scoped3A = tpu.sem_alloc : memref<!tpu.dma_semaphore, #tpu.memory_space<semaphore_mem>>
      %dma_start3A = arith.constant 0 : i32
      %dma_start3A_25 = tpu.memref_slice %arg6[%arg0, %mul3A_24, %dma_start3A] : memref<2x10112x128xf32, #tpu.memory_space<hbm>> -> memref<1x632x128xf32, #tpu.memory_space<hbm>>
      %dma_start3A_26 = tpu.memref_squeeze %dma_start3A_25 : memref<1x632x128xf32, #tpu.memory_space<hbm>> -> memref<632x128xf32, #tpu.memory_space<hbm>>
      %dma_start3A_27 = arith.constant 0 : i32
      %dma_start3A_28 = tpu.memref_slice %arg10[%mul3A_22, %dma_start3A_27] : memref<10112x128xf32, #tpu.memory_space<vmem_shared>> -> memref<632x128xf32, #tpu.memory_space<vmem_shared>>
      tpu.enqueue_dma source(%dma_start3A_28 : memref<632x128xf32, #tpu.memory_space<vmem_shared>>) target(%dma_start3A_26 : memref<632x128xf32, #tpu.memory_space<hbm>>) target_semaphore(%run_scoped3A : memref<!tpu.dma_semaphore, #tpu.memory_space<semaphore_mem>>)
      %dma_wait3A = arith.constant 0 : i32
      %dma_wait3A_29 = tpu.memref_slice %arg6[%arg0, %mul3A_24, %dma_wait3A] : memref<2x10112x128xf32, #tpu.memory_space<hbm>> -> memref<1x632x128xf32, #tpu.memory_space<hbm>>
      %dma_wait3A_30 = tpu.memref_squeeze %dma_wait3A_29 : memref<1x632x128xf32, #tpu.memory_space<hbm>> -> memref<632x128xf32, #tpu.memory_space<hbm>>
      %dma_wait3A_31 = arith.constant 0 : i32
      %dma_wait3A_32 = tpu.memref_slice %arg10[%mul3A_22, %dma_wait3A_31] : memref<10112x128xf32, #tpu.memory_space<vmem_shared>> -> memref<632x128xf32, #tpu.memory_space<vmem_shared>>
      tpu.wait_dma2 semaphore(%run_scoped3A : memref<!tpu.dma_semaphore, #tpu.memory_space<semaphore_mem>>) src(%dma_wait3A_32 : memref<632x128xf32, #tpu.memory_space<vmem_shared>>) dst(%dma_wait3A_30 : memref<632x128xf32, #tpu.memory_space<hbm>>)
      tpu.yield
    }) : () -> ()
    return
  }
}

#map = affine_map<(d0, d1) -> (0, 0)>
#map1 = affine_map<(d0, d1) -> (0, 0, 0)>
module attributes {stable_mosaic.version = 14 : i64} {
  func.func @body(%arg0: i32, %arg1: i32, %arg2: memref<10000x128xf32, #tpu.memory_space<hbm>>, %arg3: memref<2560x128xi32, #tpu.memory_space<hbm>>, %arg4: memref<2560x128xi32, #tpu.memory_space<hbm>>, %arg5: memref<632x128xf32, #tpu.memory_space<hbm>>, %arg6: memref<2x10112x128xf32, #tpu.memory_space<hbm>>, %arg7: memref<16x128xi32, #tpu.memory_space<vmem>>, %arg8: memref<16x128xi32, #tpu.memory_space<vmem>>, %arg9: memref<2x128x128xf32, #tpu.memory_space<vmem>>, %arg10: memref<10112x128xf32, #tpu.memory_space<vmem_shared>>, %arg11: memref<!tpu.dma_semaphore, #tpu.memory_space<semaphore_mem>>, %arg12: memref<!tpu.dma_semaphore, #tpu.memory_space<semaphore_mem>>) attributes {dimension_semantics = [#tpu.dimension_semantics<core_parallel>, #tpu.dimension_semantics<subcore_parallel>], iteration_bounds = array<i64: 2, 16>, scalar_prefetch = 0 : i64, scratch_operands = 6 : i64, tpu.core_type = #tpu.core_type<sc_vector_subcore>, window_params = [{transform_indices = #map}, {transform_indices = #map}, {transform_indices = #map}, {transform_indices = #map}, {transform_indices = #map1}]} {
    %eq3A = arith.constant 0 : i32
    %eq3A_0 = arith.cmpi eq, %arg0, %eq3A : i32
    %mul3A = arith.constant 144 : i32
    %mul3A_1 = arith.muli %arg1, %mul3A : i32
    %mul3A_2 = arith.constant 16 : i32
    %mul3A_3 = arith.muli %arg1, %mul3A_2 : i32
    %add3A = arith.constant 2304 : i32
    %add3A_4 = arith.addi %add3A, %mul3A_3 : i32
    %select_n3A = arith.select %eq3A_0, %mul3A_1, %add3A_4 : i32
    %eq3A_5 = arith.constant 0 : i32
    %eq3A_6 = arith.cmpi eq, %arg0, %eq3A_5 : i32
    %jit3A = arith.constant 9 : i32
    %jit3A_7 = arith.constant 1 : i32
    %select_n3A_8 = arith.select %eq3A_6, %jit3A, %jit3A_7 : i32
    %mul3A_9 = arith.constant 632 : i32
    %mul3A_10 = arith.muli %arg1, %mul3A_9 : i32
    "tpu.region"() ({
      %run_scoped3A = tpu.sem_alloc : memref<!tpu.dma_semaphore, #tpu.memory_space<semaphore_mem>>
      %dma_start3A = arith.constant 0 : i32
      %dma_start3A_25 = tpu.memref_slice %arg10[%mul3A_10, %dma_start3A] : memref<10112x128xf32, #tpu.memory_space<vmem_shared>> -> memref<632x128xf32, #tpu.memory_space<vmem_shared>>
      tpu.enqueue_dma source(%arg5 : memref<632x128xf32, #tpu.memory_space<hbm>>) target(%dma_start3A_25 : memref<632x128xf32, #tpu.memory_space<vmem_shared>>) target_semaphore(%run_scoped3A : memref<!tpu.dma_semaphore, #tpu.memory_space<semaphore_mem>>)
      %dma_wait3A = arith.constant 0 : i32
      %dma_wait3A_26 = tpu.memref_slice %arg10[%mul3A_10, %dma_wait3A] : memref<10112x128xf32, #tpu.memory_space<vmem_shared>> -> memref<632x128xf32, #tpu.memory_space<vmem_shared>>
      tpu.wait_dma2 semaphore(%run_scoped3A : memref<!tpu.dma_semaphore, #tpu.memory_space<semaphore_mem>>) src(%arg5 : memref<632x128xf32, #tpu.memory_space<hbm>>) dst(%dma_wait3A_26 : memref<632x128xf32, #tpu.memory_space<vmem_shared>>)
      tpu.yield
    }) : () -> ()
    %barrier3A = arith.constant 0 : index
    tpu.barrier barrier_id(%barrier3A)
    %while3A = arith.constant 0 : i32
    %while3A_11 = arith.constant 0 : i32
    %while3A_12 = arith.subi %select_n3A_8, %while3A_11 : i32
    %while3A_13 = arith.addi %while3A_11, %while3A_12 : i32
    %while3A_14 = arith.constant 1 : i32
    %while3A_15 = arith.divsi %while3A_12, %while3A_14 : i32
    %while3A_16 = arith.muli %while3A_15, %while3A_14 : i32
    %while3A_17 = arith.addi %while3A_11, %while3A_16 : i32
    %while3A_18 = arith.constant 1 : i32
    scf.for %while3A_25 = %while3A_11 to %while3A_17 step %while3A_18  : i32 {
      %mul3A_26 = arith.constant 16 : i32
      %mul3A_27 = arith.muli %while3A_25, %mul3A_26 : i32
      %add3A_28 = arith.addi %select_n3A, %mul3A_27 : i32
      "tpu.region"() ({
        %run_scoped3A = tpu.sem_alloc : memref<!tpu.dma_semaphore, #tpu.memory_space<semaphore_mem>>
        %dma_start3A = arith.constant 0 : i32
        %dma_start3A_37 = tpu.memref_slice %arg3[%add3A_28, %dma_start3A] : memref<2560x128xi32, #tpu.memory_space<hbm>> -> memref<16x128xi32, #tpu.memory_space<hbm>>
        %dma_start3A_38 = arith.constant 0 : i32
        %dma_start3A_39 = tpu.memref_slice %arg3[%add3A_28, %dma_start3A_38] : memref<2560x128xi32, #tpu.memory_space<hbm>> -> memref<16x128xi32, #tpu.memory_space<hbm>>
        tpu.enqueue_dma source(%dma_start3A_39 : memref<16x128xi32, #tpu.memory_space<hbm>>) target(%arg7 : memref<16x128xi32, #tpu.memory_space<vmem>>) target_semaphore(%run_scoped3A : memref<!tpu.dma_semaphore, #tpu.memory_space<semaphore_mem>>)
        %dma_wait3A = arith.constant 0 : i32
        %dma_wait3A_40 = tpu.memref_slice %arg3[%add3A_28, %dma_wait3A] : memref<2560x128xi32, #tpu.memory_space<hbm>> -> memref<16x128xi32, #tpu.memory_space<hbm>>
        %dma_wait3A_41 = arith.constant 0 : i32
        %dma_wait3A_42 = tpu.memref_slice %arg3[%add3A_28, %dma_wait3A_41] : memref<2560x128xi32, #tpu.memory_space<hbm>> -> memref<16x128xi32, #tpu.memory_space<hbm>>
        tpu.wait_dma2 semaphore(%run_scoped3A : memref<!tpu.dma_semaphore, #tpu.memory_space<semaphore_mem>>) src(%dma_wait3A_42 : memref<16x128xi32, #tpu.memory_space<hbm>>) dst(%arg7 : memref<16x128xi32, #tpu.memory_space<vmem>>)
        tpu.yield
      }) : () -> ()
      %mul3A_29 = arith.constant 16 : i32
      %mul3A_30 = arith.muli %while3A_25, %mul3A_29 : i32
      %add3A_31 = arith.addi %select_n3A, %mul3A_30 : i32
      "tpu.region"() ({
        %run_scoped3A = tpu.sem_alloc : memref<!tpu.dma_semaphore, #tpu.memory_space<semaphore_mem>>
        %dma_start3A = arith.constant 0 : i32
        %dma_start3A_37 = tpu.memref_slice %arg4[%add3A_31, %dma_start3A] : memref<2560x128xi32, #tpu.memory_space<hbm>> -> memref<16x128xi32, #tpu.memory_space<hbm>>
        %dma_start3A_38 = arith.constant 0 : i32
        %dma_start3A_39 = tpu.memref_slice %arg4[%add3A_31, %dma_start3A_38] : memref<2560x128xi32, #tpu.memory_space<hbm>> -> memref<16x128xi32, #tpu.memory_space<hbm>>
        tpu.enqueue_dma source(%dma_start3A_39 : memref<16x128xi32, #tpu.memory_space<hbm>>) target(%arg8 : memref<16x128xi32, #tpu.memory_space<vmem>>) target_semaphore(%run_scoped3A : memref<!tpu.dma_semaphore, #tpu.memory_space<semaphore_mem>>)
        %dma_wait3A = arith.constant 0 : i32
        %dma_wait3A_40 = tpu.memref_slice %arg4[%add3A_31, %dma_wait3A] : memref<2560x128xi32, #tpu.memory_space<hbm>> -> memref<16x128xi32, #tpu.memory_space<hbm>>
        %dma_wait3A_41 = arith.constant 0 : i32
        %dma_wait3A_42 = tpu.memref_slice %arg4[%add3A_31, %dma_wait3A_41] : memref<2560x128xi32, #tpu.memory_space<hbm>> -> memref<16x128xi32, #tpu.memory_space<hbm>>
        tpu.wait_dma2 semaphore(%run_scoped3A : memref<!tpu.dma_semaphore, #tpu.memory_space<semaphore_mem>>) src(%dma_wait3A_42 : memref<16x128xi32, #tpu.memory_space<hbm>>) dst(%arg8 : memref<16x128xi32, #tpu.memory_space<vmem>>)
        tpu.yield
      }) : () -> ()
      %scan3A = arith.constant 0 : i32
      %scan3A_32 = arith.constant 0 : i32
      %scan3A_33 = arith.constant 8 : i32
      %scan3A_34 = arith.addi %scan3A_32, %scan3A_33 : i32
      %scan3A_35 = arith.constant 1 : i32
      scf.for %scan3A_37 = %scan3A_32 to %scan3A_34 step %scan3A_35  : i32 {
        %mul3A_38 = arith.constant 2 : i32
        %mul3A_39 = arith.muli %scan3A_37, %mul3A_38 : i32
        %dma_start3A = arith.constant 0 : i32
        %dma_start3A_40 = arith.constant 0 : i32
        %dma_start3A_41 = arith.constant 0 : i32
        %dma_start3A_42 = tpu.memref_slice %arg9[%dma_start3A, %dma_start3A_40, %dma_start3A_41] : memref<2x128x128xf32, #tpu.memory_space<vmem>> -> memref<1x128x128xf32, #tpu.memory_space<vmem>>
        %dma_start3A_43 = tpu.memref_squeeze %dma_start3A_42 : memref<1x128x128xf32, #tpu.memory_space<vmem>> -> memref<128x128xf32, #tpu.memory_space<vmem>>
        %dma_start3A_44 = arith.constant 0 : i32
        %dma_start3A_45 = tpu.memref_slice %arg7[%mul3A_39, %dma_start3A_44] : memref<16x128xi32, #tpu.memory_space<vmem>> -> memref<1x128xi32, #tpu.memory_space<vmem>>
        %dma_start3A_46 = tpu.memref_squeeze %dma_start3A_45 : memref<1x128xi32, #tpu.memory_space<vmem>> -> memref<128xi32, #tpu.memory_space<vmem>>
        %dma_start3A_47 = arith.constant 0 : i32
        %dma_start3A_48 = arith.constant 0 : i32
        %dma_start3A_49 = tpu.memref_slice %arg2[%dma_start3A_47, %dma_start3A_48] : memref<10000x128xf32, #tpu.memory_space<hbm>> -> memref<10000x128xf32, #tpu.memory_space<hbm>>
        tpu.enqueue_indirect_dma source(%dma_start3A_49 : memref<10000x128xf32, #tpu.memory_space<hbm>>) target(%dma_start3A_43 : memref<128x128xf32, #tpu.memory_space<vmem>>) offsets(%dma_start3A_46 : memref<128xi32, #tpu.memory_space<vmem>>) semaphore(%arg11 : memref<!tpu.dma_semaphore, #tpu.memory_space<semaphore_mem>>)
        %add3A_50 = arith.constant 1 : i32
        %add3A_51 = arith.addi %mul3A_39, %add3A_50 : i32
        %dma_start3A_52 = arith.constant 1 : i32
        %dma_start3A_53 = arith.constant 0 : i32
        %dma_start3A_54 = arith.constant 0 : i32
        %dma_start3A_55 = tpu.memref_slice %arg9[%dma_start3A_52, %dma_start3A_53, %dma_start3A_54] : memref<2x128x128xf32, #tpu.memory_space<vmem>> -> memref<1x128x128xf32, #tpu.memory_space<vmem>>
        %dma_start3A_56 = tpu.memref_squeeze %dma_start3A_55 : memref<1x128x128xf32, #tpu.memory_space<vmem>> -> memref<128x128xf32, #tpu.memory_space<vmem>>
        %dma_start3A_57 = arith.constant 0 : i32
        %dma_start3A_58 = tpu.memref_slice %arg7[%add3A_51, %dma_start3A_57] : memref<16x128xi32, #tpu.memory_space<vmem>> -> memref<1x128xi32, #tpu.memory_space<vmem>>
        %dma_start3A_59 = tpu.memref_squeeze %dma_start3A_58 : memref<1x128xi32, #tpu.memory_space<vmem>> -> memref<128xi32, #tpu.memory_space<vmem>>
        %dma_start3A_60 = arith.constant 0 : i32
        %dma_start3A_61 = arith.constant 0 : i32
        %dma_start3A_62 = tpu.memref_slice %arg2[%dma_start3A_60, %dma_start3A_61] : memref<10000x128xf32, #tpu.memory_space<hbm>> -> memref<10000x128xf32, #tpu.memory_space<hbm>>
        tpu.enqueue_indirect_dma source(%dma_start3A_62 : memref<10000x128xf32, #tpu.memory_space<hbm>>) target(%dma_start3A_56 : memref<128x128xf32, #tpu.memory_space<vmem>>) offsets(%dma_start3A_59 : memref<128xi32, #tpu.memory_space<vmem>>) semaphore(%arg12 : memref<!tpu.dma_semaphore, #tpu.memory_space<semaphore_mem>>)
        %dma_wait3A = arith.constant 0 : i32
        %dma_wait3A_63 = arith.constant 0 : i32
        %dma_wait3A_64 = arith.constant 0 : i32
        %dma_wait3A_65 = tpu.memref_slice %arg9[%dma_wait3A, %dma_wait3A_63, %dma_wait3A_64] : memref<2x128x128xf32, #tpu.memory_space<vmem>> -> memref<1x128x128xf32, #tpu.memory_space<vmem>>
        %dma_wait3A_66 = tpu.memref_squeeze %dma_wait3A_65 : memref<1x128x128xf32, #tpu.memory_space<vmem>> -> memref<128x128xf32, #tpu.memory_space<vmem>>
        %dma_wait3A_67 = arith.constant 0 : i32
        %dma_wait3A_68 = tpu.memref_slice %arg7[%mul3A_39, %dma_wait3A_67] : memref<16x128xi32, #tpu.memory_space<vmem>> -> memref<1x128xi32, #tpu.memory_space<vmem>>
        %dma_wait3A_69 = tpu.memref_squeeze %dma_wait3A_68 : memref<1x128xi32, #tpu.memory_space<vmem>> -> memref<128xi32, #tpu.memory_space<vmem>>
        %dma_wait3A_70 = arith.constant 0 : i32
        %dma_wait3A_71 = arith.constant 0 : i32
        %dma_wait3A_72 = tpu.memref_slice %arg2[%dma_wait3A_70, %dma_wait3A_71] : memref<10000x128xf32, #tpu.memory_space<hbm>> -> memref<10000x128xf32, #tpu.memory_space<hbm>>
        tpu.wait_indirect_dma semaphore(%arg11 : memref<!tpu.dma_semaphore, #tpu.memory_space<semaphore_mem>>) src(%dma_wait3A_72 : memref<10000x128xf32, #tpu.memory_space<hbm>>) dst(%dma_wait3A_66 : memref<128x128xf32, #tpu.memory_space<vmem>>)
        %run_scoped3A = arith.constant 0 : i32
        "tpu.region"() ({
          %run_scoped3A_87 = tpu.sem_alloc : memref<!tpu.dma_semaphore, #tpu.memory_space<semaphore_mem>>
          %dma_start3A_88 = arith.constant 0 : i32
          %dma_start3A_89 = arith.constant 0 : i32
          %dma_start3A_90 = tpu.memref_slice %arg9[%run_scoped3A, %dma_start3A_88, %dma_start3A_89] : memref<2x128x128xf32, #tpu.memory_space<vmem>> -> memref<1x128x128xf32, #tpu.memory_space<vmem>>
          %dma_start3A_91 = tpu.memref_squeeze %dma_start3A_90 : memref<1x128x128xf32, #tpu.memory_space<vmem>> -> memref<128x128xf32, #tpu.memory_space<vmem>>
          %dma_start3A_92 = arith.constant 0 : i32
          %dma_start3A_93 = tpu.memref_slice %arg8[%mul3A_39, %dma_start3A_92] : memref<16x128xi32, #tpu.memory_space<vmem>> -> memref<1x128xi32, #tpu.memory_space<vmem>>
          %dma_start3A_94 = tpu.memref_squeeze %dma_start3A_93 : memref<1x128xi32, #tpu.memory_space<vmem>> -> memref<128xi32, #tpu.memory_space<vmem>>
          %dma_start3A_95 = arith.constant 0 : i32
          %dma_start3A_96 = arith.constant 0 : i32
          %dma_start3A_97 = tpu.memref_slice %arg10[%dma_start3A_95, %dma_start3A_96] : memref<10112x128xf32, #tpu.memory_space<vmem_shared>> -> memref<10112x128xf32, #tpu.memory_space<vmem_shared>>
          tpu.enqueue_indirect_dma source(%dma_start3A_91 : memref<128x128xf32, #tpu.memory_space<vmem>>) target(%dma_start3A_97 : memref<10112x128xf32, #tpu.memory_space<vmem_shared>>) offsets(%dma_start3A_94 : memref<128xi32, #tpu.memory_space<vmem>>) semaphore(%run_scoped3A_87 : memref<!tpu.dma_semaphore, #tpu.memory_space<semaphore_mem>>) {add = true}
          %dma_wait3A_98 = arith.constant 0 : i32
          %dma_wait3A_99 = arith.constant 0 : i32
          %dma_wait3A_100 = tpu.memref_slice %arg9[%run_scoped3A, %dma_wait3A_98, %dma_wait3A_99] : memref<2x128x128xf32, #tpu.memory_space<vmem>> -> memref<1x128x128xf32, #tpu.memory_space<vmem>>
          %dma_wait3A_101 = tpu.memref_squeeze %dma_wait3A_100 : memref<1x128x128xf32, #tpu.memory_space<vmem>> -> memref<128x128xf32, #tpu.memory_space<vmem>>
          %dma_wait3A_102 = arith.constant 0 : i32
          %dma_wait3A_103 = tpu.memref_slice %arg8[%mul3A_39, %dma_wait3A_102] : memref<16x128xi32, #tpu.memory_space<vmem>> -> memref<1x128xi32, #tpu.memory_space<vmem>>
          %dma_wait3A_104 = tpu.memref_squeeze %dma_wait3A_103 : memref<1x128xi32, #tpu.memory_space<vmem>> -> memref<128xi32, #tpu.memory_space<vmem>>
          %dma_wait3A_105 = arith.constant 0 : i32
          %dma_wait3A_106 = arith.constant 0 : i32
          %dma_wait3A_107 = tpu.memref_slice %arg10[%dma_wait3A_105, %dma_wait3A_106] : memref<10112x128xf32, #tpu.memory_space<vmem_shared>> -> memref<10112x128xf32, #tpu.memory_space<vmem_shared>>
          tpu.wait_indirect_dma semaphore(%run_scoped3A_87 : memref<!tpu.dma_semaphore, #tpu.memory_space<semaphore_mem>>) src(%dma_wait3A_101 : memref<128x128xf32, #tpu.memory_space<vmem>>) dst(%dma_wait3A_107 : memref<10112x128xf32, #tpu.memory_space<vmem_shared>>)
          tpu.yield
        }) : () -> ()
        %dma_wait3A_73 = arith.constant 1 : i32
        %dma_wait3A_74 = arith.constant 0 : i32
        %dma_wait3A_75 = arith.constant 0 : i32
        %dma_wait3A_76 = tpu.memref_slice %arg9[%dma_wait3A_73, %dma_wait3A_74, %dma_wait3A_75] : memref<2x128x128xf32, #tpu.memory_space<vmem>> -> memref<1x128x128xf32, #tpu.memory_space<vmem>>
        %dma_wait3A_77 = tpu.memref_squeeze %dma_wait3A_76 : memref<1x128x128xf32, #tpu.memory_space<vmem>> -> memref<128x128xf32, #tpu.memory_space<vmem>>
        %dma_wait3A_78 = arith.constant 0 : i32
        %dma_wait3A_79 = tpu.memref_slice %arg7[%add3A_51, %dma_wait3A_78] : memref<16x128xi32, #tpu.memory_space<vmem>> -> memref<1x128xi32, #tpu.memory_space<vmem>>
        %dma_wait3A_80 = tpu.memref_squeeze %dma_wait3A_79 : memref<1x128xi32, #tpu.memory_space<vmem>> -> memref<128xi32, #tpu.memory_space<vmem>>
        %dma_wait3A_81 = arith.constant 0 : i32
        %dma_wait3A_82 = arith.constant 0 : i32
        %dma_wait3A_83 = tpu.memref_slice %arg2[%dma_wait3A_81, %dma_wait3A_82] : memref<10000x128xf32, #tpu.memory_space<hbm>> -> memref<10000x128xf32, #tpu.memory_space<hbm>>
        tpu.wait_indirect_dma semaphore(%arg12 : memref<!tpu.dma_semaphore, #tpu.memory_space<semaphore_mem>>) src(%dma_wait3A_83 : memref<10000x128xf32, #tpu.memory_space<hbm>>) dst(%dma_wait3A_77 : memref<128x128xf32, #tpu.memory_space<vmem>>)
        %add3A_84 = arith.constant 1 : i32
        %add3A_85 = arith.addi %mul3A_39, %add3A_84 : i32
        %run_scoped3A_86 = arith.constant 1 : i32
        "tpu.region"() ({
          %run_scoped3A_87 = tpu.sem_alloc : memref<!tpu.dma_semaphore, #tpu.memory_space<semaphore_mem>>
          %dma_start3A_88 = arith.constant 0 : i32
          %dma_start3A_89 = arith.constant 0 : i32
          %dma_start3A_90 = tpu.memref_slice %arg9[%run_scoped3A_86, %dma_start3A_88, %dma_start3A_89] : memref<2x128x128xf32, #tpu.memory_space<vmem>> -> memref<1x128x128xf32, #tpu.memory_space<vmem>>
          %dma_start3A_91 = tpu.memref_squeeze %dma_start3A_90 : memref<1x128x128xf32, #tpu.memory_space<vmem>> -> memref<128x128xf32, #tpu.memory_space<vmem>>
          %dma_start3A_92 = arith.constant 0 : i32
          %dma_start3A_93 = tpu.memref_slice %arg8[%add3A_85, %dma_start3A_92] : memref<16x128xi32, #tpu.memory_space<vmem>> -> memref<1x128xi32, #tpu.memory_space<vmem>>
          %dma_start3A_94 = tpu.memref_squeeze %dma_start3A_93 : memref<1x128xi32, #tpu.memory_space<vmem>> -> memref<128xi32, #tpu.memory_space<vmem>>
          %dma_start3A_95 = arith.constant 0 : i32
          %dma_start3A_96 = arith.constant 0 : i32
          %dma_start3A_97 = tpu.memref_slice %arg10[%dma_start3A_95, %dma_start3A_96] : memref<10112x128xf32, #tpu.memory_space<vmem_shared>> -> memref<10112x128xf32, #tpu.memory_space<vmem_shared>>
          tpu.enqueue_indirect_dma source(%dma_start3A_91 : memref<128x128xf32, #tpu.memory_space<vmem>>) target(%dma_start3A_97 : memref<10112x128xf32, #tpu.memory_space<vmem_shared>>) offsets(%dma_start3A_94 : memref<128xi32, #tpu.memory_space<vmem>>) semaphore(%run_scoped3A_87 : memref<!tpu.dma_semaphore, #tpu.memory_space<semaphore_mem>>) {add = true}
          %dma_wait3A_98 = arith.constant 0 : i32
          %dma_wait3A_99 = arith.constant 0 : i32
          %dma_wait3A_100 = tpu.memref_slice %arg9[%run_scoped3A_86, %dma_wait3A_98, %dma_wait3A_99] : memref<2x128x128xf32, #tpu.memory_space<vmem>> -> memref<1x128x128xf32, #tpu.memory_space<vmem>>
          %dma_wait3A_101 = tpu.memref_squeeze %dma_wait3A_100 : memref<1x128x128xf32, #tpu.memory_space<vmem>> -> memref<128x128xf32, #tpu.memory_space<vmem>>
          %dma_wait3A_102 = arith.constant 0 : i32
          %dma_wait3A_103 = tpu.memref_slice %arg8[%add3A_85, %dma_wait3A_102] : memref<16x128xi32, #tpu.memory_space<vmem>> -> memref<1x128xi32, #tpu.memory_space<vmem>>
          %dma_wait3A_104 = tpu.memref_squeeze %dma_wait3A_103 : memref<1x128xi32, #tpu.memory_space<vmem>> -> memref<128xi32, #tpu.memory_space<vmem>>
          %dma_wait3A_105 = arith.constant 0 : i32
          %dma_wait3A_106 = arith.constant 0 : i32
          %dma_wait3A_107 = tpu.memref_slice %arg10[%dma_wait3A_105, %dma_wait3A_106] : memref<10112x128xf32, #tpu.memory_space<vmem_shared>> -> memref<10112x128xf32, #tpu.memory_space<vmem_shared>>
          tpu.wait_indirect_dma semaphore(%run_scoped3A_87 : memref<!tpu.dma_semaphore, #tpu.memory_space<semaphore_mem>>) src(%dma_wait3A_101 : memref<128x128xf32, #tpu.memory_space<vmem>>) dst(%dma_wait3A_107 : memref<10112x128xf32, #tpu.memory_space<vmem_shared>>)
          tpu.yield
        }) : () -> ()
      }
      %scan3A_36 = arith.constant 8 : i32
    }
    %while3A_19 = arith.constant 1 : i32
    scf.for %while3A_25 = %while3A_17 to %while3A_13 step %while3A_19  : i32 {
      %mul3A_26 = arith.constant 16 : i32
      %mul3A_27 = arith.muli %while3A_25, %mul3A_26 : i32
      %add3A_28 = arith.addi %select_n3A, %mul3A_27 : i32
      "tpu.region"() ({
        %run_scoped3A = tpu.sem_alloc : memref<!tpu.dma_semaphore, #tpu.memory_space<semaphore_mem>>
        %dma_start3A = arith.constant 0 : i32
        %dma_start3A_37 = tpu.memref_slice %arg3[%add3A_28, %dma_start3A] : memref<2560x128xi32, #tpu.memory_space<hbm>> -> memref<16x128xi32, #tpu.memory_space<hbm>>
        %dma_start3A_38 = arith.constant 0 : i32
        %dma_start3A_39 = tpu.memref_slice %arg3[%add3A_28, %dma_start3A_38] : memref<2560x128xi32, #tpu.memory_space<hbm>> -> memref<16x128xi32, #tpu.memory_space<hbm>>
        tpu.enqueue_dma source(%dma_start3A_39 : memref<16x128xi32, #tpu.memory_space<hbm>>) target(%arg7 : memref<16x128xi32, #tpu.memory_space<vmem>>) target_semaphore(%run_scoped3A : memref<!tpu.dma_semaphore, #tpu.memory_space<semaphore_mem>>)
        %dma_wait3A = arith.constant 0 : i32
        %dma_wait3A_40 = tpu.memref_slice %arg3[%add3A_28, %dma_wait3A] : memref<2560x128xi32, #tpu.memory_space<hbm>> -> memref<16x128xi32, #tpu.memory_space<hbm>>
        %dma_wait3A_41 = arith.constant 0 : i32
        %dma_wait3A_42 = tpu.memref_slice %arg3[%add3A_28, %dma_wait3A_41] : memref<2560x128xi32, #tpu.memory_space<hbm>> -> memref<16x128xi32, #tpu.memory_space<hbm>>
        tpu.wait_dma2 semaphore(%run_scoped3A : memref<!tpu.dma_semaphore, #tpu.memory_space<semaphore_mem>>) src(%dma_wait3A_42 : memref<16x128xi32, #tpu.memory_space<hbm>>) dst(%arg7 : memref<16x128xi32, #tpu.memory_space<vmem>>)
        tpu.yield
      }) : () -> ()
      %mul3A_29 = arith.constant 16 : i32
      %mul3A_30 = arith.muli %while3A_25, %mul3A_29 : i32
      %add3A_31 = arith.addi %select_n3A, %mul3A_30 : i32
      "tpu.region"() ({
        %run_scoped3A = tpu.sem_alloc : memref<!tpu.dma_semaphore, #tpu.memory_space<semaphore_mem>>
        %dma_start3A = arith.constant 0 : i32
        %dma_start3A_37 = tpu.memref_slice %arg4[%add3A_31, %dma_start3A] : memref<2560x128xi32, #tpu.memory_space<hbm>> -> memref<16x128xi32, #tpu.memory_space<hbm>>
        %dma_start3A_38 = arith.constant 0 : i32
        %dma_start3A_39 = tpu.memref_slice %arg4[%add3A_31, %dma_start3A_38] : memref<2560x128xi32, #tpu.memory_space<hbm>> -> memref<16x128xi32, #tpu.memory_space<hbm>>
        tpu.enqueue_dma source(%dma_start3A_39 : memref<16x128xi32, #tpu.memory_space<hbm>>) target(%arg8 : memref<16x128xi32, #tpu.memory_space<vmem>>) target_semaphore(%run_scoped3A : memref<!tpu.dma_semaphore, #tpu.memory_space<semaphore_mem>>)
        %dma_wait3A = arith.constant 0 : i32
        %dma_wait3A_40 = tpu.memref_slice %arg4[%add3A_31, %dma_wait3A] : memref<2560x128xi32, #tpu.memory_space<hbm>> -> memref<16x128xi32, #tpu.memory_space<hbm>>
        %dma_wait3A_41 = arith.constant 0 : i32
        %dma_wait3A_42 = tpu.memref_slice %arg4[%add3A_31, %dma_wait3A_41] : memref<2560x128xi32, #tpu.memory_space<hbm>> -> memref<16x128xi32, #tpu.memory_space<hbm>>
        tpu.wait_dma2 semaphore(%run_scoped3A : memref<!tpu.dma_semaphore, #tpu.memory_space<semaphore_mem>>) src(%dma_wait3A_42 : memref<16x128xi32, #tpu.memory_space<hbm>>) dst(%arg8 : memref<16x128xi32, #tpu.memory_space<vmem>>)
        tpu.yield
      }) : () -> ()
      %scan3A = arith.constant 0 : i32
      %scan3A_32 = arith.constant 0 : i32
      %scan3A_33 = arith.constant 8 : i32
      %scan3A_34 = arith.addi %scan3A_32, %scan3A_33 : i32
      %scan3A_35 = arith.constant 1 : i32
      scf.for %scan3A_37 = %scan3A_32 to %scan3A_34 step %scan3A_35  : i32 {
        %mul3A_38 = arith.constant 2 : i32
        %mul3A_39 = arith.muli %scan3A_37, %mul3A_38 : i32
        %dma_start3A = arith.constant 0 : i32
        %dma_start3A_40 = arith.constant 0 : i32
        %dma_start3A_41 = arith.constant 0 : i32
        %dma_start3A_42 = tpu.memref_slice %arg9[%dma_start3A, %dma_start3A_40, %dma_start3A_41] : memref<2x128x128xf32, #tpu.memory_space<vmem>> -> memref<1x128x128xf32, #tpu.memory_space<vmem>>
        %dma_start3A_43 = tpu.memref_squeeze %dma_start3A_42 : memref<1x128x128xf32, #tpu.memory_space<vmem>> -> memref<128x128xf32, #tpu.memory_space<vmem>>
        %dma_start3A_44 = arith.constant 0 : i32
        %dma_start3A_45 = tpu.memref_slice %arg7[%mul3A_39, %dma_start3A_44] : memref<16x128xi32, #tpu.memory_space<vmem>> -> memref<1x128xi32, #tpu.memory_space<vmem>>
        %dma_start3A_46 = tpu.memref_squeeze %dma_start3A_45 : memref<1x128xi32, #tpu.memory_space<vmem>> -> memref<128xi32, #tpu.memory_space<vmem>>
        %dma_start3A_47 = arith.constant 0 : i32
        %dma_start3A_48 = arith.constant 0 : i32
        %dma_start3A_49 = tpu.memref_slice %arg2[%dma_start3A_47, %dma_start3A_48] : memref<10000x128xf32, #tpu.memory_space<hbm>> -> memref<10000x128xf32, #tpu.memory_space<hbm>>
        tpu.enqueue_indirect_dma source(%dma_start3A_49 : memref<10000x128xf32, #tpu.memory_space<hbm>>) target(%dma_start3A_43 : memref<128x128xf32, #tpu.memory_space<vmem>>) offsets(%dma_start3A_46 : memref<128xi32, #tpu.memory_space<vmem>>) semaphore(%arg11 : memref<!tpu.dma_semaphore, #tpu.memory_space<semaphore_mem>>)
        %add3A_50 = arith.constant 1 : i32
        %add3A_51 = arith.addi %mul3A_39, %add3A_50 : i32
        %dma_start3A_52 = arith.constant 1 : i32
        %dma_start3A_53 = arith.constant 0 : i32
        %dma_start3A_54 = arith.constant 0 : i32
        %dma_start3A_55 = tpu.memref_slice %arg9[%dma_start3A_52, %dma_start3A_53, %dma_start3A_54] : memref<2x128x128xf32, #tpu.memory_space<vmem>> -> memref<1x128x128xf32, #tpu.memory_space<vmem>>
        %dma_start3A_56 = tpu.memref_squeeze %dma_start3A_55 : memref<1x128x128xf32, #tpu.memory_space<vmem>> -> memref<128x128xf32, #tpu.memory_space<vmem>>
        %dma_start3A_57 = arith.constant 0 : i32
        %dma_start3A_58 = tpu.memref_slice %arg7[%add3A_51, %dma_start3A_57] : memref<16x128xi32, #tpu.memory_space<vmem>> -> memref<1x128xi32, #tpu.memory_space<vmem>>
        %dma_start3A_59 = tpu.memref_squeeze %dma_start3A_58 : memref<1x128xi32, #tpu.memory_space<vmem>> -> memref<128xi32, #tpu.memory_space<vmem>>
        %dma_start3A_60 = arith.constant 0 : i32
        %dma_start3A_61 = arith.constant 0 : i32
        %dma_start3A_62 = tpu.memref_slice %arg2[%dma_start3A_60, %dma_start3A_61] : memref<10000x128xf32, #tpu.memory_space<hbm>> -> memref<10000x128xf32, #tpu.memory_space<hbm>>
        tpu.enqueue_indirect_dma source(%dma_start3A_62 : memref<10000x128xf32, #tpu.memory_space<hbm>>) target(%dma_start3A_56 : memref<128x128xf32, #tpu.memory_space<vmem>>) offsets(%dma_start3A_59 : memref<128xi32, #tpu.memory_space<vmem>>) semaphore(%arg12 : memref<!tpu.dma_semaphore, #tpu.memory_space<semaphore_mem>>)
        %dma_wait3A = arith.constant 0 : i32
        %dma_wait3A_63 = arith.constant 0 : i32
        %dma_wait3A_64 = arith.constant 0 : i32
        %dma_wait3A_65 = tpu.memref_slice %arg9[%dma_wait3A, %dma_wait3A_63, %dma_wait3A_64] : memref<2x128x128xf32, #tpu.memory_space<vmem>> -> memref<1x128x128xf32, #tpu.memory_space<vmem>>
        %dma_wait3A_66 = tpu.memref_squeeze %dma_wait3A_65 : memref<1x128x128xf32, #tpu.memory_space<vmem>> -> memref<128x128xf32, #tpu.memory_space<vmem>>
        %dma_wait3A_67 = arith.constant 0 : i32
        %dma_wait3A_68 = tpu.memref_slice %arg7[%mul3A_39, %dma_wait3A_67] : memref<16x128xi32, #tpu.memory_space<vmem>> -> memref<1x128xi32, #tpu.memory_space<vmem>>
        %dma_wait3A_69 = tpu.memref_squeeze %dma_wait3A_68 : memref<1x128xi32, #tpu.memory_space<vmem>> -> memref<128xi32, #tpu.memory_space<vmem>>
        %dma_wait3A_70 = arith.constant 0 : i32
        %dma_wait3A_71 = arith.constant 0 : i32
        %dma_wait3A_72 = tpu.memref_slice %arg2[%dma_wait3A_70, %dma_wait3A_71] : memref<10000x128xf32, #tpu.memory_space<hbm>> -> memref<10000x128xf32, #tpu.memory_space<hbm>>
        tpu.wait_indirect_dma semaphore(%arg11 : memref<!tpu.dma_semaphore, #tpu.memory_space<semaphore_mem>>) src(%dma_wait3A_72 : memref<10000x128xf32, #tpu.memory_space<hbm>>) dst(%dma_wait3A_66 : memref<128x128xf32, #tpu.memory_space<vmem>>)
        %run_scoped3A = arith.constant 0 : i32
        "tpu.region"() ({
          %run_scoped3A_87 = tpu.sem_alloc : memref<!tpu.dma_semaphore, #tpu.memory_space<semaphore_mem>>
          %dma_start3A_88 = arith.constant 0 : i32
          %dma_start3A_89 = arith.constant 0 : i32
          %dma_start3A_90 = tpu.memref_slice %arg9[%run_scoped3A, %dma_start3A_88, %dma_start3A_89] : memref<2x128x128xf32, #tpu.memory_space<vmem>> -> memref<1x128x128xf32, #tpu.memory_space<vmem>>
          %dma_start3A_91 = tpu.memref_squeeze %dma_start3A_90 : memref<1x128x128xf32, #tpu.memory_space<vmem>> -> memref<128x128xf32, #tpu.memory_space<vmem>>
          %dma_start3A_92 = arith.constant 0 : i32
          %dma_start3A_93 = tpu.memref_slice %arg8[%mul3A_39, %dma_start3A_92] : memref<16x128xi32, #tpu.memory_space<vmem>> -> memref<1x128xi32, #tpu.memory_space<vmem>>
          %dma_start3A_94 = tpu.memref_squeeze %dma_start3A_93 : memref<1x128xi32, #tpu.memory_space<vmem>> -> memref<128xi32, #tpu.memory_space<vmem>>
          %dma_start3A_95 = arith.constant 0 : i32
          %dma_start3A_96 = arith.constant 0 : i32
          %dma_start3A_97 = tpu.memref_slice %arg10[%dma_start3A_95, %dma_start3A_96] : memref<10112x128xf32, #tpu.memory_space<vmem_shared>> -> memref<10112x128xf32, #tpu.memory_space<vmem_shared>>
          tpu.enqueue_indirect_dma source(%dma_start3A_91 : memref<128x128xf32, #tpu.memory_space<vmem>>) target(%dma_start3A_97 : memref<10112x128xf32, #tpu.memory_space<vmem_shared>>) offsets(%dma_start3A_94 : memref<128xi32, #tpu.memory_space<vmem>>) semaphore(%run_scoped3A_87 : memref<!tpu.dma_semaphore, #tpu.memory_space<semaphore_mem>>) {add = true}
          %dma_wait3A_98 = arith.constant 0 : i32
          %dma_wait3A_99 = arith.constant 0 : i32
          %dma_wait3A_100 = tpu.memref_slice %arg9[%run_scoped3A, %dma_wait3A_98, %dma_wait3A_99] : memref<2x128x128xf32, #tpu.memory_space<vmem>> -> memref<1x128x128xf32, #tpu.memory_space<vmem>>
          %dma_wait3A_101 = tpu.memref_squeeze %dma_wait3A_100 : memref<1x128x128xf32, #tpu.memory_space<vmem>> -> memref<128x128xf32, #tpu.memory_space<vmem>>
          %dma_wait3A_102 = arith.constant 0 : i32
          %dma_wait3A_103 = tpu.memref_slice %arg8[%mul3A_39, %dma_wait3A_102] : memref<16x128xi32, #tpu.memory_space<vmem>> -> memref<1x128xi32, #tpu.memory_space<vmem>>
          %dma_wait3A_104 = tpu.memref_squeeze %dma_wait3A_103 : memref<1x128xi32, #tpu.memory_space<vmem>> -> memref<128xi32, #tpu.memory_space<vmem>>
          %dma_wait3A_105 = arith.constant 0 : i32
          %dma_wait3A_106 = arith.constant 0 : i32
          %dma_wait3A_107 = tpu.memref_slice %arg10[%dma_wait3A_105, %dma_wait3A_106] : memref<10112x128xf32, #tpu.memory_space<vmem_shared>> -> memref<10112x128xf32, #tpu.memory_space<vmem_shared>>
          tpu.wait_indirect_dma semaphore(%run_scoped3A_87 : memref<!tpu.dma_semaphore, #tpu.memory_space<semaphore_mem>>) src(%dma_wait3A_101 : memref<128x128xf32, #tpu.memory_space<vmem>>) dst(%dma_wait3A_107 : memref<10112x128xf32, #tpu.memory_space<vmem_shared>>)
          tpu.yield
        }) : () -> ()
        %dma_wait3A_73 = arith.constant 1 : i32
        %dma_wait3A_74 = arith.constant 0 : i32
        %dma_wait3A_75 = arith.constant 0 : i32
        %dma_wait3A_76 = tpu.memref_slice %arg9[%dma_wait3A_73, %dma_wait3A_74, %dma_wait3A_75] : memref<2x128x128xf32, #tpu.memory_space<vmem>> -> memref<1x128x128xf32, #tpu.memory_space<vmem>>
        %dma_wait3A_77 = tpu.memref_squeeze %dma_wait3A_76 : memref<1x128x128xf32, #tpu.memory_space<vmem>> -> memref<128x128xf32, #tpu.memory_space<vmem>>
        %dma_wait3A_78 = arith.constant 0 : i32
        %dma_wait3A_79 = tpu.memref_slice %arg7[%add3A_51, %dma_wait3A_78] : memref<16x128xi32, #tpu.memory_space<vmem>> -> memref<1x128xi32, #tpu.memory_space<vmem>>
        %dma_wait3A_80 = tpu.memref_squeeze %dma_wait3A_79 : memref<1x128xi32, #tpu.memory_space<vmem>> -> memref<128xi32, #tpu.memory_space<vmem>>
        %dma_wait3A_81 = arith.constant 0 : i32
        %dma_wait3A_82 = arith.constant 0 : i32
        %dma_wait3A_83 = tpu.memref_slice %arg2[%dma_wait3A_81, %dma_wait3A_82] : memref<10000x128xf32, #tpu.memory_space<hbm>> -> memref<10000x128xf32, #tpu.memory_space<hbm>>
        tpu.wait_indirect_dma semaphore(%arg12 : memref<!tpu.dma_semaphore, #tpu.memory_space<semaphore_mem>>) src(%dma_wait3A_83 : memref<10000x128xf32, #tpu.memory_space<hbm>>) dst(%dma_wait3A_77 : memref<128x128xf32, #tpu.memory_space<vmem>>)
        %add3A_84 = arith.constant 1 : i32
        %add3A_85 = arith.addi %mul3A_39, %add3A_84 : i32
        %run_scoped3A_86 = arith.constant 1 : i32
        "tpu.region"() ({
          %run_scoped3A_87 = tpu.sem_alloc : memref<!tpu.dma_semaphore, #tpu.memory_space<semaphore_mem>>
          %dma_start3A_88 = arith.constant 0 : i32
          %dma_start3A_89 = arith.constant 0 : i32
          %dma_start3A_90 = tpu.memref_slice %arg9[%run_scoped3A_86, %dma_start3A_88, %dma_start3A_89] : memref<2x128x128xf32, #tpu.memory_space<vmem>> -> memref<1x128x128xf32, #tpu.memory_space<vmem>>
          %dma_start3A_91 = tpu.memref_squeeze %dma_start3A_90 : memref<1x128x128xf32, #tpu.memory_space<vmem>> -> memref<128x128xf32, #tpu.memory_space<vmem>>
          %dma_start3A_92 = arith.constant 0 : i32
          %dma_start3A_93 = tpu.memref_slice %arg8[%add3A_85, %dma_start3A_92] : memref<16x128xi32, #tpu.memory_space<vmem>> -> memref<1x128xi32, #tpu.memory_space<vmem>>
          %dma_start3A_94 = tpu.memref_squeeze %dma_start3A_93 : memref<1x128xi32, #tpu.memory_space<vmem>> -> memref<128xi32, #tpu.memory_space<vmem>>
          %dma_start3A_95 = arith.constant 0 : i32
          %dma_start3A_96 = arith.constant 0 : i32
          %dma_start3A_97 = tpu.memref_slice %arg10[%dma_start3A_95, %dma_start3A_96] : memref<10112x128xf32, #tpu.memory_space<vmem_shared>> -> memref<10112x128xf32, #tpu.memory_space<vmem_shared>>
          tpu.enqueue_indirect_dma source(%dma_start3A_91 : memref<128x128xf32, #tpu.memory_space<vmem>>) target(%dma_start3A_97 : memref<10112x128xf32, #tpu.memory_space<vmem_shared>>) offsets(%dma_start3A_94 : memref<128xi32, #tpu.memory_space<vmem>>) semaphore(%run_scoped3A_87 : memref<!tpu.dma_semaphore, #tpu.memory_space<semaphore_mem>>) {add = true}
          %dma_wait3A_98 = arith.constant 0 : i32
          %dma_wait3A_99 = arith.constant 0 : i32
          %dma_wait3A_100 = tpu.memref_slice %arg9[%run_scoped3A_86, %dma_wait3A_98, %dma_wait3A_99] : memref<2x128x128xf32, #tpu.memory_space<vmem>> -> memref<1x128x128xf32, #tpu.memory_space<vmem>>
          %dma_wait3A_101 = tpu.memref_squeeze %dma_wait3A_100 : memref<1x128x128xf32, #tpu.memory_space<vmem>> -> memref<128x128xf32, #tpu.memory_space<vmem>>
          %dma_wait3A_102 = arith.constant 0 : i32
          %dma_wait3A_103 = tpu.memref_slice %arg8[%add3A_85, %dma_wait3A_102] : memref<16x128xi32, #tpu.memory_space<vmem>> -> memref<1x128xi32, #tpu.memory_space<vmem>>
          %dma_wait3A_104 = tpu.memref_squeeze %dma_wait3A_103 : memref<1x128xi32, #tpu.memory_space<vmem>> -> memref<128xi32, #tpu.memory_space<vmem>>
          %dma_wait3A_105 = arith.constant 0 : i32
          %dma_wait3A_106 = arith.constant 0 : i32
          %dma_wait3A_107 = tpu.memref_slice %arg10[%dma_wait3A_105, %dma_wait3A_106] : memref<10112x128xf32, #tpu.memory_space<vmem_shared>> -> memref<10112x128xf32, #tpu.memory_space<vmem_shared>>
          tpu.wait_indirect_dma semaphore(%run_scoped3A_87 : memref<!tpu.dma_semaphore, #tpu.memory_space<semaphore_mem>>) src(%dma_wait3A_101 : memref<128x128xf32, #tpu.memory_space<vmem>>) dst(%dma_wait3A_107 : memref<10112x128xf32, #tpu.memory_space<vmem_shared>>)
          tpu.yield
        }) : () -> ()
      }
      %scan3A_36 = arith.constant 8 : i32
    }
    %barrier3A_20 = arith.constant 0 : index
    tpu.barrier barrier_id(%barrier3A_20)
    %mul3A_21 = arith.constant 632 : i32
    %mul3A_22 = arith.muli %arg1, %mul3A_21 : i32
    %mul3A_23 = arith.constant 632 : i32
    %mul3A_24 = arith.muli %arg1, %mul3A_23 : i32
    "tpu.region"() ({
      %run_scoped3A = tpu.sem_alloc : memref<!tpu.dma_semaphore, #tpu.memory_space<semaphore_mem>>
      %dma_start3A = arith.constant 0 : i32
      %dma_start3A_25 = tpu.memref_slice %arg6[%arg0, %mul3A_24, %dma_start3A] : memref<2x10112x128xf32, #tpu.memory_space<hbm>> -> memref<1x632x128xf32, #tpu.memory_space<hbm>>
      %dma_start3A_26 = tpu.memref_squeeze %dma_start3A_25 : memref<1x632x128xf32, #tpu.memory_space<hbm>> -> memref<632x128xf32, #tpu.memory_space<hbm>>
      %dma_start3A_27 = arith.constant 0 : i32
      %dma_start3A_28 = tpu.memref_slice %arg10[%mul3A_22, %dma_start3A_27] : memref<10112x128xf32, #tpu.memory_space<vmem_shared>> -> memref<632x128xf32, #tpu.memory_space<vmem_shared>>
      tpu.enqueue_dma source(%dma_start3A_28 : memref<632x128xf32, #tpu.memory_space<vmem_shared>>) target(%dma_start3A_26 : memref<632x128xf32, #tpu.memory_space<hbm>>) target_semaphore(%run_scoped3A : memref<!tpu.dma_semaphore, #tpu.memory_space<semaphore_mem>>)
      %dma_wait3A = arith.constant 0 : i32
      %dma_wait3A_29 = tpu.memref_slice %arg6[%arg0, %mul3A_24, %dma_wait3A] : memref<2x10112x128xf32, #tpu.memory_space<hbm>> -> memref<1x632x128xf32, #tpu.memory_space<hbm>>
      %dma_wait3A_30 = tpu.memref_squeeze %dma_wait3A_29 : memref<1x632x128xf32, #tpu.memory_space<hbm>> -> memref<632x128xf32, #tpu.memory_space<hbm>>
      %dma_wait3A_31 = arith.constant 0 : i32
      %dma_wait3A_32 = tpu.memref_slice %arg10[%mul3A_22, %dma_wait3A_31] : memref<10112x128xf32, #tpu.memory_space<vmem_shared>> -> memref<632x128xf32, #tpu.memory_space<vmem_shared>>
      tpu.wait_dma2 semaphore(%run_scoped3A : memref<!tpu.dma_semaphore, #tpu.memory_space<semaphore_mem>>) src(%dma_wait3A_32 : memref<632x128xf32, #tpu.memory_space<vmem_shared>>) dst(%dma_wait3A_30 : memref<632x128xf32, #tpu.memory_space<hbm>>)
      tpu.yield
    }) : () -> ()
    return
  }
}

#map = affine_map<(d0, d1) -> (0, 0)>
#map1 = affine_map<(d0, d1) -> (0, 0, 0)>
module attributes {stable_mosaic.version = 14 : i64} {
  func.func @body(%arg0: i32, %arg1: i32, %arg2: memref<10000x128xf32, #tpu.memory_space<hbm>>, %arg3: memref<2560x128xi32, #tpu.memory_space<hbm>>, %arg4: memref<2560x128xi32, #tpu.memory_space<hbm>>, %arg5: memref<632x128xf32, #tpu.memory_space<hbm>>, %arg6: memref<2x10112x128xf32, #tpu.memory_space<hbm>>, %arg7: memref<16x128xi32, #tpu.memory_space<vmem>>, %arg8: memref<16x128xi32, #tpu.memory_space<vmem>>, %arg9: memref<2x128x128xf32, #tpu.memory_space<vmem>>, %arg10: memref<10112x128xf32, #tpu.memory_space<vmem_shared>>, %arg11: memref<!tpu.dma_semaphore, #tpu.memory_space<semaphore_mem>>, %arg12: memref<!tpu.dma_semaphore, #tpu.memory_space<semaphore_mem>>) attributes {dimension_semantics = [#tpu.dimension_semantics<core_parallel>, #tpu.dimension_semantics<subcore_parallel>], iteration_bounds = array<i64: 2, 16>, scalar_prefetch = 0 : i64, scratch_operands = 6 : i64, tpu.core_type = #tpu.core_type<sc_vector_subcore>, window_params = [{transform_indices = #map}, {transform_indices = #map}, {transform_indices = #map}, {transform_indices = #map}, {transform_indices = #map1}]} {
    %eq3A = arith.constant 0 : i32
    %eq3A_0 = arith.cmpi eq, %arg0, %eq3A : i32
    %mul3A = arith.constant 144 : i32
    %mul3A_1 = arith.muli %arg1, %mul3A : i32
    %mul3A_2 = arith.constant 16 : i32
    %mul3A_3 = arith.muli %arg1, %mul3A_2 : i32
    %add3A = arith.constant 2304 : i32
    %add3A_4 = arith.addi %add3A, %mul3A_3 : i32
    %select_n3A = arith.select %eq3A_0, %mul3A_1, %add3A_4 : i32
    %eq3A_5 = arith.constant 0 : i32
    %eq3A_6 = arith.cmpi eq, %arg0, %eq3A_5 : i32
    %jit3A = arith.constant 9 : i32
    %jit3A_7 = arith.constant 1 : i32
    %select_n3A_8 = arith.select %eq3A_6, %jit3A, %jit3A_7 : i32
    %mul3A_9 = arith.constant 632 : i32
    %mul3A_10 = arith.muli %arg1, %mul3A_9 : i32
    "tpu.region"() ({
      %run_scoped3A = tpu.sem_alloc : memref<!tpu.dma_semaphore, #tpu.memory_space<semaphore_mem>>
      %dma_start3A = arith.constant 0 : i32
      %dma_start3A_25 = tpu.memref_slice %arg10[%mul3A_10, %dma_start3A] : memref<10112x128xf32, #tpu.memory_space<vmem_shared>> -> memref<632x128xf32, #tpu.memory_space<vmem_shared>>
      tpu.enqueue_dma source(%arg5 : memref<632x128xf32, #tpu.memory_space<hbm>>) target(%dma_start3A_25 : memref<632x128xf32, #tpu.memory_space<vmem_shared>>) target_semaphore(%run_scoped3A : memref<!tpu.dma_semaphore, #tpu.memory_space<semaphore_mem>>)
      %dma_wait3A = arith.constant 0 : i32
      %dma_wait3A_26 = tpu.memref_slice %arg10[%mul3A_10, %dma_wait3A] : memref<10112x128xf32, #tpu.memory_space<vmem_shared>> -> memref<632x128xf32, #tpu.memory_space<vmem_shared>>
      tpu.wait_dma2 semaphore(%run_scoped3A : memref<!tpu.dma_semaphore, #tpu.memory_space<semaphore_mem>>) src(%arg5 : memref<632x128xf32, #tpu.memory_space<hbm>>) dst(%dma_wait3A_26 : memref<632x128xf32, #tpu.memory_space<vmem_shared>>)
      tpu.yield
    }) : () -> ()
    %barrier3A = arith.constant 0 : index
    tpu.barrier barrier_id(%barrier3A)
    %while3A = arith.constant 0 : i32
    %while3A_11 = arith.constant 0 : i32
    %while3A_12 = arith.subi %select_n3A_8, %while3A_11 : i32
    %while3A_13 = arith.addi %while3A_11, %while3A_12 : i32
    %while3A_14 = arith.constant 1 : i32
    %while3A_15 = arith.divsi %while3A_12, %while3A_14 : i32
    %while3A_16 = arith.muli %while3A_15, %while3A_14 : i32
    %while3A_17 = arith.addi %while3A_11, %while3A_16 : i32
    %while3A_18 = arith.constant 1 : i32
    scf.for %while3A_25 = %while3A_11 to %while3A_17 step %while3A_18  : i32 {
      %mul3A_26 = arith.constant 16 : i32
      %mul3A_27 = arith.muli %while3A_25, %mul3A_26 : i32
      %add3A_28 = arith.addi %select_n3A, %mul3A_27 : i32
      "tpu.region"() ({
        %run_scoped3A = tpu.sem_alloc : memref<!tpu.dma_semaphore, #tpu.memory_space<semaphore_mem>>
        %dma_start3A = arith.constant 0 : i32
        %dma_start3A_37 = tpu.memref_slice %arg3[%add3A_28, %dma_start3A] : memref<2560x128xi32, #tpu.memory_space<hbm>> -> memref<16x128xi32, #tpu.memory_space<hbm>>
        %dma_start3A_38 = arith.constant 0 : i32
        %dma_start3A_39 = tpu.memref_slice %arg3[%add3A_28, %dma_start3A_38] : memref<2560x128xi32, #tpu.memory_space<hbm>> -> memref<16x128xi32, #tpu.memory_space<hbm>>
        tpu.enqueue_dma source(%dma_start3A_39 : memref<16x128xi32, #tpu.memory_space<hbm>>) target(%arg7 : memref<16x128xi32, #tpu.memory_space<vmem>>) target_semaphore(%run_scoped3A : memref<!tpu.dma_semaphore, #tpu.memory_space<semaphore_mem>>)
        %dma_wait3A = arith.constant 0 : i32
        %dma_wait3A_40 = tpu.memref_slice %arg3[%add3A_28, %dma_wait3A] : memref<2560x128xi32, #tpu.memory_space<hbm>> -> memref<16x128xi32, #tpu.memory_space<hbm>>
        %dma_wait3A_41 = arith.constant 0 : i32
        %dma_wait3A_42 = tpu.memref_slice %arg3[%add3A_28, %dma_wait3A_41] : memref<2560x128xi32, #tpu.memory_space<hbm>> -> memref<16x128xi32, #tpu.memory_space<hbm>>
        tpu.wait_dma2 semaphore(%run_scoped3A : memref<!tpu.dma_semaphore, #tpu.memory_space<semaphore_mem>>) src(%dma_wait3A_42 : memref<16x128xi32, #tpu.memory_space<hbm>>) dst(%arg7 : memref<16x128xi32, #tpu.memory_space<vmem>>)
        tpu.yield
      }) : () -> ()
      %mul3A_29 = arith.constant 16 : i32
      %mul3A_30 = arith.muli %while3A_25, %mul3A_29 : i32
      %add3A_31 = arith.addi %select_n3A, %mul3A_30 : i32
      "tpu.region"() ({
        %run_scoped3A = tpu.sem_alloc : memref<!tpu.dma_semaphore, #tpu.memory_space<semaphore_mem>>
        %dma_start3A = arith.constant 0 : i32
        %dma_start3A_37 = tpu.memref_slice %arg4[%add3A_31, %dma_start3A] : memref<2560x128xi32, #tpu.memory_space<hbm>> -> memref<16x128xi32, #tpu.memory_space<hbm>>
        %dma_start3A_38 = arith.constant 0 : i32
        %dma_start3A_39 = tpu.memref_slice %arg4[%add3A_31, %dma_start3A_38] : memref<2560x128xi32, #tpu.memory_space<hbm>> -> memref<16x128xi32, #tpu.memory_space<hbm>>
        tpu.enqueue_dma source(%dma_start3A_39 : memref<16x128xi32, #tpu.memory_space<hbm>>) target(%arg8 : memref<16x128xi32, #tpu.memory_space<vmem>>) target_semaphore(%run_scoped3A : memref<!tpu.dma_semaphore, #tpu.memory_space<semaphore_mem>>)
        %dma_wait3A = arith.constant 0 : i32
        %dma_wait3A_40 = tpu.memref_slice %arg4[%add3A_31, %dma_wait3A] : memref<2560x128xi32, #tpu.memory_space<hbm>> -> memref<16x128xi32, #tpu.memory_space<hbm>>
        %dma_wait3A_41 = arith.constant 0 : i32
        %dma_wait3A_42 = tpu.memref_slice %arg4[%add3A_31, %dma_wait3A_41] : memref<2560x128xi32, #tpu.memory_space<hbm>> -> memref<16x128xi32, #tpu.memory_space<hbm>>
        tpu.wait_dma2 semaphore(%run_scoped3A : memref<!tpu.dma_semaphore, #tpu.memory_space<semaphore_mem>>) src(%dma_wait3A_42 : memref<16x128xi32, #tpu.memory_space<hbm>>) dst(%arg8 : memref<16x128xi32, #tpu.memory_space<vmem>>)
        tpu.yield
      }) : () -> ()
      %scan3A = arith.constant 0 : i32
      %scan3A_32 = arith.constant 0 : i32
      %scan3A_33 = arith.constant 8 : i32
      %scan3A_34 = arith.addi %scan3A_32, %scan3A_33 : i32
      %scan3A_35 = arith.constant 1 : i32
      scf.for %scan3A_37 = %scan3A_32 to %scan3A_34 step %scan3A_35  : i32 {
        %mul3A_38 = arith.constant 2 : i32
        %mul3A_39 = arith.muli %scan3A_37, %mul3A_38 : i32
        %dma_start3A = arith.constant 0 : i32
        %dma_start3A_40 = arith.constant 0 : i32
        %dma_start3A_41 = arith.constant 0 : i32
        %dma_start3A_42 = tpu.memref_slice %arg9[%dma_start3A, %dma_start3A_40, %dma_start3A_41] : memref<2x128x128xf32, #tpu.memory_space<vmem>> -> memref<1x128x128xf32, #tpu.memory_space<vmem>>
        %dma_start3A_43 = tpu.memref_squeeze %dma_start3A_42 : memref<1x128x128xf32, #tpu.memory_space<vmem>> -> memref<128x128xf32, #tpu.memory_space<vmem>>
        %dma_start3A_44 = arith.constant 0 : i32
        %dma_start3A_45 = tpu.memref_slice %arg7[%mul3A_39, %dma_start3A_44] : memref<16x128xi32, #tpu.memory_space<vmem>> -> memref<1x128xi32, #tpu.memory_space<vmem>>
        %dma_start3A_46 = tpu.memref_squeeze %dma_start3A_45 : memref<1x128xi32, #tpu.memory_space<vmem>> -> memref<128xi32, #tpu.memory_space<vmem>>
        %dma_start3A_47 = arith.constant 0 : i32
        %dma_start3A_48 = arith.constant 0 : i32
        %dma_start3A_49 = tpu.memref_slice %arg2[%dma_start3A_47, %dma_start3A_48] : memref<10000x128xf32, #tpu.memory_space<hbm>> -> memref<10000x128xf32, #tpu.memory_space<hbm>>
        tpu.enqueue_indirect_dma source(%dma_start3A_49 : memref<10000x128xf32, #tpu.memory_space<hbm>>) target(%dma_start3A_43 : memref<128x128xf32, #tpu.memory_space<vmem>>) offsets(%dma_start3A_46 : memref<128xi32, #tpu.memory_space<vmem>>) semaphore(%arg11 : memref<!tpu.dma_semaphore, #tpu.memory_space<semaphore_mem>>)
        %add3A_50 = arith.constant 1 : i32
        %add3A_51 = arith.addi %mul3A_39, %add3A_50 : i32
        %dma_start3A_52 = arith.constant 1 : i32
        %dma_start3A_53 = arith.constant 0 : i32
        %dma_start3A_54 = arith.constant 0 : i32
        %dma_start3A_55 = tpu.memref_slice %arg9[%dma_start3A_52, %dma_start3A_53, %dma_start3A_54] : memref<2x128x128xf32, #tpu.memory_space<vmem>> -> memref<1x128x128xf32, #tpu.memory_space<vmem>>
        %dma_start3A_56 = tpu.memref_squeeze %dma_start3A_55 : memref<1x128x128xf32, #tpu.memory_space<vmem>> -> memref<128x128xf32, #tpu.memory_space<vmem>>
        %dma_start3A_57 = arith.constant 0 : i32
        %dma_start3A_58 = tpu.memref_slice %arg7[%add3A_51, %dma_start3A_57] : memref<16x128xi32, #tpu.memory_space<vmem>> -> memref<1x128xi32, #tpu.memory_space<vmem>>
        %dma_start3A_59 = tpu.memref_squeeze %dma_start3A_58 : memref<1x128xi32, #tpu.memory_space<vmem>> -> memref<128xi32, #tpu.memory_space<vmem>>
        %dma_start3A_60 = arith.constant 0 : i32
        %dma_start3A_61 = arith.constant 0 : i32
        %dma_start3A_62 = tpu.memref_slice %arg2[%dma_start3A_60, %dma_start3A_61] : memref<10000x128xf32, #tpu.memory_space<hbm>> -> memref<10000x128xf32, #tpu.memory_space<hbm>>
        tpu.enqueue_indirect_dma source(%dma_start3A_62 : memref<10000x128xf32, #tpu.memory_space<hbm>>) target(%dma_start3A_56 : memref<128x128xf32, #tpu.memory_space<vmem>>) offsets(%dma_start3A_59 : memref<128xi32, #tpu.memory_space<vmem>>) semaphore(%arg12 : memref<!tpu.dma_semaphore, #tpu.memory_space<semaphore_mem>>)
        %dma_wait3A = arith.constant 0 : i32
        %dma_wait3A_63 = arith.constant 0 : i32
        %dma_wait3A_64 = arith.constant 0 : i32
        %dma_wait3A_65 = tpu.memref_slice %arg9[%dma_wait3A, %dma_wait3A_63, %dma_wait3A_64] : memref<2x128x128xf32, #tpu.memory_space<vmem>> -> memref<1x128x128xf32, #tpu.memory_space<vmem>>
        %dma_wait3A_66 = tpu.memref_squeeze %dma_wait3A_65 : memref<1x128x128xf32, #tpu.memory_space<vmem>> -> memref<128x128xf32, #tpu.memory_space<vmem>>
        %dma_wait3A_67 = arith.constant 0 : i32
        %dma_wait3A_68 = tpu.memref_slice %arg7[%mul3A_39, %dma_wait3A_67] : memref<16x128xi32, #tpu.memory_space<vmem>> -> memref<1x128xi32, #tpu.memory_space<vmem>>
        %dma_wait3A_69 = tpu.memref_squeeze %dma_wait3A_68 : memref<1x128xi32, #tpu.memory_space<vmem>> -> memref<128xi32, #tpu.memory_space<vmem>>
        %dma_wait3A_70 = arith.constant 0 : i32
        %dma_wait3A_71 = arith.constant 0 : i32
        %dma_wait3A_72 = tpu.memref_slice %arg2[%dma_wait3A_70, %dma_wait3A_71] : memref<10000x128xf32, #tpu.memory_space<hbm>> -> memref<10000x128xf32, #tpu.memory_space<hbm>>
        tpu.wait_indirect_dma semaphore(%arg11 : memref<!tpu.dma_semaphore, #tpu.memory_space<semaphore_mem>>) src(%dma_wait3A_72 : memref<10000x128xf32, #tpu.memory_space<hbm>>) dst(%dma_wait3A_66 : memref<128x128xf32, #tpu.memory_space<vmem>>)
        %run_scoped3A = arith.constant 0 : i32
        "tpu.region"() ({
          %run_scoped3A_87 = tpu.sem_alloc : memref<!tpu.dma_semaphore, #tpu.memory_space<semaphore_mem>>
          %dma_start3A_88 = arith.constant 0 : i32
          %dma_start3A_89 = arith.constant 0 : i32
          %dma_start3A_90 = tpu.memref_slice %arg9[%run_scoped3A, %dma_start3A_88, %dma_start3A_89] : memref<2x128x128xf32, #tpu.memory_space<vmem>> -> memref<1x128x128xf32, #tpu.memory_space<vmem>>
          %dma_start3A_91 = tpu.memref_squeeze %dma_start3A_90 : memref<1x128x128xf32, #tpu.memory_space<vmem>> -> memref<128x128xf32, #tpu.memory_space<vmem>>
          %dma_start3A_92 = arith.constant 0 : i32
          %dma_start3A_93 = tpu.memref_slice %arg8[%mul3A_39, %dma_start3A_92] : memref<16x128xi32, #tpu.memory_space<vmem>> -> memref<1x128xi32, #tpu.memory_space<vmem>>
          %dma_start3A_94 = tpu.memref_squeeze %dma_start3A_93 : memref<1x128xi32, #tpu.memory_space<vmem>> -> memref<128xi32, #tpu.memory_space<vmem>>
          %dma_start3A_95 = arith.constant 0 : i32
          %dma_start3A_96 = arith.constant 0 : i32
          %dma_start3A_97 = tpu.memref_slice %arg10[%dma_start3A_95, %dma_start3A_96] : memref<10112x128xf32, #tpu.memory_space<vmem_shared>> -> memref<10112x128xf32, #tpu.memory_space<vmem_shared>>
          tpu.enqueue_indirect_dma source(%dma_start3A_91 : memref<128x128xf32, #tpu.memory_space<vmem>>) target(%dma_start3A_97 : memref<10112x128xf32, #tpu.memory_space<vmem_shared>>) offsets(%dma_start3A_94 : memref<128xi32, #tpu.memory_space<vmem>>) semaphore(%run_scoped3A_87 : memref<!tpu.dma_semaphore, #tpu.memory_space<semaphore_mem>>) {add = true}
          %dma_wait3A_98 = arith.constant 0 : i32
          %dma_wait3A_99 = arith.constant 0 : i32
          %dma_wait3A_100 = tpu.memref_slice %arg9[%run_scoped3A, %dma_wait3A_98, %dma_wait3A_99] : memref<2x128x128xf32, #tpu.memory_space<vmem>> -> memref<1x128x128xf32, #tpu.memory_space<vmem>>
          %dma_wait3A_101 = tpu.memref_squeeze %dma_wait3A_100 : memref<1x128x128xf32, #tpu.memory_space<vmem>> -> memref<128x128xf32, #tpu.memory_space<vmem>>
          %dma_wait3A_102 = arith.constant 0 : i32
          %dma_wait3A_103 = tpu.memref_slice %arg8[%mul3A_39, %dma_wait3A_102] : memref<16x128xi32, #tpu.memory_space<vmem>> -> memref<1x128xi32, #tpu.memory_space<vmem>>
          %dma_wait3A_104 = tpu.memref_squeeze %dma_wait3A_103 : memref<1x128xi32, #tpu.memory_space<vmem>> -> memref<128xi32, #tpu.memory_space<vmem>>
          %dma_wait3A_105 = arith.constant 0 : i32
          %dma_wait3A_106 = arith.constant 0 : i32
          %dma_wait3A_107 = tpu.memref_slice %arg10[%dma_wait3A_105, %dma_wait3A_106] : memref<10112x128xf32, #tpu.memory_space<vmem_shared>> -> memref<10112x128xf32, #tpu.memory_space<vmem_shared>>
          tpu.wait_indirect_dma semaphore(%run_scoped3A_87 : memref<!tpu.dma_semaphore, #tpu.memory_space<semaphore_mem>>) src(%dma_wait3A_101 : memref<128x128xf32, #tpu.memory_space<vmem>>) dst(%dma_wait3A_107 : memref<10112x128xf32, #tpu.memory_space<vmem_shared>>)
          tpu.yield
        }) : () -> ()
        %dma_wait3A_73 = arith.constant 1 : i32
        %dma_wait3A_74 = arith.constant 0 : i32
        %dma_wait3A_75 = arith.constant 0 : i32
        %dma_wait3A_76 = tpu.memref_slice %arg9[%dma_wait3A_73, %dma_wait3A_74, %dma_wait3A_75] : memref<2x128x128xf32, #tpu.memory_space<vmem>> -> memref<1x128x128xf32, #tpu.memory_space<vmem>>
        %dma_wait3A_77 = tpu.memref_squeeze %dma_wait3A_76 : memref<1x128x128xf32, #tpu.memory_space<vmem>> -> memref<128x128xf32, #tpu.memory_space<vmem>>
        %dma_wait3A_78 = arith.constant 0 : i32
        %dma_wait3A_79 = tpu.memref_slice %arg7[%add3A_51, %dma_wait3A_78] : memref<16x128xi32, #tpu.memory_space<vmem>> -> memref<1x128xi32, #tpu.memory_space<vmem>>
        %dma_wait3A_80 = tpu.memref_squeeze %dma_wait3A_79 : memref<1x128xi32, #tpu.memory_space<vmem>> -> memref<128xi32, #tpu.memory_space<vmem>>
        %dma_wait3A_81 = arith.constant 0 : i32
        %dma_wait3A_82 = arith.constant 0 : i32
        %dma_wait3A_83 = tpu.memref_slice %arg2[%dma_wait3A_81, %dma_wait3A_82] : memref<10000x128xf32, #tpu.memory_space<hbm>> -> memref<10000x128xf32, #tpu.memory_space<hbm>>
        tpu.wait_indirect_dma semaphore(%arg12 : memref<!tpu.dma_semaphore, #tpu.memory_space<semaphore_mem>>) src(%dma_wait3A_83 : memref<10000x128xf32, #tpu.memory_space<hbm>>) dst(%dma_wait3A_77 : memref<128x128xf32, #tpu.memory_space<vmem>>)
        %add3A_84 = arith.constant 1 : i32
        %add3A_85 = arith.addi %mul3A_39, %add3A_84 : i32
        %run_scoped3A_86 = arith.constant 1 : i32
        "tpu.region"() ({
          %run_scoped3A_87 = tpu.sem_alloc : memref<!tpu.dma_semaphore, #tpu.memory_space<semaphore_mem>>
          %dma_start3A_88 = arith.constant 0 : i32
          %dma_start3A_89 = arith.constant 0 : i32
          %dma_start3A_90 = tpu.memref_slice %arg9[%run_scoped3A_86, %dma_start3A_88, %dma_start3A_89] : memref<2x128x128xf32, #tpu.memory_space<vmem>> -> memref<1x128x128xf32, #tpu.memory_space<vmem>>
          %dma_start3A_91 = tpu.memref_squeeze %dma_start3A_90 : memref<1x128x128xf32, #tpu.memory_space<vmem>> -> memref<128x128xf32, #tpu.memory_space<vmem>>
          %dma_start3A_92 = arith.constant 0 : i32
          %dma_start3A_93 = tpu.memref_slice %arg8[%add3A_85, %dma_start3A_92] : memref<16x128xi32, #tpu.memory_space<vmem>> -> memref<1x128xi32, #tpu.memory_space<vmem>>
          %dma_start3A_94 = tpu.memref_squeeze %dma_start3A_93 : memref<1x128xi32, #tpu.memory_space<vmem>> -> memref<128xi32, #tpu.memory_space<vmem>>
          %dma_start3A_95 = arith.constant 0 : i32
          %dma_start3A_96 = arith.constant 0 : i32
          %dma_start3A_97 = tpu.memref_slice %arg10[%dma_start3A_95, %dma_start3A_96] : memref<10112x128xf32, #tpu.memory_space<vmem_shared>> -> memref<10112x128xf32, #tpu.memory_space<vmem_shared>>
          tpu.enqueue_indirect_dma source(%dma_start3A_91 : memref<128x128xf32, #tpu.memory_space<vmem>>) target(%dma_start3A_97 : memref<10112x128xf32, #tpu.memory_space<vmem_shared>>) offsets(%dma_start3A_94 : memref<128xi32, #tpu.memory_space<vmem>>) semaphore(%run_scoped3A_87 : memref<!tpu.dma_semaphore, #tpu.memory_space<semaphore_mem>>) {add = true}
          %dma_wait3A_98 = arith.constant 0 : i32
          %dma_wait3A_99 = arith.constant 0 : i32
          %dma_wait3A_100 = tpu.memref_slice %arg9[%run_scoped3A_86, %dma_wait3A_98, %dma_wait3A_99] : memref<2x128x128xf32, #tpu.memory_space<vmem>> -> memref<1x128x128xf32, #tpu.memory_space<vmem>>
          %dma_wait3A_101 = tpu.memref_squeeze %dma_wait3A_100 : memref<1x128x128xf32, #tpu.memory_space<vmem>> -> memref<128x128xf32, #tpu.memory_space<vmem>>
          %dma_wait3A_102 = arith.constant 0 : i32
          %dma_wait3A_103 = tpu.memref_slice %arg8[%add3A_85, %dma_wait3A_102] : memref<16x128xi32, #tpu.memory_space<vmem>> -> memref<1x128xi32, #tpu.memory_space<vmem>>
          %dma_wait3A_104 = tpu.memref_squeeze %dma_wait3A_103 : memref<1x128xi32, #tpu.memory_space<vmem>> -> memref<128xi32, #tpu.memory_space<vmem>>
          %dma_wait3A_105 = arith.constant 0 : i32
          %dma_wait3A_106 = arith.constant 0 : i32
          %dma_wait3A_107 = tpu.memref_slice %arg10[%dma_wait3A_105, %dma_wait3A_106] : memref<10112x128xf32, #tpu.memory_space<vmem_shared>> -> memref<10112x128xf32, #tpu.memory_space<vmem_shared>>
          tpu.wait_indirect_dma semaphore(%run_scoped3A_87 : memref<!tpu.dma_semaphore, #tpu.memory_space<semaphore_mem>>) src(%dma_wait3A_101 : memref<128x128xf32, #tpu.memory_space<vmem>>) dst(%dma_wait3A_107 : memref<10112x128xf32, #tpu.memory_space<vmem_shared>>)
          tpu.yield
        }) : () -> ()
      }
      %scan3A_36 = arith.constant 8 : i32
    }
    %while3A_19 = arith.constant 1 : i32
    scf.for %while3A_25 = %while3A_17 to %while3A_13 step %while3A_19  : i32 {
      %mul3A_26 = arith.constant 16 : i32
      %mul3A_27 = arith.muli %while3A_25, %mul3A_26 : i32
      %add3A_28 = arith.addi %select_n3A, %mul3A_27 : i32
      "tpu.region"() ({
        %run_scoped3A = tpu.sem_alloc : memref<!tpu.dma_semaphore, #tpu.memory_space<semaphore_mem>>
        %dma_start3A = arith.constant 0 : i32
        %dma_start3A_37 = tpu.memref_slice %arg3[%add3A_28, %dma_start3A] : memref<2560x128xi32, #tpu.memory_space<hbm>> -> memref<16x128xi32, #tpu.memory_space<hbm>>
        %dma_start3A_38 = arith.constant 0 : i32
        %dma_start3A_39 = tpu.memref_slice %arg3[%add3A_28, %dma_start3A_38] : memref<2560x128xi32, #tpu.memory_space<hbm>> -> memref<16x128xi32, #tpu.memory_space<hbm>>
        tpu.enqueue_dma source(%dma_start3A_39 : memref<16x128xi32, #tpu.memory_space<hbm>>) target(%arg7 : memref<16x128xi32, #tpu.memory_space<vmem>>) target_semaphore(%run_scoped3A : memref<!tpu.dma_semaphore, #tpu.memory_space<semaphore_mem>>)
        %dma_wait3A = arith.constant 0 : i32
        %dma_wait3A_40 = tpu.memref_slice %arg3[%add3A_28, %dma_wait3A] : memref<2560x128xi32, #tpu.memory_space<hbm>> -> memref<16x128xi32, #tpu.memory_space<hbm>>
        %dma_wait3A_41 = arith.constant 0 : i32
        %dma_wait3A_42 = tpu.memref_slice %arg3[%add3A_28, %dma_wait3A_41] : memref<2560x128xi32, #tpu.memory_space<hbm>> -> memref<16x128xi32, #tpu.memory_space<hbm>>
        tpu.wait_dma2 semaphore(%run_scoped3A : memref<!tpu.dma_semaphore, #tpu.memory_space<semaphore_mem>>) src(%dma_wait3A_42 : memref<16x128xi32, #tpu.memory_space<hbm>>) dst(%arg7 : memref<16x128xi32, #tpu.memory_space<vmem>>)
        tpu.yield
      }) : () -> ()
      %mul3A_29 = arith.constant 16 : i32
      %mul3A_30 = arith.muli %while3A_25, %mul3A_29 : i32
      %add3A_31 = arith.addi %select_n3A, %mul3A_30 : i32
      "tpu.region"() ({
        %run_scoped3A = tpu.sem_alloc : memref<!tpu.dma_semaphore, #tpu.memory_space<semaphore_mem>>
        %dma_start3A = arith.constant 0 : i32
        %dma_start3A_37 = tpu.memref_slice %arg4[%add3A_31, %dma_start3A] : memref<2560x128xi32, #tpu.memory_space<hbm>> -> memref<16x128xi32, #tpu.memory_space<hbm>>
        %dma_start3A_38 = arith.constant 0 : i32
        %dma_start3A_39 = tpu.memref_slice %arg4[%add3A_31, %dma_start3A_38] : memref<2560x128xi32, #tpu.memory_space<hbm>> -> memref<16x128xi32, #tpu.memory_space<hbm>>
        tpu.enqueue_dma source(%dma_start3A_39 : memref<16x128xi32, #tpu.memory_space<hbm>>) target(%arg8 : memref<16x128xi32, #tpu.memory_space<vmem>>) target_semaphore(%run_scoped3A : memref<!tpu.dma_semaphore, #tpu.memory_space<semaphore_mem>>)
        %dma_wait3A = arith.constant 0 : i32
        %dma_wait3A_40 = tpu.memref_slice %arg4[%add3A_31, %dma_wait3A] : memref<2560x128xi32, #tpu.memory_space<hbm>> -> memref<16x128xi32, #tpu.memory_space<hbm>>
        %dma_wait3A_41 = arith.constant 0 : i32
        %dma_wait3A_42 = tpu.memref_slice %arg4[%add3A_31, %dma_wait3A_41] : memref<2560x128xi32, #tpu.memory_space<hbm>> -> memref<16x128xi32, #tpu.memory_space<hbm>>
        tpu.wait_dma2 semaphore(%run_scoped3A : memref<!tpu.dma_semaphore, #tpu.memory_space<semaphore_mem>>) src(%dma_wait3A_42 : memref<16x128xi32, #tpu.memory_space<hbm>>) dst(%arg8 : memref<16x128xi32, #tpu.memory_space<vmem>>)
        tpu.yield
      }) : () -> ()
      %scan3A = arith.constant 0 : i32
      %scan3A_32 = arith.constant 0 : i32
      %scan3A_33 = arith.constant 8 : i32
      %scan3A_34 = arith.addi %scan3A_32, %scan3A_33 : i32
      %scan3A_35 = arith.constant 1 : i32
      scf.for %scan3A_37 = %scan3A_32 to %scan3A_34 step %scan3A_35  : i32 {
        %mul3A_38 = arith.constant 2 : i32
        %mul3A_39 = arith.muli %scan3A_37, %mul3A_38 : i32
        %dma_start3A = arith.constant 0 : i32
        %dma_start3A_40 = arith.constant 0 : i32
        %dma_start3A_41 = arith.constant 0 : i32
        %dma_start3A_42 = tpu.memref_slice %arg9[%dma_start3A, %dma_start3A_40, %dma_start3A_41] : memref<2x128x128xf32, #tpu.memory_space<vmem>> -> memref<1x128x128xf32, #tpu.memory_space<vmem>>
        %dma_start3A_43 = tpu.memref_squeeze %dma_start3A_42 : memref<1x128x128xf32, #tpu.memory_space<vmem>> -> memref<128x128xf32, #tpu.memory_space<vmem>>
        %dma_start3A_44 = arith.constant 0 : i32
        %dma_start3A_45 = tpu.memref_slice %arg7[%mul3A_39, %dma_start3A_44] : memref<16x128xi32, #tpu.memory_space<vmem>> -> memref<1x128xi32, #tpu.memory_space<vmem>>
        %dma_start3A_46 = tpu.memref_squeeze %dma_start3A_45 : memref<1x128xi32, #tpu.memory_space<vmem>> -> memref<128xi32, #tpu.memory_space<vmem>>
        %dma_start3A_47 = arith.constant 0 : i32
        %dma_start3A_48 = arith.constant 0 : i32
        %dma_start3A_49 = tpu.memref_slice %arg2[%dma_start3A_47, %dma_start3A_48] : memref<10000x128xf32, #tpu.memory_space<hbm>> -> memref<10000x128xf32, #tpu.memory_space<hbm>>
        tpu.enqueue_indirect_dma source(%dma_start3A_49 : memref<10000x128xf32, #tpu.memory_space<hbm>>) target(%dma_start3A_43 : memref<128x128xf32, #tpu.memory_space<vmem>>) offsets(%dma_start3A_46 : memref<128xi32, #tpu.memory_space<vmem>>) semaphore(%arg11 : memref<!tpu.dma_semaphore, #tpu.memory_space<semaphore_mem>>)
        %add3A_50 = arith.constant 1 : i32
        %add3A_51 = arith.addi %mul3A_39, %add3A_50 : i32
        %dma_start3A_52 = arith.constant 1 : i32
        %dma_start3A_53 = arith.constant 0 : i32
        %dma_start3A_54 = arith.constant 0 : i32
        %dma_start3A_55 = tpu.memref_slice %arg9[%dma_start3A_52, %dma_start3A_53, %dma_start3A_54] : memref<2x128x128xf32, #tpu.memory_space<vmem>> -> memref<1x128x128xf32, #tpu.memory_space<vmem>>
        %dma_start3A_56 = tpu.memref_squeeze %dma_start3A_55 : memref<1x128x128xf32, #tpu.memory_space<vmem>> -> memref<128x128xf32, #tpu.memory_space<vmem>>
        %dma_start3A_57 = arith.constant 0 : i32
        %dma_start3A_58 = tpu.memref_slice %arg7[%add3A_51, %dma_start3A_57] : memref<16x128xi32, #tpu.memory_space<vmem>> -> memref<1x128xi32, #tpu.memory_space<vmem>>
        %dma_start3A_59 = tpu.memref_squeeze %dma_start3A_58 : memref<1x128xi32, #tpu.memory_space<vmem>> -> memref<128xi32, #tpu.memory_space<vmem>>
        %dma_start3A_60 = arith.constant 0 : i32
        %dma_start3A_61 = arith.constant 0 : i32
        %dma_start3A_62 = tpu.memref_slice %arg2[%dma_start3A_60, %dma_start3A_61] : memref<10000x128xf32, #tpu.memory_space<hbm>> -> memref<10000x128xf32, #tpu.memory_space<hbm>>
        tpu.enqueue_indirect_dma source(%dma_start3A_62 : memref<10000x128xf32, #tpu.memory_space<hbm>>) target(%dma_start3A_56 : memref<128x128xf32, #tpu.memory_space<vmem>>) offsets(%dma_start3A_59 : memref<128xi32, #tpu.memory_space<vmem>>) semaphore(%arg12 : memref<!tpu.dma_semaphore, #tpu.memory_space<semaphore_mem>>)
        %dma_wait3A = arith.constant 0 : i32
        %dma_wait3A_63 = arith.constant 0 : i32
        %dma_wait3A_64 = arith.constant 0 : i32
        %dma_wait3A_65 = tpu.memref_slice %arg9[%dma_wait3A, %dma_wait3A_63, %dma_wait3A_64] : memref<2x128x128xf32, #tpu.memory_space<vmem>> -> memref<1x128x128xf32, #tpu.memory_space<vmem>>
        %dma_wait3A_66 = tpu.memref_squeeze %dma_wait3A_65 : memref<1x128x128xf32, #tpu.memory_space<vmem>> -> memref<128x128xf32, #tpu.memory_space<vmem>>
        %dma_wait3A_67 = arith.constant 0 : i32
        %dma_wait3A_68 = tpu.memref_slice %arg7[%mul3A_39, %dma_wait3A_67] : memref<16x128xi32, #tpu.memory_space<vmem>> -> memref<1x128xi32, #tpu.memory_space<vmem>>
        %dma_wait3A_69 = tpu.memref_squeeze %dma_wait3A_68 : memref<1x128xi32, #tpu.memory_space<vmem>> -> memref<128xi32, #tpu.memory_space<vmem>>
        %dma_wait3A_70 = arith.constant 0 : i32
        %dma_wait3A_71 = arith.constant 0 : i32
        %dma_wait3A_72 = tpu.memref_slice %arg2[%dma_wait3A_70, %dma_wait3A_71] : memref<10000x128xf32, #tpu.memory_space<hbm>> -> memref<10000x128xf32, #tpu.memory_space<hbm>>
        tpu.wait_indirect_dma semaphore(%arg11 : memref<!tpu.dma_semaphore, #tpu.memory_space<semaphore_mem>>) src(%dma_wait3A_72 : memref<10000x128xf32, #tpu.memory_space<hbm>>) dst(%dma_wait3A_66 : memref<128x128xf32, #tpu.memory_space<vmem>>)
        %run_scoped3A = arith.constant 0 : i32
        "tpu.region"() ({
          %run_scoped3A_87 = tpu.sem_alloc : memref<!tpu.dma_semaphore, #tpu.memory_space<semaphore_mem>>
          %dma_start3A_88 = arith.constant 0 : i32
          %dma_start3A_89 = arith.constant 0 : i32
          %dma_start3A_90 = tpu.memref_slice %arg9[%run_scoped3A, %dma_start3A_88, %dma_start3A_89] : memref<2x128x128xf32, #tpu.memory_space<vmem>> -> memref<1x128x128xf32, #tpu.memory_space<vmem>>
          %dma_start3A_91 = tpu.memref_squeeze %dma_start3A_90 : memref<1x128x128xf32, #tpu.memory_space<vmem>> -> memref<128x128xf32, #tpu.memory_space<vmem>>
          %dma_start3A_92 = arith.constant 0 : i32
          %dma_start3A_93 = tpu.memref_slice %arg8[%mul3A_39, %dma_start3A_92] : memref<16x128xi32, #tpu.memory_space<vmem>> -> memref<1x128xi32, #tpu.memory_space<vmem>>
          %dma_start3A_94 = tpu.memref_squeeze %dma_start3A_93 : memref<1x128xi32, #tpu.memory_space<vmem>> -> memref<128xi32, #tpu.memory_space<vmem>>
          %dma_start3A_95 = arith.constant 0 : i32
          %dma_start3A_96 = arith.constant 0 : i32
          %dma_start3A_97 = tpu.memref_slice %arg10[%dma_start3A_95, %dma_start3A_96] : memref<10112x128xf32, #tpu.memory_space<vmem_shared>> -> memref<10112x128xf32, #tpu.memory_space<vmem_shared>>
          tpu.enqueue_indirect_dma source(%dma_start3A_91 : memref<128x128xf32, #tpu.memory_space<vmem>>) target(%dma_start3A_97 : memref<10112x128xf32, #tpu.memory_space<vmem_shared>>) offsets(%dma_start3A_94 : memref<128xi32, #tpu.memory_space<vmem>>) semaphore(%run_scoped3A_87 : memref<!tpu.dma_semaphore, #tpu.memory_space<semaphore_mem>>) {add = true}
          %dma_wait3A_98 = arith.constant 0 : i32
          %dma_wait3A_99 = arith.constant 0 : i32
          %dma_wait3A_100 = tpu.memref_slice %arg9[%run_scoped3A, %dma_wait3A_98, %dma_wait3A_99] : memref<2x128x128xf32, #tpu.memory_space<vmem>> -> memref<1x128x128xf32, #tpu.memory_space<vmem>>
          %dma_wait3A_101 = tpu.memref_squeeze %dma_wait3A_100 : memref<1x128x128xf32, #tpu.memory_space<vmem>> -> memref<128x128xf32, #tpu.memory_space<vmem>>
          %dma_wait3A_102 = arith.constant 0 : i32
          %dma_wait3A_103 = tpu.memref_slice %arg8[%mul3A_39, %dma_wait3A_102] : memref<16x128xi32, #tpu.memory_space<vmem>> -> memref<1x128xi32, #tpu.memory_space<vmem>>
          %dma_wait3A_104 = tpu.memref_squeeze %dma_wait3A_103 : memref<1x128xi32, #tpu.memory_space<vmem>> -> memref<128xi32, #tpu.memory_space<vmem>>
          %dma_wait3A_105 = arith.constant 0 : i32
          %dma_wait3A_106 = arith.constant 0 : i32
          %dma_wait3A_107 = tpu.memref_slice %arg10[%dma_wait3A_105, %dma_wait3A_106] : memref<10112x128xf32, #tpu.memory_space<vmem_shared>> -> memref<10112x128xf32, #tpu.memory_space<vmem_shared>>
          tpu.wait_indirect_dma semaphore(%run_scoped3A_87 : memref<!tpu.dma_semaphore, #tpu.memory_space<semaphore_mem>>) src(%dma_wait3A_101 : memref<128x128xf32, #tpu.memory_space<vmem>>) dst(%dma_wait3A_107 : memref<10112x128xf32, #tpu.memory_space<vmem_shared>>)
          tpu.yield
        }) : () -> ()
        %dma_wait3A_73 = arith.constant 1 : i32
        %dma_wait3A_74 = arith.constant 0 : i32
        %dma_wait3A_75 = arith.constant 0 : i32
        %dma_wait3A_76 = tpu.memref_slice %arg9[%dma_wait3A_73, %dma_wait3A_74, %dma_wait3A_75] : memref<2x128x128xf32, #tpu.memory_space<vmem>> -> memref<1x128x128xf32, #tpu.memory_space<vmem>>
        %dma_wait3A_77 = tpu.memref_squeeze %dma_wait3A_76 : memref<1x128x128xf32, #tpu.memory_space<vmem>> -> memref<128x128xf32, #tpu.memory_space<vmem>>
        %dma_wait3A_78 = arith.constant 0 : i32
        %dma_wait3A_79 = tpu.memref_slice %arg7[%add3A_51, %dma_wait3A_78] : memref<16x128xi32, #tpu.memory_space<vmem>> -> memref<1x128xi32, #tpu.memory_space<vmem>>
        %dma_wait3A_80 = tpu.memref_squeeze %dma_wait3A_79 : memref<1x128xi32, #tpu.memory_space<vmem>> -> memref<128xi32, #tpu.memory_space<vmem>>
        %dma_wait3A_81 = arith.constant 0 : i32
        %dma_wait3A_82 = arith.constant 0 : i32
        %dma_wait3A_83 = tpu.memref_slice %arg2[%dma_wait3A_81, %dma_wait3A_82] : memref<10000x128xf32, #tpu.memory_space<hbm>> -> memref<10000x128xf32, #tpu.memory_space<hbm>>
        tpu.wait_indirect_dma semaphore(%arg12 : memref<!tpu.dma_semaphore, #tpu.memory_space<semaphore_mem>>) src(%dma_wait3A_83 : memref<10000x128xf32, #tpu.memory_space<hbm>>) dst(%dma_wait3A_77 : memref<128x128xf32, #tpu.memory_space<vmem>>)
        %add3A_84 = arith.constant 1 : i32
        %add3A_85 = arith.addi %mul3A_39, %add3A_84 : i32
        %run_scoped3A_86 = arith.constant 1 : i32
        "tpu.region"() ({
          %run_scoped3A_87 = tpu.sem_alloc : memref<!tpu.dma_semaphore, #tpu.memory_space<semaphore_mem>>
          %dma_start3A_88 = arith.constant 0 : i32
          %dma_start3A_89 = arith.constant 0 : i32
          %dma_start3A_90 = tpu.memref_slice %arg9[%run_scoped3A_86, %dma_start3A_88, %dma_start3A_89] : memref<2x128x128xf32, #tpu.memory_space<vmem>> -> memref<1x128x128xf32, #tpu.memory_space<vmem>>
          %dma_start3A_91 = tpu.memref_squeeze %dma_start3A_90 : memref<1x128x128xf32, #tpu.memory_space<vmem>> -> memref<128x128xf32, #tpu.memory_space<vmem>>
          %dma_start3A_92 = arith.constant 0 : i32
          %dma_start3A_93 = tpu.memref_slice %arg8[%add3A_85, %dma_start3A_92] : memref<16x128xi32, #tpu.memory_space<vmem>> -> memref<1x128xi32, #tpu.memory_space<vmem>>
          %dma_start3A_94 = tpu.memref_squeeze %dma_start3A_93 : memref<1x128xi32, #tpu.memory_space<vmem>> -> memref<128xi32, #tpu.memory_space<vmem>>
          %dma_start3A_95 = arith.constant 0 : i32
          %dma_start3A_96 = arith.constant 0 : i32
          %dma_start3A_97 = tpu.memref_slice %arg10[%dma_start3A_95, %dma_start3A_96] : memref<10112x128xf32, #tpu.memory_space<vmem_shared>> -> memref<10112x128xf32, #tpu.memory_space<vmem_shared>>
          tpu.enqueue_indirect_dma source(%dma_start3A_91 : memref<128x128xf32, #tpu.memory_space<vmem>>) target(%dma_start3A_97 : memref<10112x128xf32, #tpu.memory_space<vmem_shared>>) offsets(%dma_start3A_94 : memref<128xi32, #tpu.memory_space<vmem>>) semaphore(%run_scoped3A_87 : memref<!tpu.dma_semaphore, #tpu.memory_space<semaphore_mem>>) {add = true}
          %dma_wait3A_98 = arith.constant 0 : i32
          %dma_wait3A_99 = arith.constant 0 : i32
          %dma_wait3A_100 = tpu.memref_slice %arg9[%run_scoped3A_86, %dma_wait3A_98, %dma_wait3A_99] : memref<2x128x128xf32, #tpu.memory_space<vmem>> -> memref<1x128x128xf32, #tpu.memory_space<vmem>>
          %dma_wait3A_101 = tpu.memref_squeeze %dma_wait3A_100 : memref<1x128x128xf32, #tpu.memory_space<vmem>> -> memref<128x128xf32, #tpu.memory_space<vmem>>
          %dma_wait3A_102 = arith.constant 0 : i32
          %dma_wait3A_103 = tpu.memref_slice %arg8[%add3A_85, %dma_wait3A_102] : memref<16x128xi32, #tpu.memory_space<vmem>> -> memref<1x128xi32, #tpu.memory_space<vmem>>
          %dma_wait3A_104 = tpu.memref_squeeze %dma_wait3A_103 : memref<1x128xi32, #tpu.memory_space<vmem>> -> memref<128xi32, #tpu.memory_space<vmem>>
          %dma_wait3A_105 = arith.constant 0 : i32
          %dma_wait3A_106 = arith.constant 0 : i32
          %dma_wait3A_107 = tpu.memref_slice %arg10[%dma_wait3A_105, %dma_wait3A_106] : memref<10112x128xf32, #tpu.memory_space<vmem_shared>> -> memref<10112x128xf32, #tpu.memory_space<vmem_shared>>
          tpu.wait_indirect_dma semaphore(%run_scoped3A_87 : memref<!tpu.dma_semaphore, #tpu.memory_space<semaphore_mem>>) src(%dma_wait3A_101 : memref<128x128xf32, #tpu.memory_space<vmem>>) dst(%dma_wait3A_107 : memref<10112x128xf32, #tpu.memory_space<vmem_shared>>)
          tpu.yield
        }) : () -> ()
      }
      %scan3A_36 = arith.constant 8 : i32
    }
    %barrier3A_20 = arith.constant 0 : index
    tpu.barrier barrier_id(%barrier3A_20)
    %mul3A_21 = arith.constant 632 : i32
    %mul3A_22 = arith.muli %arg1, %mul3A_21 : i32
    %mul3A_23 = arith.constant 632 : i32
    %mul3A_24 = arith.muli %arg1, %mul3A_23 : i32
    "tpu.region"() ({
      %run_scoped3A = tpu.sem_alloc : memref<!tpu.dma_semaphore, #tpu.memory_space<semaphore_mem>>
      %dma_start3A = arith.constant 0 : i32
      %dma_start3A_25 = tpu.memref_slice %arg6[%arg0, %mul3A_24, %dma_start3A] : memref<2x10112x128xf32, #tpu.memory_space<hbm>> -> memref<1x632x128xf32, #tpu.memory_space<hbm>>
      %dma_start3A_26 = tpu.memref_squeeze %dma_start3A_25 : memref<1x632x128xf32, #tpu.memory_space<hbm>> -> memref<632x128xf32, #tpu.memory_space<hbm>>
      %dma_start3A_27 = arith.constant 0 : i32
      %dma_start3A_28 = tpu.memref_slice %arg10[%mul3A_22, %dma_start3A_27] : memref<10112x128xf32, #tpu.memory_space<vmem_shared>> -> memref<632x128xf32, #tpu.memory_space<vmem_shared>>
      tpu.enqueue_dma source(%dma_start3A_28 : memref<632x128xf32, #tpu.memory_space<vmem_shared>>) target(%dma_start3A_26 : memref<632x128xf32, #tpu.memory_space<hbm>>) target_semaphore(%run_scoped3A : memref<!tpu.dma_semaphore, #tpu.memory_space<semaphore_mem>>)
      %dma_wait3A = arith.constant 0 : i32
      %dma_wait3A_29 = tpu.memref_slice %arg6[%arg0, %mul3A_24, %dma_wait3A] : memref<2x10112x128xf32, #tpu.memory_space<hbm>> -> memref<1x632x128xf32, #tpu.memory_space<hbm>>
      %dma_wait3A_30 = tpu.memref_squeeze %dma_wait3A_29 : memref<1x632x128xf32, #tpu.memory_space<hbm>> -> memref<632x128xf32, #tpu.memory_space<hbm>>
      %dma_wait3A_31 = arith.constant 0 : i32
      %dma_wait3A_32 = tpu.memref_slice %arg10[%mul3A_22, %dma_wait3A_31] : memref<10112x128xf32, #tpu.memory_space<vmem_shared>> -> memref<632x128xf32, #tpu.memory_space<vmem_shared>>
      tpu.wait_dma2 semaphore(%run_scoped3A : memref<!tpu.dma_semaphore, #tpu.memory_space<semaphore_mem>>) src(%dma_wait3A_32 : memref<632x128xf32, #tpu.memory_space<vmem_shared>>) dst(%dma_wait3A_30 : memref<632x128xf32, #tpu.memory_space<hbm>>)
      tpu.yield
    }) : () -> ()
    return
  }
}

module attributes {stable_mosaic.version = 14 : i64} {
  func.func @_combine0_body(%arg0: i32, %arg1: memref<2000x128xf32, #tpu.memory_space<vmem>>, %arg2: memref<2000x128xf32, #tpu.memory_space<vmem>>, %arg3: memref<2x2000x128xf32, #tpu.memory_space<vmem>>, %arg4: memref<2x2000x128xf32, #tpu.memory_space<vmem>>, %arg5: memref<256x128xf32, #tpu.memory_space<vmem>>, %arg6: memref<1x128xf32, #tpu.memory_space<vmem>>, %arg7: memref<2000x128xf32, #tpu.memory_space<vmem>>) attributes {dimension_semantics = [#tpu.dimension_semantics<arbitrary>], iteration_bounds = array<i64: 5>, scalar_prefetch = 0 : i64, scratch_operands = 0 : i64, tpu.core_type = #tpu.core_type<tc>, window_params = [{transform_indices = @transform_0, window_bounds = array<i64: 2000, 128>}, {transform_indices = @transform_1, window_bounds = array<i64: 2000, 128>}, {transform_indices = @transform_2, window_bounds = array<i64: 2, 2000, 128>}, {transform_indices = @transform_3, window_bounds = array<i64: 2, 2000, 128>}, {pipeline_mode = #tpu.pipeline_mode<synchronous>, transform_indices = @transform_4, window_bounds = array<i64: 256, 128>}, {pipeline_mode = #tpu.pipeline_mode<synchronous>, transform_indices = @transform_5, window_bounds = array<i64: 1, 128>}, {transform_indices = @transform_6, window_bounds = array<i64: 2000, 128>}]} {
    %get3A = arith.constant 0 : index
    %get3A_0 = arith.constant 0 : index
    %get3A_1 = vector.load %arg1[%get3A, %get3A_0] : memref<2000x128xf32, #tpu.memory_space<vmem>>, vector<2000x128xf32>
    %get3A_2 = arith.constant 0 : index
    %get3A_3 = arith.constant 0 : index
    %get3A_4 = arith.constant 0 : index
    %get3A_5 = vector.load %arg3[%get3A_2, %get3A_3, %get3A_4] : memref<2x2000x128xf32, #tpu.memory_space<vmem>>, vector<1x2000x128xf32>
    %get3A_6 = vector.shape_cast %get3A_5 : vector<1x2000x128xf32> to vector<2000x128xf32>
    %get3A_7 = arith.constant 1 : index
    %get3A_8 = arith.constant 0 : index
    %get3A_9 = arith.constant 0 : index
    %get3A_10 = vector.load %arg3[%get3A_7, %get3A_8, %get3A_9] : memref<2x2000x128xf32, #tpu.memory_space<vmem>>, vector<1x2000x128xf32>
    %get3A_11 = vector.shape_cast %get3A_10 : vector<1x2000x128xf32> to vector<2000x128xf32>
    %add3A = arith.addf %get3A_6, %get3A_11 : vector<2000x128xf32>
    %add3A_12 = arith.addf %get3A_1, %add3A : vector<2000x128xf32>
    %get3A_13 = arith.constant 0 : index
    %get3A_14 = arith.constant 0 : index
    %get3A_15 = vector.load %arg2[%get3A_13, %get3A_14] : memref<2000x128xf32, #tpu.memory_space<vmem>>, vector<2000x128xf32>
    %get3A_16 = arith.constant 0 : index
    %get3A_17 = arith.constant 0 : index
    %get3A_18 = arith.constant 0 : index
    %get3A_19 = vector.load %arg4[%get3A_16, %get3A_17, %get3A_18] : memref<2x2000x128xf32, #tpu.memory_space<vmem>>, vector<1x2000x128xf32>
    %get3A_20 = vector.shape_cast %get3A_19 : vector<1x2000x128xf32> to vector<2000x128xf32>
    %get3A_21 = arith.constant 1 : index
    %get3A_22 = arith.constant 0 : index
    %get3A_23 = arith.constant 0 : index
    %get3A_24 = vector.load %arg4[%get3A_21, %get3A_22, %get3A_23] : memref<2x2000x128xf32, #tpu.memory_space<vmem>>, vector<1x2000x128xf32>
    %get3A_25 = vector.shape_cast %get3A_24 : vector<1x2000x128xf32> to vector<2000x128xf32>
    %add3A_26 = arith.addf %get3A_20, %get3A_25 : vector<2000x128xf32>
    %add3A_27 = arith.addf %get3A_15, %add3A_26 : vector<2000x128xf32>
    %concatenate3A = tpu.concatenate %add3A_12, %add3A_27 in 1 : vector<2000x128xf32>, vector<2000x128xf32> -> vector<2000x256xf32>
    %get3A_28 = arith.constant 0 : index
    %get3A_29 = arith.constant 0 : index
    %get3A_30 = vector.load %arg5[%get3A_28, %get3A_29] : memref<256x128xf32, #tpu.memory_space<vmem>>, vector<256x128xf32>
    %dot_general3A = arith.constant dense<0.000000e+00> : vector<2000x128xf32>
    %dot_general3A_31 = tpu.matmul %concatenate3A, %get3A_30, %dot_general3A {dimension_numbers = #tpu.dot_dimension_numbers<[1], [0], [0], [1], [0, 0, 1, 1], [], []>, transpose_lhs_hint = false} : vector<2000x256xf32>, vector<256x128xf32>, vector<2000x128xf32> -> vector<2000x128xf32>
    %get3A_32 = arith.constant 0 : index
    %get3A_33 = arith.constant 0 : index
    %get3A_34 = vector.load %arg6[%get3A_32, %get3A_33] : memref<1x128xf32, #tpu.memory_space<vmem>>, vector<1x128xf32>
    %add3A_35 = vector.broadcast %get3A_34 : vector<1x128xf32> to vector<2000x128xf32>
    %add3A_36 = arith.addf %dot_general3A_31, %add3A_35 : vector<2000x128xf32>
    %max3A = arith.constant 0.000000e+00 : f32
    %max3A_37 = vector.broadcast %max3A : f32 to vector<2000x128xf32>
    %max3A_38 = arith.maximumf %add3A_36, %max3A_37 : vector<2000x128xf32>
    %swap3A = arith.constant 0 : index
    %swap3A_39 = arith.constant 0 : index
    %swap3A_40 = vector.load %arg7[%swap3A, %swap3A_39] : memref<2000x128xf32, #tpu.memory_space<vmem>>, vector<2000x128xf32>
    tpu.vector_store %arg7[%swap3A, %swap3A_39], %max3A_38 {strides = array<i32>} : memref<2000x128xf32, #tpu.memory_space<vmem>>, vector<2000x128xf32>,
    return
  }
  func.func @transform_0(%arg0: i32) -> (i32, i32) {
    %c0_i32 = arith.constant 0 : i32
    %c0_i32_0 = arith.constant 0 : i32
    return %arg0, %c0_i32 : i32, i32
  }
  func.func @transform_1(%arg0: i32) -> (i32, i32) {
    %c0_i32 = arith.constant 0 : i32
    %c0_i32_0 = arith.constant 0 : i32
    return %arg0, %c0_i32 : i32, i32
  }
  func.func @transform_2(%arg0: i32) -> (i32, i32, i32) {
    %c0_i32 = arith.constant 0 : i32
    %c0_i32_0 = arith.constant 0 : i32
    %c0_i32_1 = arith.constant 0 : i32
    return %c0_i32, %arg0, %c0_i32_0 : i32, i32, i32
  }
  func.func @transform_3(%arg0: i32) -> (i32, i32, i32) {
    %c0_i32 = arith.constant 0 : i32
    %c0_i32_0 = arith.constant 0 : i32
    %c0_i32_1 = arith.constant 0 : i32
    return %c0_i32, %arg0, %c0_i32_0 : i32, i32, i32
  }
  func.func @transform_4(%arg0: i32) -> (i32, i32) {
    %c0_i32 = arith.constant 0 : i32
    %c0_i32_0 = arith.constant 0 : i32
    %c0_i32_1 = arith.constant 0 : i32
    return %c0_i32, %c0_i32_0 : i32, i32
  }
  func.func @transform_5(%arg0: i32) -> (i32, i32) {
    %c0_i32 = arith.constant 0 : i32
    %c0_i32_0 = arith.constant 0 : i32
    %c0_i32_1 = arith.constant 0 : i32
    return %c0_i32, %c0_i32_0 : i32, i32
  }
  func.func @transform_6(%arg0: i32) -> (i32, i32) {
    %c0_i32 = arith.constant 0 : i32
    %c0_i32_0 = arith.constant 0 : i32
    return %arg0, %c0_i32 : i32, i32
  }
}

module attributes {stable_mosaic.version = 14 : i64} {
  func.func @_combine_body(%arg0: i32, %arg1: memref<2000x128xf32, #tpu.memory_space<vmem>>, %arg2: memref<2x2000x128xf32, #tpu.memory_space<vmem>>, %arg3: memref<1x128xf32, #tpu.memory_space<vmem>>, %arg4: memref<128x128xf32, #tpu.memory_space<vmem>>, %arg5: memref<2000x128xf32, #tpu.memory_space<vmem>>) attributes {dimension_semantics = [#tpu.dimension_semantics<arbitrary>], iteration_bounds = array<i64: 5>, scalar_prefetch = 0 : i64, scratch_operands = 0 : i64, tpu.core_type = #tpu.core_type<tc>, window_params = [{transform_indices = @transform_0, window_bounds = array<i64: 2000, 128>}, {transform_indices = @transform_1, window_bounds = array<i64: 2, 2000, 128>}, {pipeline_mode = #tpu.pipeline_mode<synchronous>, transform_indices = @transform_2, window_bounds = array<i64: 1, 128>}, {pipeline_mode = #tpu.pipeline_mode<synchronous>, transform_indices = @transform_3, window_bounds = array<i64: 128, 128>}, {transform_indices = @transform_4, window_bounds = array<i64: 2000, 128>}]} {
    %get3A = arith.constant 0 : index
    %get3A_0 = arith.constant 0 : index
    %get3A_1 = vector.load %arg1[%get3A, %get3A_0] : memref<2000x128xf32, #tpu.memory_space<vmem>>, vector<2000x128xf32>
    %get3A_2 = arith.constant 0 : index
    %get3A_3 = arith.constant 0 : index
    %get3A_4 = arith.constant 0 : index
    %get3A_5 = vector.load %arg2[%get3A_2, %get3A_3, %get3A_4] : memref<2x2000x128xf32, #tpu.memory_space<vmem>>, vector<1x2000x128xf32>
    %get3A_6 = vector.shape_cast %get3A_5 : vector<1x2000x128xf32> to vector<2000x128xf32>
    %get3A_7 = arith.constant 1 : index
    %get3A_8 = arith.constant 0 : index
    %get3A_9 = arith.constant 0 : index
    %get3A_10 = vector.load %arg2[%get3A_7, %get3A_8, %get3A_9] : memref<2x2000x128xf32, #tpu.memory_space<vmem>>, vector<1x2000x128xf32>
    %get3A_11 = vector.shape_cast %get3A_10 : vector<1x2000x128xf32> to vector<2000x128xf32>
    %add3A = arith.addf %get3A_6, %get3A_11 : vector<2000x128xf32>
    %add3A_12 = arith.addf %get3A_1, %add3A : vector<2000x128xf32>
    %get3A_13 = arith.constant 0 : index
    %get3A_14 = arith.constant 0 : index
    %get3A_15 = vector.load %arg4[%get3A_13, %get3A_14] : memref<128x128xf32, #tpu.memory_space<vmem>>, vector<128x128xf32>
    %dot_general3A = arith.constant dense<0.000000e+00> : vector<2000x128xf32>
    %dot_general3A_16 = tpu.matmul %add3A_12, %get3A_15, %dot_general3A {dimension_numbers = #tpu.dot_dimension_numbers<[1], [0], [0], [1], [0, 0, 1, 1], [], []>, transpose_lhs_hint = false} : vector<2000x128xf32>, vector<128x128xf32>, vector<2000x128xf32> -> vector<2000x128xf32>
    %get3A_17 = arith.constant 0 : index
    %get3A_18 = arith.constant 0 : index
    %get3A_19 = vector.load %arg3[%get3A_17, %get3A_18] : memref<1x128xf32, #tpu.memory_space<vmem>>, vector<1x128xf32>
    %add3A_20 = vector.broadcast %get3A_19 : vector<1x128xf32> to vector<2000x128xf32>
    %add3A_21 = arith.addf %dot_general3A_16, %add3A_20 : vector<2000x128xf32>
    %max3A = arith.constant 0.000000e+00 : f32
    %max3A_22 = vector.broadcast %max3A : f32 to vector<2000x128xf32>
    %max3A_23 = arith.maximumf %add3A_21, %max3A_22 : vector<2000x128xf32>
    %swap3A = arith.constant 0 : index
    %swap3A_24 = arith.constant 0 : index
    %swap3A_25 = vector.load %arg5[%swap3A, %swap3A_24] : memref<2000x128xf32, #tpu.memory_space<vmem>>, vector<2000x128xf32>
    tpu.vector_store %arg5[%swap3A, %swap3A_24], %max3A_23 {strides = array<i32>} : memref<2000x128xf32, #tpu.memory_space<vmem>>, vector<2000x128xf32>,
    return
  }
  func.func @transform_0(%arg0: i32) -> (i32, i32) {
    %c0_i32 = arith.constant 0 : i32
    %c0_i32_0 = arith.constant 0 : i32
    return %arg0, %c0_i32 : i32, i32
  }
  func.func @transform_1(%arg0: i32) -> (i32, i32, i32) {
    %c0_i32 = arith.constant 0 : i32
    %c0_i32_0 = arith.constant 0 : i32
    %c0_i32_1 = arith.constant 0 : i32
    return %c0_i32, %arg0, %c0_i32_0 : i32, i32, i32
  }
  func.func @transform_2(%arg0: i32) -> (i32, i32) {
    %c0_i32 = arith.constant 0 : i32
    %c0_i32_0 = arith.constant 0 : i32
    %c0_i32_1 = arith.constant 0 : i32
    return %c0_i32, %c0_i32_0 : i32, i32
  }
  func.func @transform_3(%arg0: i32) -> (i32, i32) {
    %c0_i32 = arith.constant 0 : i32
    %c0_i32_0 = arith.constant 0 : i32
    %c0_i32_1 = arith.constant 0 : i32
    return %c0_i32, %c0_i32_0 : i32, i32
  }
  func.func @transform_4(%arg0: i32) -> (i32, i32) {
    %c0_i32 = arith.constant 0 : i32
    %c0_i32_0 = arith.constant 0 : i32
    return %arg0, %c0_i32 : i32, i32
  }
}

module attributes {stable_mosaic.version = 14 : i64} {
  func.func @_pool_body(%arg0: i32, %arg1: memref<2000x128xf32, #tpu.memory_space<vmem>>, %arg2: memref<2x2000x128xf32, #tpu.memory_space<vmem>>, %arg3: memref<128x128xf32, #tpu.memory_space<vmem>>, %arg4: memref<1x128xf32, #tpu.memory_space<vmem>>, %arg5: memref<1x1x2000xi32, #tpu.memory_space<vmem>>, %arg6: memref<128x128xf32, #tpu.memory_space<vmem>>, %arg7: memref<1x128xf32, #tpu.memory_space<vmem>>, %arg8: memref<128x1xf32, #tpu.memory_space<vmem>>, %arg9: memref<1x1xf32, #tpu.memory_space<vmem>>, %arg10: memref<64x1xf32, #tpu.memory_space<vmem>>, %arg11: memref<64x128xf32, #tpu.memory_space<vmem>>, %arg12: memref<64x128xf32, #tpu.memory_space<vmem>>) attributes {dimension_semantics = [#tpu.dimension_semantics<arbitrary>], iteration_bounds = array<i64: 5>, scalar_prefetch = 0 : i64, scratch_operands = 2 : i64, tpu.core_type = #tpu.core_type<tc>, window_params = [{transform_indices = @transform_0, window_bounds = array<i64: 2000, 128>}, {transform_indices = @transform_1, window_bounds = array<i64: 2, 2000, 128>}, {pipeline_mode = #tpu.pipeline_mode<synchronous>, transform_indices = @transform_2, window_bounds = array<i64: 128, 128>}, {pipeline_mode = #tpu.pipeline_mode<synchronous>, transform_indices = @transform_3, window_bounds = array<i64: 1, 128>}, {transform_indices = @transform_4, window_bounds = array<i64: 1, 1, 2000>}, {pipeline_mode = #tpu.pipeline_mode<synchronous>, transform_indices = @transform_5, window_bounds = array<i64: 128, 128>}, {pipeline_mode = #tpu.pipeline_mode<synchronous>, transform_indices = @transform_6, window_bounds = array<i64: 1, 128>}, {pipeline_mode = #tpu.pipeline_mode<synchronous>, transform_indices = @transform_7, window_bounds = array<i64: 128, 1>}, {pipeline_mode = #tpu.pipeline_mode<synchronous>, transform_indices = @transform_8, window_bounds = array<i64: 1, 1>}, {pipeline_mode = #tpu.pipeline_mode<synchronous>, transform_indices = @transform_9, window_bounds = array<i64: 64, 1>}]} {
    %eq3A = arith.constant 0 : i32
    %eq3A_0 = arith.cmpi eq, %arg0, %eq3A : i32
    %convert_element_type3A = arith.extui %eq3A_0 : i1 to i32
    %cond3A = arith.constant 0 : i32
    %cond3A_1 = arith.cmpi ne, %convert_element_type3A, %cond3A : i32
    scf.if %cond3A_1 {
      %broadcast_in_dim3A_56 = arith.constant 0.000000e+00 : f32
      %broadcast_in_dim3A_57 = vector.broadcast %broadcast_in_dim3A_56 : f32 to vector<64x128xf32>
      %swap3A_58 = arith.constant 0 : index
      %swap3A_59 = arith.constant 0 : index
      %swap3A_60 = vector.load %arg11[%swap3A_58, %swap3A_59] : memref<64x128xf32, #tpu.memory_space<vmem>>, vector<64x128xf32>
      tpu.vector_store %arg11[%swap3A_58, %swap3A_59], %broadcast_in_dim3A_57 {strides = array<i32>} : memref<64x128xf32, #tpu.memory_space<vmem>>, vector<64x128xf32>,
      %broadcast_in_dim3A_61 = arith.constant 0.000000e+00 : f32
      %broadcast_in_dim3A_62 = vector.broadcast %broadcast_in_dim3A_61 : f32 to vector<64x128xf32>
      %swap3A_63 = arith.constant 0 : index
      %swap3A_64 = arith.constant 0 : index
      %swap3A_65 = vector.load %arg12[%swap3A_63, %swap3A_64] : memref<64x128xf32, #tpu.memory_space<vmem>>, vector<64x128xf32>
      tpu.vector_store %arg12[%swap3A_63, %swap3A_64], %broadcast_in_dim3A_62 {strides = array<i32>} : memref<64x128xf32, #tpu.memory_space<vmem>>, vector<64x128xf32>,
    } else {
    }
    %get3A = arith.constant 0 : index
    %get3A_2 = arith.constant 0 : index
    %get3A_3 = vector.load %arg1[%get3A, %get3A_2] : memref<2000x128xf32, #tpu.memory_space<vmem>>, vector<2000x128xf32>
    %get3A_4 = arith.constant 0 : index
    %get3A_5 = arith.constant 0 : index
    %get3A_6 = arith.constant 0 : index
    %get3A_7 = vector.load %arg2[%get3A_4, %get3A_5, %get3A_6] : memref<2x2000x128xf32, #tpu.memory_space<vmem>>, vector<1x2000x128xf32>
    %get3A_8 = vector.shape_cast %get3A_7 : vector<1x2000x128xf32> to vector<2000x128xf32>
    %get3A_9 = arith.constant 1 : index
    %get3A_10 = arith.constant 0 : index
    %get3A_11 = arith.constant 0 : index
    %get3A_12 = vector.load %arg2[%get3A_9, %get3A_10, %get3A_11] : memref<2x2000x128xf32, #tpu.memory_space<vmem>>, vector<1x2000x128xf32>
    %get3A_13 = vector.shape_cast %get3A_12 : vector<1x2000x128xf32> to vector<2000x128xf32>
    %add3A = arith.addf %get3A_8, %get3A_13 : vector<2000x128xf32>
    %add3A_14 = arith.addf %get3A_3, %add3A : vector<2000x128xf32>
    %get3A_15 = arith.constant 0 : index
    %get3A_16 = arith.constant 0 : index
    %get3A_17 = vector.load %arg3[%get3A_15, %get3A_16] : memref<128x128xf32, #tpu.memory_space<vmem>>, vector<128x128xf32>
    %dot_general3A = arith.constant dense<0.000000e+00> : vector<2000x128xf32>
    %dot_general3A_18 = tpu.matmul %add3A_14, %get3A_17, %dot_general3A {dimension_numbers = #tpu.dot_dimension_numbers<[1], [0], [0], [1], [0, 0, 1, 1], [], []>, transpose_lhs_hint = false} : vector<2000x128xf32>, vector<128x128xf32>, vector<2000x128xf32> -> vector<2000x128xf32>
    %get3A_19 = arith.constant 0 : index
    %get3A_20 = arith.constant 0 : index
    %get3A_21 = vector.load %arg4[%get3A_19, %get3A_20] : memref<1x128xf32, #tpu.memory_space<vmem>>, vector<1x128xf32>
    %add3A_22 = vector.broadcast %get3A_21 : vector<1x128xf32> to vector<2000x128xf32>
    %add3A_23 = arith.addf %dot_general3A_18, %add3A_22 : vector<2000x128xf32>
    %get3A_24 = arith.constant 0 : index
    %get3A_25 = arith.constant 0 : index
    %get3A_26 = arith.constant 0 : index
    %get3A_27 = vector.load %arg5[%get3A_24, %get3A_25, %get3A_26] : memref<1x1x2000xi32, #tpu.memory_space<vmem>>, vector<1x1x2000xi32>
    %get3A_28 = vector.shape_cast %get3A_27 : vector<1x1x2000xi32> to vector<1x2000xi32>
    %iota3A = tpu.iota {dimensions = array<i32: 0>} : vector<64x2000xi32>
    %eq3A_29 = vector.broadcast %get3A_28 : vector<1x2000xi32> to vector<64x2000xi32>
    %eq3A_30 = arith.cmpi eq, %eq3A_29, %iota3A : vector<64x2000xi32>
    %convert_element_type3A_31 = arith.extui %eq3A_30 : vector<64x2000xi1> to vector<64x2000xi32>
    %convert_element_type3A_32 = arith.sitofp %convert_element_type3A_31 : vector<64x2000xi32> to vector<64x2000xf32>
    %get3A_33 = arith.constant 0 : index
    %get3A_34 = arith.constant 0 : index
    %get3A_35 = vector.load %arg11[%get3A_33, %get3A_34] : memref<64x128xf32, #tpu.memory_space<vmem>>, vector<64x128xf32>
    %dot_general3A_36 = arith.constant dense<0.000000e+00> : vector<64x128xf32>
    %dot_general3A_37 = tpu.matmul %convert_element_type3A_32, %add3A_23, %dot_general3A_36 {dimension_numbers = #tpu.dot_dimension_numbers<[1], [0], [0], [1], [0, 0, 1, 1], [], []>, precision = #tpu.contract_precision<fp32>, transpose_lhs_hint = false} : vector<64x2000xf32>, vector<2000x128xf32>, vector<64x128xf32> -> vector<64x128xf32>
    %add3A_38 = arith.addf %get3A_35, %dot_general3A_37 : vector<64x128xf32>
    %swap3A = arith.constant 0 : index
    %swap3A_39 = arith.constant 0 : index
    %swap3A_40 = vector.load %arg11[%swap3A, %swap3A_39] : memref<64x128xf32, #tpu.memory_space<vmem>>, vector<64x128xf32>
    tpu.vector_store %arg11[%swap3A, %swap3A_39], %add3A_38 {strides = array<i32>} : memref<64x128xf32, #tpu.memory_space<vmem>>, vector<64x128xf32>,
    %get3A_41 = arith.constant 0 : index
    %get3A_42 = arith.constant 0 : index
    %get3A_43 = vector.load %arg12[%get3A_41, %get3A_42] : memref<64x128xf32, #tpu.memory_space<vmem>>, vector<64x128xf32>
    %broadcast_in_dim3A = arith.constant 1.000000e+00 : f32
    %broadcast_in_dim3A_44 = vector.broadcast %broadcast_in_dim3A : f32 to vector<2000x128xf32>
    %dot_general3A_45 = arith.constant dense<0.000000e+00> : vector<64x128xf32>
    %dot_general3A_46 = tpu.matmul %convert_element_type3A_32, %broadcast_in_dim3A_44, %dot_general3A_45 {dimension_numbers = #tpu.dot_dimension_numbers<[1], [0], [0], [1], [0, 0, 1, 1], [], []>, precision = #tpu.contract_precision<fp32>, transpose_lhs_hint = false} : vector<64x2000xf32>, vector<2000x128xf32>, vector<64x128xf32> -> vector<64x128xf32>
    %add3A_47 = arith.addf %get3A_43, %dot_general3A_46 : vector<64x128xf32>
    %swap3A_48 = arith.constant 0 : index
    %swap3A_49 = arith.constant 0 : index
    %swap3A_50 = vector.load %arg12[%swap3A_48, %swap3A_49] : memref<64x128xf32, #tpu.memory_space<vmem>>, vector<64x128xf32>
    tpu.vector_store %arg12[%swap3A_48, %swap3A_49], %add3A_47 {strides = array<i32>} : memref<64x128xf32, #tpu.memory_space<vmem>>, vector<64x128xf32>,
    %eq3A_51 = arith.constant 4 : i32
    %eq3A_52 = arith.cmpi eq, %arg0, %eq3A_51 : i32
    %convert_element_type3A_53 = arith.extui %eq3A_52 : i1 to i32
    %cond3A_54 = arith.constant 0 : i32
    %cond3A_55 = arith.cmpi ne, %convert_element_type3A_53, %cond3A_54 : i32
    scf.if %cond3A_55 {
      %get3A_56 = arith.constant 0 : index
      %get3A_57 = arith.constant 0 : index
      %get3A_58 = vector.load %arg11[%get3A_56, %get3A_57] : memref<64x128xf32, #tpu.memory_space<vmem>>, vector<64x128xf32>
      %get3A_59 = arith.constant 0 : index
      %get3A_60 = arith.constant 0 : index
      %get3A_61 = vector.load %arg12[%get3A_59, %get3A_60] : memref<64x128xf32, #tpu.memory_space<vmem>>, vector<64x128xf32>
      %max3A = arith.constant 1.000000e+00 : f32
      %max3A_62 = vector.broadcast %max3A : f32 to vector<64x128xf32>
      %max3A_63 = arith.maximumf %get3A_61, %max3A_62 : vector<64x128xf32>
      %div3A = arith.divf %get3A_58, %max3A_63 : vector<64x128xf32>
      %get3A_64 = arith.constant 0 : index
      %get3A_65 = arith.constant 0 : index
      %get3A_66 = vector.load %arg6[%get3A_64, %get3A_65] : memref<128x128xf32, #tpu.memory_space<vmem>>, vector<128x128xf32>
      %dot_general3A_67 = arith.constant dense<0.000000e+00> : vector<64x128xf32>
      %dot_general3A_68 = tpu.matmul %div3A, %get3A_66, %dot_general3A_67 {dimension_numbers = #tpu.dot_dimension_numbers<[1], [0], [0], [1], [0, 0, 1, 1], [], []>, transpose_lhs_hint = false} : vector<64x128xf32>, vector<128x128xf32>, vector<64x128xf32> -> vector<64x128xf32>
      %get3A_69 = arith.constant 0 : index
      %get3A_70 = arith.constant 0 : index
      %get3A_71 = vector.load %arg7[%get3A_69, %get3A_70] : memref<1x128xf32, #tpu.memory_space<vmem>>, vector<1x128xf32>
      %add3A_72 = vector.broadcast %get3A_71 : vector<1x128xf32> to vector<64x128xf32>
      %add3A_73 = arith.addf %dot_general3A_68, %add3A_72 : vector<64x128xf32>
      %max3A_74 = arith.constant 0.000000e+00 : f32
      %max3A_75 = vector.broadcast %max3A_74 : f32 to vector<64x128xf32>
      %max3A_76 = arith.maximumf %add3A_73, %max3A_75 : vector<64x128xf32>
      %get3A_77 = arith.constant 0 : index
      %get3A_78 = arith.constant 0 : index
      %get3A_79 = vector.load %arg8[%get3A_77, %get3A_78] : memref<128x1xf32, #tpu.memory_space<vmem>>, vector<128x1xf32>
      %dot_general3A_80 = arith.constant dense<0.000000e+00> : vector<64x1xf32>
      %dot_general3A_81 = tpu.matmul %max3A_76, %get3A_79, %dot_general3A_80 {dimension_numbers = #tpu.dot_dimension_numbers<[1], [0], [0], [1], [0, 0, 1, 1], [], []>, transpose_lhs_hint = false} : vector<64x128xf32>, vector<128x1xf32>, vector<64x1xf32> -> vector<64x1xf32>
      %get3A_82 = arith.constant 0 : index
      %get3A_83 = arith.constant 0 : index
      %get3A_84 = vector.load %arg9[%get3A_82, %get3A_83] : memref<1x1xf32, #tpu.memory_space<vmem>>, vector<1x1xf32>
      %add3A_85 = vector.broadcast %get3A_84 : vector<1x1xf32> to vector<64x1xf32>
      %add3A_86 = arith.addf %dot_general3A_81, %add3A_85 : vector<64x1xf32>
      %swap3A_87 = arith.constant 0 : index
      %swap3A_88 = arith.constant 0 : index
      %swap3A_89 = vector.load %arg10[%swap3A_87, %swap3A_88] : memref<64x1xf32, #tpu.memory_space<vmem>>, vector<64x1xf32>
      tpu.vector_store %arg10[%swap3A_87, %swap3A_88], %add3A_86 {strides = array<i32>} : memref<64x1xf32, #tpu.memory_space<vmem>>, vector<64x1xf32>,
    } else {
    }
    return
  }
  func.func @transform_0(%arg0: i32) -> (i32, i32) {
    %c0_i32 = arith.constant 0 : i32
    %c0_i32_0 = arith.constant 0 : i32
    return %arg0, %c0_i32 : i32, i32
  }
  func.func @transform_1(%arg0: i32) -> (i32, i32, i32) {
    %c0_i32 = arith.constant 0 : i32
    %c0_i32_0 = arith.constant 0 : i32
    %c0_i32_1 = arith.constant 0 : i32
    return %c0_i32, %arg0, %c0_i32_0 : i32, i32, i32
  }
  func.func @transform_2(%arg0: i32) -> (i32, i32) {
    %c0_i32 = arith.constant 0 : i32
    %c0_i32_0 = arith.constant 0 : i32
    %c0_i32_1 = arith.constant 0 : i32
    return %c0_i32, %c0_i32_0 : i32, i32
  }
  func.func @transform_3(%arg0: i32) -> (i32, i32) {
    %c0_i32 = arith.constant 0 : i32
    %c0_i32_0 = arith.constant 0 : i32
    %c0_i32_1 = arith.constant 0 : i32
    return %c0_i32, %c0_i32_0 : i32, i32
  }
  func.func @transform_4(%arg0: i32) -> (i32, i32, i32) {
    %c0_i32 = arith.constant 0 : i32
    %c0_i32_0 = arith.constant 0 : i32
    %c0_i32_1 = arith.constant 0 : i32
    return %arg0, %c0_i32, %c0_i32_0 : i32, i32, i32
  }
  func.func @transform_5(%arg0: i32) -> (i32, i32) {
    %c0_i32 = arith.constant 0 : i32
    %c0_i32_0 = arith.constant 0 : i32
    %c0_i32_1 = arith.constant 0 : i32
    return %c0_i32, %c0_i32_0 : i32, i32
  }
  func.func @transform_6(%arg0: i32) -> (i32, i32) {
    %c0_i32 = arith.constant 0 : i32
    %c0_i32_0 = arith.constant 0 : i32
    %c0_i32_1 = arith.constant 0 : i32
    return %c0_i32, %c0_i32_0 : i32, i32
  }
  func.func @transform_7(%arg0: i32) -> (i32, i32) {
    %c0_i32 = arith.constant 0 : i32
    %c0_i32_0 = arith.constant 0 : i32
    %c0_i32_1 = arith.constant 0 : i32
    return %c0_i32, %c0_i32_0 : i32, i32
  }
  func.func @transform_8(%arg0: i32) -> (i32, i32) {
    %c0_i32 = arith.constant 0 : i32
    %c0_i32_0 = arith.constant 0 : i32
    %c0_i32_1 = arith.constant 0 : i32
    return %c0_i32, %c0_i32_0 : i32, i32
  }
  func.func @transform_9(%arg0: i32) -> (i32, i32) {
    %c0_i32 = arith.constant 0 : i32
    %c0_i32_0 = arith.constant 0 : i32
    %c0_i32_1 = arith.constant 0 : i32
    return %c0_i32, %c0_i32_0 : i32, i32
  }
}

</mosaic_0001>

<sc_bundles>
// kernel: kernel.10.cloned.1.call-start
scs
__scs_entry_jumppad:
0x0: {  	(pc) =	sbr.rel $0x88, $3  }
0x1: {  	(tag) =	ssettag $0x0;
	lr =	simm.s32 $0x1  }
0x2: {  	[smem:$0x3F92] =	sst lr;
	_ =	strace $0xD0000000  }
0x3: {  	_ = 	snop  }
0x4: {  	_ = 	snop  }
0x5: {  	_ = 	snop  }
0x6: {  	_ = 	snop  }
0x7: {  	_ = 	snop  }
__scs_overlays_trampoline_lowered:
0x8: {  	[smem:$0x3FA1] =	sst s0  }
0x9: {  	[smem:$0x3FA2] =	sst s1  }
0xa: {  	[smem:$0x3FA3] =	sst s2  }
0xb: {  	[smem:$0x3FA4] =	sst s3  }
0xc: {  	[smem:$0x3FA5] =	sst s4  }
0xd: {  	[smem:$0x3FA6] =	sst s5  }
0xe: {  	[smem:$0x3FA7] =	sst s6  }
0xf: {  	[smem:$0x3FA8] =	sst s7  }
0x10: {  	[smem:$0x3FA9] =	sst s8  }
0x11: {  	[smem:$0x3FAA] =	sst s9;
	s0 =	simm.s32 @!p0 $0x0  }
0x12: {  	s1 =	sld [smem:$0x3F90];
	s0 =	simm.s32 @p0 $0x1  }
0x13: {  	[smem:$0x3FAB] =	sst s0;
	s0 =	simm.s32 @!p1 $0x0  }
0x14: {  	s2 =	sld [smem:$0x3F8F];
	s0 =	simm.s32 @p1 $0x1  }
0x15: {  	[smem:$0x3FAC] =	sst s0;
	s0 =	simm.s32 @!p2 $0x0  }
0x16: {  	s3 =	sld [smem:$0x3FDB];
	s0 =	simm.s32 @p2 $0x1  }
0x17: {  	s4 =	simm.s32 $0x1BF5;
	[smem:$0x3FAE] =	sst s0  }
0x18: {  	s0 =	sld [smem:$0x3F91];
	_ =	swait.ge [sflag:s4], $0x0  }
0x19: {  	s7 =	sld [smem:$0x3F92]  }
0x1a: {  	s8 =	sadd.s32 $0xFFFFE003, lr  }
0x1b: {  	s9 =	sadd.s32 $0xFFFFFEF7, lr;
	s5 =	simm.s32 $0xFFFFFFFF;
	p2 =	slt.u32 s8, $0xFFFFF086  }
0x1c: {  	p1 =	slt.u32 s9, $0xF7A;
	s5 =	simm.s32 @!p2 $0x0  }
0x1d: {  	s5 =	simm.s32 @p1 $0x1;
	p0 =	seq.s32 s7, s2  }
0x1e: {  	s7 =	smul.u32 @!p0 $0xF7A, s2;
	p2 =	seq.s32 @!p0 s5, $0x0  }
0x1f: {  	s9 =	smul.u32 $0xF7A, s1;
	s8 =	simm.s32 @!p0 $0x1BF5;
	p2 =	por !p2, p0  }
0x20: {  	[sflag:s8] =	ssyncset.s32 @!p0 $0xFFFFF086;
	s6 =	sadd.s32 @!p0 s3, s7;
	s7 =	simm.s32 @!p0 $0x108  }
0x21: {  	s3 =	sadd.s32 s3, s9;
	s6 =	sadd.s32 @!p0 $0x88, s6;
	s7 =	simm.s32 @p2 $0x1082  }
0x22: {  	[simem:s7], [sflag:s8] =	dma.local @!p0 [hbm:s6], $0xF7A  }
0x23: {  	s9 =	sor.u32 $0xD0000000, s2;
	s6 =	simm.s32 $0x108;
	_ =	swait.ge @!p0 [sflag:s8], $0x0  }
0x24: {  	s3 =	sadd.s32 $0x88, s3;
	s6 =	simm.s32 @!p1 $0x1082;
	[sflag:s4] =	ssyncset.s32 $0xFFFFF086  }
0x25: {  	[simem:s6], [sflag:s4] =	dma.local [hbm:s3], $0xF7A  }
0x26: {  	[smem:$0x3F92] =	sst s1;
	(tag) =	ssettag s2;
	_ =	strace s9  }
0x27: {  	s1 =	sld [smem:$0x3FA2]  }
0x28: {  	s2 =	sld [smem:$0x3FA3]  }
0x29: {  	s4 =	sld [smem:$0x3FA5]  }
0x2a: {  	p0 =	seq.s32 s5, $0x0;
	s5 =	sld [smem:$0x3FA6]  }
0x2b: {  	s6 =	sld [smem:$0x3FA7]  }
0x2c: {  	s7 =	sld [smem:$0x3FA8]  }
0x2d: {  	s3 =	simm.s32 $0x108;
	s8 =	sld [smem:$0x3FA9]  }
0x2e: {  	s3 =	simm.s32 @!p0 $0x1082;
	s9 =	sld [smem:$0x3FAA]  }
0x2f: {  	lr =	sadd.s32 s0, s3;
	s0 =	sld [smem:$0x3FA1]  }
0x30: {  	s3 =	sld [smem:$0x3FA4]  }
0x31: {  	[smem:$0x3FAD] =	sst s10  }
0x32: {  	s10 =	sld [smem:$0x3FAB];
	_ =	sdelay $0x3  }
0x33: {  	p0 =	seq.s32 s10, $0x1;
	s10 =	sld [smem:$0x3FAD];
	_ =	sdelay $0x3  }
0x34: {  	[smem:$0x3FAD] =	sst s10  }
0x35: {  	s10 =	sld [smem:$0x3FAC];
	_ =	sdelay $0x3  }
0x36: {  	p1 =	seq.s32 s10, $0x1;
	s10 =	sld [smem:$0x3FAD];
	_ =	sdelay $0x3  }
0x37: {  	[smem:$0x3FAD] =	sst s10  }
0x38: {  	s10 =	sld [smem:$0x3FAE]  }
0x39: {  	_ = 	snop;
	(pc) =	sbr.ind lr, $3  }
0x3a: {  	_ = 	snop  }
0x3b: {  	_ = 	snop  }
0x3c: {  	p2 =	seq.s32 s10, $0x1;
	s10 =	sld [smem:$0x3FAD]  }
0x3d: {  	_ =	shalt  }
0x3e: {  	_ =	shalt  }
0x3f: {  	_ =	shalt  }
0x40: {  	_ =	shalt  }
0x41: {  	_ =	shalt  }
0x42: {  	_ =	shalt  }
0x43: {  	_ =	shalt  }
0x44: {  	_ =	shalt  }
0x45: {  	_ =	shalt  }
0x46: {  	_ =	shalt  }
0x47: {  	_ =	shalt  }
0x48: {  	_ =	shalt  }
0x49: {  	_ =	shalt  }
0x4a: {  	_ =	shalt  }
0x4b: {  	_ =	shalt  }
0x4c: {  	_ =	shalt  }
0x4d: {  	_ =	shalt  }
0x4e: {  	_ =	shalt  }
0x4f: {  	_ =	shalt  }
0x50: {  	_ =	shalt  }
0x51: {  	_ =	shalt  }
0x52: {  	_ =	shalt  }
0x53: {  	_ =	shalt  }
0x54: {  	_ =	shalt  }
0x55: {  	_ =	shalt  }
0x56: {  	_ =	shalt  }
0x57: {  	_ =	shalt  }
0x58: {  	_ =	shalt  }
0x59: {  	_ =	shalt  }
0x5a: {  	_ =	shalt  }
0x5b: {  	_ =	shalt  }
0x5c: {  	_ =	shalt  }
0x5d: {  	_ =	shalt  }
0x5e: {  	_ =	shalt  }
0x5f: {  	_ =	shalt  }
0x60: {  	_ =	shalt  }
0x61: {  	_ =	shalt  }
0x62: {  	_ =	shalt  }
0x63: {  	_ =	shalt  }
0x64: {  	_ =	shalt  }
0x65: {  	_ =	shalt  }
0x66: {  	_ =	shalt  }
0x67: {  	_ =	shalt  }
0x68: {  	_ =	shalt  }
0x69: {  	_ =	shalt  }
0x6a: {  	_ =	shalt  }
0x6b: {  	_ =	shalt  }
0x6c: {  	_ =	shalt  }
0x6d: {  	_ =	shalt  }
0x6e: {  	_ =	shalt  }
0x6f: {  	_ =	shalt  }
0x70: {  	_ =	shalt  }
0x71: {  	_ =	shalt  }
0x72: {  	_ =	shalt  }
0x73: {  	_ =	shalt  }
0x74: {  	_ =	shalt  }
0x75: {  	_ =	shalt  }
0x76: {  	_ =	shalt  }
0x77: {  	_ =	shalt  }
0x78: {  	_ =	shalt  }
0x79: {  	_ =	shalt  }
0x7a: {  	_ =	shalt  }
0x7b: {  	_ =	shalt  }
0x7c: {  	_ =	shalt  }
0x7d: {  	_ =	shalt  }
0x7e: {  	_ =	shalt  }
0x7f: {  	_ =	shalt  }
0x80: {  	_ =	shalt  }
0x81: {  	_ =	shalt  }
0x82: {  	_ =	shalt  }
0x83: {  	_ =	shalt  }
0x84: {  	_ =	shalt  }
0x85: {  	_ =	shalt  }
0x86: {  	_ =	shalt  }
0x87: {  	_ =	shalt  }
.Lfunc_end0:
.L_simem_size_0:
called_computation_lowered:
.L_overlay_start_0:
0x88: {  	s2 =	sld [smem:$0x3FD9]  }
0x89: {  	s3 =	sld [smem:$0x3FFE];
	_ =	sdelay $0x1  }
0x8a: {  	s1 =	srdreg.scid  }
0x8b: {  	s0 =	sand.u32 $0x1, s1  }
0x8c: {  	s17 =	sshll.u32 s0, $0xA;
	s2 =	sadd.s32 s3, s2  }
0x8d: {  	s2 =	sadd.s32 s2, s17  }
0x8e: {  	[smem:$0x3FB9] =	sst s2  }
0x8f: {  	_ = 	snop  }
0x90: {  	s2 =	sld [smem:$0x3FC5];
	(tm) =	ssettm $0x1  }
0x91: {  	s18 =	sld [smem:$0x3FFB];
	_ =	sdelay $0x3  }
0x92: {  	_ =	strace s18  }
0x93: {  	s3 =	sld [smem:$0x3FFC];
	_ =	sdelay $0x3  }
0x94: {  	_ =	strace s3  }
0x95: {  	s3 =	sld [smem:$0x3FFD];
	_ =	sdelay $0x3  }
0x96: {  	_ =	strace s3  }
0x97: {  	_ =	strace $0x8FFFFFFF  }
0x98: {  	s19 =	sld [smem:$0x3FDB];
	_ =	sdelay $0x1  }
0x99: {  	s4 =	simm.s32 $_scs_section_size  }
0x9a: {  	s5 =	simm.s32 $_size__tile_overlayer_lowered;
	s6 =	simm.s32 $_tile_overlayer_lowered  }
0x9b: {  	s22 =	simm.s32 $0x1BFF;
	s21 =	sshll.u32 s6, $0x1;
	s3 =	sadd.s32 s4, s19  }
0x9c: {  	s7 =	simm.s32 $0x0;
	s20 =	sshll.u32 s5, $0x1;
	s5 =	sadd.s32 s21, s3  }
0x9d: {  	[timem:s7], [sflag:s22] =	dma.local [hbm:s5], s20  }
0x9e: {  	_ =	swait.ge [sflag:s22], s20  }
0x9f: {  	s4 =	ssub.s32 $0x0, s20;
	[sflag:s22] =	ssyncset.done $0x0  }
0xa0: {  	[sflag:s22] =	ssyncadd.s32 s4;
	_ =	sdelay $0x1  }
0xa1: {  	s23 =	simm.s32 $0x1B8B  }
0xa2: {  	_ =	swait.ge [sflag:s23], $0x1  }
0xa3: {  	[sflag:s23] =	ssyncset.done $0x0  }
0xa4: {  	s25 =	simm.s32 $0x1B8E;
	s24 =	sld [smem:$0x3FFE];
	[sflag:s23] =	ssyncadd.s32 $0xFFFFFFFF  }
0xa5: {  	s26 =	simm.s32 $execute0_lowered;
	[smem:$0x3FD2] =	sst s25  }
0xa6: {  	s5 =	sshll.u32 s26, $0x1;
	_ =	strace $0x80000046;
	[dreg:$0x1] =	wrdreg $0xFFFFFFFF  }
0xa7: {  	s28 =	simm.s32 $_size_execute0_lowered;
	s3 =	sadd.s32 s3, s5;
	[dreg:$0x0] =	wrdreg $0x0  }
0xa8: {  	s5 =	sshll.u32 s28, $0x1;
	[dreg:$0x2] =	wrdreg s3  }
0xa9: {  	[dreg:$0x3] =	wrdreg s5  }
0xaa: {  	[dreg:$0x4] =	wrdreg $0xC0  }
0xab: {  	_ =	task [dreg:s7], $0x5FFFF  }
0xac: {  	[dreg:$0x1] =	wrdreg $0xFFFFFFFF  }
0xad: {  	[dreg:$0x0] =	wrdreg $0x60  }
0xae: {  	[dreg:$0x2] =	wrdreg s24  }
0xaf: {  	[dreg:$0x3] =	wrdreg s2  }
0xb0: {  	[dreg:$0x4] =	wrdreg $0xA  }
0xb1: {  	_ =	task.clear_ibuf [dreg:s7], $0x5FFFF;
	_ =	strace $0x90000046  }
0xb2: {  	s29 =	simm.s32 $0xA;
	_ =	strace $0x80000048  }
0xb3: {  	_ =	swait.ge [sflag:s29], $0x1  }
0xb4: {  	[sflag:s29] =	ssyncadd.s32 $0xFFFFFFFF  }
0xb5: {  	_ =	strace $0x90000048  }
0xb6: {  	_ =	sfence  }
0xb7: {  	s30 =	sld [smem:$0x0];
	_ =	sdelay $0x2  }
0xb8: {  	s31 =	sshll.u32 s1, $0xD;
	s1 =	sshrl.u32 s1, $0x2  }
0xb9: {  	s3 =	sand.u32 $0x4000, s31;
	s1 =	sadd.s32 s1, s30  }
0xba: {  	s0 =	sor.u32 s3, s0;
	s1 =	sshll.u32 s1, $0x11  }
0xbb: {  	s0 =	sor.u32 s1, s0  }
0xbc: {  	s0 =	sadd.s32 $0x8F2B, s0  }
0xbd: {  	[sflag:s0] =	ssyncadd.remote.s32 $0x1  }
0xbe: {  	_ =	sfence.sel $0xFFFF  }
0xbf: {  	[dreg:$0x0] =	wrdreg $0xFFFFFFFF;
	(pc) =	sbr.abs _section_cstart, $3  }
0xc0: {  	[dreg:$0x1] =	wrdreg $0xFFFFFFFF  }
0xc1: {  	_ =	task.clear_ibuf [dreg:s7], $0x2FFFF;
	_ =	strace $0x9FFFFFFF  }
0xc2: {  	(tm) =	ssettm $0x7FFFFFFF  }
0xc3: {  	_ =	shalt  }
tec
execute0_lowered:
.L_overlay_start_1:
0x0: {  	(tag) =	ssettag $0x1  }
0x1: {  	s1 =	srdreg.scid;
	s0 =	stileid.u32  }
0x2: {  	s12 =	rddreg [dreg:$0x0];
	s15 =	sand.u32 $0x1, s1;
	s30 =	sshll.u32 s0, $0x1  }
0x3: {  	s2 =	rddreg [dreg:$0x1];
	s13 =	sor.u32 s15, s30  }
0x4: {  	s3 =	simm.s32 $0x0;
	s1 =	rddreg [dreg:$0x2];
	s4 =	sshll.u32 s13, $0x6  }
0x5: {  	[smem:$0x7FF] =	sst s3;
	s4 =	sadd.s32 s4, s12  }
0x6: {  	_ =	strace $0x80000047;
	s5 =	sadd.s32 $0x4000, s4;
	s4 =	simm.s32 $0x4  }
0x7: {  	[tilespmem:s3], [sflag:$0x4] =	stream.linear.gather [hbm4b:s5+s3], $0x180, $0x38;
	[tilespmem:$0xC200] =	vst v63  }
0x8: {  	_ =	swait.ge [sflag:s4], $0x180  }
0x9: {  	[sflag:s4] =	ssyncset.done $0x0  }
0xa: {  	s6 =	simm.s32 $0x80;
	s7 =	simm.s32 $0x200;
	[sflag:s4] =	ssyncadd.s32 $0xFFFFFE80  }
0xb: {  	[tilespmem:s7], [sflag:$0x1] =	stream.indirect.gather [hbm4b:s2+s6], $0x80, s3, s6, $0xb8;
	[tilespmem:$0xC200] =	vst v63  }
0xc: {  	s8 =	simm.s32 $0x4200  }
0xd: {  	[tilespmem:s8], [sflag:$0x2] =	stream.indirect.gather [hbm4b:s2+s6], $0x80, s6, s6, $0xb8;
	[tilespmem:$0xC200] =	vst v63  }
0xe: {  	s9 =	simm.s32 $0x100;
	s10 =	simm.s32 $0x8200;
	s11 =	simm.s32 $0x1  }
0xf: {  	[tilespmem:s10], [sflag:$0x3] =	stream.indirect.gather [hbm4b:s2+s6], $0x80, s9, s6, $0xb8;
	[tilespmem:$0xC200] =	vst v63  }
0x10: {  	s14 =	smul.u32 $0x1800, s13;
	_ =	swait.ge [sflag:s11], $0x4000  }
0x11: {  	s16 =	sadd.s32 $0x4800, s12;
	[sflag:s11] =	ssyncset.done $0x0  }
0x12: {  	s12 =	sadd.s32 s16, s14;
	[sflag:s11] =	ssyncadd.s32 $0xFFFFC000  }
0x13: {  	[hbm4b:s12+s3] =	stream.linear.scatter [tilespmem:s7], [sflag:$0x4], $0x4000, $0x38;
	[tilespmem:$0xC200] =	vst v63  }
0x14: {  	_ =	swait.ge [sflag:s4], $0x4000  }
0x15: {  	s31 =	smul.u32 $0xC000, s13;
	[sflag:s4] =	ssyncset.done $0x0  }
0x16: {  	s13 =	simm.s32 $0x2;
	[sflag:s4] =	ssyncadd.s32 $0xFFFFC000  }
0x17: {  	s14 =	sshrl.u32 s31, $0x3;
	_ =	swait.ge [sflag:s13], $0x4000  }
0x18: {  	s16 =	sadd.s32 s16, s14;
	[sflag:s13] =	ssyncset.done $0x0  }
0x19: {  	s17 =	ssub.s32 $0x2, s15;
	s14 =	sadd.s32 $0x800, s16;
	[sflag:s13] =	ssyncadd.s32 $0xFFFFC000  }
0x1a: {  	[hbm4b:s14+s3] =	stream.linear.scatter [tilespmem:s8], [sflag:$0x4], $0x4000, $0x38;
	[tilespmem:$0xC200] =	vst v63  }
0x1b: {  	s18 =	sshrl.u32 s17, $0x1;
	_ =	swait.ge [sflag:s4], $0x4000  }
0x1c: {  	s17 =	ssub.s32 s17, s18;
	[sflag:s4] =	ssyncset.done $0x0  }
0x1d: {  	s15 =	simm.s32 $0x3;
	s17 =	smax.u32 s17, $0x1;
	[sflag:s4] =	ssyncadd.s32 $0xFFFFC000  }
0x1e: {  	p0 =	sne.s32 s17, $0x1;
	_ =	swait.ge [sflag:s15], $0x4000  }
.Ltmp0:
0x1f: {  	[sflag:s15] =	ssyncset.done $0x0;
	(pc) =	sbr.rel @!p0 .LBB2_2-.Ltmp0, $4  }
0x20: {  	s16 =	sadd.s32 $0x1000, s16;
	[sflag:s15] =	ssyncadd.s32 $0xFFFFC000  }
0x21: {  	[hbm4b:s16+s3] =	stream.linear.scatter [tilespmem:s10], [sflag:$0x4], $0x4000, $0x38;
	[tilespmem:$0xC200] =	vst v63  }
0x22: {  	_ =	swait.ge [sflag:s4], $0x4000  }
0x23: {  	s17 =	sadd.s32 $0xFFFFFFFF, s17;
	[sflag:s4] =	ssyncset.done $0x0  }
.LBB2_1:
0x24: {  	p0 =	sne.s32 s17, $0x1;
	s17 =	sadd.s32 $0xFFFFFFFF, s17;
	[sflag:s4] =	ssyncadd.s32 $0xFFFFC000  }
0x25: {  	[tilespmem:s3], [sflag:$0x4] =	stream.linear.gather [hbm4b:s5+s3], $0x180, $0x38;
	[tilespmem:$0xC200] =	vst v63  }
0x26: {  	_ =	swait.ge [sflag:s4], $0x180  }
0x27: {  	[sflag:s4] =	ssyncset.done $0x0  }
0x28: {  	[sflag:s4] =	ssyncadd.s32 $0xFFFFFE80  }
0x29: {  	[tilespmem:s7], [sflag:$0x1] =	stream.indirect.gather [hbm4b:s2+s6], $0x80, s3, s6, $0xb8;
	[tilespmem:$0xC200] =	vst v63  }
0x2a: {  	_ = 	snop  }
0x2b: {  	[tilespmem:s8], [sflag:$0x2] =	stream.indirect.gather [hbm4b:s2+s6], $0x80, s6, s6, $0xb8;
	[tilespmem:$0xC200] =	vst v63  }
0x2c: {  	_ = 	snop  }
0x2d: {  	[tilespmem:s10], [sflag:$0x3] =	stream.indirect.gather [hbm4b:s2+s6], $0x80, s9, s6, $0xb8;
	[tilespmem:$0xC200] =	vst v63  }
0x2e: {  	_ =	swait.ge [sflag:s11], $0x4000  }
0x2f: {  	[sflag:s11] =	ssyncset.done $0x0  }
0x30: {  	[sflag:s11] =	ssyncadd.s32 $0xFFFFC000  }
0x31: {  	[hbm4b:s12+s3] =	stream.linear.scatter [tilespmem:s7], [sflag:$0x4], $0x4000, $0x38;
	[tilespmem:$0xC200] =	vst v63  }
0x32: {  	_ =	swait.ge [sflag:s4], $0x4000  }
0x33: {  	[sflag:s4] =	ssyncset.done $0x0  }
0x34: {  	[sflag:s4] =	ssyncadd.s32 $0xFFFFC000  }
0x35: {  	_ =	swait.ge [sflag:s13], $0x4000  }
0x36: {  	[sflag:s13] =	ssyncset.done $0x0  }
0x37: {  	[sflag:s13] =	ssyncadd.s32 $0xFFFFC000  }
0x38: {  	[hbm4b:s14+s3] =	stream.linear.scatter [tilespmem:s8], [sflag:$0x4], $0x4000, $0x38;
	[tilespmem:$0xC200] =	vst v63  }
0x39: {  	_ =	swait.ge [sflag:s4], $0x4000  }
0x3a: {  	[sflag:s4] =	ssyncset.done $0x0  }
0x3b: {  	[sflag:s4] =	ssyncadd.s32 $0xFFFFC000  }
0x3c: {  	_ =	swait.ge [sflag:s15], $0x4000  }
.Ltmp1:
0x3d: {  	[sflag:s15] =	ssyncset.done $0x0;
	(pc) =	sbr.rel @p0 .LBB2_1-.Ltmp1, $4  }
0x3e: {  	[sflag:s15] =	ssyncadd.s32 $0xFFFFC000  }
0x3f: {  	[hbm4b:s16+s3] =	stream.linear.scatter [tilespmem:s10], [sflag:$0x4], $0x4000, $0x38;
	[tilespmem:$0xC200] =	vst v63  }
0x40: {  	_ =	swait.ge [sflag:s4], $0x4000  }
0x41: {  	[sflag:s4] =	ssyncset.done $0x0  }
.LBB2_2:
0x42: {  	[sflag:s4] =	ssyncadd.s32 $0xFFFFC000  }
0x43: {  	_ =	sfence.sel $0x180000  }
0x44: {  	[bflag:$0x0] =	sbarrier.arrive $0xFFFF  }
0x45: {  	p0 =	sne.s32 s0, $0x0;
	_ =	strace $0x90000047  }
0x46: {  	s0 =	sadd.s32 @!p0 $0x100000, s1;
	[bflag:$0x2] =	sbarrier.arrive $0xFFFF  }
0x47: {  	[sflag:s0] =	ssyncadd.tile.s32 @!p0 $0x1;
	_ =	shalt  }
.Lfunc_end2:
_tile_overlayer_lowered:
.L_overlay_start_2:
0x48: {  	(tag) =	ssettag $0x2  }
0x49: {  	s0 =	rddreg [dreg:$0x0];
	s2 =	stileid.u32  }
0x4a: {  	s1 =	rddreg [dreg:$0x1];
	p0 =	sne.s32 s2, $0x0  }
0x4b: {  	s3 =	rddreg [dreg:$0x2];
	[bflag:$0x3] =	sbarrier.arrive $0xFFFF;
	s2 =	simm.s32 @!p0 $0x1C04  }
0x4c: {  	[timem:s3], [sflag:s2] =	dma.local @!p0 [hbm:s0], s1  }
0x4d: {  	s0 =	simm.s32 @!p0 $0x4  }
0x4e: {  	_ =	swait.ge @!p0 [sflag:s0], s1  }
0x4f: {  	s1 =	ssub.s32 @!p0 $0x0, s1;
	[sflag:s0] =	ssyncset.done @!p0 $0x0  }
0x50: {  	[sflag:s0] =	ssyncadd.s32 @!p0 s1  }
0x51: {  	[bflag:$0x3] =	sbarrier.arrive $0xFFFF  }
0x52: {  	_ =	shalt  }

// kernel: kernel.13.cloned.1.call-start
scs
__scs_entry_jumppad:
0x0: {  	(pc) =	sbr.rel $0x88, $3  }
0x1: {  	(tag) =	ssettag $0x0;
	lr =	simm.s32 $0x1  }
0x2: {  	[smem:$0x3F92] =	sst lr;
	_ =	strace $0xD0000000  }
0x3: {  	_ = 	snop  }
0x4: {  	_ = 	snop  }
0x5: {  	_ = 	snop  }
0x6: {  	_ = 	snop  }
0x7: {  	_ = 	snop  }
__scs_overlays_trampoline_lowered:
0x8: {  	[smem:$0x3FA1] =	sst s0  }
0x9: {  	[smem:$0x3FA2] =	sst s1  }
0xa: {  	[smem:$0x3FA3] =	sst s2  }
0xb: {  	[smem:$0x3FA4] =	sst s3  }
0xc: {  	[smem:$0x3FA5] =	sst s4  }
0xd: {  	[smem:$0x3FA6] =	sst s5  }
0xe: {  	[smem:$0x3FA7] =	sst s6  }
0xf: {  	[smem:$0x3FA8] =	sst s7  }
0x10: {  	[smem:$0x3FA9] =	sst s8  }
0x11: {  	[smem:$0x3FAA] =	sst s9;
	s0 =	simm.s32 @!p0 $0x0  }
0x12: {  	s1 =	sld [smem:$0x3F90];
	s0 =	simm.s32 @p0 $0x1  }
0x13: {  	[smem:$0x3FAB] =	sst s0;
	s0 =	simm.s32 @!p1 $0x0  }
0x14: {  	s2 =	sld [smem:$0x3F8F];
	s0 =	simm.s32 @p1 $0x1  }
0x15: {  	[smem:$0x3FAC] =	sst s0;
	s0 =	simm.s32 @!p2 $0x0  }
0x16: {  	s3 =	sld [smem:$0x3FDB];
	s0 =	simm.s32 @p2 $0x1  }
0x17: {  	s4 =	simm.s32 $0x1BF5;
	[smem:$0x3FAE] =	sst s0  }
0x18: {  	s0 =	sld [smem:$0x3F91];
	_ =	swait.ge [sflag:s4], $0x0  }
0x19: {  	s7 =	sld [smem:$0x3F92]  }
0x1a: {  	s8 =	sadd.s32 $0xFFFFE003, lr  }
0x1b: {  	s9 =	sadd.s32 $0xFFFFFEF7, lr;
	s5 =	simm.s32 $0xFFFFFFFF;
	p2 =	slt.u32 s8, $0xFFFFF086  }
0x1c: {  	p1 =	slt.u32 s9, $0xF7A;
	s5 =	simm.s32 @!p2 $0x0  }
0x1d: {  	s5 =	simm.s32 @p1 $0x1;
	p0 =	seq.s32 s7, s2  }
0x1e: {  	s7 =	smul.u32 @!p0 $0xF7A, s2;
	p2 =	seq.s32 @!p0 s5, $0x0  }
0x1f: {  	s9 =	smul.u32 $0xF7A, s1;
	s8 =	simm.s32 @!p0 $0x1BF5;
	p2 =	por !p2, p0  }
0x20: {  	[sflag:s8] =	ssyncset.s32 @!p0 $0xFFFFF086;
	s6 =	sadd.s32 @!p0 s3, s7;
	s7 =	simm.s32 @!p0 $0x108  }
0x21: {  	s3 =	sadd.s32 s3, s9;
	s6 =	sadd.s32 @!p0 $0x88, s6;
	s7 =	simm.s32 @p2 $0x1082  }
0x22: {  	[simem:s7], [sflag:s8] =	dma.local @!p0 [hbm:s6], $0xF7A  }
0x23: {  	s9 =	sor.u32 $0xD0000000, s2;
	s6 =	simm.s32 $0x108;
	_ =	swait.ge @!p0 [sflag:s8], $0x0  }
0x24: {  	s3 =	sadd.s32 $0x88, s3;
	s6 =	simm.s32 @!p1 $0x1082;
	[sflag:s4] =	ssyncset.s32 $0xFFFFF086  }
0x25: {  	[simem:s6], [sflag:s4] =	dma.local [hbm:s3], $0xF7A  }
0x26: {  	[smem:$0x3F92] =	sst s1;
	(tag) =	ssettag s2;
	_ =	strace s9  }
0x27: {  	s1 =	sld [smem:$0x3FA2]  }
0x28: {  	s2 =	sld [smem:$0x3FA3]  }
0x29: {  	s4 =	sld [smem:$0x3FA5]  }
0x2a: {  	p0 =	seq.s32 s5, $0x0;
	s5 =	sld [smem:$0x3FA6]  }
0x2b: {  	s6 =	sld [smem:$0x3FA7]  }
0x2c: {  	s7 =	sld [smem:$0x3FA8]  }
0x2d: {  	s3 =	simm.s32 $0x108;
	s8 =	sld [smem:$0x3FA9]  }
0x2e: {  	s3 =	simm.s32 @!p0 $0x1082;
	s9 =	sld [smem:$0x3FAA]  }
0x2f: {  	lr =	sadd.s32 s0, s3;
	s0 =	sld [smem:$0x3FA1]  }
0x30: {  	s3 =	sld [smem:$0x3FA4]  }
0x31: {  	[smem:$0x3FAD] =	sst s10  }
0x32: {  	s10 =	sld [smem:$0x3FAB];
	_ =	sdelay $0x3  }
0x33: {  	p0 =	seq.s32 s10, $0x1;
	s10 =	sld [smem:$0x3FAD];
	_ =	sdelay $0x3  }
0x34: {  	[smem:$0x3FAD] =	sst s10  }
0x35: {  	s10 =	sld [smem:$0x3FAC];
	_ =	sdelay $0x3  }
0x36: {  	p1 =	seq.s32 s10, $0x1;
	s10 =	sld [smem:$0x3FAD];
	_ =	sdelay $0x3  }
0x37: {  	[smem:$0x3FAD] =	sst s10  }
0x38: {  	s10 =	sld [smem:$0x3FAE]  }
0x39: {  	_ = 	snop;
	(pc) =	sbr.ind lr, $3  }
0x3a: {  	_ = 	snop  }
0x3b: {  	_ = 	snop  }
0x3c: {  	p2 =	seq.s32 s10, $0x1;
	s10 =	sld [smem:$0x3FAD]  }
0x3d: {  	_ =	shalt  }
0x3e: {  	_ =	shalt  }
0x3f: {  	_ =	shalt  }
0x40: {  	_ =	shalt  }
0x41: {  	_ =	shalt  }
0x42: {  	_ =	shalt  }
0x43: {  	_ =	shalt  }
0x44: {  	_ =	shalt  }
0x45: {  	_ =	shalt  }
0x46: {  	_ =	shalt  }
0x47: {  	_ =	shalt  }
0x48: {  	_ =	shalt  }
0x49: {  	_ =	shalt  }
0x4a: {  	_ =	shalt  }
0x4b: {  	_ =	shalt  }
0x4c: {  	_ =	shalt  }
0x4d: {  	_ =	shalt  }
0x4e: {  	_ =	shalt  }
0x4f: {  	_ =	shalt  }
0x50: {  	_ =	shalt  }
0x51: {  	_ =	shalt  }
0x52: {  	_ =	shalt  }
0x53: {  	_ =	shalt  }
0x54: {  	_ =	shalt  }
0x55: {  	_ =	shalt  }
0x56: {  	_ =	shalt  }
0x57: {  	_ =	shalt  }
0x58: {  	_ =	shalt  }
0x59: {  	_ =	shalt  }
0x5a: {  	_ =	shalt  }
0x5b: {  	_ =	shalt  }
0x5c: {  	_ =	shalt  }
0x5d: {  	_ =	shalt  }
0x5e: {  	_ =	shalt  }
0x5f: {  	_ =	shalt  }
0x60: {  	_ =	shalt  }
0x61: {  	_ =	shalt  }
0x62: {  	_ =	shalt  }
0x63: {  	_ =	shalt  }
0x64: {  	_ =	shalt  }
0x65: {  	_ =	shalt  }
0x66: {  	_ =	shalt  }
0x67: {  	_ =	shalt  }
0x68: {  	_ =	shalt  }
0x69: {  	_ =	shalt  }
0x6a: {  	_ =	shalt  }
0x6b: {  	_ =	shalt  }
0x6c: {  	_ =	shalt  }
0x6d: {  	_ =	shalt  }
0x6e: {  	_ =	shalt  }
0x6f: {  	_ =	shalt  }
0x70: {  	_ =	shalt  }
0x71: {  	_ =	shalt  }
0x72: {  	_ =	shalt  }
0x73: {  	_ =	shalt  }
0x74: {  	_ =	shalt  }
0x75: {  	_ =	shalt  }
0x76: {  	_ =	shalt  }
0x77: {  	_ =	shalt  }
0x78: {  	_ =	shalt  }
0x79: {  	_ =	shalt  }
0x7a: {  	_ =	shalt  }
0x7b: {  	_ =	shalt  }
0x7c: {  	_ =	shalt  }
0x7d: {  	_ =	shalt  }
0x7e: {  	_ =	shalt  }
0x7f: {  	_ =	shalt  }
0x80: {  	_ =	shalt  }
0x81: {  	_ =	shalt  }
0x82: {  	_ =	shalt  }
0x83: {  	_ =	shalt  }
0x84: {  	_ =	shalt  }
0x85: {  	_ =	shalt  }
0x86: {  	_ =	shalt  }
0x87: {  	_ =	shalt  }
.Lfunc_end0:
.L_simem_size_0:
called_computation.1_lowered:
.L_overlay_start_0:
0x88: {  	s2 =	sld [smem:$0x3FD9]  }
0x89: {  	s3 =	sld [smem:$0x3FFE];
	_ =	sdelay $0x1  }
0x8a: {  	s1 =	srdreg.scid  }
0x8b: {  	s0 =	sand.u32 $0x1, s1  }
0x8c: {  	s17 =	sshll.u32 s0, $0xA;
	s2 =	sadd.s32 s3, s2  }
0x8d: {  	s2 =	sadd.s32 s2, s17  }
0x8e: {  	[smem:$0x3FB9] =	sst s2  }
0x8f: {  	_ = 	snop  }
0x90: {  	(tm) =	ssettm $0x1  }
0x91: {  	s18 =	sld [smem:$0x3FFB];
	_ =	sdelay $0x3  }
0x92: {  	_ =	strace s18  }
0x93: {  	s2 =	sld [smem:$0x3FFC];
	_ =	sdelay $0x3  }
0x94: {  	_ =	strace s2  }
0x95: {  	s2 =	sld [smem:$0x3FFD];
	_ =	sdelay $0x3  }
0x96: {  	_ =	strace s2  }
0x97: {  	_ =	strace $0x8FFFFFFF  }
0x98: {  	s19 =	sld [smem:$0x3FDB];
	_ =	sdelay $0x1  }
0x99: {  	s20 =	simm.s32 $_scs_section_size  }
0x9a: {  	s4 =	simm.s32 $_size__tile_overlayer_lowered;
	s5 =	simm.s32 $_tile_overlayer_lowered  }
0x9b: {  	s6 =	simm.s32 $0x1BFF;
	s21 =	sshll.u32 s5, $0x1;
	s3 =	sadd.s32 s20, s19  }
0x9c: {  	s22 =	simm.s32 $0x0;
	s4 =	sshll.u32 s4, $0x1;
	s5 =	sadd.s32 s21, s3  }
0x9d: {  	[timem:s22], [sflag:s6] =	dma.local [hbm:s5], s4  }
0x9e: {  	_ =	swait.ge [sflag:s6], s4  }
0x9f: {  	s4 =	ssub.s32 $0x0, s4;
	[sflag:s6] =	ssyncset.done $0x0  }
0xa0: {  	[sflag:s6] =	ssyncadd.s32 s4;
	_ =	sdelay $0x1  }
0xa1: {  	s23 =	simm.s32 $0x1B8B  }
0xa2: {  	_ =	swait.ge [sflag:s23], $0x1  }
0xa3: {  	[sflag:s23] =	ssyncset.done $0x0  }
0xa4: {  	[sflag:s23] =	ssyncadd.s32 $0xFFFFFFFF  }
0xa5: {  	s4 =	sld [smem:$0x0]  }
0xa6: {  	s5 =	sand.u32 $0xFFFFFFFE, s1  }
0xa7: {  	p0 =	sne.s32 s1, s5  }
0xa8: {  	s5 =	sshll.u32 @p0 s5, $0xE  }
0xa9: {  	s5 =	sadd.s32 @p0 $0x11B8D, s5;
	s6 =	sshll.u32 @p0 s4, $0x11  }
0xaa: {  	s5 =	sor.u32 @p0 s6, s5  }
0xab: {  	[sflag:s5] =	ssyncadd.remote.s32 @p0 $0x1;
	_ =	sdelay $0x1  }
0xac: {  	s5 =	simm.s32 @p0 $0x1B8D  }
0xad: {  	_ =	swait.eq @p0 [sflag:s5], $0x1  }
0xae: {  	[sflag:s5] =	ssyncadd.s32 @p0 $0xFFFFFFFF  }
0xaf: {  	s6 =	sshll.u32 @!p0 s1, $0xE  }
0xb0: {  	s6 =	sor.u32 @!p0 $0x4000, s6;
	s5 =	simm.s32 @!p0 $0x1B8D  }
0xb1: {  	s4 =	sshll.u32 @!p0 s4, $0x11;
	s6 =	sadd.s32 @!p0 $0x11B8D, s6;
	_ =	swait.eq @!p0 [sflag:s5], $0x1  }
0xb2: {  	s4 =	sor.u32 @!p0 s4, s6;
	[sflag:s5] =	ssyncadd.s32 @!p0 $0xFFFFFFFF  }
0xb3: {  	s25 =	simm.s32 $0x1B8E;
	s24 =	sld [smem:$0x3FFE];
	[sflag:s4] =	ssyncadd.remote.s32 @!p0 $0x1  }
0xb4: {  	s26 =	simm.s32 $execute0_lowered;
	[smem:$0x3FD2] =	sst s25  }
0xb5: {  	s5 =	sshll.u32 s26, $0x1;
	_ =	strace $0x8000004C;
	[dreg:$0x1] =	wrdreg $0xFFFFFFFF  }
0xb6: {  	s28 =	simm.s32 $_size_execute0_lowered;
	s3 =	sadd.s32 s3, s5;
	[dreg:$0x0] =	wrdreg $0x0  }
0xb7: {  	s5 =	sshll.u32 s28, $0x1;
	[dreg:$0x2] =	wrdreg s3  }
0xb8: {  	[dreg:$0x3] =	wrdreg s5  }
0xb9: {  	[dreg:$0x4] =	wrdreg $0xC0  }
0xba: {  	_ =	task [dreg:s22], $0x5FFFF  }
0xbb: {  	[dreg:$0x1] =	wrdreg $0xFFFFFFFF  }
0xbc: {  	[dreg:$0x0] =	wrdreg $0x60  }
0xbd: {  	[dreg:$0x2] =	wrdreg s24  }
0xbe: {  	[dreg:$0x3] =	wrdreg $0x90000  }
0xbf: {  	[dreg:$0x4] =	wrdreg $0xA  }
0xc0: {  	_ =	task.clear_ibuf [dreg:s22], $0x5FFFF;
	_ =	strace $0x9000004C  }
0xc1: {  	s29 =	simm.s32 $0xA;
	_ =	strace $0x8000004E  }
0xc2: {  	_ =	swait.ge [sflag:s29], $0x1  }
0xc3: {  	[sflag:s29] =	ssyncadd.s32 $0xFFFFFFFF  }
0xc4: {  	_ =	strace $0x9000004E  }
0xc5: {  	_ =	sfence  }
0xc6: {  	s30 =	sld [smem:$0x0];
	_ =	sdelay $0x2  }
0xc7: {  	s31 =	sshll.u32 s1, $0xD;
	s1 =	sshrl.u32 s1, $0x2  }
0xc8: {  	s4 =	sand.u32 $0x4000, s31;
	s1 =	sadd.s32 s1, s30  }
0xc9: {  	s0 =	sor.u32 s4, s0;
	s1 =	sshll.u32 s1, $0x11  }
0xca: {  	s0 =	sor.u32 s1, s0  }
0xcb: {  	s0 =	sadd.s32 $0x8F2B, s0  }
0xcc: {  	[sflag:s0] =	ssyncadd.remote.s32 $0x1  }
0xcd: {  	_ =	sfence.sel $0xFFFF  }
0xce: {  	[dreg:$0x0] =	wrdreg $0xFFFFFFFF;
	(pc) =	sbr.abs _section_cstart, $3  }
0xcf: {  	[dreg:$0x1] =	wrdreg $0xFFFFFFFF  }
0xd0: {  	_ =	task.clear_ibuf [dreg:s22], $0x2FFFF;
	_ =	strace $0x9FFFFFFF  }
0xd1: {  	(tm) =	ssettm $0x7FFFFFFF  }
tec
execute0_lowered:
.L_overlay_start_1:
0x0: {  	(tag) =	ssettag $0x1  }
0x1: {  	s0 =	rddreg [dreg:$0x0]  }
0x2: {  	s1 =	rddreg [dreg:$0x1];
	s3 =	simm.s32 $0x0;
	s2 =	srdreg.scid  }
0x3: {  	s9 =	stileid.u32;
	s12 =	simm.s32 $0x3;
	s13 =	simm.s32 $0x800  }
0x4: {  	s14 =	simm.s32 $0x80;
	s15 =	simm.s32 $0x1000;
	s16 =	simm.s32 $0x5000  }
0x5: {  	s17 =	simm.s32 $0x1;
	s18 =	simm.s32 $0x2;
	s31 =	simm.s32 $0x580  }
0x6: {  	s11 =	simm.s32 $0xF00;
	s19 =	simm.s32 $0xF80;
	s4 =	smul.u32 $0x90, s9  }
0x7: {  	[smem:$0x7FF] =	sst s3;
	s2 =	sand.u32 $0x1, s2;
	s7 =	smul.u32 $0x13C00, s9  }
0x8: {  	s5 =	sshll.u32 s9, $0x4;
	s8 =	smul.u32 $0x4F000, s9;
	s10 =	sadd.s32 $0x48800, s0  }
0x9: {  	s24 =	sshll.u32 s9, $0x6;
	s9 =	simm.s32 $0xE80;
	p0 =	seq.s32 s2, $0x0  }
0xa: {  	s5 =	sor.u32 $0x900, s5;
	s6 =	smul.u32 $0x13C000, s2;
	_ =	strace $0x8000004D  }
0xb: {  	s21 =	ssub.s32 $0x2, s2;
	[dreg:$0x3] =	wrdreg s10;
	s29 =	sor.u32 $0x1C03, s24  }
0xc: {  	s24 =	simm.s32 $0xC00;
	s10 =	simm.s32 $0x700;
	s5 =	smov.u32 @p0 s4  }
0xd: {  	s4 =	sadd.s32 $0x4800, s0;
	s22 =	sshrl.u32 s21, $0x1;
	s23 =	sshrl.u32 s8, $0x2  }
0xe: {  	p0 =	sne.s32 s2, $0x0;
	[dreg:$0x4] =	wrdreg s29;
	s2 =	simm.s32 $0xD80  }
0xf: {  	s8 =	simm.s32 $0xE00;
	s5 =	sshll.u32 s5, $0x4;
	s6 =	sadd.s32 s7, s6  }
0x10: {  	s7 =	sadd.s32 s23, s1;
	s23 =	simm.s32 $0x480;
	s5 =	sadd.s32 s5, s0  }
0x11: {  	s6 =	sshrl.u32 s6, $0x3;
	s30 =	sshrl.u32 s7, $0x3;
	s7 =	simm.s32 $0x680  }
0x12: {  	s0 =	sadd.s32 s6, s0;
	s6 =	ssub.s32 s21, s22;
	s26 =	sadd.s32 $0x34800, s5  }
0x13: {  	s28 =	sadd.s32 $0x3E800, s5;
	[dreg:$0x9] =	wrdreg s30;
	s21 =	simm.s32 $0xB80  }
0x14: {  	s22 =	simm.s32 $0x400;
	s5 =	simm.s32 $0x600;
	[dreg:$0x7] =	wrdreg s26  }
0x15: {  	s0 =	sadd.s32 $0x9A000, s0;
	s25 =	smax.u32 s6, $0x1;
	[dreg:$0x8] =	wrdreg s28  }
0x16: {  	s26 =	simm.s32 $0x500;
	s6 =	simm.s32 $0x780;
	[dreg:$0x5] =	wrdreg s0  }
0x17: {  	[dreg:$0x6] =	wrdreg s25;
	s0 =	simm.s32 $0x0;
	s25 =	simm.s32 $0xC80  }
.LBB2_1:
0x18: {  	[dreg:$0xa] =	wrdreg s0  }
0x19: {  	s28 =	rddreg [dreg:$0x3]  }
0x1a: {  	[spmem:s30], [sflag:s29] =	dma.local [hbm:s28], $0x2780  }
0x1b: {  	_ =	swait.ge [sflag:s12], $0x2780  }
0x1c: {  	[sflag:s12] =	ssyncset.done $0x0  }
0x1d: {  	[sflag:s12] =	ssyncadd.s32 $0xFFFFD880  }
0x1e: {  	[bflag:$0x0] =	sbarrier.arrive $0xFFFF  }
0x1f: {  	s28 =	rddreg [dreg:$0x8]  }
0x20: {  	s0 =	simm.s32 $0xD00;
	s30 =	simm.s32 $0x0;
	s29 =	rddreg [dreg:$0x7]  }
.LBB2_2:
0x21: {  	[tilespmem:s3], [sflag:$0x3] =	stream.linear.gather [hbm4b:s28+s3], $0x800, $0x38;
	[tilespmem:$0x1CC00] =	vst v63  }
0x22: {  	_ =	swait.ge [sflag:s12], $0x800  }
0x23: {  	[sflag:s12] =	ssyncset.done $0x0  }
0x24: {  	[sflag:s12] =	ssyncadd.s32 $0xFFFFF800  }
0x25: {  	[tilespmem:s13], [sflag:$0x3] =	stream.linear.gather [hbm4b:s29+s3], $0x800, $0x38;
	[tilespmem:$0x1CC00] =	vst v63  }
0x26: {  	_ =	swait.ge [sflag:s12], $0x800  }
0x27: {  	[sflag:s12] =	ssyncset.done $0x0  }
0x28: {  	[sflag:s12] =	ssyncadd.s32 $0xFFFFF800  }
0x29: {  	[tilespmem:s15], [sflag:$0x1] =	stream.indirect.gather [hbm4b:s4+s14], $0x80, s3, s14, $0xb8;
	[tilespmem:$0x1CC00] =	vst v63  }
0x2a: {  	_ = 	snop  }
0x2b: {  	[tilespmem:s16], [sflag:$0x2] =	stream.indirect.gather [hbm4b:s4+s14], $0x80, s14, s14, $0xb8;
	[tilespmem:$0x1CC00] =	vst v63  }
0x2c: {  	_ =	swait.ge [sflag:s17], $0x4000  }
0x2d: {  	[sflag:s17] =	ssyncset.done $0x0  }
0x2e: {  	[sflag:s17] =	ssyncadd.s32 $0xFFFFC000  }
0x2f: {  	[spmem:s1] =	stream.indirect.scatter.add.f32 [tilespmem:s15], [sflag:$0x3], $0x80, s13, s14, $0xb8;
	[tilespmem:$0x1CC00] =	vst v63  }
0x30: {  	_ =	swait.ge [sflag:s12], $0x4000  }
0x31: {  	[sflag:s12] =	ssyncset.done $0x0  }
0x32: {  	[sflag:s12] =	ssyncadd.s32 $0xFFFFC000  }
0x33: {  	_ =	swait.ge [sflag:s18], $0x4000  }
0x34: {  	[sflag:s18] =	ssyncset.done $0x0  }
0x35: {  	s20 =	simm.s32 $0x880;
	[sflag:s18] =	ssyncadd.s32 $0xFFFFC000  }
0x36: {  	[spmem:s1] =	stream.indirect.scatter.add.f32 [tilespmem:s16], [sflag:$0x3], $0x80, s20, s14, $0xb8;
	[tilespmem:$0x1CC00] =	vst v63  }
0x37: {  	_ =	swait.ge [sflag:s12], $0x4000  }
0x38: {  	[sflag:s12] =	ssyncset.done $0x0  }
0x39: {  	s20 =	simm.s32 $0x100;
	[sflag:s12] =	ssyncadd.s32 $0xFFFFC000  }
0x3a: {  	[tilespmem:s15], [sflag:$0x1] =	stream.indirect.gather [hbm4b:s4+s14], $0x80, s20, s14, $0xb8;
	[tilespmem:$0x1CC00] =	vst v63  }
0x3b: {  	s20 =	simm.s32 $0x180  }
0x3c: {  	[tilespmem:s16], [sflag:$0x2] =	stream.indirect.gather [hbm4b:s4+s14], $0x80, s20, s14, $0xb8;
	[tilespmem:$0x1CC00] =	vst v63  }
0x3d: {  	_ =	swait.ge [sflag:s17], $0x4000  }
0x3e: {  	[sflag:s17] =	ssyncset.done $0x0  }
0x3f: {  	s20 =	simm.s32 $0x900;
	[sflag:s17] =	ssyncadd.s32 $0xFFFFC000  }
0x40: {  	[spmem:s1] =	stream.indirect.scatter.add.f32 [tilespmem:s15], [sflag:$0x3], $0x80, s20, s14, $0xb8;
	[tilespmem:$0x1CC00] =	vst v63  }
0x41: {  	_ =	swait.ge [sflag:s12], $0x4000  }
0x42: {  	[sflag:s12] =	ssyncset.done $0x0  }
0x43: {  	[sflag:s12] =	ssyncadd.s32 $0xFFFFC000  }
0x44: {  	_ =	swait.ge [sflag:s18], $0x4000  }
0x45: {  	[sflag:s18] =	ssyncset.done $0x0  }
0x46: {  	s20 =	simm.s32 $0x980;
	[sflag:s18] =	ssyncadd.s32 $0xFFFFC000  }
0x47: {  	[spmem:s1] =	stream.indirect.scatter.add.f32 [tilespmem:s16], [sflag:$0x3], $0x80, s20, s14, $0xb8;
	[tilespmem:$0x1CC00] =	vst v63  }
0x48: {  	_ =	swait.ge [sflag:s12], $0x4000  }
0x49: {  	[sflag:s12] =	ssyncset.done $0x0  }
0x4a: {  	s20 =	simm.s32 $0x200;
	[sflag:s12] =	ssyncadd.s32 $0xFFFFC000  }
0x4b: {  	[tilespmem:s15], [sflag:$0x1] =	stream.indirect.gather [hbm4b:s4+s14], $0x80, s20, s14, $0xb8;
	[tilespmem:$0x1CC00] =	vst v63  }
0x4c: {  	s20 =	simm.s32 $0x280  }
0x4d: {  	[tilespmem:s16], [sflag:$0x2] =	stream.indirect.gather [hbm4b:s4+s14], $0x80, s20, s14, $0xb8;
	[tilespmem:$0x1CC00] =	vst v63  }
0x4e: {  	_ =	swait.ge [sflag:s17], $0x4000  }
0x4f: {  	[sflag:s17] =	ssyncset.done $0x0  }
0x50: {  	s20 =	simm.s32 $0xA00;
	[sflag:s17] =	ssyncadd.s32 $0xFFFFC000  }
0x51: {  	[spmem:s1] =	stream.indirect.scatter.add.f32 [tilespmem:s15], [sflag:$0x3], $0x80, s20, s14, $0xb8;
	[tilespmem:$0x1CC00] =	vst v63  }
0x52: {  	_ =	swait.ge [sflag:s12], $0x4000  }
0x53: {  	[sflag:s12] =	ssyncset.done $0x0  }
0x54: {  	[sflag:s12] =	ssyncadd.s32 $0xFFFFC000  }
0x55: {  	_ =	swait.ge [sflag:s18], $0x4000  }
0x56: {  	[sflag:s18] =	ssyncset.done $0x0  }
0x57: {  	s20 =	simm.s32 $0xA80;
	[sflag:s18] =	ssyncadd.s32 $0xFFFFC000  }
0x58: {  	[spmem:s1] =	stream.indirect.scatter.add.f32 [tilespmem:s16], [sflag:$0x3], $0x80, s20, s14, $0xb8;
	[tilespmem:$0x1CC00] =	vst v63  }
0x59: {  	_ =	swait.ge [sflag:s12], $0x4000  }
0x5a: {  	[sflag:s12] =	ssyncset.done $0x0  }
0x5b: {  	s20 =	simm.s32 $0x300;
	[sflag:s12] =	ssyncadd.s32 $0xFFFFC000  }
0x5c: {  	[tilespmem:s15], [sflag:$0x1] =	stream.indirect.gather [hbm4b:s4+s14], $0x80, s20, s14, $0xb8;
	[tilespmem:$0x1CC00] =	vst v63  }
0x5d: {  	s20 =	simm.s32 $0x380  }
0x5e: {  	[tilespmem:s16], [sflag:$0x2] =	stream.indirect.gather [hbm4b:s4+s14], $0x80, s20, s14, $0xb8;
	[tilespmem:$0x1CC00] =	vst v63  }
0x5f: {  	_ =	swait.ge [sflag:s17], $0x4000  }
0x60: {  	[sflag:s17] =	ssyncset.done $0x0  }
0x61: {  	s20 =	simm.s32 $0xB00;
	[sflag:s17] =	ssyncadd.s32 $0xFFFFC000  }
0x62: {  	[spmem:s1] =	stream.indirect.scatter.add.f32 [tilespmem:s15], [sflag:$0x3], $0x80, s20, s14, $0xb8;
	[tilespmem:$0x1CC00] =	vst v63  }
0x63: {  	_ =	swait.ge [sflag:s12], $0x4000  }
0x64: {  	[sflag:s12] =	ssyncset.done $0x0  }
0x65: {  	[sflag:s12] =	ssyncadd.s32 $0xFFFFC000  }
0x66: {  	_ =	swait.ge [sflag:s18], $0x4000  }
0x67: {  	[sflag:s18] =	ssyncset.done $0x0  }
0x68: {  	[sflag:s18] =	ssyncadd.s32 $0xFFFFC000  }
0x69: {  	[spmem:s1] =	stream.indirect.scatter.add.f32 [tilespmem:s16], [sflag:$0x3], $0x80, s21, s14, $0xb8;
	[tilespmem:$0x1CC00] =	vst v63  }
0x6a: {  	_ =	swait.ge [sflag:s12], $0x4000  }
0x6b: {  	[sflag:s12] =	ssyncset.done $0x0  }
0x6c: {  	[sflag:s12] =	ssyncadd.s32 $0xFFFFC000  }
0x6d: {  	[tilespmem:s15], [sflag:$0x1] =	stream.indirect.gather [hbm4b:s4+s14], $0x80, s22, s14, $0xb8;
	[tilespmem:$0x1CC00] =	vst v63  }
0x6e: {  	_ = 	snop  }
0x6f: {  	[tilespmem:s16], [sflag:$0x2] =	stream.indirect.gather [hbm4b:s4+s14], $0x80, s23, s14, $0xb8;
	[tilespmem:$0x1CC00] =	vst v63  }
0x70: {  	_ =	swait.ge [sflag:s17], $0x4000  }
0x71: {  	[sflag:s17] =	ssyncset.done $0x0  }
0x72: {  	[sflag:s17] =	ssyncadd.s32 $0xFFFFC000  }
0x73: {  	[spmem:s1] =	stream.indirect.scatter.add.f32 [tilespmem:s15], [sflag:$0x3], $0x80, s24, s14, $0xb8;
	[tilespmem:$0x1CC00] =	vst v63  }
0x74: {  	_ =	swait.ge [sflag:s12], $0x4000  }
0x75: {  	[sflag:s12] =	ssyncset.done $0x0  }
0x76: {  	[sflag:s12] =	ssyncadd.s32 $0xFFFFC000  }
0x77: {  	_ =	swait.ge [sflag:s18], $0x4000  }
0x78: {  	[sflag:s18] =	ssyncset.done $0x0  }
0x79: {  	[sflag:s18] =	ssyncadd.s32 $0xFFFFC000  }
0x7a: {  	[spmem:s1] =	stream.indirect.scatter.add.f32 [tilespmem:s16], [sflag:$0x3], $0x80, s25, s14, $0xb8;
	[tilespmem:$0x1CC00] =	vst v63  }
0x7b: {  	_ =	swait.ge [sflag:s12], $0x4000  }
0x7c: {  	[sflag:s12] =	ssyncset.done $0x0  }
0x7d: {  	[sflag:s12] =	ssyncadd.s32 $0xFFFFC000  }
0x7e: {  	[tilespmem:s15], [sflag:$0x1] =	stream.indirect.gather [hbm4b:s4+s14], $0x80, s26, s14, $0xb8;
	[tilespmem:$0x1CC00] =	vst v63  }
0x7f: {  	_ = 	snop  }
0x80: {  	[tilespmem:s16], [sflag:$0x2] =	stream.indirect.gather [hbm4b:s4+s14], $0x80, s31, s14, $0xb8;
	[tilespmem:$0x1CC00] =	vst v63  }
0x81: {  	_ =	swait.ge [sflag:s17], $0x4000  }
0x82: {  	[sflag:s17] =	ssyncset.done $0x0  }
0x83: {  	[sflag:s17] =	ssyncadd.s32 $0xFFFFC000  }
0x84: {  	[spmem:s1] =	stream.indirect.scatter.add.f32 [tilespmem:s15], [sflag:$0x3], $0x80, s0, s14, $0xb8;
	[tilespmem:$0x1CC00] =	vst v63  }
0x85: {  	_ =	swait.ge [sflag:s12], $0x4000  }
0x86: {  	[sflag:s12] =	ssyncset.done $0x0  }
0x87: {  	[sflag:s12] =	ssyncadd.s32 $0xFFFFC000  }
0x88: {  	_ =	swait.ge [sflag:s18], $0x4000  }
0x89: {  	[sflag:s18] =	ssyncset.done $0x0  }
0x8a: {  	[sflag:s18] =	ssyncadd.s32 $0xFFFFC000  }
0x8b: {  	[spmem:s1] =	stream.indirect.scatter.add.f32 [tilespmem:s16], [sflag:$0x3], $0x80, s2, s14, $0xb8;
	[tilespmem:$0x1CC00] =	vst v63  }
0x8c: {  	_ =	swait.ge [sflag:s12], $0x4000  }
0x8d: {  	[sflag:s12] =	ssyncset.done $0x0  }
0x8e: {  	[sflag:s12] =	ssyncadd.s32 $0xFFFFC000  }
0x8f: {  	[tilespmem:s15], [sflag:$0x1] =	stream.indirect.gather [hbm4b:s4+s14], $0x80, s5, s14, $0xb8;
	[tilespmem:$0x1CC00] =	vst v63  }
0x90: {  	_ = 	snop  }
0x91: {  	[tilespmem:s16], [sflag:$0x2] =	stream.indirect.gather [hbm4b:s4+s14], $0x80, s7, s14, $0xb8;
	[tilespmem:$0x1CC00] =	vst v63  }
0x92: {  	_ =	swait.ge [sflag:s17], $0x4000  }
0x93: {  	[sflag:s17] =	ssyncset.done $0x0  }
0x94: {  	[sflag:s17] =	ssyncadd.s32 $0xFFFFC000  }
0x95: {  	[spmem:s1] =	stream.indirect.scatter.add.f32 [tilespmem:s15], [sflag:$0x3], $0x80, s8, s14, $0xb8;
	[tilespmem:$0x1CC00] =	vst v63  }
0x96: {  	_ =	swait.ge [sflag:s12], $0x4000  }
0x97: {  	[sflag:s12] =	ssyncset.done $0x0  }
0x98: {  	[sflag:s12] =	ssyncadd.s32 $0xFFFFC000  }
0x99: {  	_ =	swait.ge [sflag:s18], $0x4000  }
0x9a: {  	[sflag:s18] =	ssyncset.done $0x0  }
0x9b: {  	[sflag:s18] =	ssyncadd.s32 $0xFFFFC000  }
0x9c: {  	[spmem:s1] =	stream.indirect.scatter.add.f32 [tilespmem:s16], [sflag:$0x3], $0x80, s9, s14, $0xb8;
	[tilespmem:$0x1CC00] =	vst v63  }
0x9d: {  	_ =	swait.ge [sflag:s12], $0x4000  }
0x9e: {  	[sflag:s12] =	ssyncset.done $0x0  }
0x9f: {  	[sflag:s12] =	ssyncadd.s32 $0xFFFFC000  }
0xa0: {  	[tilespmem:s15], [sflag:$0x1] =	stream.indirect.gather [hbm4b:s4+s14], $0x80, s10, s14, $0xb8;
	[tilespmem:$0x1CC00] =	vst v63  }
0xa1: {  	_ = 	snop  }
0xa2: {  	[tilespmem:s16], [sflag:$0x2] =	stream.indirect.gather [hbm4b:s4+s14], $0x80, s6, s14, $0xb8;
	[tilespmem:$0x1CC00] =	vst v63  }
0xa3: {  	_ =	swait.ge [sflag:s17], $0x4000  }
0xa4: {  	[sflag:s17] =	ssyncset.done $0x0  }
0xa5: {  	[sflag:s17] =	ssyncadd.s32 $0xFFFFC000  }
0xa6: {  	[spmem:s1] =	stream.indirect.scatter.add.f32 [tilespmem:s15], [sflag:$0x3], $0x80, s11, s14, $0xb8;
	[tilespmem:$0x1CC00] =	vst v63  }
0xa7: {  	_ =	swait.ge [sflag:s12], $0x4000  }
0xa8: {  	[sflag:s12] =	ssyncset.done $0x0  }
0xa9: {  	[sflag:s12] =	ssyncadd.s32 $0xFFFFC000  }
0xaa: {  	p1 =	slt.u32 @!p0 s30, $0x8;
	_ =	swait.ge [sflag:s18], $0x4000  }
0xab: {  	p1 =	por p0, !p1;
	[sflag:s18] =	ssyncset.done $0x0  }
.Ltmp0:
0xac: {  	[sflag:s18] =	ssyncadd.s32 $0xFFFFC000;
	(pc) =	sbr.rel @!p1 .LBB2_2-.Ltmp0, $4  }
0xad: {  	[spmem:s1] =	stream.indirect.scatter.add.f32 [tilespmem:s16], [sflag:$0x3], $0x80, s19, s14, $0xb8;
	[tilespmem:$0x1CC00] =	vst v63  }
0xae: {  	_ =	swait.ge [sflag:s12], $0x4000  }
0xaf: {  	s30 =	sadd.s32 $0x1, s30;
	[sflag:s12] =	ssyncset.done $0x0  }
0xb0: {  	s28 =	sadd.s32 $0x100, s28;
	s29 =	sadd.s32 $0x100, s29;
	[sflag:s12] =	ssyncadd.s32 $0xFFFFC000  }
0xb1: {  	[bflag:$0x0] =	sbarrier.arrive $0xFFFF  }
0xb2: {  	s29 =	rddreg [dreg:$0x4]  }
0xb3: {  	s28 =	rddreg [dreg:$0x5]  }
0xb4: {  	s30 =	rddreg [dreg:$0x9]  }
0xb5: {  	[hbm:s28], [sflag:s29] =	dma.local [spmem:s30], $0x2780  }
0xb6: {  	_ =	swait.ge [sflag:s12], $0x2780  }
0xb7: {  	s0 =	rddreg [dreg:$0xa]  }
0xb8: {  	s20 =	rddreg [dreg:$0x6];
	s0 =	sadd.s32 $0x1, s0  }
0xb9: {  	p1 =	sne.s32 s0, s20  }
.Ltmp1:
0xba: {  	_ = 	snop;
	(pc) =	sbr.rel @p1 .LBB2_1-.Ltmp1, $3  }
0xbb: {  	_ =	sdelay $0x1  }
0xbc: {  	[sflag:s12] =	ssyncset.done $0x0  }
0xbd: {  	[sflag:s12] =	ssyncadd.s32 $0xFFFFD880  }
0xbe: {  	_ =	sfence.sel $0x180000  }
0xbf: {  	[bflag:$0x0] =	sbarrier.arrive $0xFFFF  }
0xc0: {  	_ =	strace $0x9000004D  }
0xc1: {  	s0 =	stileid.u32;
	[bflag:$0x2] =	sbarrier.arrive $0xFFFF  }
0xc2: {  	p0 =	sne.s32 s0, $0x0;
	s0 =	rddreg [dreg:$0x2]  }
0xc3: {  	s0 =	sadd.s32 @!p0 $0x100000, s0  }
0xc4: {  	[sflag:s0] =	ssyncadd.tile.s32 @!p0 $0x1;
	_ =	shalt  }
.Lfunc_end2:
_tile_overlayer_lowered:
.L_overlay_start_2:
0xc5: {  	(tag) =	ssettag $0x2  }
0xc6: {  	s0 =	rddreg [dreg:$0x0];
	s2 =	stileid.u32  }
0xc7: {  	s1 =	rddreg [dreg:$0x1];
	p0 =	sne.s32 s2, $0x0  }
0xc8: {  	s3 =	rddreg [dreg:$0x2];
	[bflag:$0x3] =	sbarrier.arrive $0xFFFF;
	s2 =	simm.s32 @!p0 $0x1C03  }
0xc9: {  	[timem:s3], [sflag:s2] =	dma.local @!p0 [hbm:s0], s1  }
0xca: {  	s0 =	simm.s32 @!p0 $0x3  }
0xcb: {  	_ =	swait.ge @!p0 [sflag:s0], s1  }
0xcc: {  	s1 =	ssub.s32 @!p0 $0x0, s1;
	[sflag:s0] =	ssyncset.done @!p0 $0x0  }
0xcd: {  	[sflag:s0] =	ssyncadd.s32 @!p0 s1  }
0xce: {  	[bflag:$0x3] =	sbarrier.arrive $0xFFFF  }
0xcf: {  	_ =	shalt  }

// kernel: kernel.16.cloned.1.call-start
scs
__scs_entry_jumppad:
0x0: {  	(pc) =	sbr.rel $0x88, $3  }
0x1: {  	(tag) =	ssettag $0x0;
	lr =	simm.s32 $0x1  }
0x2: {  	[smem:$0x3F92] =	sst lr;
	_ =	strace $0xD0000000  }
0x3: {  	_ = 	snop  }
0x4: {  	_ = 	snop  }
0x5: {  	_ = 	snop  }
0x6: {  	_ = 	snop  }
0x7: {  	_ = 	snop  }
__scs_overlays_trampoline_lowered:
0x8: {  	[smem:$0x3FA1] =	sst s0  }
0x9: {  	[smem:$0x3FA2] =	sst s1  }
0xa: {  	[smem:$0x3FA3] =	sst s2  }
0xb: {  	[smem:$0x3FA4] =	sst s3  }
0xc: {  	[smem:$0x3FA5] =	sst s4  }
0xd: {  	[smem:$0x3FA6] =	sst s5  }
0xe: {  	[smem:$0x3FA7] =	sst s6  }
0xf: {  	[smem:$0x3FA8] =	sst s7  }
0x10: {  	[smem:$0x3FA9] =	sst s8  }
0x11: {  	[smem:$0x3FAA] =	sst s9;
	s0 =	simm.s32 @!p0 $0x0  }
0x12: {  	s1 =	sld [smem:$0x3F90];
	s0 =	simm.s32 @p0 $0x1  }
0x13: {  	[smem:$0x3FAB] =	sst s0;
	s0 =	simm.s32 @!p1 $0x0  }
0x14: {  	s2 =	sld [smem:$0x3F8F];
	s0 =	simm.s32 @p1 $0x1  }
0x15: {  	[smem:$0x3FAC] =	sst s0;
	s0 =	simm.s32 @!p2 $0x0  }
0x16: {  	s3 =	sld [smem:$0x3FDB];
	s0 =	simm.s32 @p2 $0x1  }
0x17: {  	s4 =	simm.s32 $0x1BF5;
	[smem:$0x3FAE] =	sst s0  }
0x18: {  	s0 =	sld [smem:$0x3F91];
	_ =	swait.ge [sflag:s4], $0x0  }
0x19: {  	s7 =	sld [smem:$0x3F92]  }
0x1a: {  	s8 =	sadd.s32 $0xFFFFE003, lr  }
0x1b: {  	s9 =	sadd.s32 $0xFFFFFEF7, lr;
	s5 =	simm.s32 $0xFFFFFFFF;
	p2 =	slt.u32 s8, $0xFFFFF086  }
0x1c: {  	p1 =	slt.u32 s9, $0xF7A;
	s5 =	simm.s32 @!p2 $0x0  }
0x1d: {  	s5 =	simm.s32 @p1 $0x1;
	p0 =	seq.s32 s7, s2  }
0x1e: {  	s7 =	smul.u32 @!p0 $0xF7A, s2;
	p2 =	seq.s32 @!p0 s5, $0x0  }
0x1f: {  	s9 =	smul.u32 $0xF7A, s1;
	s8 =	simm.s32 @!p0 $0x1BF5;
	p2 =	por !p2, p0  }
0x20: {  	[sflag:s8] =	ssyncset.s32 @!p0 $0xFFFFF086;
	s6 =	sadd.s32 @!p0 s3, s7;
	s7 =	simm.s32 @!p0 $0x108  }
0x21: {  	s3 =	sadd.s32 s3, s9;
	s6 =	sadd.s32 @!p0 $0x88, s6;
	s7 =	simm.s32 @p2 $0x1082  }
0x22: {  	[simem:s7], [sflag:s8] =	dma.local @!p0 [hbm:s6], $0xF7A  }
0x23: {  	s9 =	sor.u32 $0xD0000000, s2;
	s6 =	simm.s32 $0x108;
	_ =	swait.ge @!p0 [sflag:s8], $0x0  }
0x24: {  	s3 =	sadd.s32 $0x88, s3;
	s6 =	simm.s32 @!p1 $0x1082;
	[sflag:s4] =	ssyncset.s32 $0xFFFFF086  }
0x25: {  	[simem:s6], [sflag:s4] =	dma.local [hbm:s3], $0xF7A  }
0x26: {  	[smem:$0x3F92] =	sst s1;
	(tag) =	ssettag s2;
	_ =	strace s9  }
0x27: {  	s1 =	sld [smem:$0x3FA2]  }
0x28: {  	s2 =	sld [smem:$0x3FA3]  }
0x29: {  	s4 =	sld [smem:$0x3FA5]  }
0x2a: {  	p0 =	seq.s32 s5, $0x0;
	s5 =	sld [smem:$0x3FA6]  }
0x2b: {  	s6 =	sld [smem:$0x3FA7]  }
0x2c: {  	s7 =	sld [smem:$0x3FA8]  }
0x2d: {  	s3 =	simm.s32 $0x108;
	s8 =	sld [smem:$0x3FA9]  }
0x2e: {  	s3 =	simm.s32 @!p0 $0x1082;
	s9 =	sld [smem:$0x3FAA]  }
0x2f: {  	lr =	sadd.s32 s0, s3;
	s0 =	sld [smem:$0x3FA1]  }
0x30: {  	s3 =	sld [smem:$0x3FA4]  }
0x31: {  	[smem:$0x3FAD] =	sst s10  }
0x32: {  	s10 =	sld [smem:$0x3FAB];
	_ =	sdelay $0x3  }
0x33: {  	p0 =	seq.s32 s10, $0x1;
	s10 =	sld [smem:$0x3FAD];
	_ =	sdelay $0x3  }
0x34: {  	[smem:$0x3FAD] =	sst s10  }
0x35: {  	s10 =	sld [smem:$0x3FAC];
	_ =	sdelay $0x3  }
0x36: {  	p1 =	seq.s32 s10, $0x1;
	s10 =	sld [smem:$0x3FAD];
	_ =	sdelay $0x3  }
0x37: {  	[smem:$0x3FAD] =	sst s10  }
0x38: {  	s10 =	sld [smem:$0x3FAE]  }
0x39: {  	_ = 	snop;
	(pc) =	sbr.ind lr, $3  }
0x3a: {  	_ = 	snop  }
0x3b: {  	_ = 	snop  }
0x3c: {  	p2 =	seq.s32 s10, $0x1;
	s10 =	sld [smem:$0x3FAD]  }
0x3d: {  	_ =	shalt  }
0x3e: {  	_ =	shalt  }
0x3f: {  	_ =	shalt  }
0x40: {  	_ =	shalt  }
0x41: {  	_ =	shalt  }
0x42: {  	_ =	shalt  }
0x43: {  	_ =	shalt  }
0x44: {  	_ =	shalt  }
0x45: {  	_ =	shalt  }
0x46: {  	_ =	shalt  }
0x47: {  	_ =	shalt  }
0x48: {  	_ =	shalt  }
0x49: {  	_ =	shalt  }
0x4a: {  	_ =	shalt  }
0x4b: {  	_ =	shalt  }
0x4c: {  	_ =	shalt  }
0x4d: {  	_ =	shalt  }
0x4e: {  	_ =	shalt  }
0x4f: {  	_ =	shalt  }
0x50: {  	_ =	shalt  }
0x51: {  	_ =	shalt  }
0x52: {  	_ =	shalt  }
0x53: {  	_ =	shalt  }
0x54: {  	_ =	shalt  }
0x55: {  	_ =	shalt  }
0x56: {  	_ =	shalt  }
0x57: {  	_ =	shalt  }
0x58: {  	_ =	shalt  }
0x59: {  	_ =	shalt  }
0x5a: {  	_ =	shalt  }
0x5b: {  	_ =	shalt  }
0x5c: {  	_ =	shalt  }
0x5d: {  	_ =	shalt  }
0x5e: {  	_ =	shalt  }
0x5f: {  	_ =	shalt  }
0x60: {  	_ =	shalt  }
0x61: {  	_ =	shalt  }
0x62: {  	_ =	shalt  }
0x63: {  	_ =	shalt  }
0x64: {  	_ =	shalt  }
0x65: {  	_ =	shalt  }
0x66: {  	_ =	shalt  }
0x67: {  	_ =	shalt  }
0x68: {  	_ =	shalt  }
0x69: {  	_ =	shalt  }
0x6a: {  	_ =	shalt  }
0x6b: {  	_ =	shalt  }
0x6c: {  	_ =	shalt  }
0x6d: {  	_ =	shalt  }
0x6e: {  	_ =	shalt  }
0x6f: {  	_ =	shalt  }
0x70: {  	_ =	shalt  }
0x71: {  	_ =	shalt  }
0x72: {  	_ =	shalt  }
0x73: {  	_ =	shalt  }
0x74: {  	_ =	shalt  }
0x75: {  	_ =	shalt  }
0x76: {  	_ =	shalt  }
0x77: {  	_ =	shalt  }
0x78: {  	_ =	shalt  }
0x79: {  	_ =	shalt  }
0x7a: {  	_ =	shalt  }
0x7b: {  	_ =	shalt  }
0x7c: {  	_ =	shalt  }
0x7d: {  	_ =	shalt  }
0x7e: {  	_ =	shalt  }
0x7f: {  	_ =	shalt  }
0x80: {  	_ =	shalt  }
0x81: {  	_ =	shalt  }
0x82: {  	_ =	shalt  }
0x83: {  	_ =	shalt  }
0x84: {  	_ =	shalt  }
0x85: {  	_ =	shalt  }
0x86: {  	_ =	shalt  }
0x87: {  	_ =	shalt  }
.Lfunc_end0:
.L_simem_size_0:
called_computation.2_lowered:
.L_overlay_start_0:
0x88: {  	s2 =	sld [smem:$0x3FD9]  }
0x89: {  	s3 =	sld [smem:$0x3FFE];
	_ =	sdelay $0x1  }
0x8a: {  	s1 =	srdreg.scid  }
0x8b: {  	s0 =	sand.u32 $0x1, s1  }
0x8c: {  	s17 =	sshll.u32 s0, $0xA;
	s2 =	sadd.s32 s3, s2  }
0x8d: {  	s2 =	sadd.s32 s2, s17  }
0x8e: {  	[smem:$0x3FB9] =	sst s2  }
0x8f: {  	_ = 	snop  }
0x90: {  	s18 =	sld [smem:$0x3FC6];
	(tm) =	ssettm $0x1  }
0x91: {  	s19 =	sld [smem:$0x3FFB];
	_ =	sdelay $0x3  }
0x92: {  	_ =	strace s19  }
0x93: {  	s2 =	sld [smem:$0x3FFC];
	_ =	sdelay $0x3  }
0x94: {  	_ =	strace s2  }
0x95: {  	s2 =	sld [smem:$0x3FFD];
	_ =	sdelay $0x3  }
0x96: {  	_ =	strace s2  }
0x97: {  	_ =	strace $0x8FFFFFFF  }
0x98: {  	s20 =	sld [smem:$0x3FDB];
	_ =	sdelay $0x1  }
0x99: {  	s4 =	simm.s32 $_scs_section_size  }
0x9a: {  	s5 =	simm.s32 $_size__tile_overlayer_lowered;
	s6 =	simm.s32 $_tile_overlayer_lowered  }
0x9b: {  	s7 =	simm.s32 $0x1BFF;
	s21 =	sshll.u32 s6, $0x1;
	s4 =	sadd.s32 s4, s20  }
0x9c: {  	s22 =	simm.s32 $0x0;
	s5 =	sshll.u32 s5, $0x1;
	s6 =	sadd.s32 s21, s4  }
0x9d: {  	[timem:s22], [sflag:s7] =	dma.local [hbm:s6], s5  }
0x9e: {  	_ =	swait.ge [sflag:s7], s5  }
0x9f: {  	s5 =	ssub.s32 $0x0, s5;
	[sflag:s7] =	ssyncset.done $0x0  }
0xa0: {  	[sflag:s7] =	ssyncadd.s32 s5;
	_ =	sdelay $0x1  }
0xa1: {  	s23 =	simm.s32 $0x1B8B  }
0xa2: {  	_ =	swait.ge [sflag:s23], $0x1  }
0xa3: {  	[sflag:s23] =	ssyncset.done $0x0  }
0xa4: {  	[sflag:s23] =	ssyncadd.s32 $0xFFFFFFFF  }
0xa5: {  	s5 =	sld [smem:$0x0]  }
0xa6: {  	s6 =	sand.u32 $0xFFFFFFFE, s1  }
0xa7: {  	p0 =	sne.s32 s1, s6  }
0xa8: {  	s6 =	sshll.u32 @p0 s6, $0xE  }
0xa9: {  	s6 =	sadd.s32 @p0 $0x11B8D, s6;
	s7 =	sshll.u32 @p0 s5, $0x11  }
0xaa: {  	s6 =	sor.u32 @p0 s7, s6  }
0xab: {  	[sflag:s6] =	ssyncadd.remote.s32 @p0 $0x1;
	_ =	sdelay $0x1  }
0xac: {  	s6 =	simm.s32 @p0 $0x1B8D  }
0xad: {  	_ =	swait.eq @p0 [sflag:s6], $0x1  }
0xae: {  	[sflag:s6] =	ssyncadd.s32 @p0 $0xFFFFFFFF  }
0xaf: {  	s7 =	sshll.u32 @!p0 s1, $0xE  }
0xb0: {  	s7 =	sor.u32 @!p0 $0x4000, s7;
	s6 =	simm.s32 @!p0 $0x1B8D  }
0xb1: {  	s5 =	sshll.u32 @!p0 s5, $0x11;
	s7 =	sadd.s32 @!p0 $0x11B8D, s7;
	_ =	swait.eq @!p0 [sflag:s6], $0x1  }
0xb2: {  	s5 =	sor.u32 @!p0 s5, s7;
	[sflag:s6] =	ssyncadd.s32 @!p0 $0xFFFFFFFF  }
0xb3: {  	s25 =	simm.s32 $0x1B8E;
	s24 =	sld [smem:$0x3FFE];
	[sflag:s5] =	ssyncadd.remote.s32 @!p0 $0x1  }
0xb4: {  	s26 =	simm.s32 $execute0_lowered;
	[smem:$0x3FD2] =	sst s25  }
0xb5: {  	s6 =	sshll.u32 s26, $0x1;
	_ =	strace $0x80000049;
	[dreg:$0x1] =	wrdreg $0xFFFFFFFF  }
0xb6: {  	s28 =	simm.s32 $_size_execute0_lowered;
	s4 =	sadd.s32 s4, s6;
	[dreg:$0x0] =	wrdreg $0x0  }
0xb7: {  	s6 =	sshll.u32 s28, $0x1;
	[dreg:$0x2] =	wrdreg s4  }
0xb8: {  	[dreg:$0x3] =	wrdreg s6  }
0xb9: {  	[dreg:$0x4] =	wrdreg $0xC0  }
0xba: {  	_ =	task [dreg:s22], $0x5FFFF  }
0xbb: {  	[dreg:$0x1] =	wrdreg $0xFFFFFFFF  }
0xbc: {  	[dreg:$0x0] =	wrdreg $0x60  }
0xbd: {  	[dreg:$0x2] =	wrdreg s18  }
0xbe: {  	[dreg:$0x3] =	wrdreg s24  }
0xbf: {  	[dreg:$0x4] =	wrdreg $0x90000  }
0xc0: {  	[dreg:$0x5] =	wrdreg $0x9  }
0xc1: {  	_ =	task.clear_ibuf [dreg:s22], $0x6FFFF;
	_ =	strace $0x90000049  }
0xc2: {  	s29 =	simm.s32 $0x9;
	_ =	strace $0x8000004B  }
0xc3: {  	_ =	swait.ge [sflag:s29], $0x1  }
0xc4: {  	[sflag:s29] =	ssyncadd.s32 $0xFFFFFFFF  }
0xc5: {  	_ =	strace $0x9000004B  }
0xc6: {  	_ =	sfence  }
0xc7: {  	s30 =	sld [smem:$0x0];
	_ =	sdelay $0x2  }
0xc8: {  	s31 =	sshll.u32 s1, $0xD;
	s1 =	sshrl.u32 s1, $0x2  }
0xc9: {  	s4 =	sand.u32 $0x4000, s31;
	s1 =	sadd.s32 s1, s30  }
0xca: {  	s0 =	sor.u32 s4, s0;
	s1 =	sshll.u32 s1, $0x11  }
0xcb: {  	s0 =	sor.u32 s1, s0  }
0xcc: {  	s0 =	sadd.s32 $0x8F2B, s0  }
0xcd: {  	[sflag:s0] =	ssyncadd.remote.s32 $0x1  }
0xce: {  	_ =	sfence.sel $0xFFFF  }
0xcf: {  	[dreg:$0x0] =	wrdreg $0xFFFFFFFF;
	(pc) =	sbr.abs _section_cstart, $3  }
0xd0: {  	[dreg:$0x1] =	wrdreg $0xFFFFFFFF  }
0xd1: {  	_ =	task.clear_ibuf [dreg:s22], $0x2FFFF;
	_ =	strace $0x9FFFFFFF  }
0xd2: {  	(tm) =	ssettm $0x7FFFFFFF  }
0xd3: {  	_ =	shalt  }
tec
execute0_lowered:
.L_overlay_start_1:
0x0: {  	(tag) =	ssettag $0x1  }
0x1: {  	s1 =	rddreg [dreg:$0x0]  }
0x2: {  	s0 =	rddreg [dreg:$0x1]  }
0x3: {  	s3 =	rddreg [dreg:$0x2];
	s2 =	srdreg.scid  }
0x4: {  	s9 =	stileid.u32;
	s12 =	simm.s32 $0x3;
	s13 =	simm.s32 $0x800  }
0x5: {  	s14 =	simm.s32 $0x80;
	s15 =	simm.s32 $0x1000;
	s16 =	simm.s32 $0x5000  }
0x6: {  	s17 =	simm.s32 $0x1;
	s18 =	simm.s32 $0x2;
	s31 =	simm.s32 $0x580  }
0x7: {  	s11 =	simm.s32 $0xF00;
	s19 =	simm.s32 $0xF80;
	s5 =	smul.u32 $0x90, s9  }
0x8: {  	s2 =	sand.u32 $0x1, s2;
	s4 =	sshll.u32 s9, $0x4;
	s20 =	smul.u32 $0x13C00, s9  }
0x9: {  	s8 =	smul.u32 $0x4F000, s9;
	s10 =	sadd.s32 $0x48800, s0;
	s24 =	sshll.u32 s9, $0x6  }
0xa: {  	s9 =	simm.s32 $0xE80;
	p0 =	seq.s32 s2, $0x0;
	s6 =	sor.u32 $0x900, s4  }
0xb: {  	s7 =	smul.u32 $0x13C000, s2;
	s4 =	simm.s32 $0x0;
	s21 =	ssub.s32 $0x2, s2  }
0xc: {  	s29 =	sor.u32 $0x1C03, s24;
	s24 =	simm.s32 $0xC00;
	s6 =	smov.u32 @p0 s5  }
0xd: {  	[smem:$0x7FF] =	sst s4;
	s22 =	sshrl.u32 s21, $0x1;
	s23 =	sshrl.u32 s8, $0x2  }
0xe: {  	p0 =	sne.s32 s2, $0x0;
	s2 =	simm.s32 $0xD80;
	s8 =	simm.s32 $0xE00  }
0xf: {  	s6 =	sshll.u32 s6, $0x4;
	_ =	strace $0x8000004A;
	[dreg:$0x4] =	wrdreg s10  }
0x10: {  	s5 =	sadd.s32 s20, s7;
	s7 =	sadd.s32 s23, s3;
	[dreg:$0x5] =	wrdreg s29  }
0x11: {  	s23 =	simm.s32 $0x480;
	s10 =	simm.s32 $0x700;
	s6 =	sadd.s32 s6, s0  }
0x12: {  	s5 =	sshrl.u32 s5, $0x3;
	s30 =	sshrl.u32 s7, $0x3;
	s7 =	simm.s32 $0x680  }
0x13: {  	s0 =	sadd.s32 s5, s0;
	s5 =	ssub.s32 s21, s22;
	s26 =	sadd.s32 $0x34800, s6  }
0x14: {  	s28 =	sadd.s32 $0x3E800, s6;
	[dreg:$0xa] =	wrdreg s30;
	s21 =	simm.s32 $0xB80  }
0x15: {  	s22 =	simm.s32 $0x400;
	s6 =	simm.s32 $0x780;
	[dreg:$0x8] =	wrdreg s26  }
0x16: {  	s0 =	sadd.s32 $0x4B000, s0;
	s25 =	smax.u32 s5, $0x1;
	[dreg:$0x9] =	wrdreg s28  }
0x17: {  	s26 =	simm.s32 $0x500;
	s5 =	simm.s32 $0x600;
	[dreg:$0x6] =	wrdreg s0  }
0x18: {  	[dreg:$0x7] =	wrdreg s25;
	s0 =	simm.s32 $0x0;
	s25 =	simm.s32 $0xC80  }
.LBB2_1:
0x19: {  	[dreg:$0xb] =	wrdreg s0  }
0x1a: {  	s28 =	rddreg [dreg:$0x4]  }
0x1b: {  	[spmem:s30], [sflag:s29] =	dma.local [hbm:s28], $0x2780  }
0x1c: {  	_ =	swait.ge [sflag:s12], $0x2780  }
0x1d: {  	[sflag:s12] =	ssyncset.done $0x0  }
0x1e: {  	[sflag:s12] =	ssyncadd.s32 $0xFFFFD880  }
0x1f: {  	[bflag:$0x0] =	sbarrier.arrive $0xFFFF  }
0x20: {  	s28 =	rddreg [dreg:$0x9]  }
0x21: {  	s0 =	simm.s32 $0xD00;
	s30 =	simm.s32 $0x0;
	s29 =	rddreg [dreg:$0x8]  }
.LBB2_2:
0x22: {  	[tilespmem:s4], [sflag:$0x3] =	stream.linear.gather [hbm4b:s28+s4], $0x800, $0x38;
	[tilespmem:$0x1CC00] =	vst v63  }
0x23: {  	_ =	swait.ge [sflag:s12], $0x800  }
0x24: {  	[sflag:s12] =	ssyncset.done $0x0  }
0x25: {  	[sflag:s12] =	ssyncadd.s32 $0xFFFFF800  }
0x26: {  	[tilespmem:s13], [sflag:$0x3] =	stream.linear.gather [hbm4b:s29+s4], $0x800, $0x38;
	[tilespmem:$0x1CC00] =	vst v63  }
0x27: {  	_ =	swait.ge [sflag:s12], $0x800  }
0x28: {  	[sflag:s12] =	ssyncset.done $0x0  }
0x29: {  	[sflag:s12] =	ssyncadd.s32 $0xFFFFF800  }
0x2a: {  	[tilespmem:s15], [sflag:$0x1] =	stream.indirect.gather [hbm4b:s1+s14], $0x80, s4, s14, $0xb8;
	[tilespmem:$0x1CC00] =	vst v63  }
0x2b: {  	_ = 	snop  }
0x2c: {  	[tilespmem:s16], [sflag:$0x2] =	stream.indirect.gather [hbm4b:s1+s14], $0x80, s14, s14, $0xb8;
	[tilespmem:$0x1CC00] =	vst v63  }
0x2d: {  	_ =	swait.ge [sflag:s17], $0x4000  }
0x2e: {  	[sflag:s17] =	ssyncset.done $0x0  }
0x2f: {  	[sflag:s17] =	ssyncadd.s32 $0xFFFFC000  }
0x30: {  	[spmem:s3] =	stream.indirect.scatter.add.f32 [tilespmem:s15], [sflag:$0x3], $0x80, s13, s14, $0xb8;
	[tilespmem:$0x1CC00] =	vst v63  }
0x31: {  	_ =	swait.ge [sflag:s12], $0x4000  }
0x32: {  	[sflag:s12] =	ssyncset.done $0x0  }
0x33: {  	[sflag:s12] =	ssyncadd.s32 $0xFFFFC000  }
0x34: {  	_ =	swait.ge [sflag:s18], $0x4000  }
0x35: {  	[sflag:s18] =	ssyncset.done $0x0  }
0x36: {  	s20 =	simm.s32 $0x880;
	[sflag:s18] =	ssyncadd.s32 $0xFFFFC000  }
0x37: {  	[spmem:s3] =	stream.indirect.scatter.add.f32 [tilespmem:s16], [sflag:$0x3], $0x80, s20, s14, $0xb8;
	[tilespmem:$0x1CC00] =	vst v63  }
0x38: {  	_ =	swait.ge [sflag:s12], $0x4000  }
0x39: {  	[sflag:s12] =	ssyncset.done $0x0  }
0x3a: {  	s20 =	simm.s32 $0x100;
	[sflag:s12] =	ssyncadd.s32 $0xFFFFC000  }
0x3b: {  	[tilespmem:s15], [sflag:$0x1] =	stream.indirect.gather [hbm4b:s1+s14], $0x80, s20, s14, $0xb8;
	[tilespmem:$0x1CC00] =	vst v63  }
0x3c: {  	s20 =	simm.s32 $0x180  }
0x3d: {  	[tilespmem:s16], [sflag:$0x2] =	stream.indirect.gather [hbm4b:s1+s14], $0x80, s20, s14, $0xb8;
	[tilespmem:$0x1CC00] =	vst v63  }
0x3e: {  	_ =	swait.ge [sflag:s17], $0x4000  }
0x3f: {  	[sflag:s17] =	ssyncset.done $0x0  }
0x40: {  	s20 =	simm.s32 $0x900;
	[sflag:s17] =	ssyncadd.s32 $0xFFFFC000  }
0x41: {  	[spmem:s3] =	stream.indirect.scatter.add.f32 [tilespmem:s15], [sflag:$0x3], $0x80, s20, s14, $0xb8;
	[tilespmem:$0x1CC00] =	vst v63  }
0x42: {  	_ =	swait.ge [sflag:s12], $0x4000  }
0x43: {  	[sflag:s12] =	ssyncset.done $0x0  }
0x44: {  	[sflag:s12] =	ssyncadd.s32 $0xFFFFC000  }
0x45: {  	_ =	swait.ge [sflag:s18], $0x4000  }
0x46: {  	[sflag:s18] =	ssyncset.done $0x0  }
0x47: {  	s20 =	simm.s32 $0x980;
	[sflag:s18] =	ssyncadd.s32 $0xFFFFC000  }
0x48: {  	[spmem:s3] =	stream.indirect.scatter.add.f32 [tilespmem:s16], [sflag:$0x3], $0x80, s20, s14, $0xb8;
	[tilespmem:$0x1CC00] =	vst v63  }
0x49: {  	_ =	swait.ge [sflag:s12], $0x4000  }
0x4a: {  	[sflag:s12] =	ssyncset.done $0x0  }
0x4b: {  	s20 =	simm.s32 $0x200;
	[sflag:s12] =	ssyncadd.s32 $0xFFFFC000  }
0x4c: {  	[tilespmem:s15], [sflag:$0x1] =	stream.indirect.gather [hbm4b:s1+s14], $0x80, s20, s14, $0xb8;
	[tilespmem:$0x1CC00] =	vst v63  }
0x4d: {  	s20 =	simm.s32 $0x280  }
0x4e: {  	[tilespmem:s16], [sflag:$0x2] =	stream.indirect.gather [hbm4b:s1+s14], $0x80, s20, s14, $0xb8;
	[tilespmem:$0x1CC00] =	vst v63  }
0x4f: {  	_ =	swait.ge [sflag:s17], $0x4000  }
0x50: {  	[sflag:s17] =	ssyncset.done $0x0  }
0x51: {  	s20 =	simm.s32 $0xA00;
	[sflag:s17] =	ssyncadd.s32 $0xFFFFC000  }
0x52: {  	[spmem:s3] =	stream.indirect.scatter.add.f32 [tilespmem:s15], [sflag:$0x3], $0x80, s20, s14, $0xb8;
	[tilespmem:$0x1CC00] =	vst v63  }
0x53: {  	_ =	swait.ge [sflag:s12], $0x4000  }
0x54: {  	[sflag:s12] =	ssyncset.done $0x0  }
0x55: {  	[sflag:s12] =	ssyncadd.s32 $0xFFFFC000  }
0x56: {  	_ =	swait.ge [sflag:s18], $0x4000  }
0x57: {  	[sflag:s18] =	ssyncset.done $0x0  }
0x58: {  	s20 =	simm.s32 $0xA80;
	[sflag:s18] =	ssyncadd.s32 $0xFFFFC000  }
0x59: {  	[spmem:s3] =	stream.indirect.scatter.add.f32 [tilespmem:s16], [sflag:$0x3], $0x80, s20, s14, $0xb8;
	[tilespmem:$0x1CC00] =	vst v63  }
0x5a: {  	_ =	swait.ge [sflag:s12], $0x4000  }
0x5b: {  	[sflag:s12] =	ssyncset.done $0x0  }
0x5c: {  	s20 =	simm.s32 $0x300;
	[sflag:s12] =	ssyncadd.s32 $0xFFFFC000  }
0x5d: {  	[tilespmem:s15], [sflag:$0x1] =	stream.indirect.gather [hbm4b:s1+s14], $0x80, s20, s14, $0xb8;
	[tilespmem:$0x1CC00] =	vst v63  }
0x5e: {  	s20 =	simm.s32 $0x380  }
0x5f: {  	[tilespmem:s16], [sflag:$0x2] =	stream.indirect.gather [hbm4b:s1+s14], $0x80, s20, s14, $0xb8;
	[tilespmem:$0x1CC00] =	vst v63  }
0x60: {  	_ =	swait.ge [sflag:s17], $0x4000  }
0x61: {  	[sflag:s17] =	ssyncset.done $0x0  }
0x62: {  	s20 =	simm.s32 $0xB00;
	[sflag:s17] =	ssyncadd.s32 $0xFFFFC000  }
0x63: {  	[spmem:s3] =	stream.indirect.scatter.add.f32 [tilespmem:s15], [sflag:$0x3], $0x80, s20, s14, $0xb8;
	[tilespmem:$0x1CC00] =	vst v63  }
0x64: {  	_ =	swait.ge [sflag:s12], $0x4000  }
0x65: {  	[sflag:s12] =	ssyncset.done $0x0  }
0x66: {  	[sflag:s12] =	ssyncadd.s32 $0xFFFFC000  }
0x67: {  	_ =	swait.ge [sflag:s18], $0x4000  }
0x68: {  	[sflag:s18] =	ssyncset.done $0x0  }
0x69: {  	[sflag:s18] =	ssyncadd.s32 $0xFFFFC000  }
0x6a: {  	[spmem:s3] =	stream.indirect.scatter.add.f32 [tilespmem:s16], [sflag:$0x3], $0x80, s21, s14, $0xb8;
	[tilespmem:$0x1CC00] =	vst v63  }
0x6b: {  	_ =	swait.ge [sflag:s12], $0x4000  }
0x6c: {  	[sflag:s12] =	ssyncset.done $0x0  }
0x6d: {  	[sflag:s12] =	ssyncadd.s32 $0xFFFFC000  }
0x6e: {  	[tilespmem:s15], [sflag:$0x1] =	stream.indirect.gather [hbm4b:s1+s14], $0x80, s22, s14, $0xb8;
	[tilespmem:$0x1CC00] =	vst v63  }
0x6f: {  	_ = 	snop  }
0x70: {  	[tilespmem:s16], [sflag:$0x2] =	stream.indirect.gather [hbm4b:s1+s14], $0x80, s23, s14, $0xb8;
	[tilespmem:$0x1CC00] =	vst v63  }
0x71: {  	_ =	swait.ge [sflag:s17], $0x4000  }
0x72: {  	[sflag:s17] =	ssyncset.done $0x0  }
0x73: {  	[sflag:s17] =	ssyncadd.s32 $0xFFFFC000  }
0x74: {  	[spmem:s3] =	stream.indirect.scatter.add.f32 [tilespmem:s15], [sflag:$0x3], $0x80, s24, s14, $0xb8;
	[tilespmem:$0x1CC00] =	vst v63  }
0x75: {  	_ =	swait.ge [sflag:s12], $0x4000  }
0x76: {  	[sflag:s12] =	ssyncset.done $0x0  }
0x77: {  	[sflag:s12] =	ssyncadd.s32 $0xFFFFC000  }
0x78: {  	_ =	swait.ge [sflag:s18], $0x4000  }
0x79: {  	[sflag:s18] =	ssyncset.done $0x0  }
0x7a: {  	[sflag:s18] =	ssyncadd.s32 $0xFFFFC000  }
0x7b: {  	[spmem:s3] =	stream.indirect.scatter.add.f32 [tilespmem:s16], [sflag:$0x3], $0x80, s25, s14, $0xb8;
	[tilespmem:$0x1CC00] =	vst v63  }
0x7c: {  	_ =	swait.ge [sflag:s12], $0x4000  }
0x7d: {  	[sflag:s12] =	ssyncset.done $0x0  }
0x7e: {  	[sflag:s12] =	ssyncadd.s32 $0xFFFFC000  }
0x7f: {  	[tilespmem:s15], [sflag:$0x1] =	stream.indirect.gather [hbm4b:s1+s14], $0x80, s26, s14, $0xb8;
	[tilespmem:$0x1CC00] =	vst v63  }
0x80: {  	_ = 	snop  }
0x81: {  	[tilespmem:s16], [sflag:$0x2] =	stream.indirect.gather [hbm4b:s1+s14], $0x80, s31, s14, $0xb8;
	[tilespmem:$0x1CC00] =	vst v63  }
0x82: {  	_ =	swait.ge [sflag:s17], $0x4000  }
0x83: {  	[sflag:s17] =	ssyncset.done $0x0  }
0x84: {  	[sflag:s17] =	ssyncadd.s32 $0xFFFFC000  }
0x85: {  	[spmem:s3] =	stream.indirect.scatter.add.f32 [tilespmem:s15], [sflag:$0x3], $0x80, s0, s14, $0xb8;
	[tilespmem:$0x1CC00] =	vst v63  }
0x86: {  	_ =	swait.ge [sflag:s12], $0x4000  }
0x87: {  	[sflag:s12] =	ssyncset.done $0x0  }
0x88: {  	[sflag:s12] =	ssyncadd.s32 $0xFFFFC000  }
0x89: {  	_ =	swait.ge [sflag:s18], $0x4000  }
0x8a: {  	[sflag:s18] =	ssyncset.done $0x0  }
0x8b: {  	[sflag:s18] =	ssyncadd.s32 $0xFFFFC000  }
0x8c: {  	[spmem:s3] =	stream.indirect.scatter.add.f32 [tilespmem:s16], [sflag:$0x3], $0x80, s2, s14, $0xb8;
	[tilespmem:$0x1CC00] =	vst v63  }
0x8d: {  	_ =	swait.ge [sflag:s12], $0x4000  }
0x8e: {  	[sflag:s12] =	ssyncset.done $0x0  }
0x8f: {  	[sflag:s12] =	ssyncadd.s32 $0xFFFFC000  }
0x90: {  	[tilespmem:s15], [sflag:$0x1] =	stream.indirect.gather [hbm4b:s1+s14], $0x80, s5, s14, $0xb8;
	[tilespmem:$0x1CC00] =	vst v63  }
0x91: {  	_ = 	snop  }
0x92: {  	[tilespmem:s16], [sflag:$0x2] =	stream.indirect.gather [hbm4b:s1+s14], $0x80, s7, s14, $0xb8;
	[tilespmem:$0x1CC00] =	vst v63  }
0x93: {  	_ =	swait.ge [sflag:s17], $0x4000  }
0x94: {  	[sflag:s17] =	ssyncset.done $0x0  }
0x95: {  	[sflag:s17] =	ssyncadd.s32 $0xFFFFC000  }
0x96: {  	[spmem:s3] =	stream.indirect.scatter.add.f32 [tilespmem:s15], [sflag:$0x3], $0x80, s8, s14, $0xb8;
	[tilespmem:$0x1CC00] =	vst v63  }
0x97: {  	_ =	swait.ge [sflag:s12], $0x4000  }
0x98: {  	[sflag:s12] =	ssyncset.done $0x0  }
0x99: {  	[sflag:s12] =	ssyncadd.s32 $0xFFFFC000  }
0x9a: {  	_ =	swait.ge [sflag:s18], $0x4000  }
0x9b: {  	[sflag:s18] =	ssyncset.done $0x0  }
0x9c: {  	[sflag:s18] =	ssyncadd.s32 $0xFFFFC000  }
0x9d: {  	[spmem:s3] =	stream.indirect.scatter.add.f32 [tilespmem:s16], [sflag:$0x3], $0x80, s9, s14, $0xb8;
	[tilespmem:$0x1CC00] =	vst v63  }
0x9e: {  	_ =	swait.ge [sflag:s12], $0x4000  }
0x9f: {  	[sflag:s12] =	ssyncset.done $0x0  }
0xa0: {  	[sflag:s12] =	ssyncadd.s32 $0xFFFFC000  }
0xa1: {  	[tilespmem:s15], [sflag:$0x1] =	stream.indirect.gather [hbm4b:s1+s14], $0x80, s10, s14, $0xb8;
	[tilespmem:$0x1CC00] =	vst v63  }
0xa2: {  	_ = 	snop  }
0xa3: {  	[tilespmem:s16], [sflag:$0x2] =	stream.indirect.gather [hbm4b:s1+s14], $0x80, s6, s14, $0xb8;
	[tilespmem:$0x1CC00] =	vst v63  }
0xa4: {  	_ =	swait.ge [sflag:s17], $0x4000  }
0xa5: {  	[sflag:s17] =	ssyncset.done $0x0  }
0xa6: {  	[sflag:s17] =	ssyncadd.s32 $0xFFFFC000  }
0xa7: {  	[spmem:s3] =	stream.indirect.scatter.add.f32 [tilespmem:s15], [sflag:$0x3], $0x80, s11, s14, $0xb8;
	[tilespmem:$0x1CC00] =	vst v63  }
0xa8: {  	_ =	swait.ge [sflag:s12], $0x4000  }
0xa9: {  	[sflag:s12] =	ssyncset.done $0x0  }
0xaa: {  	[sflag:s12] =	ssyncadd.s32 $0xFFFFC000  }
0xab: {  	p1 =	slt.u32 @!p0 s30, $0x8;
	_ =	swait.ge [sflag:s18], $0x4000  }
0xac: {  	p1 =	por p0, !p1;
	[sflag:s18] =	ssyncset.done $0x0  }
.Ltmp0:
0xad: {  	[sflag:s18] =	ssyncadd.s32 $0xFFFFC000;
	(pc) =	sbr.rel @!p1 .LBB2_2-.Ltmp0, $4  }
0xae: {  	[spmem:s3] =	stream.indirect.scatter.add.f32 [tilespmem:s16], [sflag:$0x3], $0x80, s19, s14, $0xb8;
	[tilespmem:$0x1CC00] =	vst v63  }
0xaf: {  	_ =	swait.ge [sflag:s12], $0x4000  }
0xb0: {  	s30 =	sadd.s32 $0x1, s30;
	[sflag:s12] =	ssyncset.done $0x0  }
0xb1: {  	s28 =	sadd.s32 $0x100, s28;
	s29 =	sadd.s32 $0x100, s29;
	[sflag:s12] =	ssyncadd.s32 $0xFFFFC000  }
0xb2: {  	[bflag:$0x0] =	sbarrier.arrive $0xFFFF  }
0xb3: {  	s29 =	rddreg [dreg:$0x5]  }
0xb4: {  	s28 =	rddreg [dreg:$0x6]  }
0xb5: {  	s30 =	rddreg [dreg:$0xa]  }
0xb6: {  	[hbm:s28], [sflag:s29] =	dma.local [spmem:s30], $0x2780  }
0xb7: {  	_ =	swait.ge [sflag:s12], $0x2780  }
0xb8: {  	s0 =	rddreg [dreg:$0xb]  }
0xb9: {  	s20 =	rddreg [dreg:$0x7];
	s0 =	sadd.s32 $0x1, s0  }
0xba: {  	p1 =	sne.s32 s0, s20  }
.Ltmp1:
0xbb: {  	_ = 	snop;
	(pc) =	sbr.rel @p1 .LBB2_1-.Ltmp1, $3  }
0xbc: {  	_ =	sdelay $0x1  }
0xbd: {  	[sflag:s12] =	ssyncset.done $0x0  }
0xbe: {  	[sflag:s12] =	ssyncadd.s32 $0xFFFFD880  }
0xbf: {  	_ =	sfence.sel $0x180000  }
0xc0: {  	[bflag:$0x0] =	sbarrier.arrive $0xFFFF  }
0xc1: {  	_ =	strace $0x9000004A  }
0xc2: {  	s0 =	stileid.u32;
	[bflag:$0x2] =	sbarrier.arrive $0xFFFF  }
0xc3: {  	p0 =	sne.s32 s0, $0x0;
	s0 =	rddreg [dreg:$0x3]  }
0xc4: {  	s0 =	sadd.s32 @!p0 $0x100000, s0  }
0xc5: {  	[sflag:s0] =	ssyncadd.tile.s32 @!p0 $0x1;
	_ =	shalt  }
.Lfunc_end2:
_tile_overlayer_lowered:
.L_overlay_start_2:
0xc6: {  	(tag) =	ssettag $0x2  }
0xc7: {  	s0 =	rddreg [dreg:$0x0];
	s2 =	stileid.u32  }
0xc8: {  	s1 =	rddreg [dreg:$0x1];
	p0 =	sne.s32 s2, $0x0  }
0xc9: {  	s3 =	rddreg [dreg:$0x2];
	[bflag:$0x3] =	sbarrier.arrive $0xFFFF;
	s2 =	simm.s32 @!p0 $0x1C03  }
0xca: {  	[timem:s3], [sflag:s2] =	dma.local @!p0 [hbm:s0], s1  }
0xcb: {  	s0 =	simm.s32 @!p0 $0x3  }
0xcc: {  	_ =	swait.ge @!p0 [sflag:s0], s1  }
0xcd: {  	s1 =	ssub.s32 @!p0 $0x0, s1;
	[sflag:s0] =	ssyncset.done @!p0 $0x0  }
0xce: {  	[sflag:s0] =	ssyncadd.s32 @!p0 s1  }
0xcf: {  	[bflag:$0x3] =	sbarrier.arrive $0xFFFF  }
0xd0: {  	_ =	shalt  }

// kernel: kernel.19.cloned.1.call-start
scs
__scs_entry_jumppad:
0x0: {  	(pc) =	sbr.rel $0x88, $3  }
0x1: {  	(tag) =	ssettag $0x0;
	lr =	simm.s32 $0x1  }
0x2: {  	[smem:$0x3F92] =	sst lr;
	_ =	strace $0xD0000000  }
0x3: {  	_ = 	snop  }
0x4: {  	_ = 	snop  }
0x5: {  	_ = 	snop  }
0x6: {  	_ = 	snop  }
0x7: {  	_ = 	snop  }
__scs_overlays_trampoline_lowered:
0x8: {  	[smem:$0x3FA1] =	sst s0  }
0x9: {  	[smem:$0x3FA2] =	sst s1  }
0xa: {  	[smem:$0x3FA3] =	sst s2  }
0xb: {  	[smem:$0x3FA4] =	sst s3  }
0xc: {  	[smem:$0x3FA5] =	sst s4  }
0xd: {  	[smem:$0x3FA6] =	sst s5  }
0xe: {  	[smem:$0x3FA7] =	sst s6  }
0xf: {  	[smem:$0x3FA8] =	sst s7  }
0x10: {  	[smem:$0x3FA9] =	sst s8  }
0x11: {  	[smem:$0x3FAA] =	sst s9;
	s0 =	simm.s32 @!p0 $0x0  }
0x12: {  	s1 =	sld [smem:$0x3F90];
	s0 =	simm.s32 @p0 $0x1  }
0x13: {  	[smem:$0x3FAB] =	sst s0;
	s0 =	simm.s32 @!p1 $0x0  }
0x14: {  	s2 =	sld [smem:$0x3F8F];
	s0 =	simm.s32 @p1 $0x1  }
0x15: {  	[smem:$0x3FAC] =	sst s0;
	s0 =	simm.s32 @!p2 $0x0  }
0x16: {  	s3 =	sld [smem:$0x3FDB];
	s0 =	simm.s32 @p2 $0x1  }
0x17: {  	s4 =	simm.s32 $0x1BF5;
	[smem:$0x3FAE] =	sst s0  }
0x18: {  	s0 =	sld [smem:$0x3F91];
	_ =	swait.ge [sflag:s4], $0x0  }
0x19: {  	s7 =	sld [smem:$0x3F92]  }
0x1a: {  	s8 =	sadd.s32 $0xFFFFE003, lr  }
0x1b: {  	s9 =	sadd.s32 $0xFFFFFEF7, lr;
	s5 =	simm.s32 $0xFFFFFFFF;
	p2 =	slt.u32 s8, $0xFFFFF086  }
0x1c: {  	p1 =	slt.u32 s9, $0xF7A;
	s5 =	simm.s32 @!p2 $0x0  }
0x1d: {  	s5 =	simm.s32 @p1 $0x1;
	p0 =	seq.s32 s7, s2  }
0x1e: {  	s7 =	smul.u32 @!p0 $0xF7A, s2;
	p2 =	seq.s32 @!p0 s5, $0x0  }
0x1f: {  	s9 =	smul.u32 $0xF7A, s1;
	s8 =	simm.s32 @!p0 $0x1BF5;
	p2 =	por !p2, p0  }
0x20: {  	[sflag:s8] =	ssyncset.s32 @!p0 $0xFFFFF086;
	s6 =	sadd.s32 @!p0 s3, s7;
	s7 =	simm.s32 @!p0 $0x108  }
0x21: {  	s3 =	sadd.s32 s3, s9;
	s6 =	sadd.s32 @!p0 $0x88, s6;
	s7 =	simm.s32 @p2 $0x1082  }
0x22: {  	[simem:s7], [sflag:s8] =	dma.local @!p0 [hbm:s6], $0xF7A  }
0x23: {  	s9 =	sor.u32 $0xD0000000, s2;
	s6 =	simm.s32 $0x108;
	_ =	swait.ge @!p0 [sflag:s8], $0x0  }
0x24: {  	s3 =	sadd.s32 $0x88, s3;
	s6 =	simm.s32 @!p1 $0x1082;
	[sflag:s4] =	ssyncset.s32 $0xFFFFF086  }
0x25: {  	[simem:s6], [sflag:s4] =	dma.local [hbm:s3], $0xF7A  }
0x26: {  	[smem:$0x3F92] =	sst s1;
	(tag) =	ssettag s2;
	_ =	strace s9  }
0x27: {  	s1 =	sld [smem:$0x3FA2]  }
0x28: {  	s2 =	sld [smem:$0x3FA3]  }
0x29: {  	s4 =	sld [smem:$0x3FA5]  }
0x2a: {  	p0 =	seq.s32 s5, $0x0;
	s5 =	sld [smem:$0x3FA6]  }
0x2b: {  	s6 =	sld [smem:$0x3FA7]  }
0x2c: {  	s7 =	sld [smem:$0x3FA8]  }
0x2d: {  	s3 =	simm.s32 $0x108;
	s8 =	sld [smem:$0x3FA9]  }
0x2e: {  	s3 =	simm.s32 @!p0 $0x1082;
	s9 =	sld [smem:$0x3FAA]  }
0x2f: {  	lr =	sadd.s32 s0, s3;
	s0 =	sld [smem:$0x3FA1]  }
0x30: {  	s3 =	sld [smem:$0x3FA4]  }
0x31: {  	[smem:$0x3FAD] =	sst s10  }
0x32: {  	s10 =	sld [smem:$0x3FAB];
	_ =	sdelay $0x3  }
0x33: {  	p0 =	seq.s32 s10, $0x1;
	s10 =	sld [smem:$0x3FAD];
	_ =	sdelay $0x3  }
0x34: {  	[smem:$0x3FAD] =	sst s10  }
0x35: {  	s10 =	sld [smem:$0x3FAC];
	_ =	sdelay $0x3  }
0x36: {  	p1 =	seq.s32 s10, $0x1;
	s10 =	sld [smem:$0x3FAD];
	_ =	sdelay $0x3  }
0x37: {  	[smem:$0x3FAD] =	sst s10  }
0x38: {  	s10 =	sld [smem:$0x3FAE]  }
0x39: {  	_ = 	snop;
	(pc) =	sbr.ind lr, $3  }
0x3a: {  	_ = 	snop  }
0x3b: {  	_ = 	snop  }
0x3c: {  	p2 =	seq.s32 s10, $0x1;
	s10 =	sld [smem:$0x3FAD]  }
0x3d: {  	_ =	shalt  }
0x3e: {  	_ =	shalt  }
0x3f: {  	_ =	shalt  }
0x40: {  	_ =	shalt  }
0x41: {  	_ =	shalt  }
0x42: {  	_ =	shalt  }
0x43: {  	_ =	shalt  }
0x44: {  	_ =	shalt  }
0x45: {  	_ =	shalt  }
0x46: {  	_ =	shalt  }
0x47: {  	_ =	shalt  }
0x48: {  	_ =	shalt  }
0x49: {  	_ =	shalt  }
0x4a: {  	_ =	shalt  }
0x4b: {  	_ =	shalt  }
0x4c: {  	_ =	shalt  }
0x4d: {  	_ =	shalt  }
0x4e: {  	_ =	shalt  }
0x4f: {  	_ =	shalt  }
0x50: {  	_ =	shalt  }
0x51: {  	_ =	shalt  }
0x52: {  	_ =	shalt  }
0x53: {  	_ =	shalt  }
0x54: {  	_ =	shalt  }
0x55: {  	_ =	shalt  }
0x56: {  	_ =	shalt  }
0x57: {  	_ =	shalt  }
0x58: {  	_ =	shalt  }
0x59: {  	_ =	shalt  }
0x5a: {  	_ =	shalt  }
0x5b: {  	_ =	shalt  }
0x5c: {  	_ =	shalt  }
0x5d: {  	_ =	shalt  }
0x5e: {  	_ =	shalt  }
0x5f: {  	_ =	shalt  }
0x60: {  	_ =	shalt  }
0x61: {  	_ =	shalt  }
0x62: {  	_ =	shalt  }
0x63: {  	_ =	shalt  }
0x64: {  	_ =	shalt  }
0x65: {  	_ =	shalt  }
0x66: {  	_ =	shalt  }
0x67: {  	_ =	shalt  }
0x68: {  	_ =	shalt  }
0x69: {  	_ =	shalt  }
0x6a: {  	_ =	shalt  }
0x6b: {  	_ =	shalt  }
0x6c: {  	_ =	shalt  }
0x6d: {  	_ =	shalt  }
0x6e: {  	_ =	shalt  }
0x6f: {  	_ =	shalt  }
0x70: {  	_ =	shalt  }
0x71: {  	_ =	shalt  }
0x72: {  	_ =	shalt  }
0x73: {  	_ =	shalt  }
0x74: {  	_ =	shalt  }
0x75: {  	_ =	shalt  }
0x76: {  	_ =	shalt  }
0x77: {  	_ =	shalt  }
0x78: {  	_ =	shalt  }
0x79: {  	_ =	shalt  }
0x7a: {  	_ =	shalt  }
0x7b: {  	_ =	shalt  }
0x7c: {  	_ =	shalt  }
0x7d: {  	_ =	shalt  }
0x7e: {  	_ =	shalt  }
0x7f: {  	_ =	shalt  }
0x80: {  	_ =	shalt  }
0x81: {  	_ =	shalt  }
0x82: {  	_ =	shalt  }
0x83: {  	_ =	shalt  }
0x84: {  	_ =	shalt  }
0x85: {  	_ =	shalt  }
0x86: {  	_ =	shalt  }
0x87: {  	_ =	shalt  }
.Lfunc_end0:
.L_simem_size_0:
called_computation.3_lowered:
.L_overlay_start_0:
0x88: {  	s2 =	sld [smem:$0x3FD9]  }
0x89: {  	s3 =	sld [smem:$0x3FFE];
	_ =	sdelay $0x1  }
0x8a: {  	s1 =	srdreg.scid  }
0x8b: {  	s0 =	sand.u32 $0x1, s1  }
0x8c: {  	s16 =	sshll.u32 s0, $0xA;
	s2 =	sadd.s32 s3, s2  }
0x8d: {  	s2 =	sadd.s32 s2, s16  }
0x8e: {  	[smem:$0x3FB9] =	sst s2  }
0x8f: {  	_ = 	snop  }
0x90: {  	(tm) =	ssettm $0x1  }
0x91: {  	s17 =	sld [smem:$0x3FFB];
	_ =	sdelay $0x3  }
0x92: {  	_ =	strace s17  }
0x93: {  	s2 =	sld [smem:$0x3FFC];
	_ =	sdelay $0x3  }
0x94: {  	_ =	strace s2  }
0x95: {  	s2 =	sld [smem:$0x3FFD];
	_ =	sdelay $0x3  }
0x96: {  	_ =	strace s2  }
0x97: {  	_ =	strace $0x8FFFFFFF  }
0x98: {  	s18 =	sld [smem:$0x3FDB];
	_ =	sdelay $0x1  }
0x99: {  	s19 =	simm.s32 $_scs_section_size  }
0x9a: {  	s4 =	simm.s32 $_size__tile_overlayer_lowered;
	s5 =	simm.s32 $_tile_overlayer_lowered  }
0x9b: {  	s22 =	simm.s32 $0x1BFF;
	s21 =	sshll.u32 s5, $0x1;
	s2 =	sadd.s32 s19, s18  }
0x9c: {  	s6 =	simm.s32 $0x0;
	s20 =	sshll.u32 s4, $0x1;
	s4 =	sadd.s32 s21, s2  }
0x9d: {  	[timem:s6], [sflag:s22] =	dma.local [hbm:s4], s20  }
0x9e: {  	_ =	swait.ge [sflag:s22], s20  }
0x9f: {  	s3 =	ssub.s32 $0x0, s20;
	[sflag:s22] =	ssyncset.done $0x0  }
0xa0: {  	[sflag:s22] =	ssyncadd.s32 s3;
	_ =	sdelay $0x1  }
0xa1: {  	s23 =	simm.s32 $0x1B8B  }
0xa2: {  	_ =	swait.ge [sflag:s23], $0x1  }
0xa3: {  	[sflag:s23] =	ssyncset.done $0x0  }
0xa4: {  	s25 =	simm.s32 $0x1B8E;
	s24 =	sld [smem:$0x3FFE];
	[sflag:s23] =	ssyncadd.s32 $0xFFFFFFFF  }
0xa5: {  	s26 =	simm.s32 $execute0_lowered;
	[smem:$0x3FD2] =	sst s25  }
0xa6: {  	s4 =	sshll.u32 s26, $0x1;
	_ =	strace $0x8000004F;
	[dreg:$0x1] =	wrdreg $0xFFFFFFFF  }
0xa7: {  	s28 =	simm.s32 $_size_execute0_lowered;
	s2 =	sadd.s32 s2, s4;
	[dreg:$0x0] =	wrdreg $0x0  }
0xa8: {  	s4 =	sshll.u32 s28, $0x1;
	[dreg:$0x2] =	wrdreg s2  }
0xa9: {  	[dreg:$0x3] =	wrdreg s4  }
0xaa: {  	[dreg:$0x4] =	wrdreg $0xC0  }
0xab: {  	_ =	task [dreg:s6], $0x5FFFF  }
0xac: {  	[dreg:$0x1] =	wrdreg $0xFFFFFFFF  }
0xad: {  	[dreg:$0x0] =	wrdreg $0x60  }
0xae: {  	[dreg:$0x2] =	wrdreg s24  }
0xaf: {  	[dreg:$0x3] =	wrdreg $0x90000  }
0xb0: {  	[dreg:$0x4] =	wrdreg $0x9  }
0xb1: {  	_ =	task.clear_ibuf [dreg:s6], $0x5FFFF;
	_ =	strace $0x9000004F  }
0xb2: {  	s29 =	simm.s32 $0x9;
	_ =	strace $0x80000051  }
0xb3: {  	_ =	swait.ge [sflag:s29], $0x1  }
0xb4: {  	[sflag:s29] =	ssyncadd.s32 $0xFFFFFFFF  }
0xb5: {  	_ =	strace $0x90000051  }
0xb6: {  	_ =	sfence  }
0xb7: {  	s30 =	sld [smem:$0x0];
	_ =	sdelay $0x2  }
0xb8: {  	s31 =	sshll.u32 s1, $0xD;
	s1 =	sshrl.u32 s1, $0x2  }
0xb9: {  	s3 =	sand.u32 $0x4000, s31;
	s1 =	sadd.s32 s1, s30  }
0xba: {  	s0 =	sor.u32 s3, s0;
	s1 =	sshll.u32 s1, $0x11  }
0xbb: {  	s0 =	sor.u32 s1, s0  }
0xbc: {  	s0 =	sadd.s32 $0x8F2B, s0  }
0xbd: {  	[sflag:s0] =	ssyncadd.remote.s32 $0x1  }
0xbe: {  	_ =	sfence.sel $0xFFFF  }
0xbf: {  	[dreg:$0x0] =	wrdreg $0xFFFFFFFF;
	(pc) =	sbr.abs _section_cstart, $3  }
0xc0: {  	[dreg:$0x1] =	wrdreg $0xFFFFFFFF  }
0xc1: {  	_ =	task.clear_ibuf [dreg:s6], $0x2FFFF;
	_ =	strace $0x9FFFFFFF  }
0xc2: {  	(tm) =	ssettm $0x7FFFFFFF  }
0xc3: {  	_ =	shalt  }
tec
execute0_lowered:
.L_overlay_start_1:
0x0: {  	(tag) =	ssettag $0x1  }
0x1: {  	s0 =	rddreg [dreg:$0x0]  }
0x2: {  	s1 =	rddreg [dreg:$0x1];
	s3 =	simm.s32 $0x0;
	s2 =	srdreg.scid  }
0x3: {  	s9 =	stileid.u32;
	s12 =	simm.s32 $0x3;
	s13 =	simm.s32 $0x800  }
0x4: {  	s14 =	simm.s32 $0x80;
	s15 =	simm.s32 $0x1000;
	s16 =	simm.s32 $0x5000  }
0x5: {  	s17 =	simm.s32 $0x1;
	s18 =	simm.s32 $0x2;
	s31 =	simm.s32 $0x580  }
0x6: {  	s11 =	simm.s32 $0xF00;
	s19 =	simm.s32 $0xF80;
	s4 =	smul.u32 $0x90, s9  }
0x7: {  	[smem:$0x7FF] =	sst s3;
	s2 =	sand.u32 $0x1, s2;
	s7 =	smul.u32 $0x13C00, s9  }
0x8: {  	s5 =	sshll.u32 s9, $0x4;
	s8 =	smul.u32 $0x4F000, s9;
	s10 =	sadd.s32 $0x48800, s0  }
0x9: {  	s24 =	sshll.u32 s9, $0x6;
	s9 =	simm.s32 $0xE80;
	p0 =	seq.s32 s2, $0x0  }
0xa: {  	s5 =	sor.u32 $0x900, s5;
	s6 =	smul.u32 $0x13C000, s2;
	_ =	strace $0x80000050  }
0xb: {  	s21 =	ssub.s32 $0x2, s2;
	[dreg:$0x3] =	wrdreg s10;
	s29 =	sor.u32 $0x1C03, s24  }
0xc: {  	s24 =	simm.s32 $0xC00;
	s10 =	simm.s32 $0x700;
	s5 =	smov.u32 @p0 s4  }
0xd: {  	s4 =	sadd.s32 $0x4000, s0;
	s22 =	sshrl.u32 s21, $0x1;
	s23 =	sshrl.u32 s8, $0x2  }
0xe: {  	p0 =	sne.s32 s2, $0x0;
	[dreg:$0x4] =	wrdreg s29;
	s2 =	simm.s32 $0xD80  }
0xf: {  	s8 =	simm.s32 $0xE00;
	s5 =	sshll.u32 s5, $0x4;
	s6 =	sadd.s32 s7, s6  }
0x10: {  	s7 =	sadd.s32 s23, s1;
	s23 =	simm.s32 $0x480;
	s5 =	sadd.s32 s5, s0  }
0x11: {  	s6 =	sshrl.u32 s6, $0x3;
	s30 =	sshrl.u32 s7, $0x3;
	s7 =	simm.s32 $0x680  }
0x12: {  	s0 =	sadd.s32 s6, s0;
	s6 =	ssub.s32 s21, s22;
	s26 =	sadd.s32 $0x34800, s5  }
0x13: {  	s28 =	sadd.s32 $0x3E800, s5;
	[dreg:$0x9] =	wrdreg s30;
	s21 =	simm.s32 $0xB80  }
0x14: {  	s22 =	simm.s32 $0x400;
	s5 =	simm.s32 $0x600;
	[dreg:$0x7] =	wrdreg s26  }
0x15: {  	s0 =	sadd.s32 $0x4B000, s0;
	s25 =	smax.u32 s6, $0x1;
	[dreg:$0x8] =	wrdreg s28  }
0x16: {  	s26 =	simm.s32 $0x500;
	s6 =	simm.s32 $0x780;
	[dreg:$0x5] =	wrdreg s0  }
0x17: {  	[dreg:$0x6] =	wrdreg s25;
	s0 =	simm.s32 $0x0;
	s25 =	simm.s32 $0xC80  }
.LBB2_1:
0x18: {  	[dreg:$0xa] =	wrdreg s0  }
0x19: {  	s28 =	rddreg [dreg:$0x3]  }
0x1a: {  	[spmem:s30], [sflag:s29] =	dma.local [hbm:s28], $0x2780  }
0x1b: {  	_ =	swait.ge [sflag:s12], $0x2780  }
0x1c: {  	[sflag:s12] =	ssyncset.done $0x0  }
0x1d: {  	[sflag:s12] =	ssyncadd.s32 $0xFFFFD880  }
0x1e: {  	[bflag:$0x0] =	sbarrier.arrive $0xFFFF  }
0x1f: {  	s28 =	rddreg [dreg:$0x8]  }
0x20: {  	s0 =	simm.s32 $0xD00;
	s30 =	simm.s32 $0x0;
	s29 =	rddreg [dreg:$0x7]  }
.LBB2_2:
0x21: {  	[tilespmem:s3], [sflag:$0x3] =	stream.linear.gather [hbm4b:s28+s3], $0x800, $0x38;
	[tilespmem:$0x1CC00] =	vst v63  }
0x22: {  	_ =	swait.ge [sflag:s12], $0x800  }
0x23: {  	[sflag:s12] =	ssyncset.done $0x0  }
0x24: {  	[sflag:s12] =	ssyncadd.s32 $0xFFFFF800  }
0x25: {  	[tilespmem:s13], [sflag:$0x3] =	stream.linear.gather [hbm4b:s29+s3], $0x800, $0x38;
	[tilespmem:$0x1CC00] =	vst v63  }
0x26: {  	_ =	swait.ge [sflag:s12], $0x800  }
0x27: {  	[sflag:s12] =	ssyncset.done $0x0  }
0x28: {  	[sflag:s12] =	ssyncadd.s32 $0xFFFFF800  }
0x29: {  	[tilespmem:s15], [sflag:$0x1] =	stream.indirect.gather [hbm4b:s4+s14], $0x80, s3, s14, $0xb8;
	[tilespmem:$0x1CC00] =	vst v63  }
0x2a: {  	_ = 	snop  }
0x2b: {  	[tilespmem:s16], [sflag:$0x2] =	stream.indirect.gather [hbm4b:s4+s14], $0x80, s14, s14, $0xb8;
	[tilespmem:$0x1CC00] =	vst v63  }
0x2c: {  	_ =	swait.ge [sflag:s17], $0x4000  }
0x2d: {  	[sflag:s17] =	ssyncset.done $0x0  }
0x2e: {  	[sflag:s17] =	ssyncadd.s32 $0xFFFFC000  }
0x2f: {  	[spmem:s1] =	stream.indirect.scatter.add.f32 [tilespmem:s15], [sflag:$0x3], $0x80, s13, s14, $0xb8;
	[tilespmem:$0x1CC00] =	vst v63  }
0x30: {  	_ =	swait.ge [sflag:s12], $0x4000  }
0x31: {  	[sflag:s12] =	ssyncset.done $0x0  }
0x32: {  	[sflag:s12] =	ssyncadd.s32 $0xFFFFC000  }
0x33: {  	_ =	swait.ge [sflag:s18], $0x4000  }
0x34: {  	[sflag:s18] =	ssyncset.done $0x0  }
0x35: {  	s20 =	simm.s32 $0x880;
	[sflag:s18] =	ssyncadd.s32 $0xFFFFC000  }
0x36: {  	[spmem:s1] =	stream.indirect.scatter.add.f32 [tilespmem:s16], [sflag:$0x3], $0x80, s20, s14, $0xb8;
	[tilespmem:$0x1CC00] =	vst v63  }
0x37: {  	_ =	swait.ge [sflag:s12], $0x4000  }
0x38: {  	[sflag:s12] =	ssyncset.done $0x0  }
0x39: {  	s20 =	simm.s32 $0x100;
	[sflag:s12] =	ssyncadd.s32 $0xFFFFC000  }
0x3a: {  	[tilespmem:s15], [sflag:$0x1] =	stream.indirect.gather [hbm4b:s4+s14], $0x80, s20, s14, $0xb8;
	[tilespmem:$0x1CC00] =	vst v63  }
0x3b: {  	s20 =	simm.s32 $0x180  }
0x3c: {  	[tilespmem:s16], [sflag:$0x2] =	stream.indirect.gather [hbm4b:s4+s14], $0x80, s20, s14, $0xb8;
	[tilespmem:$0x1CC00] =	vst v63  }
0x3d: {  	_ =	swait.ge [sflag:s17], $0x4000  }
0x3e: {  	[sflag:s17] =	ssyncset.done $0x0  }
0x3f: {  	s20 =	simm.s32 $0x900;
	[sflag:s17] =	ssyncadd.s32 $0xFFFFC000  }
0x40: {  	[spmem:s1] =	stream.indirect.scatter.add.f32 [tilespmem:s15], [sflag:$0x3], $0x80, s20, s14, $0xb8;
	[tilespmem:$0x1CC00] =	vst v63  }
0x41: {  	_ =	swait.ge [sflag:s12], $0x4000  }
0x42: {  	[sflag:s12] =	ssyncset.done $0x0  }
0x43: {  	[sflag:s12] =	ssyncadd.s32 $0xFFFFC000  }
0x44: {  	_ =	swait.ge [sflag:s18], $0x4000  }
0x45: {  	[sflag:s18] =	ssyncset.done $0x0  }
0x46: {  	s20 =	simm.s32 $0x980;
	[sflag:s18] =	ssyncadd.s32 $0xFFFFC000  }
0x47: {  	[spmem:s1] =	stream.indirect.scatter.add.f32 [tilespmem:s16], [sflag:$0x3], $0x80, s20, s14, $0xb8;
	[tilespmem:$0x1CC00] =	vst v63  }
0x48: {  	_ =	swait.ge [sflag:s12], $0x4000  }
0x49: {  	[sflag:s12] =	ssyncset.done $0x0  }
0x4a: {  	s20 =	simm.s32 $0x200;
	[sflag:s12] =	ssyncadd.s32 $0xFFFFC000  }
0x4b: {  	[tilespmem:s15], [sflag:$0x1] =	stream.indirect.gather [hbm4b:s4+s14], $0x80, s20, s14, $0xb8;
	[tilespmem:$0x1CC00] =	vst v63  }
0x4c: {  	s20 =	simm.s32 $0x280  }
0x4d: {  	[tilespmem:s16], [sflag:$0x2] =	stream.indirect.gather [hbm4b:s4+s14], $0x80, s20, s14, $0xb8;
	[tilespmem:$0x1CC00] =	vst v63  }
0x4e: {  	_ =	swait.ge [sflag:s17], $0x4000  }
0x4f: {  	[sflag:s17] =	ssyncset.done $0x0  }
0x50: {  	s20 =	simm.s32 $0xA00;
	[sflag:s17] =	ssyncadd.s32 $0xFFFFC000  }
0x51: {  	[spmem:s1] =	stream.indirect.scatter.add.f32 [tilespmem:s15], [sflag:$0x3], $0x80, s20, s14, $0xb8;
	[tilespmem:$0x1CC00] =	vst v63  }
0x52: {  	_ =	swait.ge [sflag:s12], $0x4000  }
0x53: {  	[sflag:s12] =	ssyncset.done $0x0  }
0x54: {  	[sflag:s12] =	ssyncadd.s32 $0xFFFFC000  }
0x55: {  	_ =	swait.ge [sflag:s18], $0x4000  }
0x56: {  	[sflag:s18] =	ssyncset.done $0x0  }
0x57: {  	s20 =	simm.s32 $0xA80;
	[sflag:s18] =	ssyncadd.s32 $0xFFFFC000  }
0x58: {  	[spmem:s1] =	stream.indirect.scatter.add.f32 [tilespmem:s16], [sflag:$0x3], $0x80, s20, s14, $0xb8;
	[tilespmem:$0x1CC00] =	vst v63  }
0x59: {  	_ =	swait.ge [sflag:s12], $0x4000  }
0x5a: {  	[sflag:s12] =	ssyncset.done $0x0  }
0x5b: {  	s20 =	simm.s32 $0x300;
	[sflag:s12] =	ssyncadd.s32 $0xFFFFC000  }
0x5c: {  	[tilespmem:s15], [sflag:$0x1] =	stream.indirect.gather [hbm4b:s4+s14], $0x80, s20, s14, $0xb8;
	[tilespmem:$0x1CC00] =	vst v63  }
0x5d: {  	s20 =	simm.s32 $0x380  }
0x5e: {  	[tilespmem:s16], [sflag:$0x2] =	stream.indirect.gather [hbm4b:s4+s14], $0x80, s20, s14, $0xb8;
	[tilespmem:$0x1CC00] =	vst v63  }
0x5f: {  	_ =	swait.ge [sflag:s17], $0x4000  }
0x60: {  	[sflag:s17] =	ssyncset.done $0x0  }
0x61: {  	s20 =	simm.s32 $0xB00;
	[sflag:s17] =	ssyncadd.s32 $0xFFFFC000  }
0x62: {  	[spmem:s1] =	stream.indirect.scatter.add.f32 [tilespmem:s15], [sflag:$0x3], $0x80, s20, s14, $0xb8;
	[tilespmem:$0x1CC00] =	vst v63  }
0x63: {  	_ =	swait.ge [sflag:s12], $0x4000  }
0x64: {  	[sflag:s12] =	ssyncset.done $0x0  }
0x65: {  	[sflag:s12] =	ssyncadd.s32 $0xFFFFC000  }
0x66: {  	_ =	swait.ge [sflag:s18], $0x4000  }
0x67: {  	[sflag:s18] =	ssyncset.done $0x0  }
0x68: {  	[sflag:s18] =	ssyncadd.s32 $0xFFFFC000  }
0x69: {  	[spmem:s1] =	stream.indirect.scatter.add.f32 [tilespmem:s16], [sflag:$0x3], $0x80, s21, s14, $0xb8;
	[tilespmem:$0x1CC00] =	vst v63  }
0x6a: {  	_ =	swait.ge [sflag:s12], $0x4000  }
0x6b: {  	[sflag:s12] =	ssyncset.done $0x0  }
0x6c: {  	[sflag:s12] =	ssyncadd.s32 $0xFFFFC000  }
0x6d: {  	[tilespmem:s15], [sflag:$0x1] =	stream.indirect.gather [hbm4b:s4+s14], $0x80, s22, s14, $0xb8;
	[tilespmem:$0x1CC00] =	vst v63  }
0x6e: {  	_ = 	snop  }
0x6f: {  	[tilespmem:s16], [sflag:$0x2] =	stream.indirect.gather [hbm4b:s4+s14], $0x80, s23, s14, $0xb8;
	[tilespmem:$0x1CC00] =	vst v63  }
0x70: {  	_ =	swait.ge [sflag:s17], $0x4000  }
0x71: {  	[sflag:s17] =	ssyncset.done $0x0  }
0x72: {  	[sflag:s17] =	ssyncadd.s32 $0xFFFFC000  }
0x73: {  	[spmem:s1] =	stream.indirect.scatter.add.f32 [tilespmem:s15], [sflag:$0x3], $0x80, s24, s14, $0xb8;
	[tilespmem:$0x1CC00] =	vst v63  }
0x74: {  	_ =	swait.ge [sflag:s12], $0x4000  }
0x75: {  	[sflag:s12] =	ssyncset.done $0x0  }
0x76: {  	[sflag:s12] =	ssyncadd.s32 $0xFFFFC000  }
0x77: {  	_ =	swait.ge [sflag:s18], $0x4000  }
0x78: {  	[sflag:s18] =	ssyncset.done $0x0  }
0x79: {  	[sflag:s18] =	ssyncadd.s32 $0xFFFFC000  }
0x7a: {  	[spmem:s1] =	stream.indirect.scatter.add.f32 [tilespmem:s16], [sflag:$0x3], $0x80, s25, s14, $0xb8;
	[tilespmem:$0x1CC00] =	vst v63  }
0x7b: {  	_ =	swait.ge [sflag:s12], $0x4000  }
0x7c: {  	[sflag:s12] =	ssyncset.done $0x0  }
0x7d: {  	[sflag:s12] =	ssyncadd.s32 $0xFFFFC000  }
0x7e: {  	[tilespmem:s15], [sflag:$0x1] =	stream.indirect.gather [hbm4b:s4+s14], $0x80, s26, s14, $0xb8;
	[tilespmem:$0x1CC00] =	vst v63  }
0x7f: {  	_ = 	snop  }
0x80: {  	[tilespmem:s16], [sflag:$0x2] =	stream.indirect.gather [hbm4b:s4+s14], $0x80, s31, s14, $0xb8;
	[tilespmem:$0x1CC00] =	vst v63  }
0x81: {  	_ =	swait.ge [sflag:s17], $0x4000  }
0x82: {  	[sflag:s17] =	ssyncset.done $0x0  }
0x83: {  	[sflag:s17] =	ssyncadd.s32 $0xFFFFC000  }
0x84: {  	[spmem:s1] =	stream.indirect.scatter.add.f32 [tilespmem:s15], [sflag:$0x3], $0x80, s0, s14, $0xb8;
	[tilespmem:$0x1CC00] =	vst v63  }
0x85: {  	_ =	swait.ge [sflag:s12], $0x4000  }
0x86: {  	[sflag:s12] =	ssyncset.done $0x0  }
0x87: {  	[sflag:s12] =	ssyncadd.s32 $0xFFFFC000  }
0x88: {  	_ =	swait.ge [sflag:s18], $0x4000  }
0x89: {  	[sflag:s18] =	ssyncset.done $0x0  }
0x8a: {  	[sflag:s18] =	ssyncadd.s32 $0xFFFFC000  }
0x8b: {  	[spmem:s1] =	stream.indirect.scatter.add.f32 [tilespmem:s16], [sflag:$0x3], $0x80, s2, s14, $0xb8;
	[tilespmem:$0x1CC00] =	vst v63  }
0x8c: {  	_ =	swait.ge [sflag:s12], $0x4000  }
0x8d: {  	[sflag:s12] =	ssyncset.done $0x0  }
0x8e: {  	[sflag:s12] =	ssyncadd.s32 $0xFFFFC000  }
0x8f: {  	[tilespmem:s15], [sflag:$0x1] =	stream.indirect.gather [hbm4b:s4+s14], $0x80, s5, s14, $0xb8;
	[tilespmem:$0x1CC00] =	vst v63  }
0x90: {  	_ = 	snop  }
0x91: {  	[tilespmem:s16], [sflag:$0x2] =	stream.indirect.gather [hbm4b:s4+s14], $0x80, s7, s14, $0xb8;
	[tilespmem:$0x1CC00] =	vst v63  }
0x92: {  	_ =	swait.ge [sflag:s17], $0x4000  }
0x93: {  	[sflag:s17] =	ssyncset.done $0x0  }
0x94: {  	[sflag:s17] =	ssyncadd.s32 $0xFFFFC000  }
0x95: {  	[spmem:s1] =	stream.indirect.scatter.add.f32 [tilespmem:s15], [sflag:$0x3], $0x80, s8, s14, $0xb8;
	[tilespmem:$0x1CC00] =	vst v63  }
0x96: {  	_ =	swait.ge [sflag:s12], $0x4000  }
0x97: {  	[sflag:s12] =	ssyncset.done $0x0  }
0x98: {  	[sflag:s12] =	ssyncadd.s32 $0xFFFFC000  }
0x99: {  	_ =	swait.ge [sflag:s18], $0x4000  }
0x9a: {  	[sflag:s18] =	ssyncset.done $0x0  }
0x9b: {  	[sflag:s18] =	ssyncadd.s32 $0xFFFFC000  }
0x9c: {  	[spmem:s1] =	stream.indirect.scatter.add.f32 [tilespmem:s16], [sflag:$0x3], $0x80, s9, s14, $0xb8;
	[tilespmem:$0x1CC00] =	vst v63  }
0x9d: {  	_ =	swait.ge [sflag:s12], $0x4000  }
0x9e: {  	[sflag:s12] =	ssyncset.done $0x0  }
0x9f: {  	[sflag:s12] =	ssyncadd.s32 $0xFFFFC000  }
0xa0: {  	[tilespmem:s15], [sflag:$0x1] =	stream.indirect.gather [hbm4b:s4+s14], $0x80, s10, s14, $0xb8;
	[tilespmem:$0x1CC00] =	vst v63  }
0xa1: {  	_ = 	snop  }
0xa2: {  	[tilespmem:s16], [sflag:$0x2] =	stream.indirect.gather [hbm4b:s4+s14], $0x80, s6, s14, $0xb8;
	[tilespmem:$0x1CC00] =	vst v63  }
0xa3: {  	_ =	swait.ge [sflag:s17], $0x4000  }
0xa4: {  	[sflag:s17] =	ssyncset.done $0x0  }
0xa5: {  	[sflag:s17] =	ssyncadd.s32 $0xFFFFC000  }
0xa6: {  	[spmem:s1] =	stream.indirect.scatter.add.f32 [tilespmem:s15], [sflag:$0x3], $0x80, s11, s14, $0xb8;
	[tilespmem:$0x1CC00] =	vst v63  }
0xa7: {  	_ =	swait.ge [sflag:s12], $0x4000  }
0xa8: {  	[sflag:s12] =	ssyncset.done $0x0  }
0xa9: {  	[sflag:s12] =	ssyncadd.s32 $0xFFFFC000  }
0xaa: {  	p1 =	slt.u32 @!p0 s30, $0x8;
	_ =	swait.ge [sflag:s18], $0x4000  }
0xab: {  	p1 =	por p0, !p1;
	[sflag:s18] =	ssyncset.done $0x0  }
.Ltmp0:
0xac: {  	[sflag:s18] =	ssyncadd.s32 $0xFFFFC000;
	(pc) =	sbr.rel @!p1 .LBB2_2-.Ltmp0, $4  }
0xad: {  	[spmem:s1] =	stream.indirect.scatter.add.f32 [tilespmem:s16], [sflag:$0x3], $0x80, s19, s14, $0xb8;
	[tilespmem:$0x1CC00] =	vst v63  }
0xae: {  	_ =	swait.ge [sflag:s12], $0x4000  }
0xaf: {  	s30 =	sadd.s32 $0x1, s30;
	[sflag:s12] =	ssyncset.done $0x0  }
0xb0: {  	s28 =	sadd.s32 $0x100, s28;
	s29 =	sadd.s32 $0x100, s29;
	[sflag:s12] =	ssyncadd.s32 $0xFFFFC000  }
0xb1: {  	[bflag:$0x0] =	sbarrier.arrive $0xFFFF  }
0xb2: {  	s29 =	rddreg [dreg:$0x4]  }
0xb3: {  	s28 =	rddreg [dreg:$0x5]  }
0xb4: {  	s30 =	rddreg [dreg:$0x9]  }
0xb5: {  	[hbm:s28], [sflag:s29] =	dma.local [spmem:s30], $0x2780  }
0xb6: {  	_ =	swait.ge [sflag:s12], $0x2780  }
0xb7: {  	s0 =	rddreg [dreg:$0xa]  }
0xb8: {  	s20 =	rddreg [dreg:$0x6];
	s0 =	sadd.s32 $0x1, s0  }
0xb9: {  	p1 =	sne.s32 s0, s20  }
.Ltmp1:
0xba: {  	_ = 	snop;
	(pc) =	sbr.rel @p1 .LBB2_1-.Ltmp1, $3  }
0xbb: {  	_ =	sdelay $0x1  }
0xbc: {  	[sflag:s12] =	ssyncset.done $0x0  }
0xbd: {  	[sflag:s12] =	ssyncadd.s32 $0xFFFFD880  }
0xbe: {  	_ =	sfence.sel $0x180000  }
0xbf: {  	[bflag:$0x0] =	sbarrier.arrive $0xFFFF  }
0xc0: {  	_ =	strace $0x90000050  }
0xc1: {  	s0 =	stileid.u32;
	[bflag:$0x2] =	sbarrier.arrive $0xFFFF  }
0xc2: {  	p0 =	sne.s32 s0, $0x0;
	s0 =	rddreg [dreg:$0x2]  }
0xc3: {  	s0 =	sadd.s32 @!p0 $0x100000, s0  }
0xc4: {  	[sflag:s0] =	ssyncadd.tile.s32 @!p0 $0x1;
	_ =	shalt  }
.Lfunc_end2:
_tile_overlayer_lowered:
.L_overlay_start_2:
0xc5: {  	(tag) =	ssettag $0x2  }
0xc6: {  	s0 =	rddreg [dreg:$0x0];
	s2 =	stileid.u32  }
0xc7: {  	s1 =	rddreg [dreg:$0x1];
	p0 =	sne.s32 s2, $0x0  }
0xc8: {  	s3 =	rddreg [dreg:$0x2];
	[bflag:$0x3] =	sbarrier.arrive $0xFFFF;
	s2 =	simm.s32 @!p0 $0x1C03  }
0xc9: {  	[timem:s3], [sflag:s2] =	dma.local @!p0 [hbm:s0], s1  }
0xca: {  	s0 =	simm.s32 @!p0 $0x3  }
0xcb: {  	_ =	swait.ge @!p0 [sflag:s0], s1  }
0xcc: {  	s1 =	ssub.s32 @!p0 $0x0, s1;
	[sflag:s0] =	ssyncset.done @!p0 $0x0  }
0xcd: {  	[sflag:s0] =	ssyncadd.s32 @!p0 s1  }
0xce: {  	[bflag:$0x3] =	sbarrier.arrive $0xFFFF  }
0xcf: {  	_ =	shalt  }

// kernel: kernel.22.cloned.1.call-start
scs
__scs_entry_jumppad:
0x0: {  	(pc) =	sbr.rel $0x88, $3  }
0x1: {  	(tag) =	ssettag $0x0;
	lr =	simm.s32 $0x1  }
0x2: {  	[smem:$0x3F92] =	sst lr;
	_ =	strace $0xD0000000  }
0x3: {  	_ = 	snop  }
0x4: {  	_ = 	snop  }
0x5: {  	_ = 	snop  }
0x6: {  	_ = 	snop  }
0x7: {  	_ = 	snop  }
__scs_overlays_trampoline_lowered:
0x8: {  	[smem:$0x3FA1] =	sst s0  }
0x9: {  	[smem:$0x3FA2] =	sst s1  }
0xa: {  	[smem:$0x3FA3] =	sst s2  }
0xb: {  	[smem:$0x3FA4] =	sst s3  }
0xc: {  	[smem:$0x3FA5] =	sst s4  }
0xd: {  	[smem:$0x3FA6] =	sst s5  }
0xe: {  	[smem:$0x3FA7] =	sst s6  }
0xf: {  	[smem:$0x3FA8] =	sst s7  }
0x10: {  	[smem:$0x3FA9] =	sst s8  }
0x11: {  	[smem:$0x3FAA] =	sst s9;
	s0 =	simm.s32 @!p0 $0x0  }
0x12: {  	s1 =	sld [smem:$0x3F90];
	s0 =	simm.s32 @p0 $0x1  }
0x13: {  	[smem:$0x3FAB] =	sst s0;
	s0 =	simm.s32 @!p1 $0x0  }
0x14: {  	s2 =	sld [smem:$0x3F8F];
	s0 =	simm.s32 @p1 $0x1  }
0x15: {  	[smem:$0x3FAC] =	sst s0;
	s0 =	simm.s32 @!p2 $0x0  }
0x16: {  	s3 =	sld [smem:$0x3FDB];
	s0 =	simm.s32 @p2 $0x1  }
0x17: {  	s4 =	simm.s32 $0x1BF5;
	[smem:$0x3FAE] =	sst s0  }
0x18: {  	s0 =	sld [smem:$0x3F91];
	_ =	swait.ge [sflag:s4], $0x0  }
0x19: {  	s7 =	sld [smem:$0x3F92]  }
0x1a: {  	s8 =	sadd.s32 $0xFFFFE003, lr  }
0x1b: {  	s9 =	sadd.s32 $0xFFFFFEF7, lr;
	s5 =	simm.s32 $0xFFFFFFFF;
	p2 =	slt.u32 s8, $0xFFFFF086  }
0x1c: {  	p1 =	slt.u32 s9, $0xF7A;
	s5 =	simm.s32 @!p2 $0x0  }
0x1d: {  	s5 =	simm.s32 @p1 $0x1;
	p0 =	seq.s32 s7, s2  }
0x1e: {  	s7 =	smul.u32 @!p0 $0xF7A, s2;
	p2 =	seq.s32 @!p0 s5, $0x0  }
0x1f: {  	s9 =	smul.u32 $0xF7A, s1;
	s8 =	simm.s32 @!p0 $0x1BF5;
	p2 =	por !p2, p0  }
0x20: {  	[sflag:s8] =	ssyncset.s32 @!p0 $0xFFFFF086;
	s6 =	sadd.s32 @!p0 s3, s7;
	s7 =	simm.s32 @!p0 $0x108  }
0x21: {  	s3 =	sadd.s32 s3, s9;
	s6 =	sadd.s32 @!p0 $0x88, s6;
	s7 =	simm.s32 @p2 $0x1082  }
0x22: {  	[simem:s7], [sflag:s8] =	dma.local @!p0 [hbm:s6], $0xF7A  }
0x23: {  	s9 =	sor.u32 $0xD0000000, s2;
	s6 =	simm.s32 $0x108;
	_ =	swait.ge @!p0 [sflag:s8], $0x0  }
0x24: {  	s3 =	sadd.s32 $0x88, s3;
	s6 =	simm.s32 @!p1 $0x1082;
	[sflag:s4] =	ssyncset.s32 $0xFFFFF086  }
0x25: {  	[simem:s6], [sflag:s4] =	dma.local [hbm:s3], $0xF7A  }
0x26: {  	[smem:$0x3F92] =	sst s1;
	(tag) =	ssettag s2;
	_ =	strace s9  }
0x27: {  	s1 =	sld [smem:$0x3FA2]  }
0x28: {  	s2 =	sld [smem:$0x3FA3]  }
0x29: {  	s4 =	sld [smem:$0x3FA5]  }
0x2a: {  	p0 =	seq.s32 s5, $0x0;
	s5 =	sld [smem:$0x3FA6]  }
0x2b: {  	s6 =	sld [smem:$0x3FA7]  }
0x2c: {  	s7 =	sld [smem:$0x3FA8]  }
0x2d: {  	s3 =	simm.s32 $0x108;
	s8 =	sld [smem:$0x3FA9]  }
0x2e: {  	s3 =	simm.s32 @!p0 $0x1082;
	s9 =	sld [smem:$0x3FAA]  }
0x2f: {  	lr =	sadd.s32 s0, s3;
	s0 =	sld [smem:$0x3FA1]  }
0x30: {  	s3 =	sld [smem:$0x3FA4]  }
0x31: {  	[smem:$0x3FAD] =	sst s10  }
0x32: {  	s10 =	sld [smem:$0x3FAB];
	_ =	sdelay $0x3  }
0x33: {  	p0 =	seq.s32 s10, $0x1;
	s10 =	sld [smem:$0x3FAD];
	_ =	sdelay $0x3  }
0x34: {  	[smem:$0x3FAD] =	sst s10  }
0x35: {  	s10 =	sld [smem:$0x3FAC];
	_ =	sdelay $0x3  }
0x36: {  	p1 =	seq.s32 s10, $0x1;
	s10 =	sld [smem:$0x3FAD];
	_ =	sdelay $0x3  }
0x37: {  	[smem:$0x3FAD] =	sst s10  }
0x38: {  	s10 =	sld [smem:$0x3FAE]  }
0x39: {  	_ = 	snop;
	(pc) =	sbr.ind lr, $3  }
0x3a: {  	_ = 	snop  }
0x3b: {  	_ = 	snop  }
0x3c: {  	p2 =	seq.s32 s10, $0x1;
	s10 =	sld [smem:$0x3FAD]  }
0x3d: {  	_ =	shalt  }
0x3e: {  	_ =	shalt  }
0x3f: {  	_ =	shalt  }
0x40: {  	_ =	shalt  }
0x41: {  	_ =	shalt  }
0x42: {  	_ =	shalt  }
0x43: {  	_ =	shalt  }
0x44: {  	_ =	shalt  }
0x45: {  	_ =	shalt  }
0x46: {  	_ =	shalt  }
0x47: {  	_ =	shalt  }
0x48: {  	_ =	shalt  }
0x49: {  	_ =	shalt  }
0x4a: {  	_ =	shalt  }
0x4b: {  	_ =	shalt  }
0x4c: {  	_ =	shalt  }
0x4d: {  	_ =	shalt  }
0x4e: {  	_ =	shalt  }
0x4f: {  	_ =	shalt  }
0x50: {  	_ =	shalt  }
0x51: {  	_ =	shalt  }
0x52: {  	_ =	shalt  }
0x53: {  	_ =	shalt  }
0x54: {  	_ =	shalt  }
0x55: {  	_ =	shalt  }
0x56: {  	_ =	shalt  }
0x57: {  	_ =	shalt  }
0x58: {  	_ =	shalt  }
0x59: {  	_ =	shalt  }
0x5a: {  	_ =	shalt  }
0x5b: {  	_ =	shalt  }
0x5c: {  	_ =	shalt  }
0x5d: {  	_ =	shalt  }
0x5e: {  	_ =	shalt  }
0x5f: {  	_ =	shalt  }
0x60: {  	_ =	shalt  }
0x61: {  	_ =	shalt  }
0x62: {  	_ =	shalt  }
0x63: {  	_ =	shalt  }
0x64: {  	_ =	shalt  }
0x65: {  	_ =	shalt  }
0x66: {  	_ =	shalt  }
0x67: {  	_ =	shalt  }
0x68: {  	_ =	shalt  }
0x69: {  	_ =	shalt  }
0x6a: {  	_ =	shalt  }
0x6b: {  	_ =	shalt  }
0x6c: {  	_ =	shalt  }
0x6d: {  	_ =	shalt  }
0x6e: {  	_ =	shalt  }
0x6f: {  	_ =	shalt  }
0x70: {  	_ =	shalt  }
0x71: {  	_ =	shalt  }
0x72: {  	_ =	shalt  }
0x73: {  	_ =	shalt  }
0x74: {  	_ =	shalt  }
0x75: {  	_ =	shalt  }
0x76: {  	_ =	shalt  }
0x77: {  	_ =	shalt  }
0x78: {  	_ =	shalt  }
0x79: {  	_ =	shalt  }
0x7a: {  	_ =	shalt  }
0x7b: {  	_ =	shalt  }
0x7c: {  	_ =	shalt  }
0x7d: {  	_ =	shalt  }
0x7e: {  	_ =	shalt  }
0x7f: {  	_ =	shalt  }
0x80: {  	_ =	shalt  }
0x81: {  	_ =	shalt  }
0x82: {  	_ =	shalt  }
0x83: {  	_ =	shalt  }
0x84: {  	_ =	shalt  }
0x85: {  	_ =	shalt  }
0x86: {  	_ =	shalt  }
0x87: {  	_ =	shalt  }
.Lfunc_end0:
.L_simem_size_0:
called_computation.4_lowered:
.L_overlay_start_0:
0x88: {  	s2 =	sld [smem:$0x3FD9]  }
0x89: {  	s3 =	sld [smem:$0x3FFE];
	_ =	sdelay $0x1  }
0x8a: {  	s1 =	srdreg.scid  }
0x8b: {  	s0 =	sand.u32 $0x1, s1  }
0x8c: {  	s16 =	sshll.u32 s0, $0xA;
	s2 =	sadd.s32 s3, s2  }
0x8d: {  	s2 =	sadd.s32 s2, s16  }
0x8e: {  	[smem:$0x3FB9] =	sst s2  }
0x8f: {  	_ = 	snop  }
0x90: {  	(tm) =	ssettm $0x1  }
0x91: {  	s17 =	sld [smem:$0x3FFB];
	_ =	sdelay $0x3  }
0x92: {  	_ =	strace s17  }
0x93: {  	s2 =	sld [smem:$0x3FFC];
	_ =	sdelay $0x3  }
0x94: {  	_ =	strace s2  }
0x95: {  	s2 =	sld [smem:$0x3FFD];
	_ =	sdelay $0x3  }
0x96: {  	_ =	strace s2  }
0x97: {  	_ =	strace $0x8FFFFFFF  }
0x98: {  	s18 =	sld [smem:$0x3FDB];
	_ =	sdelay $0x1  }
0x99: {  	s19 =	simm.s32 $_scs_section_size  }
0x9a: {  	s4 =	simm.s32 $_size__tile_overlayer_lowered;
	s5 =	simm.s32 $_tile_overlayer_lowered  }
0x9b: {  	s22 =	simm.s32 $0x1BFF;
	s21 =	sshll.u32 s5, $0x1;
	s2 =	sadd.s32 s19, s18  }
0x9c: {  	s6 =	simm.s32 $0x0;
	s20 =	sshll.u32 s4, $0x1;
	s4 =	sadd.s32 s21, s2  }
0x9d: {  	[timem:s6], [sflag:s22] =	dma.local [hbm:s4], s20  }
0x9e: {  	_ =	swait.ge [sflag:s22], s20  }
0x9f: {  	s3 =	ssub.s32 $0x0, s20;
	[sflag:s22] =	ssyncset.done $0x0  }
0xa0: {  	[sflag:s22] =	ssyncadd.s32 s3;
	_ =	sdelay $0x1  }
0xa1: {  	s23 =	simm.s32 $0x1B8B  }
0xa2: {  	_ =	swait.ge [sflag:s23], $0x1  }
0xa3: {  	[sflag:s23] =	ssyncset.done $0x0  }
0xa4: {  	s25 =	simm.s32 $0x1B8E;
	s24 =	sld [smem:$0x3FFE];
	[sflag:s23] =	ssyncadd.s32 $0xFFFFFFFF  }
0xa5: {  	s26 =	simm.s32 $execute0_lowered;
	[smem:$0x3FD2] =	sst s25  }
0xa6: {  	s4 =	sshll.u32 s26, $0x1;
	_ =	strace $0x80000052;
	[dreg:$0x1] =	wrdreg $0xFFFFFFFF  }
0xa7: {  	s28 =	simm.s32 $_size_execute0_lowered;
	s2 =	sadd.s32 s2, s4;
	[dreg:$0x0] =	wrdreg $0x0  }
0xa8: {  	s4 =	sshll.u32 s28, $0x1;
	[dreg:$0x2] =	wrdreg s2  }
0xa9: {  	[dreg:$0x3] =	wrdreg s4  }
0xaa: {  	[dreg:$0x4] =	wrdreg $0xC0  }
0xab: {  	_ =	task [dreg:s6], $0x5FFFF  }
0xac: {  	[dreg:$0x1] =	wrdreg $0xFFFFFFFF  }
0xad: {  	[dreg:$0x0] =	wrdreg $0x60  }
0xae: {  	[dreg:$0x2] =	wrdreg s24  }
0xaf: {  	[dreg:$0x3] =	wrdreg $0x90000  }
0xb0: {  	[dreg:$0x4] =	wrdreg $0x9  }
0xb1: {  	_ =	task.clear_ibuf [dreg:s6], $0x5FFFF;
	_ =	strace $0x90000052  }
0xb2: {  	s29 =	simm.s32 $0x9;
	_ =	strace $0x80000054  }
0xb3: {  	_ =	swait.ge [sflag:s29], $0x1  }
0xb4: {  	[sflag:s29] =	ssyncadd.s32 $0xFFFFFFFF  }
0xb5: {  	_ =	strace $0x90000054  }
0xb6: {  	_ =	sfence  }
0xb7: {  	s30 =	sld [smem:$0x0];
	_ =	sdelay $0x2  }
0xb8: {  	s31 =	sshll.u32 s1, $0xD;
	s1 =	sshrl.u32 s1, $0x2  }
0xb9: {  	s3 =	sand.u32 $0x4000, s31;
	s1 =	sadd.s32 s1, s30  }
0xba: {  	s0 =	sor.u32 s3, s0;
	s1 =	sshll.u32 s1, $0x11  }
0xbb: {  	s0 =	sor.u32 s1, s0  }
0xbc: {  	s0 =	sadd.s32 $0x8F2B, s0  }
0xbd: {  	[sflag:s0] =	ssyncadd.remote.s32 $0x1  }
0xbe: {  	_ =	sfence.sel $0xFFFF  }
0xbf: {  	[dreg:$0x0] =	wrdreg $0xFFFFFFFF;
	(pc) =	sbr.abs _section_cstart, $3  }
0xc0: {  	[dreg:$0x1] =	wrdreg $0xFFFFFFFF  }
0xc1: {  	_ =	task.clear_ibuf [dreg:s6], $0x2FFFF;
	_ =	strace $0x9FFFFFFF  }
0xc2: {  	(tm) =	ssettm $0x7FFFFFFF  }
0xc3: {  	_ =	shalt  }
tec
execute0_lowered:
.L_overlay_start_1:
0x0: {  	(tag) =	ssettag $0x1  }
0x1: {  	s0 =	rddreg [dreg:$0x0]  }
0x2: {  	s1 =	rddreg [dreg:$0x1];
	s3 =	simm.s32 $0x0;
	s2 =	srdreg.scid  }
0x3: {  	s9 =	stileid.u32;
	s12 =	simm.s32 $0x3;
	s13 =	simm.s32 $0x800  }
0x4: {  	s14 =	simm.s32 $0x80;
	s15 =	simm.s32 $0x1000;
	s16 =	simm.s32 $0x5000  }
0x5: {  	s17 =	simm.s32 $0x1;
	s18 =	simm.s32 $0x2;
	s31 =	simm.s32 $0x580  }
0x6: {  	s11 =	simm.s32 $0xF00;
	s19 =	simm.s32 $0xF80;
	s4 =	smul.u32 $0x90, s9  }
0x7: {  	[smem:$0x7FF] =	sst s3;
	s2 =	sand.u32 $0x1, s2;
	s7 =	smul.u32 $0x13C00, s9  }
0x8: {  	s5 =	sshll.u32 s9, $0x4;
	s8 =	smul.u32 $0x4F000, s9;
	s10 =	sadd.s32 $0x48800, s0  }
0x9: {  	s24 =	sshll.u32 s9, $0x6;
	s9 =	simm.s32 $0xE80;
	p0 =	seq.s32 s2, $0x0  }
0xa: {  	s5 =	sor.u32 $0x900, s5;
	s6 =	smul.u32 $0x13C000, s2;
	_ =	strace $0x80000053  }
0xb: {  	s21 =	ssub.s32 $0x2, s2;
	[dreg:$0x3] =	wrdreg s10;
	s29 =	sor.u32 $0x1C03, s24  }
0xc: {  	s24 =	simm.s32 $0xC00;
	s10 =	simm.s32 $0x700;
	s5 =	smov.u32 @p0 s4  }
0xd: {  	s4 =	sadd.s32 $0x4000, s0;
	s22 =	sshrl.u32 s21, $0x1;
	s23 =	sshrl.u32 s8, $0x2  }
0xe: {  	p0 =	sne.s32 s2, $0x0;
	[dreg:$0x4] =	wrdreg s29;
	s2 =	simm.s32 $0xD80  }
0xf: {  	s8 =	simm.s32 $0xE00;
	s5 =	sshll.u32 s5, $0x4;
	s6 =	sadd.s32 s7, s6  }
0x10: {  	s7 =	sadd.s32 s23, s1;
	s23 =	simm.s32 $0x480;
	s5 =	sadd.s32 s5, s0  }
0x11: {  	s6 =	sshrl.u32 s6, $0x3;
	s30 =	sshrl.u32 s7, $0x3;
	s7 =	simm.s32 $0x680  }
0x12: {  	s0 =	sadd.s32 s6, s0;
	s6 =	ssub.s32 s21, s22;
	s26 =	sadd.s32 $0x34800, s5  }
0x13: {  	s28 =	sadd.s32 $0x3E800, s5;
	[dreg:$0x9] =	wrdreg s30;
	s21 =	simm.s32 $0xB80  }
0x14: {  	s22 =	simm.s32 $0x400;
	s5 =	simm.s32 $0x600;
	[dreg:$0x7] =	wrdreg s26  }
0x15: {  	s0 =	sadd.s32 $0x4B000, s0;
	s25 =	smax.u32 s6, $0x1;
	[dreg:$0x8] =	wrdreg s28  }
0x16: {  	s26 =	simm.s32 $0x500;
	s6 =	simm.s32 $0x780;
	[dreg:$0x5] =	wrdreg s0  }
0x17: {  	[dreg:$0x6] =	wrdreg s25;
	s0 =	simm.s32 $0x0;
	s25 =	simm.s32 $0xC80  }
.LBB2_1:
0x18: {  	[dreg:$0xa] =	wrdreg s0  }
0x19: {  	s28 =	rddreg [dreg:$0x3]  }
0x1a: {  	[spmem:s30], [sflag:s29] =	dma.local [hbm:s28], $0x2780  }
0x1b: {  	_ =	swait.ge [sflag:s12], $0x2780  }
0x1c: {  	[sflag:s12] =	ssyncset.done $0x0  }
0x1d: {  	[sflag:s12] =	ssyncadd.s32 $0xFFFFD880  }
0x1e: {  	[bflag:$0x0] =	sbarrier.arrive $0xFFFF  }
0x1f: {  	s28 =	rddreg [dreg:$0x8]  }
0x20: {  	s0 =	simm.s32 $0xD00;
	s30 =	simm.s32 $0x0;
	s29 =	rddreg [dreg:$0x7]  }
.LBB2_2:
0x21: {  	[tilespmem:s3], [sflag:$0x3] =	stream.linear.gather [hbm4b:s28+s3], $0x800, $0x38;
	[tilespmem:$0x1CC00] =	vst v63  }
0x22: {  	_ =	swait.ge [sflag:s12], $0x800  }
0x23: {  	[sflag:s12] =	ssyncset.done $0x0  }
0x24: {  	[sflag:s12] =	ssyncadd.s32 $0xFFFFF800  }
0x25: {  	[tilespmem:s13], [sflag:$0x3] =	stream.linear.gather [hbm4b:s29+s3], $0x800, $0x38;
	[tilespmem:$0x1CC00] =	vst v63  }
0x26: {  	_ =	swait.ge [sflag:s12], $0x800  }
0x27: {  	[sflag:s12] =	ssyncset.done $0x0  }
0x28: {  	[sflag:s12] =	ssyncadd.s32 $0xFFFFF800  }
0x29: {  	[tilespmem:s15], [sflag:$0x1] =	stream.indirect.gather [hbm4b:s4+s14], $0x80, s3, s14, $0xb8;
	[tilespmem:$0x1CC00] =	vst v63  }
0x2a: {  	_ = 	snop  }
0x2b: {  	[tilespmem:s16], [sflag:$0x2] =	stream.indirect.gather [hbm4b:s4+s14], $0x80, s14, s14, $0xb8;
	[tilespmem:$0x1CC00] =	vst v63  }
0x2c: {  	_ =	swait.ge [sflag:s17], $0x4000  }
0x2d: {  	[sflag:s17] =	ssyncset.done $0x0  }
0x2e: {  	[sflag:s17] =	ssyncadd.s32 $0xFFFFC000  }
0x2f: {  	[spmem:s1] =	stream.indirect.scatter.add.f32 [tilespmem:s15], [sflag:$0x3], $0x80, s13, s14, $0xb8;
	[tilespmem:$0x1CC00] =	vst v63  }
0x30: {  	_ =	swait.ge [sflag:s12], $0x4000  }
0x31: {  	[sflag:s12] =	ssyncset.done $0x0  }
0x32: {  	[sflag:s12] =	ssyncadd.s32 $0xFFFFC000  }
0x33: {  	_ =	swait.ge [sflag:s18], $0x4000  }
0x34: {  	[sflag:s18] =	ssyncset.done $0x0  }
0x35: {  	s20 =	simm.s32 $0x880;
	[sflag:s18] =	ssyncadd.s32 $0xFFFFC000  }
0x36: {  	[spmem:s1] =	stream.indirect.scatter.add.f32 [tilespmem:s16], [sflag:$0x3], $0x80, s20, s14, $0xb8;
	[tilespmem:$0x1CC00] =	vst v63  }
0x37: {  	_ =	swait.ge [sflag:s12], $0x4000  }
0x38: {  	[sflag:s12] =	ssyncset.done $0x0  }
0x39: {  	s20 =	simm.s32 $0x100;
	[sflag:s12] =	ssyncadd.s32 $0xFFFFC000  }
0x3a: {  	[tilespmem:s15], [sflag:$0x1] =	stream.indirect.gather [hbm4b:s4+s14], $0x80, s20, s14, $0xb8;
	[tilespmem:$0x1CC00] =	vst v63  }
0x3b: {  	s20 =	simm.s32 $0x180  }
0x3c: {  	[tilespmem:s16], [sflag:$0x2] =	stream.indirect.gather [hbm4b:s4+s14], $0x80, s20, s14, $0xb8;
	[tilespmem:$0x1CC00] =	vst v63  }
0x3d: {  	_ =	swait.ge [sflag:s17], $0x4000  }
0x3e: {  	[sflag:s17] =	ssyncset.done $0x0  }
0x3f: {  	s20 =	simm.s32 $0x900;
	[sflag:s17] =	ssyncadd.s32 $0xFFFFC000  }
0x40: {  	[spmem:s1] =	stream.indirect.scatter.add.f32 [tilespmem:s15], [sflag:$0x3], $0x80, s20, s14, $0xb8;
	[tilespmem:$0x1CC00] =	vst v63  }
0x41: {  	_ =	swait.ge [sflag:s12], $0x4000  }
0x42: {  	[sflag:s12] =	ssyncset.done $0x0  }
0x43: {  	[sflag:s12] =	ssyncadd.s32 $0xFFFFC000  }
0x44: {  	_ =	swait.ge [sflag:s18], $0x4000  }
0x45: {  	[sflag:s18] =	ssyncset.done $0x0  }
0x46: {  	s20 =	simm.s32 $0x980;
	[sflag:s18] =	ssyncadd.s32 $0xFFFFC000  }
0x47: {  	[spmem:s1] =	stream.indirect.scatter.add.f32 [tilespmem:s16], [sflag:$0x3], $0x80, s20, s14, $0xb8;
	[tilespmem:$0x1CC00] =	vst v63  }
0x48: {  	_ =	swait.ge [sflag:s12], $0x4000  }
0x49: {  	[sflag:s12] =	ssyncset.done $0x0  }
0x4a: {  	s20 =	simm.s32 $0x200;
	[sflag:s12] =	ssyncadd.s32 $0xFFFFC000  }
0x4b: {  	[tilespmem:s15], [sflag:$0x1] =	stream.indirect.gather [hbm4b:s4+s14], $0x80, s20, s14, $0xb8;
	[tilespmem:$0x1CC00] =	vst v63  }
0x4c: {  	s20 =	simm.s32 $0x280  }
0x4d: {  	[tilespmem:s16], [sflag:$0x2] =	stream.indirect.gather [hbm4b:s4+s14], $0x80, s20, s14, $0xb8;
	[tilespmem:$0x1CC00] =	vst v63  }
0x4e: {  	_ =	swait.ge [sflag:s17], $0x4000  }
0x4f: {  	[sflag:s17] =	ssyncset.done $0x0  }
0x50: {  	s20 =	simm.s32 $0xA00;
	[sflag:s17] =	ssyncadd.s32 $0xFFFFC000  }
0x51: {  	[spmem:s1] =	stream.indirect.scatter.add.f32 [tilespmem:s15], [sflag:$0x3], $0x80, s20, s14, $0xb8;
	[tilespmem:$0x1CC00] =	vst v63  }
0x52: {  	_ =	swait.ge [sflag:s12], $0x4000  }
0x53: {  	[sflag:s12] =	ssyncset.done $0x0  }
0x54: {  	[sflag:s12] =	ssyncadd.s32 $0xFFFFC000  }
0x55: {  	_ =	swait.ge [sflag:s18], $0x4000  }
0x56: {  	[sflag:s18] =	ssyncset.done $0x0  }
0x57: {  	s20 =	simm.s32 $0xA80;
	[sflag:s18] =	ssyncadd.s32 $0xFFFFC000  }
0x58: {  	[spmem:s1] =	stream.indirect.scatter.add.f32 [tilespmem:s16], [sflag:$0x3], $0x80, s20, s14, $0xb8;
	[tilespmem:$0x1CC00] =	vst v63  }
0x59: {  	_ =	swait.ge [sflag:s12], $0x4000  }
0x5a: {  	[sflag:s12] =	ssyncset.done $0x0  }
0x5b: {  	s20 =	simm.s32 $0x300;
	[sflag:s12] =	ssyncadd.s32 $0xFFFFC000  }
0x5c: {  	[tilespmem:s15], [sflag:$0x1] =	stream.indirect.gather [hbm4b:s4+s14], $0x80, s20, s14, $0xb8;
	[tilespmem:$0x1CC00] =	vst v63  }
0x5d: {  	s20 =	simm.s32 $0x380  }
0x5e: {  	[tilespmem:s16], [sflag:$0x2] =	stream.indirect.gather [hbm4b:s4+s14], $0x80, s20, s14, $0xb8;
	[tilespmem:$0x1CC00] =	vst v63  }
0x5f: {  	_ =	swait.ge [sflag:s17], $0x4000  }
0x60: {  	[sflag:s17] =	ssyncset.done $0x0  }
0x61: {  	s20 =	simm.s32 $0xB00;
	[sflag:s17] =	ssyncadd.s32 $0xFFFFC000  }
0x62: {  	[spmem:s1] =	stream.indirect.scatter.add.f32 [tilespmem:s15], [sflag:$0x3], $0x80, s20, s14, $0xb8;
	[tilespmem:$0x1CC00] =	vst v63  }
0x63: {  	_ =	swait.ge [sflag:s12], $0x4000  }
0x64: {  	[sflag:s12] =	ssyncset.done $0x0  }
0x65: {  	[sflag:s12] =	ssyncadd.s32 $0xFFFFC000  }
0x66: {  	_ =	swait.ge [sflag:s18], $0x4000  }
0x67: {  	[sflag:s18] =	ssyncset.done $0x0  }
0x68: {  	[sflag:s18] =	ssyncadd.s32 $0xFFFFC000  }
0x69: {  	[spmem:s1] =	stream.indirect.scatter.add.f32 [tilespmem:s16], [sflag:$0x3], $0x80, s21, s14, $0xb8;
	[tilespmem:$0x1CC00] =	vst v63  }
0x6a: {  	_ =	swait.ge [sflag:s12], $0x4000  }
0x6b: {  	[sflag:s12] =	ssyncset.done $0x0  }
0x6c: {  	[sflag:s12] =	ssyncadd.s32 $0xFFFFC000  }
0x6d: {  	[tilespmem:s15], [sflag:$0x1] =	stream.indirect.gather [hbm4b:s4+s14], $0x80, s22, s14, $0xb8;
	[tilespmem:$0x1CC00] =	vst v63  }
0x6e: {  	_ = 	snop  }
0x6f: {  	[tilespmem:s16], [sflag:$0x2] =	stream.indirect.gather [hbm4b:s4+s14], $0x80, s23, s14, $0xb8;
	[tilespmem:$0x1CC00] =	vst v63  }
0x70: {  	_ =	swait.ge [sflag:s17], $0x4000  }
0x71: {  	[sflag:s17] =	ssyncset.done $0x0  }
0x72: {  	[sflag:s17] =	ssyncadd.s32 $0xFFFFC000  }
0x73: {  	[spmem:s1] =	stream.indirect.scatter.add.f32 [tilespmem:s15], [sflag:$0x3], $0x80, s24, s14, $0xb8;
	[tilespmem:$0x1CC00] =	vst v63  }
0x74: {  	_ =	swait.ge [sflag:s12], $0x4000  }
0x75: {  	[sflag:s12] =	ssyncset.done $0x0  }
0x76: {  	[sflag:s12] =	ssyncadd.s32 $0xFFFFC000  }
0x77: {  	_ =	swait.ge [sflag:s18], $0x4000  }
0x78: {  	[sflag:s18] =	ssyncset.done $0x0  }
0x79: {  	[sflag:s18] =	ssyncadd.s32 $0xFFFFC000  }
0x7a: {  	[spmem:s1] =	stream.indirect.scatter.add.f32 [tilespmem:s16], [sflag:$0x3], $0x80, s25, s14, $0xb8;
	[tilespmem:$0x1CC00] =	vst v63  }
0x7b: {  	_ =	swait.ge [sflag:s12], $0x4000  }
0x7c: {  	[sflag:s12] =	ssyncset.done $0x0  }
0x7d: {  	[sflag:s12] =	ssyncadd.s32 $0xFFFFC000  }
0x7e: {  	[tilespmem:s15], [sflag:$0x1] =	stream.indirect.gather [hbm4b:s4+s14], $0x80, s26, s14, $0xb8;
	[tilespmem:$0x1CC00] =	vst v63  }
0x7f: {  	_ = 	snop  }
0x80: {  	[tilespmem:s16], [sflag:$0x2] =	stream.indirect.gather [hbm4b:s4+s14], $0x80, s31, s14, $0xb8;
	[tilespmem:$0x1CC00] =	vst v63  }
0x81: {  	_ =	swait.ge [sflag:s17], $0x4000  }
0x82: {  	[sflag:s17] =	ssyncset.done $0x0  }
0x83: {  	[sflag:s17] =	ssyncadd.s32 $0xFFFFC000  }
0x84: {  	[spmem:s1] =	stream.indirect.scatter.add.f32 [tilespmem:s15], [sflag:$0x3], $0x80, s0, s14, $0xb8;
	[tilespmem:$0x1CC00] =	vst v63  }
0x85: {  	_ =	swait.ge [sflag:s12], $0x4000  }
0x86: {  	[sflag:s12] =	ssyncset.done $0x0  }
0x87: {  	[sflag:s12] =	ssyncadd.s32 $0xFFFFC000  }
0x88: {  	_ =	swait.ge [sflag:s18], $0x4000  }
0x89: {  	[sflag:s18] =	ssyncset.done $0x0  }
0x8a: {  	[sflag:s18] =	ssyncadd.s32 $0xFFFFC000  }
0x8b: {  	[spmem:s1] =	stream.indirect.scatter.add.f32 [tilespmem:s16], [sflag:$0x3], $0x80, s2, s14, $0xb8;
	[tilespmem:$0x1CC00] =	vst v63  }
0x8c: {  	_ =	swait.ge [sflag:s12], $0x4000  }
0x8d: {  	[sflag:s12] =	ssyncset.done $0x0  }
0x8e: {  	[sflag:s12] =	ssyncadd.s32 $0xFFFFC000  }
0x8f: {  	[tilespmem:s15], [sflag:$0x1] =	stream.indirect.gather [hbm4b:s4+s14], $0x80, s5, s14, $0xb8;
	[tilespmem:$0x1CC00] =	vst v63  }
0x90: {  	_ = 	snop  }
0x91: {  	[tilespmem:s16], [sflag:$0x2] =	stream.indirect.gather [hbm4b:s4+s14], $0x80, s7, s14, $0xb8;
	[tilespmem:$0x1CC00] =	vst v63  }
0x92: {  	_ =	swait.ge [sflag:s17], $0x4000  }
0x93: {  	[sflag:s17] =	ssyncset.done $0x0  }
0x94: {  	[sflag:s17] =	ssyncadd.s32 $0xFFFFC000  }
0x95: {  	[spmem:s1] =	stream.indirect.scatter.add.f32 [tilespmem:s15], [sflag:$0x3], $0x80, s8, s14, $0xb8;
	[tilespmem:$0x1CC00] =	vst v63  }
0x96: {  	_ =	swait.ge [sflag:s12], $0x4000  }
0x97: {  	[sflag:s12] =	ssyncset.done $0x0  }
0x98: {  	[sflag:s12] =	ssyncadd.s32 $0xFFFFC000  }
0x99: {  	_ =	swait.ge [sflag:s18], $0x4000  }
0x9a: {  	[sflag:s18] =	ssyncset.done $0x0  }
0x9b: {  	[sflag:s18] =	ssyncadd.s32 $0xFFFFC000  }
0x9c: {  	[spmem:s1] =	stream.indirect.scatter.add.f32 [tilespmem:s16], [sflag:$0x3], $0x80, s9, s14, $0xb8;
	[tilespmem:$0x1CC00] =	vst v63  }
0x9d: {  	_ =	swait.ge [sflag:s12], $0x4000  }
0x9e: {  	[sflag:s12] =	ssyncset.done $0x0  }
0x9f: {  	[sflag:s12] =	ssyncadd.s32 $0xFFFFC000  }
0xa0: {  	[tilespmem:s15], [sflag:$0x1] =	stream.indirect.gather [hbm4b:s4+s14], $0x80, s10, s14, $0xb8;
	[tilespmem:$0x1CC00] =	vst v63  }
0xa1: {  	_ = 	snop  }
0xa2: {  	[tilespmem:s16], [sflag:$0x2] =	stream.indirect.gather [hbm4b:s4+s14], $0x80, s6, s14, $0xb8;
	[tilespmem:$0x1CC00] =	vst v63  }
0xa3: {  	_ =	swait.ge [sflag:s17], $0x4000  }
0xa4: {  	[sflag:s17] =	ssyncset.done $0x0  }
0xa5: {  	[sflag:s17] =	ssyncadd.s32 $0xFFFFC000  }
0xa6: {  	[spmem:s1] =	stream.indirect.scatter.add.f32 [tilespmem:s15], [sflag:$0x3], $0x80, s11, s14, $0xb8;
	[tilespmem:$0x1CC00] =	vst v63  }
0xa7: {  	_ =	swait.ge [sflag:s12], $0x4000  }
0xa8: {  	[sflag:s12] =	ssyncset.done $0x0  }
0xa9: {  	[sflag:s12] =	ssyncadd.s32 $0xFFFFC000  }
0xaa: {  	p1 =	slt.u32 @!p0 s30, $0x8;
	_ =	swait.ge [sflag:s18], $0x4000  }
0xab: {  	p1 =	por p0, !p1;
	[sflag:s18] =	ssyncset.done $0x0  }
.Ltmp0:
0xac: {  	[sflag:s18] =	ssyncadd.s32 $0xFFFFC000;
	(pc) =	sbr.rel @!p1 .LBB2_2-.Ltmp0, $4  }
0xad: {  	[spmem:s1] =	stream.indirect.scatter.add.f32 [tilespmem:s16], [sflag:$0x3], $0x80, s19, s14, $0xb8;
	[tilespmem:$0x1CC00] =	vst v63  }
0xae: {  	_ =	swait.ge [sflag:s12], $0x4000  }
0xaf: {  	s30 =	sadd.s32 $0x1, s30;
	[sflag:s12] =	ssyncset.done $0x0  }
0xb0: {  	s28 =	sadd.s32 $0x100, s28;
	s29 =	sadd.s32 $0x100, s29;
	[sflag:s12] =	ssyncadd.s32 $0xFFFFC000  }
0xb1: {  	[bflag:$0x0] =	sbarrier.arrive $0xFFFF  }
0xb2: {  	s29 =	rddreg [dreg:$0x4]  }
0xb3: {  	s28 =	rddreg [dreg:$0x5]  }
0xb4: {  	s30 =	rddreg [dreg:$0x9]  }
0xb5: {  	[hbm:s28], [sflag:s29] =	dma.local [spmem:s30], $0x2780  }
0xb6: {  	_ =	swait.ge [sflag:s12], $0x2780  }
0xb7: {  	s0 =	rddreg [dreg:$0xa]  }
0xb8: {  	s20 =	rddreg [dreg:$0x6];
	s0 =	sadd.s32 $0x1, s0  }
0xb9: {  	p1 =	sne.s32 s0, s20  }
.Ltmp1:
0xba: {  	_ = 	snop;
	(pc) =	sbr.rel @p1 .LBB2_1-.Ltmp1, $3  }
0xbb: {  	_ =	sdelay $0x1  }
0xbc: {  	[sflag:s12] =	ssyncset.done $0x0  }
0xbd: {  	[sflag:s12] =	ssyncadd.s32 $0xFFFFD880  }
0xbe: {  	_ =	sfence.sel $0x180000  }
0xbf: {  	[bflag:$0x0] =	sbarrier.arrive $0xFFFF  }
0xc0: {  	_ =	strace $0x90000053  }
0xc1: {  	s0 =	stileid.u32;
	[bflag:$0x2] =	sbarrier.arrive $0xFFFF  }
0xc2: {  	p0 =	sne.s32 s0, $0x0;
	s0 =	rddreg [dreg:$0x2]  }
0xc3: {  	s0 =	sadd.s32 @!p0 $0x100000, s0  }
0xc4: {  	[sflag:s0] =	ssyncadd.tile.s32 @!p0 $0x1;
	_ =	shalt  }
.Lfunc_end2:
_tile_overlayer_lowered:
.L_overlay_start_2:
0xc5: {  	(tag) =	ssettag $0x2  }
0xc6: {  	s0 =	rddreg [dreg:$0x0];
	s2 =	stileid.u32  }
0xc7: {  	s1 =	rddreg [dreg:$0x1];
	p0 =	sne.s32 s2, $0x0  }
0xc8: {  	s3 =	rddreg [dreg:$0x2];
	[bflag:$0x3] =	sbarrier.arrive $0xFFFF;
	s2 =	simm.s32 @!p0 $0x1C03  }
0xc9: {  	[timem:s3], [sflag:s2] =	dma.local @!p0 [hbm:s0], s1  }
0xca: {  	s0 =	simm.s32 @!p0 $0x3  }
0xcb: {  	_ =	swait.ge @!p0 [sflag:s0], s1  }
0xcc: {  	s1 =	ssub.s32 @!p0 $0x0, s1;
	[sflag:s0] =	ssyncset.done @!p0 $0x0  }
0xcd: {  	[sflag:s0] =	ssyncadd.s32 @!p0 s1  }
0xce: {  	[bflag:$0x3] =	sbarrier.arrive $0xFFFF  }
0xcf: {  	_ =	shalt  }

</sc_bundles>
